<compile_context>
chip_gen: v7x
topology: tpu7x:2x2x1
jax: 0.10.2.dev20260603
libtpu: 0.0.44.dev20260713+nightly
codegen_flags: <defaults>
</compile_context>

<pallas_src>
import functools

import jax
import jax.numpy as jnp
from jax import lax
from jax.experimental import pallas as pl
from jax.experimental.pallas import tpu as pltpu
from jax.experimental.pallas import tpu_sc as plsc

B = 16384
N_FIELDS = 39
CVL = 13
N_IDX = N_FIELDS - CVL
N_UNW = N_IDX - CVL
OUT_DIM = 16
VOCAB = 100000

NC = 2
NS = 16
NW = NC * NS
CHUNK = 256
NCHUNK = B // CHUNK
CH_PER_W = NCHUNK // NW
IG = 128
GPC = CHUNK // IG

_MESH = plsc.VectorSubcoreMesh(
    core_axis_name="c", subcore_axis_name="s", num_cores=NC, num_subcores=NS
)


@functools.partial(
    pl.kernel,
    out_type=jax.ShapeDtypeStruct((B, OUT_DIM), jnp.float32),
    mesh=_MESH,
    compiler_params=pltpu.CompilerParams(use_tc_tiling_on_sc=False),
    scratch_types=[
        pltpu.VMEM((N_IDX, GPC, IG), jnp.int32),
        pltpu.VMEM((CVL, CHUNK), jnp.float32),
        pltpu.VMEM((CVL, CHUNK, OUT_DIM), jnp.float32),
        pltpu.VMEM((CHUNK, OUT_DIM), jnp.float32),
        pltpu.VMEM((OUT_DIM,), jnp.float32),
        pltpu.SemaphoreType.DMA,
    ],
)
def _fl_kernel(table_h, idx_h, cont_h, bias_h, out_h,
               idx_v, cont_v, emb_v, acc_v, bias_v, sem):
    wid = lax.axis_index("s") * NC + lax.axis_index("c")
    pltpu.sync_copy(bias_h, bias_v)

    def do_chunk(ci, carry):
        c = wid * CH_PER_W + ci
        pltpu.sync_copy(idx_h.at[c], idx_v)
        pltpu.sync_copy(cont_h.at[c], cont_v)

        cps = []
        for f in range(CVL):
            for j in range(GPC):
                cps.append(pltpu.async_copy(
                    table_h.at[idx_v.at[N_UNW + f, j]],
                    emb_v.at[f, pl.ds(j * IG, IG)], sem))
        for cp in cps:
            cp.wait()

        bias_vec = bias_v[...]

        def group_body(g, _):
            wvecs = [cont_v[f, pl.ds(g * 16, 16)] for f in range(CVL)]
            for l in range(16):
                r = g * 16 + l
                acc = bias_vec
                for f in range(CVL):
                    acc = acc + emb_v[f, r, :] * wvecs[f][l]
                acc_v[r, :] = acc
            return _

        lax.fori_loop(0, CHUNK // 16, group_body, None)

        cps = []
        for f in range(N_UNW):
            for j in range(GPC):
                cps.append(pltpu.async_copy(
                    table_h.at[idx_v.at[f, j]],
                    acc_v.at[pl.ds(j * IG, IG)], sem, add=True))
        for cp in cps:
            cp.wait()

        pltpu.sync_copy(acc_v, out_h.at[pl.ds(c * CHUNK, CHUNK)])
        return carry

    lax.fori_loop(0, CH_PER_W, do_chunk, None)


def kernel(x, table, bias):
    idx = x[:, :N_IDX].astype(jnp.int32)
    cont = x[:, N_IDX:]
    idx_prep = idx.T.reshape(N_IDX, NCHUNK, GPC, IG).transpose(1, 0, 2, 3)
    cont_prep = cont.T.reshape(CVL, NCHUNK, CHUNK).transpose(1, 0, 2)
    return _fl_kernel(table, idx_prep, cont_prep, bias)

# --- scband reference (transcript-rebuilt; emitter-appended) ---
"""Pipeline reference for scband-features-linear-36344013259216 (READ-ONLY COPY).

The authoritative reference and input builder live on the scoring server;
editing this copy changes nothing except your own understanding.
"""

import jax, jax.numpy as jnp
import numpy as np

B = 16384
N_FIELDS = 39
CVL = 13
VOCAB = 100000
OUT_DIM = 16

def setup_inputs(seed: int = 0) -> dict:
    key = jax.random.key(seed)
    k1, k2 = jax.random.split(key, 2)
    # x mixes index columns (first N_FIELDS-CVL) and continuous columns (last CVL),
    # stored in one float32 tensor, as in the torch module.
    x = jax.random.randint(k1, (B, N_FIELDS), 0, VOCAB).astype(jnp.float32)
    table = jax.random.normal(k2, (VOCAB, OUT_DIM), dtype=jnp.float32) * 0.01
    bias = jnp.zeros((OUT_DIM,), dtype=jnp.float32)
    return {"x": x, "table": table, "bias": bias}

def reference(x, table, bias):
    cvl = CVL
    idx = jax.lax.stop_gradient(x[:, :-cvl]).astype(jnp.int32)  # [B, n_idx]
    cont = x[:, -cvl:][..., None]                                # [B, cvl, 1]
    emb = jnp.take(table, idx, axis=0)                           # [B, n_idx, OUT_DIM]
    emb = emb.at[:, -cvl:, :].multiply(cont)
    out = jnp.sum(emb, axis=1) + bias                            # [B, OUT_DIM]
    return out

if __name__ == "__main__":
    import jax
    _d = setup_inputs()
    print(jax.jit(kernel)(*tuple(_d.values())))

</pallas_src>

<mosaic_0001>
#map = affine_map<(d0, d1) -> (0, 0)>
#map1 = affine_map<(d0, d1) -> (0, 0, 0, 0)>
#map2 = affine_map<(d0, d1) -> (0, 0, 0)>
#map3 = affine_map<(d0, d1) -> (0)>
module attributes {stable_mosaic.version = 14 : i64} {
  func.func @_fl_kernel(%arg0: i32, %arg1: i32, %arg2: memref<100000x16xf32, #tpu.memory_space<hbm>>, %arg3: memref<64x26x2x128xi32, #tpu.memory_space<hbm>>, %arg4: memref<64x13x256xf32, #tpu.memory_space<hbm>>, %arg5: memref<16xf32, #tpu.memory_space<hbm>>, %arg6: memref<16384x16xf32, #tpu.memory_space<hbm>>, %arg7: memref<26x2x128xi32, #tpu.memory_space<vmem>>, %arg8: memref<13x256xf32, #tpu.memory_space<vmem>>, %arg9: memref<13x256x16xf32, #tpu.memory_space<vmem>>, %arg10: memref<256x16xf32, #tpu.memory_space<vmem>>, %arg11: memref<16xf32, #tpu.memory_space<vmem>>, %arg12: memref<!tpu.dma_semaphore, #tpu.memory_space<semaphore_mem>>) attributes {dimension_semantics = [#tpu.dimension_semantics<core_parallel>, #tpu.dimension_semantics<subcore_parallel>], iteration_bounds = array<i64: 2, 16>, scalar_prefetch = 0 : i64, scratch_operands = 6 : i64, tpu.core_type = #tpu.core_type<sc_vector_subcore>, window_params = [{transform_indices = #map}, {transform_indices = #map1}, {transform_indices = #map2}, {transform_indices = #map3}, {transform_indices = #map}]} {
    %mul3A = arith.constant 2 : i32
    %mul3A_0 = arith.muli %arg1, %mul3A : i32
    %add3A = arith.addi %mul3A_0, %arg0 : i32
    "tpu.region"() ({
      %run_scoped3A = tpu.sem_alloc : memref<!tpu.dma_semaphore, #tpu.memory_space<semaphore_mem>>
      tpu.enqueue_dma source(%arg5 : memref<16xf32, #tpu.memory_space<hbm>>) target(%arg11 : memref<16xf32, #tpu.memory_space<vmem>>) target_semaphore(%run_scoped3A : memref<!tpu.dma_semaphore, #tpu.memory_space<semaphore_mem>>)
      tpu.wait_dma2 semaphore(%run_scoped3A : memref<!tpu.dma_semaphore, #tpu.memory_space<semaphore_mem>>) src(%arg5 : memref<16xf32, #tpu.memory_space<hbm>>) dst(%arg11 : memref<16xf32, #tpu.memory_space<vmem>>)
      tpu.yield
    }) : () -> ()
    %scan3A = arith.constant 0 : i32
    %scan3A_1 = arith.constant 2 : i32
    %scan3A_2 = arith.addi %scan3A, %scan3A_1 : i32
    %scan3A_3 = arith.constant 1 : i32
    scf.for %scan3A_5 = %scan3A to %scan3A_2 step %scan3A_3  : i32 {
      %mul3A_6 = arith.constant 2 : i32
      %mul3A_7 = arith.muli %add3A, %mul3A_6 : i32
      %add3A_8 = arith.addi %mul3A_7, %scan3A_5 : i32
      "tpu.region"() ({
        %run_scoped3A = tpu.sem_alloc : memref<!tpu.dma_semaphore, #tpu.memory_space<semaphore_mem>>
        %dma_start3A_1264 = arith.constant 0 : i32
        %dma_start3A_1265 = arith.constant 0 : i32
        %dma_start3A_1266 = arith.constant 0 : i32
        %dma_start3A_1267 = tpu.memref_slice %arg3[%add3A_8, %dma_start3A_1264, %dma_start3A_1265, %dma_start3A_1266] : memref<64x26x2x128xi32, #tpu.memory_space<hbm>> -> memref<1x26x2x128xi32, #tpu.memory_space<hbm>>
        %dma_start3A_1268 = tpu.memref_squeeze %dma_start3A_1267 : memref<1x26x2x128xi32, #tpu.memory_space<hbm>> -> memref<26x2x128xi32, #tpu.memory_space<hbm>>
        %dma_start3A_1269 = arith.constant 0 : i32
        %dma_start3A_1270 = arith.constant 0 : i32
        %dma_start3A_1271 = arith.constant 0 : i32
        %dma_start3A_1272 = tpu.memref_slice %arg3[%add3A_8, %dma_start3A_1269, %dma_start3A_1270, %dma_start3A_1271] : memref<64x26x2x128xi32, #tpu.memory_space<hbm>> -> memref<1x26x2x128xi32, #tpu.memory_space<hbm>>
        %dma_start3A_1273 = tpu.memref_squeeze %dma_start3A_1272 : memref<1x26x2x128xi32, #tpu.memory_space<hbm>> -> memref<26x2x128xi32, #tpu.memory_space<hbm>>
        tpu.enqueue_dma source(%dma_start3A_1273 : memref<26x2x128xi32, #tpu.memory_space<hbm>>) target(%arg7 : memref<26x2x128xi32, #tpu.memory_space<vmem>>) target_semaphore(%run_scoped3A : memref<!tpu.dma_semaphore, #tpu.memory_space<semaphore_mem>>)
        %dma_wait3A_1274 = arith.constant 0 : i32
        %dma_wait3A_1275 = arith.constant 0 : i32
        %dma_wait3A_1276 = arith.constant 0 : i32
        %dma_wait3A_1277 = tpu.memref_slice %arg3[%add3A_8, %dma_wait3A_1274, %dma_wait3A_1275, %dma_wait3A_1276] : memref<64x26x2x128xi32, #tpu.memory_space<hbm>> -> memref<1x26x2x128xi32, #tpu.memory_space<hbm>>
        %dma_wait3A_1278 = tpu.memref_squeeze %dma_wait3A_1277 : memref<1x26x2x128xi32, #tpu.memory_space<hbm>> -> memref<26x2x128xi32, #tpu.memory_space<hbm>>
        %dma_wait3A_1279 = arith.constant 0 : i32
        %dma_wait3A_1280 = arith.constant 0 : i32
        %dma_wait3A_1281 = arith.constant 0 : i32
        %dma_wait3A_1282 = tpu.memref_slice %arg3[%add3A_8, %dma_wait3A_1279, %dma_wait3A_1280, %dma_wait3A_1281] : memref<64x26x2x128xi32, #tpu.memory_space<hbm>> -> memref<1x26x2x128xi32, #tpu.memory_space<hbm>>
        %dma_wait3A_1283 = tpu.memref_squeeze %dma_wait3A_1282 : memref<1x26x2x128xi32, #tpu.memory_space<hbm>> -> memref<26x2x128xi32, #tpu.memory_space<hbm>>
        tpu.wait_dma2 semaphore(%run_scoped3A : memref<!tpu.dma_semaphore, #tpu.memory_space<semaphore_mem>>) src(%dma_wait3A_1283 : memref<26x2x128xi32, #tpu.memory_space<hbm>>) dst(%arg7 : memref<26x2x128xi32, #tpu.memory_space<vmem>>)
        tpu.yield
      }) : () -> ()
      "tpu.region"() ({
        %run_scoped3A = tpu.sem_alloc : memref<!tpu.dma_semaphore, #tpu.memory_space<semaphore_mem>>
        %dma_start3A_1264 = arith.constant 0 : i32
        %dma_start3A_1265 = arith.constant 0 : i32
        %dma_start3A_1266 = tpu.memref_slice %arg4[%add3A_8, %dma_start3A_1264, %dma_start3A_1265] : memref<64x13x256xf32, #tpu.memory_space<hbm>> -> memref<1x13x256xf32, #tpu.memory_space<hbm>>
        %dma_start3A_1267 = tpu.memref_squeeze %dma_start3A_1266 : memref<1x13x256xf32, #tpu.memory_space<hbm>> -> memref<13x256xf32, #tpu.memory_space<hbm>>
        %dma_start3A_1268 = arith.constant 0 : i32
        %dma_start3A_1269 = arith.constant 0 : i32
        %dma_start3A_1270 = tpu.memref_slice %arg4[%add3A_8, %dma_start3A_1268, %dma_start3A_1269] : memref<64x13x256xf32, #tpu.memory_space<hbm>> -> memref<1x13x256xf32, #tpu.memory_space<hbm>>
        %dma_start3A_1271 = tpu.memref_squeeze %dma_start3A_1270 : memref<1x13x256xf32, #tpu.memory_space<hbm>> -> memref<13x256xf32, #tpu.memory_space<hbm>>
        tpu.enqueue_dma source(%dma_start3A_1271 : memref<13x256xf32, #tpu.memory_space<hbm>>) target(%arg8 : memref<13x256xf32, #tpu.memory_space<vmem>>) target_semaphore(%run_scoped3A : memref<!tpu.dma_semaphore, #tpu.memory_space<semaphore_mem>>)
        %dma_wait3A_1272 = arith.constant 0 : i32
        %dma_wait3A_1273 = arith.constant 0 : i32
        %dma_wait3A_1274 = tpu.memref_slice %arg4[%add3A_8, %dma_wait3A_1272, %dma_wait3A_1273] : memref<64x13x256xf32, #tpu.memory_space<hbm>> -> memref<1x13x256xf32, #tpu.memory_space<hbm>>
        %dma_wait3A_1275 = tpu.memref_squeeze %dma_wait3A_1274 : memref<1x13x256xf32, #tpu.memory_space<hbm>> -> memref<13x256xf32, #tpu.memory_space<hbm>>
        %dma_wait3A_1276 = arith.constant 0 : i32
        %dma_wait3A_1277 = arith.constant 0 : i32
        %dma_wait3A_1278 = tpu.memref_slice %arg4[%add3A_8, %dma_wait3A_1276, %dma_wait3A_1277] : memref<64x13x256xf32, #tpu.memory_space<hbm>> -> memref<1x13x256xf32, #tpu.memory_space<hbm>>
        %dma_wait3A_1279 = tpu.memref_squeeze %dma_wait3A_1278 : memref<1x13x256xf32, #tpu.memory_space<hbm>> -> memref<13x256xf32, #tpu.memory_space<hbm>>
        tpu.wait_dma2 semaphore(%run_scoped3A : memref<!tpu.dma_semaphore, #tpu.memory_space<semaphore_mem>>) src(%dma_wait3A_1279 : memref<13x256xf32, #tpu.memory_space<hbm>>) dst(%arg8 : memref<13x256xf32, #tpu.memory_space<vmem>>)
        tpu.yield
      }) : () -> ()
      %dma_start3A = arith.constant 13 : i32
      %dma_start3A_9 = arith.constant 0 : i32
      %dma_start3A_10 = arith.constant 0 : i32
      %dma_start3A_11 = arith.constant 0 : i32
      %dma_start3A_12 = arith.constant 0 : i32
      %dma_start3A_13 = tpu.memref_slice %arg9[%dma_start3A_10, %dma_start3A_11, %dma_start3A_12] : memref<13x256x16xf32, #tpu.memory_space<vmem>> -> memref<1x128x16xf32, #tpu.memory_space<vmem>>
      %dma_start3A_14 = tpu.memref_squeeze %dma_start3A_13 : memref<1x128x16xf32, #tpu.memory_space<vmem>> -> memref<128x16xf32, #tpu.memory_space<vmem>>
      %dma_start3A_15 = arith.constant 0 : i32
      %dma_start3A_16 = tpu.memref_slice %arg7[%dma_start3A, %dma_start3A_9, %dma_start3A_15] : memref<26x2x128xi32, #tpu.memory_space<vmem>> -> memref<1x1x128xi32, #tpu.memory_space<vmem>>
      %dma_start3A_17 = tpu.memref_squeeze %dma_start3A_16 : memref<1x1x128xi32, #tpu.memory_space<vmem>> -> memref<128xi32, #tpu.memory_space<vmem>>
      %dma_start3A_18 = arith.constant 0 : i32
      %dma_start3A_19 = arith.constant 0 : i32
      %dma_start3A_20 = tpu.memref_slice %arg2[%dma_start3A_18, %dma_start3A_19] : memref<100000x16xf32, #tpu.memory_space<hbm>> -> memref<100000x16xf32, #tpu.memory_space<hbm>>
      tpu.enqueue_indirect_dma source(%dma_start3A_20 : memref<100000x16xf32, #tpu.memory_space<hbm>>) target(%dma_start3A_14 : memref<128x16xf32, #tpu.memory_space<vmem>>) offsets(%dma_start3A_17 : memref<128xi32, #tpu.memory_space<vmem>>) semaphore(%arg12 : memref<!tpu.dma_semaphore, #tpu.memory_space<semaphore_mem>>)
      %dma_start3A_21 = arith.constant 13 : i32
      %dma_start3A_22 = arith.constant 1 : i32
      %dma_start3A_23 = arith.constant 0 : i32
      %dma_start3A_24 = arith.constant 128 : i32
      %dma_start3A_25 = arith.constant 0 : i32
      %dma_start3A_26 = tpu.memref_slice %arg9[%dma_start3A_23, %dma_start3A_24, %dma_start3A_25] : memref<13x256x16xf32, #tpu.memory_space<vmem>> -> memref<1x128x16xf32, #tpu.memory_space<vmem>>
      %dma_start3A_27 = tpu.memref_squeeze %dma_start3A_26 : memref<1x128x16xf32, #tpu.memory_space<vmem>> -> memref<128x16xf32, #tpu.memory_space<vmem>>
      %dma_start3A_28 = arith.constant 0 : i32
      %dma_start3A_29 = tpu.memref_slice %arg7[%dma_start3A_21, %dma_start3A_22, %dma_start3A_28] : memref<26x2x128xi32, #tpu.memory_space<vmem>> -> memref<1x1x128xi32, #tpu.memory_space<vmem>>
      %dma_start3A_30 = tpu.memref_squeeze %dma_start3A_29 : memref<1x1x128xi32, #tpu.memory_space<vmem>> -> memref<128xi32, #tpu.memory_space<vmem>>
      %dma_start3A_31 = arith.constant 0 : i32
      %dma_start3A_32 = arith.constant 0 : i32
      %dma_start3A_33 = tpu.memref_slice %arg2[%dma_start3A_31, %dma_start3A_32] : memref<100000x16xf32, #tpu.memory_space<hbm>> -> memref<100000x16xf32, #tpu.memory_space<hbm>>
      tpu.enqueue_indirect_dma source(%dma_start3A_33 : memref<100000x16xf32, #tpu.memory_space<hbm>>) target(%dma_start3A_27 : memref<128x16xf32, #tpu.memory_space<vmem>>) offsets(%dma_start3A_30 : memref<128xi32, #tpu.memory_space<vmem>>) semaphore(%arg12 : memref<!tpu.dma_semaphore, #tpu.memory_space<semaphore_mem>>)
      %dma_start3A_34 = arith.constant 14 : i32
      %dma_start3A_35 = arith.constant 0 : i32
      %dma_start3A_36 = arith.constant 1 : i32
      %dma_start3A_37 = arith.constant 0 : i32
      %dma_start3A_38 = arith.constant 0 : i32
      %dma_start3A_39 = tpu.memref_slice %arg9[%dma_start3A_36, %dma_start3A_37, %dma_start3A_38] : memref<13x256x16xf32, #tpu.memory_space<vmem>> -> memref<1x128x16xf32, #tpu.memory_space<vmem>>
      %dma_start3A_40 = tpu.memref_squeeze %dma_start3A_39 : memref<1x128x16xf32, #tpu.memory_space<vmem>> -> memref<128x16xf32, #tpu.memory_space<vmem>>
      %dma_start3A_41 = arith.constant 0 : i32
      %dma_start3A_42 = tpu.memref_slice %arg7[%dma_start3A_34, %dma_start3A_35, %dma_start3A_41] : memref<26x2x128xi32, #tpu.memory_space<vmem>> -> memref<1x1x128xi32, #tpu.memory_space<vmem>>
      %dma_start3A_43 = tpu.memref_squeeze %dma_start3A_42 : memref<1x1x128xi32, #tpu.memory_space<vmem>> -> memref<128xi32, #tpu.memory_space<vmem>>
      %dma_start3A_44 = arith.constant 0 : i32
      %dma_start3A_45 = arith.constant 0 : i32
      %dma_start3A_46 = tpu.memref_slice %arg2[%dma_start3A_44, %dma_start3A_45] : memref<100000x16xf32, #tpu.memory_space<hbm>> -> memref<100000x16xf32, #tpu.memory_space<hbm>>
      tpu.enqueue_indirect_dma source(%dma_start3A_46 : memref<100000x16xf32, #tpu.memory_space<hbm>>) target(%dma_start3A_40 : memref<128x16xf32, #tpu.memory_space<vmem>>) offsets(%dma_start3A_43 : memref<128xi32, #tpu.memory_space<vmem>>) semaphore(%arg12 : memref<!tpu.dma_semaphore, #tpu.memory_space<semaphore_mem>>)
      %dma_start3A_47 = arith.constant 14 : i32
      %dma_start3A_48 = arith.constant 1 : i32
      %dma_start3A_49 = arith.constant 1 : i32
      %dma_start3A_50 = arith.constant 128 : i32
      %dma_start3A_51 = arith.constant 0 : i32
      %dma_start3A_52 = tpu.memref_slice %arg9[%dma_start3A_49, %dma_start3A_50, %dma_start3A_51] : memref<13x256x16xf32, #tpu.memory_space<vmem>> -> memref<1x128x16xf32, #tpu.memory_space<vmem>>
      %dma_start3A_53 = tpu.memref_squeeze %dma_start3A_52 : memref<1x128x16xf32, #tpu.memory_space<vmem>> -> memref<128x16xf32, #tpu.memory_space<vmem>>
      %dma_start3A_54 = arith.constant 0 : i32
      %dma_start3A_55 = tpu.memref_slice %arg7[%dma_start3A_47, %dma_start3A_48, %dma_start3A_54] : memref<26x2x128xi32, #tpu.memory_space<vmem>> -> memref<1x1x128xi32, #tpu.memory_space<vmem>>
      %dma_start3A_56 = tpu.memref_squeeze %dma_start3A_55 : memref<1x1x128xi32, #tpu.memory_space<vmem>> -> memref<128xi32, #tpu.memory_space<vmem>>
      %dma_start3A_57 = arith.constant 0 : i32
      %dma_start3A_58 = arith.constant 0 : i32
      %dma_start3A_59 = tpu.memref_slice %arg2[%dma_start3A_57, %dma_start3A_58] : memref<100000x16xf32, #tpu.memory_space<hbm>> -> memref<100000x16xf32, #tpu.memory_space<hbm>>
      tpu.enqueue_indirect_dma source(%dma_start3A_59 : memref<100000x16xf32, #tpu.memory_space<hbm>>) target(%dma_start3A_53 : memref<128x16xf32, #tpu.memory_space<vmem>>) offsets(%dma_start3A_56 : memref<128xi32, #tpu.memory_space<vmem>>) semaphore(%arg12 : memref<!tpu.dma_semaphore, #tpu.memory_space<semaphore_mem>>)
      %dma_start3A_60 = arith.constant 15 : i32
      %dma_start3A_61 = arith.constant 0 : i32
      %dma_start3A_62 = arith.constant 2 : i32
      %dma_start3A_63 = arith.constant 0 : i32
      %dma_start3A_64 = arith.constant 0 : i32
      %dma_start3A_65 = tpu.memref_slice %arg9[%dma_start3A_62, %dma_start3A_63, %dma_start3A_64] : memref<13x256x16xf32, #tpu.memory_space<vmem>> -> memref<1x128x16xf32, #tpu.memory_space<vmem>>
      %dma_start3A_66 = tpu.memref_squeeze %dma_start3A_65 : memref<1x128x16xf32, #tpu.memory_space<vmem>> -> memref<128x16xf32, #tpu.memory_space<vmem>>
      %dma_start3A_67 = arith.constant 0 : i32
      %dma_start3A_68 = tpu.memref_slice %arg7[%dma_start3A_60, %dma_start3A_61, %dma_start3A_67] : memref<26x2x128xi32, #tpu.memory_space<vmem>> -> memref<1x1x128xi32, #tpu.memory_space<vmem>>
      %dma_start3A_69 = tpu.memref_squeeze %dma_start3A_68 : memref<1x1x128xi32, #tpu.memory_space<vmem>> -> memref<128xi32, #tpu.memory_space<vmem>>
      %dma_start3A_70 = arith.constant 0 : i32
      %dma_start3A_71 = arith.constant 0 : i32
      %dma_start3A_72 = tpu.memref_slice %arg2[%dma_start3A_70, %dma_start3A_71] : memref<100000x16xf32, #tpu.memory_space<hbm>> -> memref<100000x16xf32, #tpu.memory_space<hbm>>
      tpu.enqueue_indirect_dma source(%dma_start3A_72 : memref<100000x16xf32, #tpu.memory_space<hbm>>) target(%dma_start3A_66 : memref<128x16xf32, #tpu.memory_space<vmem>>) offsets(%dma_start3A_69 : memref<128xi32, #tpu.memory_space<vmem>>) semaphore(%arg12 : memref<!tpu.dma_semaphore, #tpu.memory_space<semaphore_mem>>)
      %dma_start3A_73 = arith.constant 15 : i32
      %dma_start3A_74 = arith.constant 1 : i32
      %dma_start3A_75 = arith.constant 2 : i32
      %dma_start3A_76 = arith.constant 128 : i32
      %dma_start3A_77 = arith.constant 0 : i32
      %dma_start3A_78 = tpu.memref_slice %arg9[%dma_start3A_75, %dma_start3A_76, %dma_start3A_77] : memref<13x256x16xf32, #tpu.memory_space<vmem>> -> memref<1x128x16xf32, #tpu.memory_space<vmem>>
      %dma_start3A_79 = tpu.memref_squeeze %dma_start3A_78 : memref<1x128x16xf32, #tpu.memory_space<vmem>> -> memref<128x16xf32, #tpu.memory_space<vmem>>
      %dma_start3A_80 = arith.constant 0 : i32
      %dma_start3A_81 = tpu.memref_slice %arg7[%dma_start3A_73, %dma_start3A_74, %dma_start3A_80] : memref<26x2x128xi32, #tpu.memory_space<vmem>> -> memref<1x1x128xi32, #tpu.memory_space<vmem>>
      %dma_start3A_82 = tpu.memref_squeeze %dma_start3A_81 : memref<1x1x128xi32, #tpu.memory_space<vmem>> -> memref<128xi32, #tpu.memory_space<vmem>>
      %dma_start3A_83 = arith.constant 0 : i32
      %dma_start3A_84 = arith.constant 0 : i32
      %dma_start3A_85 = tpu.memref_slice %arg2[%dma_start3A_83, %dma_start3A_84] : memref<100000x16xf32, #tpu.memory_space<hbm>> -> memref<100000x16xf32, #tpu.memory_space<hbm>>
      tpu.enqueue_indirect_dma source(%dma_start3A_85 : memref<100000x16xf32, #tpu.memory_space<hbm>>) target(%dma_start3A_79 : memref<128x16xf32, #tpu.memory_space<vmem>>) offsets(%dma_start3A_82 : memref<128xi32, #tpu.memory_space<vmem>>) semaphore(%arg12 : memref<!tpu.dma_semaphore, #tpu.memory_space<semaphore_mem>>)
      %dma_start3A_86 = arith.constant 16 : i32
      %dma_start3A_87 = arith.constant 0 : i32
      %dma_start3A_88 = arith.constant 3 : i32
      %dma_start3A_89 = arith.constant 0 : i32
      %dma_start3A_90 = arith.constant 0 : i32
      %dma_start3A_91 = tpu.memref_slice %arg9[%dma_start3A_88, %dma_start3A_89, %dma_start3A_90] : memref<13x256x16xf32, #tpu.memory_space<vmem>> -> memref<1x128x16xf32, #tpu.memory_space<vmem>>
      %dma_start3A_92 = tpu.memref_squeeze %dma_start3A_91 : memref<1x128x16xf32, #tpu.memory_space<vmem>> -> memref<128x16xf32, #tpu.memory_space<vmem>>
      %dma_start3A_93 = arith.constant 0 : i32
      %dma_start3A_94 = tpu.memref_slice %arg7[%dma_start3A_86, %dma_start3A_87, %dma_start3A_93] : memref<26x2x128xi32, #tpu.memory_space<vmem>> -> memref<1x1x128xi32, #tpu.memory_space<vmem>>
      %dma_start3A_95 = tpu.memref_squeeze %dma_start3A_94 : memref<1x1x128xi32, #tpu.memory_space<vmem>> -> memref<128xi32, #tpu.memory_space<vmem>>
      %dma_start3A_96 = arith.constant 0 : i32
      %dma_start3A_97 = arith.constant 0 : i32
      %dma_start3A_98 = tpu.memref_slice %arg2[%dma_start3A_96, %dma_start3A_97] : memref<100000x16xf32, #tpu.memory_space<hbm>> -> memref<100000x16xf32, #tpu.memory_space<hbm>>
      tpu.enqueue_indirect_dma source(%dma_start3A_98 : memref<100000x16xf32, #tpu.memory_space<hbm>>) target(%dma_start3A_92 : memref<128x16xf32, #tpu.memory_space<vmem>>) offsets(%dma_start3A_95 : memref<128xi32, #tpu.memory_space<vmem>>) semaphore(%arg12 : memref<!tpu.dma_semaphore, #tpu.memory_space<semaphore_mem>>)
      %dma_start3A_99 = arith.constant 16 : i32
      %dma_start3A_100 = arith.constant 1 : i32
      %dma_start3A_101 = arith.constant 3 : i32
      %dma_start3A_102 = arith.constant 128 : i32
      %dma_start3A_103 = arith.constant 0 : i32
      %dma_start3A_104 = tpu.memref_slice %arg9[%dma_start3A_101, %dma_start3A_102, %dma_start3A_103] : memref<13x256x16xf32, #tpu.memory_space<vmem>> -> memref<1x128x16xf32, #tpu.memory_space<vmem>>
      %dma_start3A_105 = tpu.memref_squeeze %dma_start3A_104 : memref<1x128x16xf32, #tpu.memory_space<vmem>> -> memref<128x16xf32, #tpu.memory_space<vmem>>
      %dma_start3A_106 = arith.constant 0 : i32
      %dma_start3A_107 = tpu.memref_slice %arg7[%dma_start3A_99, %dma_start3A_100, %dma_start3A_106] : memref<26x2x128xi32, #tpu.memory_space<vmem>> -> memref<1x1x128xi32, #tpu.memory_space<vmem>>
      %dma_start3A_108 = tpu.memref_squeeze %dma_start3A_107 : memref<1x1x128xi32, #tpu.memory_space<vmem>> -> memref<128xi32, #tpu.memory_space<vmem>>
      %dma_start3A_109 = arith.constant 0 : i32
      %dma_start3A_110 = arith.constant 0 : i32
      %dma_start3A_111 = tpu.memref_slice %arg2[%dma_start3A_109, %dma_start3A_110] : memref<100000x16xf32, #tpu.memory_space<hbm>> -> memref<100000x16xf32, #tpu.memory_space<hbm>>
      tpu.enqueue_indirect_dma source(%dma_start3A_111 : memref<100000x16xf32, #tpu.memory_space<hbm>>) target(%dma_start3A_105 : memref<128x16xf32, #tpu.memory_space<vmem>>) offsets(%dma_start3A_108 : memref<128xi32, #tpu.memory_space<vmem>>) semaphore(%arg12 : memref<!tpu.dma_semaphore, #tpu.memory_space<semaphore_mem>>)
      %dma_start3A_112 = arith.constant 17 : i32
      %dma_start3A_113 = arith.constant 0 : i32
      %dma_start3A_114 = arith.constant 4 : i32
      %dma_start3A_115 = arith.constant 0 : i32
      %dma_start3A_116 = arith.constant 0 : i32
      %dma_start3A_117 = tpu.memref_slice %arg9[%dma_start3A_114, %dma_start3A_115, %dma_start3A_116] : memref<13x256x16xf32, #tpu.memory_space<vmem>> -> memref<1x128x16xf32, #tpu.memory_space<vmem>>
      %dma_start3A_118 = tpu.memref_squeeze %dma_start3A_117 : memref<1x128x16xf32, #tpu.memory_space<vmem>> -> memref<128x16xf32, #tpu.memory_space<vmem>>
      %dma_start3A_119 = arith.constant 0 : i32
      %dma_start3A_120 = tpu.memref_slice %arg7[%dma_start3A_112, %dma_start3A_113, %dma_start3A_119] : memref<26x2x128xi32, #tpu.memory_space<vmem>> -> memref<1x1x128xi32, #tpu.memory_space<vmem>>
      %dma_start3A_121 = tpu.memref_squeeze %dma_start3A_120 : memref<1x1x128xi32, #tpu.memory_space<vmem>> -> memref<128xi32, #tpu.memory_space<vmem>>
      %dma_start3A_122 = arith.constant 0 : i32
      %dma_start3A_123 = arith.constant 0 : i32
      %dma_start3A_124 = tpu.memref_slice %arg2[%dma_start3A_122, %dma_start3A_123] : memref<100000x16xf32, #tpu.memory_space<hbm>> -> memref<100000x16xf32, #tpu.memory_space<hbm>>
      tpu.enqueue_indirect_dma source(%dma_start3A_124 : memref<100000x16xf32, #tpu.memory_space<hbm>>) target(%dma_start3A_118 : memref<128x16xf32, #tpu.memory_space<vmem>>) offsets(%dma_start3A_121 : memref<128xi32, #tpu.memory_space<vmem>>) semaphore(%arg12 : memref<!tpu.dma_semaphore, #tpu.memory_space<semaphore_mem>>)
      %dma_start3A_125 = arith.constant 17 : i32
      %dma_start3A_126 = arith.constant 1 : i32
      %dma_start3A_127 = arith.constant 4 : i32
      %dma_start3A_128 = arith.constant 128 : i32
      %dma_start3A_129 = arith.constant 0 : i32
      %dma_start3A_130 = tpu.memref_slice %arg9[%dma_start3A_127, %dma_start3A_128, %dma_start3A_129] : memref<13x256x16xf32, #tpu.memory_space<vmem>> -> memref<1x128x16xf32, #tpu.memory_space<vmem>>
      %dma_start3A_131 = tpu.memref_squeeze %dma_start3A_130 : memref<1x128x16xf32, #tpu.memory_space<vmem>> -> memref<128x16xf32, #tpu.memory_space<vmem>>
      %dma_start3A_132 = arith.constant 0 : i32
      %dma_start3A_133 = tpu.memref_slice %arg7[%dma_start3A_125, %dma_start3A_126, %dma_start3A_132] : memref<26x2x128xi32, #tpu.memory_space<vmem>> -> memref<1x1x128xi32, #tpu.memory_space<vmem>>
      %dma_start3A_134 = tpu.memref_squeeze %dma_start3A_133 : memref<1x1x128xi32, #tpu.memory_space<vmem>> -> memref<128xi32, #tpu.memory_space<vmem>>
      %dma_start3A_135 = arith.constant 0 : i32
      %dma_start3A_136 = arith.constant 0 : i32
      %dma_start3A_137 = tpu.memref_slice %arg2[%dma_start3A_135, %dma_start3A_136] : memref<100000x16xf32, #tpu.memory_space<hbm>> -> memref<100000x16xf32, #tpu.memory_space<hbm>>
      tpu.enqueue_indirect_dma source(%dma_start3A_137 : memref<100000x16xf32, #tpu.memory_space<hbm>>) target(%dma_start3A_131 : memref<128x16xf32, #tpu.memory_space<vmem>>) offsets(%dma_start3A_134 : memref<128xi32, #tpu.memory_space<vmem>>) semaphore(%arg12 : memref<!tpu.dma_semaphore, #tpu.memory_space<semaphore_mem>>)
      %dma_start3A_138 = arith.constant 18 : i32
      %dma_start3A_139 = arith.constant 0 : i32
      %dma_start3A_140 = arith.constant 5 : i32
      %dma_start3A_141 = arith.constant 0 : i32
      %dma_start3A_142 = arith.constant 0 : i32
      %dma_start3A_143 = tpu.memref_slice %arg9[%dma_start3A_140, %dma_start3A_141, %dma_start3A_142] : memref<13x256x16xf32, #tpu.memory_space<vmem>> -> memref<1x128x16xf32, #tpu.memory_space<vmem>>
      %dma_start3A_144 = tpu.memref_squeeze %dma_start3A_143 : memref<1x128x16xf32, #tpu.memory_space<vmem>> -> memref<128x16xf32, #tpu.memory_space<vmem>>
      %dma_start3A_145 = arith.constant 0 : i32
      %dma_start3A_146 = tpu.memref_slice %arg7[%dma_start3A_138, %dma_start3A_139, %dma_start3A_145] : memref<26x2x128xi32, #tpu.memory_space<vmem>> -> memref<1x1x128xi32, #tpu.memory_space<vmem>>
      %dma_start3A_147 = tpu.memref_squeeze %dma_start3A_146 : memref<1x1x128xi32, #tpu.memory_space<vmem>> -> memref<128xi32, #tpu.memory_space<vmem>>
      %dma_start3A_148 = arith.constant 0 : i32
      %dma_start3A_149 = arith.constant 0 : i32
      %dma_start3A_150 = tpu.memref_slice %arg2[%dma_start3A_148, %dma_start3A_149] : memref<100000x16xf32, #tpu.memory_space<hbm>> -> memref<100000x16xf32, #tpu.memory_space<hbm>>
      tpu.enqueue_indirect_dma source(%dma_start3A_150 : memref<100000x16xf32, #tpu.memory_space<hbm>>) target(%dma_start3A_144 : memref<128x16xf32, #tpu.memory_space<vmem>>) offsets(%dma_start3A_147 : memref<128xi32, #tpu.memory_space<vmem>>) semaphore(%arg12 : memref<!tpu.dma_semaphore, #tpu.memory_space<semaphore_mem>>)
      %dma_start3A_151 = arith.constant 18 : i32
      %dma_start3A_152 = arith.constant 1 : i32
      %dma_start3A_153 = arith.constant 5 : i32
      %dma_start3A_154 = arith.constant 128 : i32
      %dma_start3A_155 = arith.constant 0 : i32
      %dma_start3A_156 = tpu.memref_slice %arg9[%dma_start3A_153, %dma_start3A_154, %dma_start3A_155] : memref<13x256x16xf32, #tpu.memory_space<vmem>> -> memref<1x128x16xf32, #tpu.memory_space<vmem>>
      %dma_start3A_157 = tpu.memref_squeeze %dma_start3A_156 : memref<1x128x16xf32, #tpu.memory_space<vmem>> -> memref<128x16xf32, #tpu.memory_space<vmem>>
      %dma_start3A_158 = arith.constant 0 : i32
      %dma_start3A_159 = tpu.memref_slice %arg7[%dma_start3A_151, %dma_start3A_152, %dma_start3A_158] : memref<26x2x128xi32, #tpu.memory_space<vmem>> -> memref<1x1x128xi32, #tpu.memory_space<vmem>>
      %dma_start3A_160 = tpu.memref_squeeze %dma_start3A_159 : memref<1x1x128xi32, #tpu.memory_space<vmem>> -> memref<128xi32, #tpu.memory_space<vmem>>
      %dma_start3A_161 = arith.constant 0 : i32
      %dma_start3A_162 = arith.constant 0 : i32
      %dma_start3A_163 = tpu.memref_slice %arg2[%dma_start3A_161, %dma_start3A_162] : memref<100000x16xf32, #tpu.memory_space<hbm>> -> memref<100000x16xf32, #tpu.memory_space<hbm>>
      tpu.enqueue_indirect_dma source(%dma_start3A_163 : memref<100000x16xf32, #tpu.memory_space<hbm>>) target(%dma_start3A_157 : memref<128x16xf32, #tpu.memory_space<vmem>>) offsets(%dma_start3A_160 : memref<128xi32, #tpu.memory_space<vmem>>) semaphore(%arg12 : memref<!tpu.dma_semaphore, #tpu.memory_space<semaphore_mem>>)
      %dma_start3A_164 = arith.constant 19 : i32
      %dma_start3A_165 = arith.constant 0 : i32
      %dma_start3A_166 = arith.constant 6 : i32
      %dma_start3A_167 = arith.constant 0 : i32
      %dma_start3A_168 = arith.constant 0 : i32
      %dma_start3A_169 = tpu.memref_slice %arg9[%dma_start3A_166, %dma_start3A_167, %dma_start3A_168] : memref<13x256x16xf32, #tpu.memory_space<vmem>> -> memref<1x128x16xf32, #tpu.memory_space<vmem>>
      %dma_start3A_170 = tpu.memref_squeeze %dma_start3A_169 : memref<1x128x16xf32, #tpu.memory_space<vmem>> -> memref<128x16xf32, #tpu.memory_space<vmem>>
      %dma_start3A_171 = arith.constant 0 : i32
      %dma_start3A_172 = tpu.memref_slice %arg7[%dma_start3A_164, %dma_start3A_165, %dma_start3A_171] : memref<26x2x128xi32, #tpu.memory_space<vmem>> -> memref<1x1x128xi32, #tpu.memory_space<vmem>>
      %dma_start3A_173 = tpu.memref_squeeze %dma_start3A_172 : memref<1x1x128xi32, #tpu.memory_space<vmem>> -> memref<128xi32, #tpu.memory_space<vmem>>
      %dma_start3A_174 = arith.constant 0 : i32
      %dma_start3A_175 = arith.constant 0 : i32
      %dma_start3A_176 = tpu.memref_slice %arg2[%dma_start3A_174, %dma_start3A_175] : memref<100000x16xf32, #tpu.memory_space<hbm>> -> memref<100000x16xf32, #tpu.memory_space<hbm>>
      tpu.enqueue_indirect_dma source(%dma_start3A_176 : memref<100000x16xf32, #tpu.memory_space<hbm>>) target(%dma_start3A_170 : memref<128x16xf32, #tpu.memory_space<vmem>>) offsets(%dma_start3A_173 : memref<128xi32, #tpu.memory_space<vmem>>) semaphore(%arg12 : memref<!tpu.dma_semaphore, #tpu.memory_space<semaphore_mem>>)
      %dma_start3A_177 = arith.constant 19 : i32
      %dma_start3A_178 = arith.constant 1 : i32
      %dma_start3A_179 = arith.constant 6 : i32
      %dma_start3A_180 = arith.constant 128 : i32
      %dma_start3A_181 = arith.constant 0 : i32
      %dma_start3A_182 = tpu.memref_slice %arg9[%dma_start3A_179, %dma_start3A_180, %dma_start3A_181] : memref<13x256x16xf32, #tpu.memory_space<vmem>> -> memref<1x128x16xf32, #tpu.memory_space<vmem>>
      %dma_start3A_183 = tpu.memref_squeeze %dma_start3A_182 : memref<1x128x16xf32, #tpu.memory_space<vmem>> -> memref<128x16xf32, #tpu.memory_space<vmem>>
      %dma_start3A_184 = arith.constant 0 : i32
      %dma_start3A_185 = tpu.memref_slice %arg7[%dma_start3A_177, %dma_start3A_178, %dma_start3A_184] : memref<26x2x128xi32, #tpu.memory_space<vmem>> -> memref<1x1x128xi32, #tpu.memory_space<vmem>>
      %dma_start3A_186 = tpu.memref_squeeze %dma_start3A_185 : memref<1x1x128xi32, #tpu.memory_space<vmem>> -> memref<128xi32, #tpu.memory_space<vmem>>
      %dma_start3A_187 = arith.constant 0 : i32
      %dma_start3A_188 = arith.constant 0 : i32
      %dma_start3A_189 = tpu.memref_slice %arg2[%dma_start3A_187, %dma_start3A_188] : memref<100000x16xf32, #tpu.memory_space<hbm>> -> memref<100000x16xf32, #tpu.memory_space<hbm>>
      tpu.enqueue_indirect_dma source(%dma_start3A_189 : memref<100000x16xf32, #tpu.memory_space<hbm>>) target(%dma_start3A_183 : memref<128x16xf32, #tpu.memory_space<vmem>>) offsets(%dma_start3A_186 : memref<128xi32, #tpu.memory_space<vmem>>) semaphore(%arg12 : memref<!tpu.dma_semaphore, #tpu.memory_space<semaphore_mem>>)
      %dma_start3A_190 = arith.constant 20 : i32
      %dma_start3A_191 = arith.constant 0 : i32
      %dma_start3A_192 = arith.constant 7 : i32
      %dma_start3A_193 = arith.constant 0 : i32
      %dma_start3A_194 = arith.constant 0 : i32
      %dma_start3A_195 = tpu.memref_slice %arg9[%dma_start3A_192, %dma_start3A_193, %dma_start3A_194] : memref<13x256x16xf32, #tpu.memory_space<vmem>> -> memref<1x128x16xf32, #tpu.memory_space<vmem>>
      %dma_start3A_196 = tpu.memref_squeeze %dma_start3A_195 : memref<1x128x16xf32, #tpu.memory_space<vmem>> -> memref<128x16xf32, #tpu.memory_space<vmem>>
      %dma_start3A_197 = arith.constant 0 : i32
      %dma_start3A_198 = tpu.memref_slice %arg7[%dma_start3A_190, %dma_start3A_191, %dma_start3A_197] : memref<26x2x128xi32, #tpu.memory_space<vmem>> -> memref<1x1x128xi32, #tpu.memory_space<vmem>>
      %dma_start3A_199 = tpu.memref_squeeze %dma_start3A_198 : memref<1x1x128xi32, #tpu.memory_space<vmem>> -> memref<128xi32, #tpu.memory_space<vmem>>
      %dma_start3A_200 = arith.constant 0 : i32
      %dma_start3A_201 = arith.constant 0 : i32
      %dma_start3A_202 = tpu.memref_slice %arg2[%dma_start3A_200, %dma_start3A_201] : memref<100000x16xf32, #tpu.memory_space<hbm>> -> memref<100000x16xf32, #tpu.memory_space<hbm>>
      tpu.enqueue_indirect_dma source(%dma_start3A_202 : memref<100000x16xf32, #tpu.memory_space<hbm>>) target(%dma_start3A_196 : memref<128x16xf32, #tpu.memory_space<vmem>>) offsets(%dma_start3A_199 : memref<128xi32, #tpu.memory_space<vmem>>) semaphore(%arg12 : memref<!tpu.dma_semaphore, #tpu.memory_space<semaphore_mem>>)
      %dma_start3A_203 = arith.constant 20 : i32
      %dma_start3A_204 = arith.constant 1 : i32
      %dma_start3A_205 = arith.constant 7 : i32
      %dma_start3A_206 = arith.constant 128 : i32
      %dma_start3A_207 = arith.constant 0 : i32
      %dma_start3A_208 = tpu.memref_slice %arg9[%dma_start3A_205, %dma_start3A_206, %dma_start3A_207] : memref<13x256x16xf32, #tpu.memory_space<vmem>> -> memref<1x128x16xf32, #tpu.memory_space<vmem>>
      %dma_start3A_209 = tpu.memref_squeeze %dma_start3A_208 : memref<1x128x16xf32, #tpu.memory_space<vmem>> -> memref<128x16xf32, #tpu.memory_space<vmem>>
      %dma_start3A_210 = arith.constant 0 : i32
      %dma_start3A_211 = tpu.memref_slice %arg7[%dma_start3A_203, %dma_start3A_204, %dma_start3A_210] : memref<26x2x128xi32, #tpu.memory_space<vmem>> -> memref<1x1x128xi32, #tpu.memory_space<vmem>>
      %dma_start3A_212 = tpu.memref_squeeze %dma_start3A_211 : memref<1x1x128xi32, #tpu.memory_space<vmem>> -> memref<128xi32, #tpu.memory_space<vmem>>
      %dma_start3A_213 = arith.constant 0 : i32
      %dma_start3A_214 = arith.constant 0 : i32
      %dma_start3A_215 = tpu.memref_slice %arg2[%dma_start3A_213, %dma_start3A_214] : memref<100000x16xf32, #tpu.memory_space<hbm>> -> memref<100000x16xf32, #tpu.memory_space<hbm>>
      tpu.enqueue_indirect_dma source(%dma_start3A_215 : memref<100000x16xf32, #tpu.memory_space<hbm>>) target(%dma_start3A_209 : memref<128x16xf32, #tpu.memory_space<vmem>>) offsets(%dma_start3A_212 : memref<128xi32, #tpu.memory_space<vmem>>) semaphore(%arg12 : memref<!tpu.dma_semaphore, #tpu.memory_space<semaphore_mem>>)
      %dma_start3A_216 = arith.constant 21 : i32
      %dma_start3A_217 = arith.constant 0 : i32
      %dma_start3A_218 = arith.constant 8 : i32
      %dma_start3A_219 = arith.constant 0 : i32
      %dma_start3A_220 = arith.constant 0 : i32
      %dma_start3A_221 = tpu.memref_slice %arg9[%dma_start3A_218, %dma_start3A_219, %dma_start3A_220] : memref<13x256x16xf32, #tpu.memory_space<vmem>> -> memref<1x128x16xf32, #tpu.memory_space<vmem>>
      %dma_start3A_222 = tpu.memref_squeeze %dma_start3A_221 : memref<1x128x16xf32, #tpu.memory_space<vmem>> -> memref<128x16xf32, #tpu.memory_space<vmem>>
      %dma_start3A_223 = arith.constant 0 : i32
      %dma_start3A_224 = tpu.memref_slice %arg7[%dma_start3A_216, %dma_start3A_217, %dma_start3A_223] : memref<26x2x128xi32, #tpu.memory_space<vmem>> -> memref<1x1x128xi32, #tpu.memory_space<vmem>>
      %dma_start3A_225 = tpu.memref_squeeze %dma_start3A_224 : memref<1x1x128xi32, #tpu.memory_space<vmem>> -> memref<128xi32, #tpu.memory_space<vmem>>
      %dma_start3A_226 = arith.constant 0 : i32
      %dma_start3A_227 = arith.constant 0 : i32
      %dma_start3A_228 = tpu.memref_slice %arg2[%dma_start3A_226, %dma_start3A_227] : memref<100000x16xf32, #tpu.memory_space<hbm>> -> memref<100000x16xf32, #tpu.memory_space<hbm>>
      tpu.enqueue_indirect_dma source(%dma_start3A_228 : memref<100000x16xf32, #tpu.memory_space<hbm>>) target(%dma_start3A_222 : memref<128x16xf32, #tpu.memory_space<vmem>>) offsets(%dma_start3A_225 : memref<128xi32, #tpu.memory_space<vmem>>) semaphore(%arg12 : memref<!tpu.dma_semaphore, #tpu.memory_space<semaphore_mem>>)
      %dma_start3A_229 = arith.constant 21 : i32
      %dma_start3A_230 = arith.constant 1 : i32
      %dma_start3A_231 = arith.constant 8 : i32
      %dma_start3A_232 = arith.constant 128 : i32
      %dma_start3A_233 = arith.constant 0 : i32
      %dma_start3A_234 = tpu.memref_slice %arg9[%dma_start3A_231, %dma_start3A_232, %dma_start3A_233] : memref<13x256x16xf32, #tpu.memory_space<vmem>> -> memref<1x128x16xf32, #tpu.memory_space<vmem>>
      %dma_start3A_235 = tpu.memref_squeeze %dma_start3A_234 : memref<1x128x16xf32, #tpu.memory_space<vmem>> -> memref<128x16xf32, #tpu.memory_space<vmem>>
      %dma_start3A_236 = arith.constant 0 : i32
      %dma_start3A_237 = tpu.memref_slice %arg7[%dma_start3A_229, %dma_start3A_230, %dma_start3A_236] : memref<26x2x128xi32, #tpu.memory_space<vmem>> -> memref<1x1x128xi32, #tpu.memory_space<vmem>>
      %dma_start3A_238 = tpu.memref_squeeze %dma_start3A_237 : memref<1x1x128xi32, #tpu.memory_space<vmem>> -> memref<128xi32, #tpu.memory_space<vmem>>
      %dma_start3A_239 = arith.constant 0 : i32
      %dma_start3A_240 = arith.constant 0 : i32
      %dma_start3A_241 = tpu.memref_slice %arg2[%dma_start3A_239, %dma_start3A_240] : memref<100000x16xf32, #tpu.memory_space<hbm>> -> memref<100000x16xf32, #tpu.memory_space<hbm>>
      tpu.enqueue_indirect_dma source(%dma_start3A_241 : memref<100000x16xf32, #tpu.memory_space<hbm>>) target(%dma_start3A_235 : memref<128x16xf32, #tpu.memory_space<vmem>>) offsets(%dma_start3A_238 : memref<128xi32, #tpu.memory_space<vmem>>) semaphore(%arg12 : memref<!tpu.dma_semaphore, #tpu.memory_space<semaphore_mem>>)
      %dma_start3A_242 = arith.constant 22 : i32
      %dma_start3A_243 = arith.constant 0 : i32
      %dma_start3A_244 = arith.constant 9 : i32
      %dma_start3A_245 = arith.constant 0 : i32
      %dma_start3A_246 = arith.constant 0 : i32
      %dma_start3A_247 = tpu.memref_slice %arg9[%dma_start3A_244, %dma_start3A_245, %dma_start3A_246] : memref<13x256x16xf32, #tpu.memory_space<vmem>> -> memref<1x128x16xf32, #tpu.memory_space<vmem>>
      %dma_start3A_248 = tpu.memref_squeeze %dma_start3A_247 : memref<1x128x16xf32, #tpu.memory_space<vmem>> -> memref<128x16xf32, #tpu.memory_space<vmem>>
      %dma_start3A_249 = arith.constant 0 : i32
      %dma_start3A_250 = tpu.memref_slice %arg7[%dma_start3A_242, %dma_start3A_243, %dma_start3A_249] : memref<26x2x128xi32, #tpu.memory_space<vmem>> -> memref<1x1x128xi32, #tpu.memory_space<vmem>>
      %dma_start3A_251 = tpu.memref_squeeze %dma_start3A_250 : memref<1x1x128xi32, #tpu.memory_space<vmem>> -> memref<128xi32, #tpu.memory_space<vmem>>
      %dma_start3A_252 = arith.constant 0 : i32
      %dma_start3A_253 = arith.constant 0 : i32
      %dma_start3A_254 = tpu.memref_slice %arg2[%dma_start3A_252, %dma_start3A_253] : memref<100000x16xf32, #tpu.memory_space<hbm>> -> memref<100000x16xf32, #tpu.memory_space<hbm>>
      tpu.enqueue_indirect_dma source(%dma_start3A_254 : memref<100000x16xf32, #tpu.memory_space<hbm>>) target(%dma_start3A_248 : memref<128x16xf32, #tpu.memory_space<vmem>>) offsets(%dma_start3A_251 : memref<128xi32, #tpu.memory_space<vmem>>) semaphore(%arg12 : memref<!tpu.dma_semaphore, #tpu.memory_space<semaphore_mem>>)
      %dma_start3A_255 = arith.constant 22 : i32
      %dma_start3A_256 = arith.constant 1 : i32
      %dma_start3A_257 = arith.constant 9 : i32
      %dma_start3A_258 = arith.constant 128 : i32
      %dma_start3A_259 = arith.constant 0 : i32
      %dma_start3A_260 = tpu.memref_slice %arg9[%dma_start3A_257, %dma_start3A_258, %dma_start3A_259] : memref<13x256x16xf32, #tpu.memory_space<vmem>> -> memref<1x128x16xf32, #tpu.memory_space<vmem>>
      %dma_start3A_261 = tpu.memref_squeeze %dma_start3A_260 : memref<1x128x16xf32, #tpu.memory_space<vmem>> -> memref<128x16xf32, #tpu.memory_space<vmem>>
      %dma_start3A_262 = arith.constant 0 : i32
      %dma_start3A_263 = tpu.memref_slice %arg7[%dma_start3A_255, %dma_start3A_256, %dma_start3A_262] : memref<26x2x128xi32, #tpu.memory_space<vmem>> -> memref<1x1x128xi32, #tpu.memory_space<vmem>>
      %dma_start3A_264 = tpu.memref_squeeze %dma_start3A_263 : memref<1x1x128xi32, #tpu.memory_space<vmem>> -> memref<128xi32, #tpu.memory_space<vmem>>
      %dma_start3A_265 = arith.constant 0 : i32
      %dma_start3A_266 = arith.constant 0 : i32
      %dma_start3A_267 = tpu.memref_slice %arg2[%dma_start3A_265, %dma_start3A_266] : memref<100000x16xf32, #tpu.memory_space<hbm>> -> memref<100000x16xf32, #tpu.memory_space<hbm>>
      tpu.enqueue_indirect_dma source(%dma_start3A_267 : memref<100000x16xf32, #tpu.memory_space<hbm>>) target(%dma_start3A_261 : memref<128x16xf32, #tpu.memory_space<vmem>>) offsets(%dma_start3A_264 : memref<128xi32, #tpu.memory_space<vmem>>) semaphore(%arg12 : memref<!tpu.dma_semaphore, #tpu.memory_space<semaphore_mem>>)
      %dma_start3A_268 = arith.constant 23 : i32
      %dma_start3A_269 = arith.constant 0 : i32
      %dma_start3A_270 = arith.constant 10 : i32
      %dma_start3A_271 = arith.constant 0 : i32
      %dma_start3A_272 = arith.constant 0 : i32
      %dma_start3A_273 = tpu.memref_slice %arg9[%dma_start3A_270, %dma_start3A_271, %dma_start3A_272] : memref<13x256x16xf32, #tpu.memory_space<vmem>> -> memref<1x128x16xf32, #tpu.memory_space<vmem>>
      %dma_start3A_274 = tpu.memref_squeeze %dma_start3A_273 : memref<1x128x16xf32, #tpu.memory_space<vmem>> -> memref<128x16xf32, #tpu.memory_space<vmem>>
      %dma_start3A_275 = arith.constant 0 : i32
      %dma_start3A_276 = tpu.memref_slice %arg7[%dma_start3A_268, %dma_start3A_269, %dma_start3A_275] : memref<26x2x128xi32, #tpu.memory_space<vmem>> -> memref<1x1x128xi32, #tpu.memory_space<vmem>>
      %dma_start3A_277 = tpu.memref_squeeze %dma_start3A_276 : memref<1x1x128xi32, #tpu.memory_space<vmem>> -> memref<128xi32, #tpu.memory_space<vmem>>
      %dma_start3A_278 = arith.constant 0 : i32
      %dma_start3A_279 = arith.constant 0 : i32
      %dma_start3A_280 = tpu.memref_slice %arg2[%dma_start3A_278, %dma_start3A_279] : memref<100000x16xf32, #tpu.memory_space<hbm>> -> memref<100000x16xf32, #tpu.memory_space<hbm>>
      tpu.enqueue_indirect_dma source(%dma_start3A_280 : memref<100000x16xf32, #tpu.memory_space<hbm>>) target(%dma_start3A_274 : memref<128x16xf32, #tpu.memory_space<vmem>>) offsets(%dma_start3A_277 : memref<128xi32, #tpu.memory_space<vmem>>) semaphore(%arg12 : memref<!tpu.dma_semaphore, #tpu.memory_space<semaphore_mem>>)
      %dma_start3A_281 = arith.constant 23 : i32
      %dma_start3A_282 = arith.constant 1 : i32
      %dma_start3A_283 = arith.constant 10 : i32
      %dma_start3A_284 = arith.constant 128 : i32
      %dma_start3A_285 = arith.constant 0 : i32
      %dma_start3A_286 = tpu.memref_slice %arg9[%dma_start3A_283, %dma_start3A_284, %dma_start3A_285] : memref<13x256x16xf32, #tpu.memory_space<vmem>> -> memref<1x128x16xf32, #tpu.memory_space<vmem>>
      %dma_start3A_287 = tpu.memref_squeeze %dma_start3A_286 : memref<1x128x16xf32, #tpu.memory_space<vmem>> -> memref<128x16xf32, #tpu.memory_space<vmem>>
      %dma_start3A_288 = arith.constant 0 : i32
      %dma_start3A_289 = tpu.memref_slice %arg7[%dma_start3A_281, %dma_start3A_282, %dma_start3A_288] : memref<26x2x128xi32, #tpu.memory_space<vmem>> -> memref<1x1x128xi32, #tpu.memory_space<vmem>>
      %dma_start3A_290 = tpu.memref_squeeze %dma_start3A_289 : memref<1x1x128xi32, #tpu.memory_space<vmem>> -> memref<128xi32, #tpu.memory_space<vmem>>
      %dma_start3A_291 = arith.constant 0 : i32
      %dma_start3A_292 = arith.constant 0 : i32
      %dma_start3A_293 = tpu.memref_slice %arg2[%dma_start3A_291, %dma_start3A_292] : memref<100000x16xf32, #tpu.memory_space<hbm>> -> memref<100000x16xf32, #tpu.memory_space<hbm>>
      tpu.enqueue_indirect_dma source(%dma_start3A_293 : memref<100000x16xf32, #tpu.memory_space<hbm>>) target(%dma_start3A_287 : memref<128x16xf32, #tpu.memory_space<vmem>>) offsets(%dma_start3A_290 : memref<128xi32, #tpu.memory_space<vmem>>) semaphore(%arg12 : memref<!tpu.dma_semaphore, #tpu.memory_space<semaphore_mem>>)
      %dma_start3A_294 = arith.constant 24 : i32
      %dma_start3A_295 = arith.constant 0 : i32
      %dma_start3A_296 = arith.constant 11 : i32
      %dma_start3A_297 = arith.constant 0 : i32
      %dma_start3A_298 = arith.constant 0 : i32
      %dma_start3A_299 = tpu.memref_slice %arg9[%dma_start3A_296, %dma_start3A_297, %dma_start3A_298] : memref<13x256x16xf32, #tpu.memory_space<vmem>> -> memref<1x128x16xf32, #tpu.memory_space<vmem>>
      %dma_start3A_300 = tpu.memref_squeeze %dma_start3A_299 : memref<1x128x16xf32, #tpu.memory_space<vmem>> -> memref<128x16xf32, #tpu.memory_space<vmem>>
      %dma_start3A_301 = arith.constant 0 : i32
      %dma_start3A_302 = tpu.memref_slice %arg7[%dma_start3A_294, %dma_start3A_295, %dma_start3A_301] : memref<26x2x128xi32, #tpu.memory_space<vmem>> -> memref<1x1x128xi32, #tpu.memory_space<vmem>>
      %dma_start3A_303 = tpu.memref_squeeze %dma_start3A_302 : memref<1x1x128xi32, #tpu.memory_space<vmem>> -> memref<128xi32, #tpu.memory_space<vmem>>
      %dma_start3A_304 = arith.constant 0 : i32
      %dma_start3A_305 = arith.constant 0 : i32
      %dma_start3A_306 = tpu.memref_slice %arg2[%dma_start3A_304, %dma_start3A_305] : memref<100000x16xf32, #tpu.memory_space<hbm>> -> memref<100000x16xf32, #tpu.memory_space<hbm>>
      tpu.enqueue_indirect_dma source(%dma_start3A_306 : memref<100000x16xf32, #tpu.memory_space<hbm>>) target(%dma_start3A_300 : memref<128x16xf32, #tpu.memory_space<vmem>>) offsets(%dma_start3A_303 : memref<128xi32, #tpu.memory_space<vmem>>) semaphore(%arg12 : memref<!tpu.dma_semaphore, #tpu.memory_space<semaphore_mem>>)
      %dma_start3A_307 = arith.constant 24 : i32
      %dma_start3A_308 = arith.constant 1 : i32
      %dma_start3A_309 = arith.constant 11 : i32
      %dma_start3A_310 = arith.constant 128 : i32
      %dma_start3A_311 = arith.constant 0 : i32
      %dma_start3A_312 = tpu.memref_slice %arg9[%dma_start3A_309, %dma_start3A_310, %dma_start3A_311] : memref<13x256x16xf32, #tpu.memory_space<vmem>> -> memref<1x128x16xf32, #tpu.memory_space<vmem>>
      %dma_start3A_313 = tpu.memref_squeeze %dma_start3A_312 : memref<1x128x16xf32, #tpu.memory_space<vmem>> -> memref<128x16xf32, #tpu.memory_space<vmem>>
      %dma_start3A_314 = arith.constant 0 : i32
      %dma_start3A_315 = tpu.memref_slice %arg7[%dma_start3A_307, %dma_start3A_308, %dma_start3A_314] : memref<26x2x128xi32, #tpu.memory_space<vmem>> -> memref<1x1x128xi32, #tpu.memory_space<vmem>>
      %dma_start3A_316 = tpu.memref_squeeze %dma_start3A_315 : memref<1x1x128xi32, #tpu.memory_space<vmem>> -> memref<128xi32, #tpu.memory_space<vmem>>
      %dma_start3A_317 = arith.constant 0 : i32
      %dma_start3A_318 = arith.constant 0 : i32
      %dma_start3A_319 = tpu.memref_slice %arg2[%dma_start3A_317, %dma_start3A_318] : memref<100000x16xf32, #tpu.memory_space<hbm>> -> memref<100000x16xf32, #tpu.memory_space<hbm>>
      tpu.enqueue_indirect_dma source(%dma_start3A_319 : memref<100000x16xf32, #tpu.memory_space<hbm>>) target(%dma_start3A_313 : memref<128x16xf32, #tpu.memory_space<vmem>>) offsets(%dma_start3A_316 : memref<128xi32, #tpu.memory_space<vmem>>) semaphore(%arg12 : memref<!tpu.dma_semaphore, #tpu.memory_space<semaphore_mem>>)
      %dma_start3A_320 = arith.constant 25 : i32
      %dma_start3A_321 = arith.constant 0 : i32
      %dma_start3A_322 = arith.constant 12 : i32
      %dma_start3A_323 = arith.constant 0 : i32
      %dma_start3A_324 = arith.constant 0 : i32
      %dma_start3A_325 = tpu.memref_slice %arg9[%dma_start3A_322, %dma_start3A_323, %dma_start3A_324] : memref<13x256x16xf32, #tpu.memory_space<vmem>> -> memref<1x128x16xf32, #tpu.memory_space<vmem>>
      %dma_start3A_326 = tpu.memref_squeeze %dma_start3A_325 : memref<1x128x16xf32, #tpu.memory_space<vmem>> -> memref<128x16xf32, #tpu.memory_space<vmem>>
      %dma_start3A_327 = arith.constant 0 : i32
      %dma_start3A_328 = tpu.memref_slice %arg7[%dma_start3A_320, %dma_start3A_321, %dma_start3A_327] : memref<26x2x128xi32, #tpu.memory_space<vmem>> -> memref<1x1x128xi32, #tpu.memory_space<vmem>>
      %dma_start3A_329 = tpu.memref_squeeze %dma_start3A_328 : memref<1x1x128xi32, #tpu.memory_space<vmem>> -> memref<128xi32, #tpu.memory_space<vmem>>
      %dma_start3A_330 = arith.constant 0 : i32
      %dma_start3A_331 = arith.constant 0 : i32
      %dma_start3A_332 = tpu.memref_slice %arg2[%dma_start3A_330, %dma_start3A_331] : memref<100000x16xf32, #tpu.memory_space<hbm>> -> memref<100000x16xf32, #tpu.memory_space<hbm>>
      tpu.enqueue_indirect_dma source(%dma_start3A_332 : memref<100000x16xf32, #tpu.memory_space<hbm>>) target(%dma_start3A_326 : memref<128x16xf32, #tpu.memory_space<vmem>>) offsets(%dma_start3A_329 : memref<128xi32, #tpu.memory_space<vmem>>) semaphore(%arg12 : memref<!tpu.dma_semaphore, #tpu.memory_space<semaphore_mem>>)
      %dma_start3A_333 = arith.constant 25 : i32
      %dma_start3A_334 = arith.constant 1 : i32
      %dma_start3A_335 = arith.constant 12 : i32
      %dma_start3A_336 = arith.constant 128 : i32
      %dma_start3A_337 = arith.constant 0 : i32
      %dma_start3A_338 = tpu.memref_slice %arg9[%dma_start3A_335, %dma_start3A_336, %dma_start3A_337] : memref<13x256x16xf32, #tpu.memory_space<vmem>> -> memref<1x128x16xf32, #tpu.memory_space<vmem>>
      %dma_start3A_339 = tpu.memref_squeeze %dma_start3A_338 : memref<1x128x16xf32, #tpu.memory_space<vmem>> -> memref<128x16xf32, #tpu.memory_space<vmem>>
      %dma_start3A_340 = arith.constant 0 : i32
      %dma_start3A_341 = tpu.memref_slice %arg7[%dma_start3A_333, %dma_start3A_334, %dma_start3A_340] : memref<26x2x128xi32, #tpu.memory_space<vmem>> -> memref<1x1x128xi32, #tpu.memory_space<vmem>>
      %dma_start3A_342 = tpu.memref_squeeze %dma_start3A_341 : memref<1x1x128xi32, #tpu.memory_space<vmem>> -> memref<128xi32, #tpu.memory_space<vmem>>
      %dma_start3A_343 = arith.constant 0 : i32
      %dma_start3A_344 = arith.constant 0 : i32
      %dma_start3A_345 = tpu.memref_slice %arg2[%dma_start3A_343, %dma_start3A_344] : memref<100000x16xf32, #tpu.memory_space<hbm>> -> memref<100000x16xf32, #tpu.memory_space<hbm>>
      tpu.enqueue_indirect_dma source(%dma_start3A_345 : memref<100000x16xf32, #tpu.memory_space<hbm>>) target(%dma_start3A_339 : memref<128x16xf32, #tpu.memory_space<vmem>>) offsets(%dma_start3A_342 : memref<128xi32, #tpu.memory_space<vmem>>) semaphore(%arg12 : memref<!tpu.dma_semaphore, #tpu.memory_space<semaphore_mem>>)
      %dma_wait3A = arith.constant 13 : i32
      %dma_wait3A_346 = arith.constant 0 : i32
      %dma_wait3A_347 = arith.constant 0 : i32
      %dma_wait3A_348 = arith.constant 0 : i32
      %dma_wait3A_349 = arith.constant 0 : i32
      %dma_wait3A_350 = tpu.memref_slice %arg9[%dma_wait3A_347, %dma_wait3A_348, %dma_wait3A_349] : memref<13x256x16xf32, #tpu.memory_space<vmem>> -> memref<1x128x16xf32, #tpu.memory_space<vmem>>
      %dma_wait3A_351 = tpu.memref_squeeze %dma_wait3A_350 : memref<1x128x16xf32, #tpu.memory_space<vmem>> -> memref<128x16xf32, #tpu.memory_space<vmem>>
      %dma_wait3A_352 = arith.constant 0 : i32
      %dma_wait3A_353 = tpu.memref_slice %arg7[%dma_wait3A, %dma_wait3A_346, %dma_wait3A_352] : memref<26x2x128xi32, #tpu.memory_space<vmem>> -> memref<1x1x128xi32, #tpu.memory_space<vmem>>
      %dma_wait3A_354 = tpu.memref_squeeze %dma_wait3A_353 : memref<1x1x128xi32, #tpu.memory_space<vmem>> -> memref<128xi32, #tpu.memory_space<vmem>>
      %dma_wait3A_355 = arith.constant 0 : i32
      %dma_wait3A_356 = arith.constant 0 : i32
      %dma_wait3A_357 = tpu.memref_slice %arg2[%dma_wait3A_355, %dma_wait3A_356] : memref<100000x16xf32, #tpu.memory_space<hbm>> -> memref<100000x16xf32, #tpu.memory_space<hbm>>
      tpu.wait_indirect_dma semaphore(%arg12 : memref<!tpu.dma_semaphore, #tpu.memory_space<semaphore_mem>>) src(%dma_wait3A_357 : memref<100000x16xf32, #tpu.memory_space<hbm>>) dst(%dma_wait3A_351 : memref<128x16xf32, #tpu.memory_space<vmem>>)
      %dma_wait3A_358 = arith.constant 13 : i32
      %dma_wait3A_359 = arith.constant 1 : i32
      %dma_wait3A_360 = arith.constant 0 : i32
      %dma_wait3A_361 = arith.constant 128 : i32
      %dma_wait3A_362 = arith.constant 0 : i32
      %dma_wait3A_363 = tpu.memref_slice %arg9[%dma_wait3A_360, %dma_wait3A_361, %dma_wait3A_362] : memref<13x256x16xf32, #tpu.memory_space<vmem>> -> memref<1x128x16xf32, #tpu.memory_space<vmem>>
      %dma_wait3A_364 = tpu.memref_squeeze %dma_wait3A_363 : memref<1x128x16xf32, #tpu.memory_space<vmem>> -> memref<128x16xf32, #tpu.memory_space<vmem>>
      %dma_wait3A_365 = arith.constant 0 : i32
      %dma_wait3A_366 = tpu.memref_slice %arg7[%dma_wait3A_358, %dma_wait3A_359, %dma_wait3A_365] : memref<26x2x128xi32, #tpu.memory_space<vmem>> -> memref<1x1x128xi32, #tpu.memory_space<vmem>>
      %dma_wait3A_367 = tpu.memref_squeeze %dma_wait3A_366 : memref<1x1x128xi32, #tpu.memory_space<vmem>> -> memref<128xi32, #tpu.memory_space<vmem>>
      %dma_wait3A_368 = arith.constant 0 : i32
      %dma_wait3A_369 = arith.constant 0 : i32
      %dma_wait3A_370 = tpu.memref_slice %arg2[%dma_wait3A_368, %dma_wait3A_369] : memref<100000x16xf32, #tpu.memory_space<hbm>> -> memref<100000x16xf32, #tpu.memory_space<hbm>>
      tpu.wait_indirect_dma semaphore(%arg12 : memref<!tpu.dma_semaphore, #tpu.memory_space<semaphore_mem>>) src(%dma_wait3A_370 : memref<100000x16xf32, #tpu.memory_space<hbm>>) dst(%dma_wait3A_364 : memref<128x16xf32, #tpu.memory_space<vmem>>)
      %dma_wait3A_371 = arith.constant 14 : i32
      %dma_wait3A_372 = arith.constant 0 : i32
      %dma_wait3A_373 = arith.constant 1 : i32
      %dma_wait3A_374 = arith.constant 0 : i32
      %dma_wait3A_375 = arith.constant 0 : i32
      %dma_wait3A_376 = tpu.memref_slice %arg9[%dma_wait3A_373, %dma_wait3A_374, %dma_wait3A_375] : memref<13x256x16xf32, #tpu.memory_space<vmem>> -> memref<1x128x16xf32, #tpu.memory_space<vmem>>
      %dma_wait3A_377 = tpu.memref_squeeze %dma_wait3A_376 : memref<1x128x16xf32, #tpu.memory_space<vmem>> -> memref<128x16xf32, #tpu.memory_space<vmem>>
      %dma_wait3A_378 = arith.constant 0 : i32
      %dma_wait3A_379 = tpu.memref_slice %arg7[%dma_wait3A_371, %dma_wait3A_372, %dma_wait3A_378] : memref<26x2x128xi32, #tpu.memory_space<vmem>> -> memref<1x1x128xi32, #tpu.memory_space<vmem>>
      %dma_wait3A_380 = tpu.memref_squeeze %dma_wait3A_379 : memref<1x1x128xi32, #tpu.memory_space<vmem>> -> memref<128xi32, #tpu.memory_space<vmem>>
      %dma_wait3A_381 = arith.constant 0 : i32
      %dma_wait3A_382 = arith.constant 0 : i32
      %dma_wait3A_383 = tpu.memref_slice %arg2[%dma_wait3A_381, %dma_wait3A_382] : memref<100000x16xf32, #tpu.memory_space<hbm>> -> memref<100000x16xf32, #tpu.memory_space<hbm>>
      tpu.wait_indirect_dma semaphore(%arg12 : memref<!tpu.dma_semaphore, #tpu.memory_space<semaphore_mem>>) src(%dma_wait3A_383 : memref<100000x16xf32, #tpu.memory_space<hbm>>) dst(%dma_wait3A_377 : memref<128x16xf32, #tpu.memory_space<vmem>>)
      %dma_wait3A_384 = arith.constant 14 : i32
      %dma_wait3A_385 = arith.constant 1 : i32
      %dma_wait3A_386 = arith.constant 1 : i32
      %dma_wait3A_387 = arith.constant 128 : i32
      %dma_wait3A_388 = arith.constant 0 : i32
      %dma_wait3A_389 = tpu.memref_slice %arg9[%dma_wait3A_386, %dma_wait3A_387, %dma_wait3A_388] : memref<13x256x16xf32, #tpu.memory_space<vmem>> -> memref<1x128x16xf32, #tpu.memory_space<vmem>>
      %dma_wait3A_390 = tpu.memref_squeeze %dma_wait3A_389 : memref<1x128x16xf32, #tpu.memory_space<vmem>> -> memref<128x16xf32, #tpu.memory_space<vmem>>
      %dma_wait3A_391 = arith.constant 0 : i32
      %dma_wait3A_392 = tpu.memref_slice %arg7[%dma_wait3A_384, %dma_wait3A_385, %dma_wait3A_391] : memref<26x2x128xi32, #tpu.memory_space<vmem>> -> memref<1x1x128xi32, #tpu.memory_space<vmem>>
      %dma_wait3A_393 = tpu.memref_squeeze %dma_wait3A_392 : memref<1x1x128xi32, #tpu.memory_space<vmem>> -> memref<128xi32, #tpu.memory_space<vmem>>
      %dma_wait3A_394 = arith.constant 0 : i32
      %dma_wait3A_395 = arith.constant 0 : i32
      %dma_wait3A_396 = tpu.memref_slice %arg2[%dma_wait3A_394, %dma_wait3A_395] : memref<100000x16xf32, #tpu.memory_space<hbm>> -> memref<100000x16xf32, #tpu.memory_space<hbm>>
      tpu.wait_indirect_dma semaphore(%arg12 : memref<!tpu.dma_semaphore, #tpu.memory_space<semaphore_mem>>) src(%dma_wait3A_396 : memref<100000x16xf32, #tpu.memory_space<hbm>>) dst(%dma_wait3A_390 : memref<128x16xf32, #tpu.memory_space<vmem>>)
      %dma_wait3A_397 = arith.constant 15 : i32
      %dma_wait3A_398 = arith.constant 0 : i32
      %dma_wait3A_399 = arith.constant 2 : i32
      %dma_wait3A_400 = arith.constant 0 : i32
      %dma_wait3A_401 = arith.constant 0 : i32
      %dma_wait3A_402 = tpu.memref_slice %arg9[%dma_wait3A_399, %dma_wait3A_400, %dma_wait3A_401] : memref<13x256x16xf32, #tpu.memory_space<vmem>> -> memref<1x128x16xf32, #tpu.memory_space<vmem>>
      %dma_wait3A_403 = tpu.memref_squeeze %dma_wait3A_402 : memref<1x128x16xf32, #tpu.memory_space<vmem>> -> memref<128x16xf32, #tpu.memory_space<vmem>>
      %dma_wait3A_404 = arith.constant 0 : i32
      %dma_wait3A_405 = tpu.memref_slice %arg7[%dma_wait3A_397, %dma_wait3A_398, %dma_wait3A_404] : memref<26x2x128xi32, #tpu.memory_space<vmem>> -> memref<1x1x128xi32, #tpu.memory_space<vmem>>
      %dma_wait3A_406 = tpu.memref_squeeze %dma_wait3A_405 : memref<1x1x128xi32, #tpu.memory_space<vmem>> -> memref<128xi32, #tpu.memory_space<vmem>>
      %dma_wait3A_407 = arith.constant 0 : i32
      %dma_wait3A_408 = arith.constant 0 : i32
      %dma_wait3A_409 = tpu.memref_slice %arg2[%dma_wait3A_407, %dma_wait3A_408] : memref<100000x16xf32, #tpu.memory_space<hbm>> -> memref<100000x16xf32, #tpu.memory_space<hbm>>
      tpu.wait_indirect_dma semaphore(%arg12 : memref<!tpu.dma_semaphore, #tpu.memory_space<semaphore_mem>>) src(%dma_wait3A_409 : memref<100000x16xf32, #tpu.memory_space<hbm>>) dst(%dma_wait3A_403 : memref<128x16xf32, #tpu.memory_space<vmem>>)
      %dma_wait3A_410 = arith.constant 15 : i32
      %dma_wait3A_411 = arith.constant 1 : i32
      %dma_wait3A_412 = arith.constant 2 : i32
      %dma_wait3A_413 = arith.constant 128 : i32
      %dma_wait3A_414 = arith.constant 0 : i32
      %dma_wait3A_415 = tpu.memref_slice %arg9[%dma_wait3A_412, %dma_wait3A_413, %dma_wait3A_414] : memref<13x256x16xf32, #tpu.memory_space<vmem>> -> memref<1x128x16xf32, #tpu.memory_space<vmem>>
      %dma_wait3A_416 = tpu.memref_squeeze %dma_wait3A_415 : memref<1x128x16xf32, #tpu.memory_space<vmem>> -> memref<128x16xf32, #tpu.memory_space<vmem>>
      %dma_wait3A_417 = arith.constant 0 : i32
      %dma_wait3A_418 = tpu.memref_slice %arg7[%dma_wait3A_410, %dma_wait3A_411, %dma_wait3A_417] : memref<26x2x128xi32, #tpu.memory_space<vmem>> -> memref<1x1x128xi32, #tpu.memory_space<vmem>>
      %dma_wait3A_419 = tpu.memref_squeeze %dma_wait3A_418 : memref<1x1x128xi32, #tpu.memory_space<vmem>> -> memref<128xi32, #tpu.memory_space<vmem>>
      %dma_wait3A_420 = arith.constant 0 : i32
      %dma_wait3A_421 = arith.constant 0 : i32
      %dma_wait3A_422 = tpu.memref_slice %arg2[%dma_wait3A_420, %dma_wait3A_421] : memref<100000x16xf32, #tpu.memory_space<hbm>> -> memref<100000x16xf32, #tpu.memory_space<hbm>>
      tpu.wait_indirect_dma semaphore(%arg12 : memref<!tpu.dma_semaphore, #tpu.memory_space<semaphore_mem>>) src(%dma_wait3A_422 : memref<100000x16xf32, #tpu.memory_space<hbm>>) dst(%dma_wait3A_416 : memref<128x16xf32, #tpu.memory_space<vmem>>)
      %dma_wait3A_423 = arith.constant 16 : i32
      %dma_wait3A_424 = arith.constant 0 : i32
      %dma_wait3A_425 = arith.constant 3 : i32
      %dma_wait3A_426 = arith.constant 0 : i32
      %dma_wait3A_427 = arith.constant 0 : i32
      %dma_wait3A_428 = tpu.memref_slice %arg9[%dma_wait3A_425, %dma_wait3A_426, %dma_wait3A_427] : memref<13x256x16xf32, #tpu.memory_space<vmem>> -> memref<1x128x16xf32, #tpu.memory_space<vmem>>
      %dma_wait3A_429 = tpu.memref_squeeze %dma_wait3A_428 : memref<1x128x16xf32, #tpu.memory_space<vmem>> -> memref<128x16xf32, #tpu.memory_space<vmem>>
      %dma_wait3A_430 = arith.constant 0 : i32
      %dma_wait3A_431 = tpu.memref_slice %arg7[%dma_wait3A_423, %dma_wait3A_424, %dma_wait3A_430] : memref<26x2x128xi32, #tpu.memory_space<vmem>> -> memref<1x1x128xi32, #tpu.memory_space<vmem>>
      %dma_wait3A_432 = tpu.memref_squeeze %dma_wait3A_431 : memref<1x1x128xi32, #tpu.memory_space<vmem>> -> memref<128xi32, #tpu.memory_space<vmem>>
      %dma_wait3A_433 = arith.constant 0 : i32
      %dma_wait3A_434 = arith.constant 0 : i32
      %dma_wait3A_435 = tpu.memref_slice %arg2[%dma_wait3A_433, %dma_wait3A_434] : memref<100000x16xf32, #tpu.memory_space<hbm>> -> memref<100000x16xf32, #tpu.memory_space<hbm>>
      tpu.wait_indirect_dma semaphore(%arg12 : memref<!tpu.dma_semaphore, #tpu.memory_space<semaphore_mem>>) src(%dma_wait3A_435 : memref<100000x16xf32, #tpu.memory_space<hbm>>) dst(%dma_wait3A_429 : memref<128x16xf32, #tpu.memory_space<vmem>>)
      %dma_wait3A_436 = arith.constant 16 : i32
      %dma_wait3A_437 = arith.constant 1 : i32
      %dma_wait3A_438 = arith.constant 3 : i32
      %dma_wait3A_439 = arith.constant 128 : i32
      %dma_wait3A_440 = arith.constant 0 : i32
      %dma_wait3A_441 = tpu.memref_slice %arg9[%dma_wait3A_438, %dma_wait3A_439, %dma_wait3A_440] : memref<13x256x16xf32, #tpu.memory_space<vmem>> -> memref<1x128x16xf32, #tpu.memory_space<vmem>>
      %dma_wait3A_442 = tpu.memref_squeeze %dma_wait3A_441 : memref<1x128x16xf32, #tpu.memory_space<vmem>> -> memref<128x16xf32, #tpu.memory_space<vmem>>
      %dma_wait3A_443 = arith.constant 0 : i32
      %dma_wait3A_444 = tpu.memref_slice %arg7[%dma_wait3A_436, %dma_wait3A_437, %dma_wait3A_443] : memref<26x2x128xi32, #tpu.memory_space<vmem>> -> memref<1x1x128xi32, #tpu.memory_space<vmem>>
      %dma_wait3A_445 = tpu.memref_squeeze %dma_wait3A_444 : memref<1x1x128xi32, #tpu.memory_space<vmem>> -> memref<128xi32, #tpu.memory_space<vmem>>
      %dma_wait3A_446 = arith.constant 0 : i32
      %dma_wait3A_447 = arith.constant 0 : i32
      %dma_wait3A_448 = tpu.memref_slice %arg2[%dma_wait3A_446, %dma_wait3A_447] : memref<100000x16xf32, #tpu.memory_space<hbm>> -> memref<100000x16xf32, #tpu.memory_space<hbm>>
      tpu.wait_indirect_dma semaphore(%arg12 : memref<!tpu.dma_semaphore, #tpu.memory_space<semaphore_mem>>) src(%dma_wait3A_448 : memref<100000x16xf32, #tpu.memory_space<hbm>>) dst(%dma_wait3A_442 : memref<128x16xf32, #tpu.memory_space<vmem>>)
      %dma_wait3A_449 = arith.constant 17 : i32
      %dma_wait3A_450 = arith.constant 0 : i32
      %dma_wait3A_451 = arith.constant 4 : i32
      %dma_wait3A_452 = arith.constant 0 : i32
      %dma_wait3A_453 = arith.constant 0 : i32
      %dma_wait3A_454 = tpu.memref_slice %arg9[%dma_wait3A_451, %dma_wait3A_452, %dma_wait3A_453] : memref<13x256x16xf32, #tpu.memory_space<vmem>> -> memref<1x128x16xf32, #tpu.memory_space<vmem>>
      %dma_wait3A_455 = tpu.memref_squeeze %dma_wait3A_454 : memref<1x128x16xf32, #tpu.memory_space<vmem>> -> memref<128x16xf32, #tpu.memory_space<vmem>>
      %dma_wait3A_456 = arith.constant 0 : i32
      %dma_wait3A_457 = tpu.memref_slice %arg7[%dma_wait3A_449, %dma_wait3A_450, %dma_wait3A_456] : memref<26x2x128xi32, #tpu.memory_space<vmem>> -> memref<1x1x128xi32, #tpu.memory_space<vmem>>
      %dma_wait3A_458 = tpu.memref_squeeze %dma_wait3A_457 : memref<1x1x128xi32, #tpu.memory_space<vmem>> -> memref<128xi32, #tpu.memory_space<vmem>>
      %dma_wait3A_459 = arith.constant 0 : i32
      %dma_wait3A_460 = arith.constant 0 : i32
      %dma_wait3A_461 = tpu.memref_slice %arg2[%dma_wait3A_459, %dma_wait3A_460] : memref<100000x16xf32, #tpu.memory_space<hbm>> -> memref<100000x16xf32, #tpu.memory_space<hbm>>
      tpu.wait_indirect_dma semaphore(%arg12 : memref<!tpu.dma_semaphore, #tpu.memory_space<semaphore_mem>>) src(%dma_wait3A_461 : memref<100000x16xf32, #tpu.memory_space<hbm>>) dst(%dma_wait3A_455 : memref<128x16xf32, #tpu.memory_space<vmem>>)
      %dma_wait3A_462 = arith.constant 17 : i32
      %dma_wait3A_463 = arith.constant 1 : i32
      %dma_wait3A_464 = arith.constant 4 : i32
      %dma_wait3A_465 = arith.constant 128 : i32
      %dma_wait3A_466 = arith.constant 0 : i32
      %dma_wait3A_467 = tpu.memref_slice %arg9[%dma_wait3A_464, %dma_wait3A_465, %dma_wait3A_466] : memref<13x256x16xf32, #tpu.memory_space<vmem>> -> memref<1x128x16xf32, #tpu.memory_space<vmem>>
      %dma_wait3A_468 = tpu.memref_squeeze %dma_wait3A_467 : memref<1x128x16xf32, #tpu.memory_space<vmem>> -> memref<128x16xf32, #tpu.memory_space<vmem>>
      %dma_wait3A_469 = arith.constant 0 : i32
      %dma_wait3A_470 = tpu.memref_slice %arg7[%dma_wait3A_462, %dma_wait3A_463, %dma_wait3A_469] : memref<26x2x128xi32, #tpu.memory_space<vmem>> -> memref<1x1x128xi32, #tpu.memory_space<vmem>>
      %dma_wait3A_471 = tpu.memref_squeeze %dma_wait3A_470 : memref<1x1x128xi32, #tpu.memory_space<vmem>> -> memref<128xi32, #tpu.memory_space<vmem>>
      %dma_wait3A_472 = arith.constant 0 : i32
      %dma_wait3A_473 = arith.constant 0 : i32
      %dma_wait3A_474 = tpu.memref_slice %arg2[%dma_wait3A_472, %dma_wait3A_473] : memref<100000x16xf32, #tpu.memory_space<hbm>> -> memref<100000x16xf32, #tpu.memory_space<hbm>>
      tpu.wait_indirect_dma semaphore(%arg12 : memref<!tpu.dma_semaphore, #tpu.memory_space<semaphore_mem>>) src(%dma_wait3A_474 : memref<100000x16xf32, #tpu.memory_space<hbm>>) dst(%dma_wait3A_468 : memref<128x16xf32, #tpu.memory_space<vmem>>)
      %dma_wait3A_475 = arith.constant 18 : i32
      %dma_wait3A_476 = arith.constant 0 : i32
      %dma_wait3A_477 = arith.constant 5 : i32
      %dma_wait3A_478 = arith.constant 0 : i32
      %dma_wait3A_479 = arith.constant 0 : i32
      %dma_wait3A_480 = tpu.memref_slice %arg9[%dma_wait3A_477, %dma_wait3A_478, %dma_wait3A_479] : memref<13x256x16xf32, #tpu.memory_space<vmem>> -> memref<1x128x16xf32, #tpu.memory_space<vmem>>
      %dma_wait3A_481 = tpu.memref_squeeze %dma_wait3A_480 : memref<1x128x16xf32, #tpu.memory_space<vmem>> -> memref<128x16xf32, #tpu.memory_space<vmem>>
      %dma_wait3A_482 = arith.constant 0 : i32
      %dma_wait3A_483 = tpu.memref_slice %arg7[%dma_wait3A_475, %dma_wait3A_476, %dma_wait3A_482] : memref<26x2x128xi32, #tpu.memory_space<vmem>> -> memref<1x1x128xi32, #tpu.memory_space<vmem>>
      %dma_wait3A_484 = tpu.memref_squeeze %dma_wait3A_483 : memref<1x1x128xi32, #tpu.memory_space<vmem>> -> memref<128xi32, #tpu.memory_space<vmem>>
      %dma_wait3A_485 = arith.constant 0 : i32
      %dma_wait3A_486 = arith.constant 0 : i32
      %dma_wait3A_487 = tpu.memref_slice %arg2[%dma_wait3A_485, %dma_wait3A_486] : memref<100000x16xf32, #tpu.memory_space<hbm>> -> memref<100000x16xf32, #tpu.memory_space<hbm>>
      tpu.wait_indirect_dma semaphore(%arg12 : memref<!tpu.dma_semaphore, #tpu.memory_space<semaphore_mem>>) src(%dma_wait3A_487 : memref<100000x16xf32, #tpu.memory_space<hbm>>) dst(%dma_wait3A_481 : memref<128x16xf32, #tpu.memory_space<vmem>>)
      %dma_wait3A_488 = arith.constant 18 : i32
      %dma_wait3A_489 = arith.constant 1 : i32
      %dma_wait3A_490 = arith.constant 5 : i32
      %dma_wait3A_491 = arith.constant 128 : i32
      %dma_wait3A_492 = arith.constant 0 : i32
      %dma_wait3A_493 = tpu.memref_slice %arg9[%dma_wait3A_490, %dma_wait3A_491, %dma_wait3A_492] : memref<13x256x16xf32, #tpu.memory_space<vmem>> -> memref<1x128x16xf32, #tpu.memory_space<vmem>>
      %dma_wait3A_494 = tpu.memref_squeeze %dma_wait3A_493 : memref<1x128x16xf32, #tpu.memory_space<vmem>> -> memref<128x16xf32, #tpu.memory_space<vmem>>
      %dma_wait3A_495 = arith.constant 0 : i32
      %dma_wait3A_496 = tpu.memref_slice %arg7[%dma_wait3A_488, %dma_wait3A_489, %dma_wait3A_495] : memref<26x2x128xi32, #tpu.memory_space<vmem>> -> memref<1x1x128xi32, #tpu.memory_space<vmem>>
      %dma_wait3A_497 = tpu.memref_squeeze %dma_wait3A_496 : memref<1x1x128xi32, #tpu.memory_space<vmem>> -> memref<128xi32, #tpu.memory_space<vmem>>
      %dma_wait3A_498 = arith.constant 0 : i32
      %dma_wait3A_499 = arith.constant 0 : i32
      %dma_wait3A_500 = tpu.memref_slice %arg2[%dma_wait3A_498, %dma_wait3A_499] : memref<100000x16xf32, #tpu.memory_space<hbm>> -> memref<100000x16xf32, #tpu.memory_space<hbm>>
      tpu.wait_indirect_dma semaphore(%arg12 : memref<!tpu.dma_semaphore, #tpu.memory_space<semaphore_mem>>) src(%dma_wait3A_500 : memref<100000x16xf32, #tpu.memory_space<hbm>>) dst(%dma_wait3A_494 : memref<128x16xf32, #tpu.memory_space<vmem>>)
      %dma_wait3A_501 = arith.constant 19 : i32
      %dma_wait3A_502 = arith.constant 0 : i32
      %dma_wait3A_503 = arith.constant 6 : i32
      %dma_wait3A_504 = arith.constant 0 : i32
      %dma_wait3A_505 = arith.constant 0 : i32
      %dma_wait3A_506 = tpu.memref_slice %arg9[%dma_wait3A_503, %dma_wait3A_504, %dma_wait3A_505] : memref<13x256x16xf32, #tpu.memory_space<vmem>> -> memref<1x128x16xf32, #tpu.memory_space<vmem>>
      %dma_wait3A_507 = tpu.memref_squeeze %dma_wait3A_506 : memref<1x128x16xf32, #tpu.memory_space<vmem>> -> memref<128x16xf32, #tpu.memory_space<vmem>>
      %dma_wait3A_508 = arith.constant 0 : i32
      %dma_wait3A_509 = tpu.memref_slice %arg7[%dma_wait3A_501, %dma_wait3A_502, %dma_wait3A_508] : memref<26x2x128xi32, #tpu.memory_space<vmem>> -> memref<1x1x128xi32, #tpu.memory_space<vmem>>
      %dma_wait3A_510 = tpu.memref_squeeze %dma_wait3A_509 : memref<1x1x128xi32, #tpu.memory_space<vmem>> -> memref<128xi32, #tpu.memory_space<vmem>>
      %dma_wait3A_511 = arith.constant 0 : i32
      %dma_wait3A_512 = arith.constant 0 : i32
      %dma_wait3A_513 = tpu.memref_slice %arg2[%dma_wait3A_511, %dma_wait3A_512] : memref<100000x16xf32, #tpu.memory_space<hbm>> -> memref<100000x16xf32, #tpu.memory_space<hbm>>
      tpu.wait_indirect_dma semaphore(%arg12 : memref<!tpu.dma_semaphore, #tpu.memory_space<semaphore_mem>>) src(%dma_wait3A_513 : memref<100000x16xf32, #tpu.memory_space<hbm>>) dst(%dma_wait3A_507 : memref<128x16xf32, #tpu.memory_space<vmem>>)
      %dma_wait3A_514 = arith.constant 19 : i32
      %dma_wait3A_515 = arith.constant 1 : i32
      %dma_wait3A_516 = arith.constant 6 : i32
      %dma_wait3A_517 = arith.constant 128 : i32
      %dma_wait3A_518 = arith.constant 0 : i32
      %dma_wait3A_519 = tpu.memref_slice %arg9[%dma_wait3A_516, %dma_wait3A_517, %dma_wait3A_518] : memref<13x256x16xf32, #tpu.memory_space<vmem>> -> memref<1x128x16xf32, #tpu.memory_space<vmem>>
      %dma_wait3A_520 = tpu.memref_squeeze %dma_wait3A_519 : memref<1x128x16xf32, #tpu.memory_space<vmem>> -> memref<128x16xf32, #tpu.memory_space<vmem>>
      %dma_wait3A_521 = arith.constant 0 : i32
      %dma_wait3A_522 = tpu.memref_slice %arg7[%dma_wait3A_514, %dma_wait3A_515, %dma_wait3A_521] : memref<26x2x128xi32, #tpu.memory_space<vmem>> -> memref<1x1x128xi32, #tpu.memory_space<vmem>>
      %dma_wait3A_523 = tpu.memref_squeeze %dma_wait3A_522 : memref<1x1x128xi32, #tpu.memory_space<vmem>> -> memref<128xi32, #tpu.memory_space<vmem>>
      %dma_wait3A_524 = arith.constant 0 : i32
      %dma_wait3A_525 = arith.constant 0 : i32
      %dma_wait3A_526 = tpu.memref_slice %arg2[%dma_wait3A_524, %dma_wait3A_525] : memref<100000x16xf32, #tpu.memory_space<hbm>> -> memref<100000x16xf32, #tpu.memory_space<hbm>>
      tpu.wait_indirect_dma semaphore(%arg12 : memref<!tpu.dma_semaphore, #tpu.memory_space<semaphore_mem>>) src(%dma_wait3A_526 : memref<100000x16xf32, #tpu.memory_space<hbm>>) dst(%dma_wait3A_520 : memref<128x16xf32, #tpu.memory_space<vmem>>)
      %dma_wait3A_527 = arith.constant 20 : i32
      %dma_wait3A_528 = arith.constant 0 : i32
      %dma_wait3A_529 = arith.constant 7 : i32
      %dma_wait3A_530 = arith.constant 0 : i32
      %dma_wait3A_531 = arith.constant 0 : i32
      %dma_wait3A_532 = tpu.memref_slice %arg9[%dma_wait3A_529, %dma_wait3A_530, %dma_wait3A_531] : memref<13x256x16xf32, #tpu.memory_space<vmem>> -> memref<1x128x16xf32, #tpu.memory_space<vmem>>
      %dma_wait3A_533 = tpu.memref_squeeze %dma_wait3A_532 : memref<1x128x16xf32, #tpu.memory_space<vmem>> -> memref<128x16xf32, #tpu.memory_space<vmem>>
      %dma_wait3A_534 = arith.constant 0 : i32
      %dma_wait3A_535 = tpu.memref_slice %arg7[%dma_wait3A_527, %dma_wait3A_528, %dma_wait3A_534] : memref<26x2x128xi32, #tpu.memory_space<vmem>> -> memref<1x1x128xi32, #tpu.memory_space<vmem>>
      %dma_wait3A_536 = tpu.memref_squeeze %dma_wait3A_535 : memref<1x1x128xi32, #tpu.memory_space<vmem>> -> memref<128xi32, #tpu.memory_space<vmem>>
      %dma_wait3A_537 = arith.constant 0 : i32
      %dma_wait3A_538 = arith.constant 0 : i32
      %dma_wait3A_539 = tpu.memref_slice %arg2[%dma_wait3A_537, %dma_wait3A_538] : memref<100000x16xf32, #tpu.memory_space<hbm>> -> memref<100000x16xf32, #tpu.memory_space<hbm>>
      tpu.wait_indirect_dma semaphore(%arg12 : memref<!tpu.dma_semaphore, #tpu.memory_space<semaphore_mem>>) src(%dma_wait3A_539 : memref<100000x16xf32, #tpu.memory_space<hbm>>) dst(%dma_wait3A_533 : memref<128x16xf32, #tpu.memory_space<vmem>>)
      %dma_wait3A_540 = arith.constant 20 : i32
      %dma_wait3A_541 = arith.constant 1 : i32
      %dma_wait3A_542 = arith.constant 7 : i32
      %dma_wait3A_543 = arith.constant 128 : i32
      %dma_wait3A_544 = arith.constant 0 : i32
      %dma_wait3A_545 = tpu.memref_slice %arg9[%dma_wait3A_542, %dma_wait3A_543, %dma_wait3A_544] : memref<13x256x16xf32, #tpu.memory_space<vmem>> -> memref<1x128x16xf32, #tpu.memory_space<vmem>>
      %dma_wait3A_546 = tpu.memref_squeeze %dma_wait3A_545 : memref<1x128x16xf32, #tpu.memory_space<vmem>> -> memref<128x16xf32, #tpu.memory_space<vmem>>
      %dma_wait3A_547 = arith.constant 0 : i32
      %dma_wait3A_548 = tpu.memref_slice %arg7[%dma_wait3A_540, %dma_wait3A_541, %dma_wait3A_547] : memref<26x2x128xi32, #tpu.memory_space<vmem>> -> memref<1x1x128xi32, #tpu.memory_space<vmem>>
      %dma_wait3A_549 = tpu.memref_squeeze %dma_wait3A_548 : memref<1x1x128xi32, #tpu.memory_space<vmem>> -> memref<128xi32, #tpu.memory_space<vmem>>
      %dma_wait3A_550 = arith.constant 0 : i32
      %dma_wait3A_551 = arith.constant 0 : i32
      %dma_wait3A_552 = tpu.memref_slice %arg2[%dma_wait3A_550, %dma_wait3A_551] : memref<100000x16xf32, #tpu.memory_space<hbm>> -> memref<100000x16xf32, #tpu.memory_space<hbm>>
      tpu.wait_indirect_dma semaphore(%arg12 : memref<!tpu.dma_semaphore, #tpu.memory_space<semaphore_mem>>) src(%dma_wait3A_552 : memref<100000x16xf32, #tpu.memory_space<hbm>>) dst(%dma_wait3A_546 : memref<128x16xf32, #tpu.memory_space<vmem>>)
      %dma_wait3A_553 = arith.constant 21 : i32
      %dma_wait3A_554 = arith.constant 0 : i32
      %dma_wait3A_555 = arith.constant 8 : i32
      %dma_wait3A_556 = arith.constant 0 : i32
      %dma_wait3A_557 = arith.constant 0 : i32
      %dma_wait3A_558 = tpu.memref_slice %arg9[%dma_wait3A_555, %dma_wait3A_556, %dma_wait3A_557] : memref<13x256x16xf32, #tpu.memory_space<vmem>> -> memref<1x128x16xf32, #tpu.memory_space<vmem>>
      %dma_wait3A_559 = tpu.memref_squeeze %dma_wait3A_558 : memref<1x128x16xf32, #tpu.memory_space<vmem>> -> memref<128x16xf32, #tpu.memory_space<vmem>>
      %dma_wait3A_560 = arith.constant 0 : i32
      %dma_wait3A_561 = tpu.memref_slice %arg7[%dma_wait3A_553, %dma_wait3A_554, %dma_wait3A_560] : memref<26x2x128xi32, #tpu.memory_space<vmem>> -> memref<1x1x128xi32, #tpu.memory_space<vmem>>
      %dma_wait3A_562 = tpu.memref_squeeze %dma_wait3A_561 : memref<1x1x128xi32, #tpu.memory_space<vmem>> -> memref<128xi32, #tpu.memory_space<vmem>>
      %dma_wait3A_563 = arith.constant 0 : i32
      %dma_wait3A_564 = arith.constant 0 : i32
      %dma_wait3A_565 = tpu.memref_slice %arg2[%dma_wait3A_563, %dma_wait3A_564] : memref<100000x16xf32, #tpu.memory_space<hbm>> -> memref<100000x16xf32, #tpu.memory_space<hbm>>
      tpu.wait_indirect_dma semaphore(%arg12 : memref<!tpu.dma_semaphore, #tpu.memory_space<semaphore_mem>>) src(%dma_wait3A_565 : memref<100000x16xf32, #tpu.memory_space<hbm>>) dst(%dma_wait3A_559 : memref<128x16xf32, #tpu.memory_space<vmem>>)
      %dma_wait3A_566 = arith.constant 21 : i32
      %dma_wait3A_567 = arith.constant 1 : i32
      %dma_wait3A_568 = arith.constant 8 : i32
      %dma_wait3A_569 = arith.constant 128 : i32
      %dma_wait3A_570 = arith.constant 0 : i32
      %dma_wait3A_571 = tpu.memref_slice %arg9[%dma_wait3A_568, %dma_wait3A_569, %dma_wait3A_570] : memref<13x256x16xf32, #tpu.memory_space<vmem>> -> memref<1x128x16xf32, #tpu.memory_space<vmem>>
      %dma_wait3A_572 = tpu.memref_squeeze %dma_wait3A_571 : memref<1x128x16xf32, #tpu.memory_space<vmem>> -> memref<128x16xf32, #tpu.memory_space<vmem>>
      %dma_wait3A_573 = arith.constant 0 : i32
      %dma_wait3A_574 = tpu.memref_slice %arg7[%dma_wait3A_566, %dma_wait3A_567, %dma_wait3A_573] : memref<26x2x128xi32, #tpu.memory_space<vmem>> -> memref<1x1x128xi32, #tpu.memory_space<vmem>>
      %dma_wait3A_575 = tpu.memref_squeeze %dma_wait3A_574 : memref<1x1x128xi32, #tpu.memory_space<vmem>> -> memref<128xi32, #tpu.memory_space<vmem>>
      %dma_wait3A_576 = arith.constant 0 : i32
      %dma_wait3A_577 = arith.constant 0 : i32
      %dma_wait3A_578 = tpu.memref_slice %arg2[%dma_wait3A_576, %dma_wait3A_577] : memref<100000x16xf32, #tpu.memory_space<hbm>> -> memref<100000x16xf32, #tpu.memory_space<hbm>>
      tpu.wait_indirect_dma semaphore(%arg12 : memref<!tpu.dma_semaphore, #tpu.memory_space<semaphore_mem>>) src(%dma_wait3A_578 : memref<100000x16xf32, #tpu.memory_space<hbm>>) dst(%dma_wait3A_572 : memref<128x16xf32, #tpu.memory_space<vmem>>)
      %dma_wait3A_579 = arith.constant 22 : i32
      %dma_wait3A_580 = arith.constant 0 : i32
      %dma_wait3A_581 = arith.constant 9 : i32
      %dma_wait3A_582 = arith.constant 0 : i32
      %dma_wait3A_583 = arith.constant 0 : i32
      %dma_wait3A_584 = tpu.memref_slice %arg9[%dma_wait3A_581, %dma_wait3A_582, %dma_wait3A_583] : memref<13x256x16xf32, #tpu.memory_space<vmem>> -> memref<1x128x16xf32, #tpu.memory_space<vmem>>
      %dma_wait3A_585 = tpu.memref_squeeze %dma_wait3A_584 : memref<1x128x16xf32, #tpu.memory_space<vmem>> -> memref<128x16xf32, #tpu.memory_space<vmem>>
      %dma_wait3A_586 = arith.constant 0 : i32
      %dma_wait3A_587 = tpu.memref_slice %arg7[%dma_wait3A_579, %dma_wait3A_580, %dma_wait3A_586] : memref<26x2x128xi32, #tpu.memory_space<vmem>> -> memref<1x1x128xi32, #tpu.memory_space<vmem>>
      %dma_wait3A_588 = tpu.memref_squeeze %dma_wait3A_587 : memref<1x1x128xi32, #tpu.memory_space<vmem>> -> memref<128xi32, #tpu.memory_space<vmem>>
      %dma_wait3A_589 = arith.constant 0 : i32
      %dma_wait3A_590 = arith.constant 0 : i32
      %dma_wait3A_591 = tpu.memref_slice %arg2[%dma_wait3A_589, %dma_wait3A_590] : memref<100000x16xf32, #tpu.memory_space<hbm>> -> memref<100000x16xf32, #tpu.memory_space<hbm>>
      tpu.wait_indirect_dma semaphore(%arg12 : memref<!tpu.dma_semaphore, #tpu.memory_space<semaphore_mem>>) src(%dma_wait3A_591 : memref<100000x16xf32, #tpu.memory_space<hbm>>) dst(%dma_wait3A_585 : memref<128x16xf32, #tpu.memory_space<vmem>>)
      %dma_wait3A_592 = arith.constant 22 : i32
      %dma_wait3A_593 = arith.constant 1 : i32
      %dma_wait3A_594 = arith.constant 9 : i32
      %dma_wait3A_595 = arith.constant 128 : i32
      %dma_wait3A_596 = arith.constant 0 : i32
      %dma_wait3A_597 = tpu.memref_slice %arg9[%dma_wait3A_594, %dma_wait3A_595, %dma_wait3A_596] : memref<13x256x16xf32, #tpu.memory_space<vmem>> -> memref<1x128x16xf32, #tpu.memory_space<vmem>>
      %dma_wait3A_598 = tpu.memref_squeeze %dma_wait3A_597 : memref<1x128x16xf32, #tpu.memory_space<vmem>> -> memref<128x16xf32, #tpu.memory_space<vmem>>
      %dma_wait3A_599 = arith.constant 0 : i32
      %dma_wait3A_600 = tpu.memref_slice %arg7[%dma_wait3A_592, %dma_wait3A_593, %dma_wait3A_599] : memref<26x2x128xi32, #tpu.memory_space<vmem>> -> memref<1x1x128xi32, #tpu.memory_space<vmem>>
      %dma_wait3A_601 = tpu.memref_squeeze %dma_wait3A_600 : memref<1x1x128xi32, #tpu.memory_space<vmem>> -> memref<128xi32, #tpu.memory_space<vmem>>
      %dma_wait3A_602 = arith.constant 0 : i32
      %dma_wait3A_603 = arith.constant 0 : i32
      %dma_wait3A_604 = tpu.memref_slice %arg2[%dma_wait3A_602, %dma_wait3A_603] : memref<100000x16xf32, #tpu.memory_space<hbm>> -> memref<100000x16xf32, #tpu.memory_space<hbm>>
      tpu.wait_indirect_dma semaphore(%arg12 : memref<!tpu.dma_semaphore, #tpu.memory_space<semaphore_mem>>) src(%dma_wait3A_604 : memref<100000x16xf32, #tpu.memory_space<hbm>>) dst(%dma_wait3A_598 : memref<128x16xf32, #tpu.memory_space<vmem>>)
      %dma_wait3A_605 = arith.constant 23 : i32
      %dma_wait3A_606 = arith.constant 0 : i32
      %dma_wait3A_607 = arith.constant 10 : i32
      %dma_wait3A_608 = arith.constant 0 : i32
      %dma_wait3A_609 = arith.constant 0 : i32
      %dma_wait3A_610 = tpu.memref_slice %arg9[%dma_wait3A_607, %dma_wait3A_608, %dma_wait3A_609] : memref<13x256x16xf32, #tpu.memory_space<vmem>> -> memref<1x128x16xf32, #tpu.memory_space<vmem>>
      %dma_wait3A_611 = tpu.memref_squeeze %dma_wait3A_610 : memref<1x128x16xf32, #tpu.memory_space<vmem>> -> memref<128x16xf32, #tpu.memory_space<vmem>>
      %dma_wait3A_612 = arith.constant 0 : i32
      %dma_wait3A_613 = tpu.memref_slice %arg7[%dma_wait3A_605, %dma_wait3A_606, %dma_wait3A_612] : memref<26x2x128xi32, #tpu.memory_space<vmem>> -> memref<1x1x128xi32, #tpu.memory_space<vmem>>
      %dma_wait3A_614 = tpu.memref_squeeze %dma_wait3A_613 : memref<1x1x128xi32, #tpu.memory_space<vmem>> -> memref<128xi32, #tpu.memory_space<vmem>>
      %dma_wait3A_615 = arith.constant 0 : i32
      %dma_wait3A_616 = arith.constant 0 : i32
      %dma_wait3A_617 = tpu.memref_slice %arg2[%dma_wait3A_615, %dma_wait3A_616] : memref<100000x16xf32, #tpu.memory_space<hbm>> -> memref<100000x16xf32, #tpu.memory_space<hbm>>
      tpu.wait_indirect_dma semaphore(%arg12 : memref<!tpu.dma_semaphore, #tpu.memory_space<semaphore_mem>>) src(%dma_wait3A_617 : memref<100000x16xf32, #tpu.memory_space<hbm>>) dst(%dma_wait3A_611 : memref<128x16xf32, #tpu.memory_space<vmem>>)
      %dma_wait3A_618 = arith.constant 23 : i32
      %dma_wait3A_619 = arith.constant 1 : i32
      %dma_wait3A_620 = arith.constant 10 : i32
      %dma_wait3A_621 = arith.constant 128 : i32
      %dma_wait3A_622 = arith.constant 0 : i32
      %dma_wait3A_623 = tpu.memref_slice %arg9[%dma_wait3A_620, %dma_wait3A_621, %dma_wait3A_622] : memref<13x256x16xf32, #tpu.memory_space<vmem>> -> memref<1x128x16xf32, #tpu.memory_space<vmem>>
      %dma_wait3A_624 = tpu.memref_squeeze %dma_wait3A_623 : memref<1x128x16xf32, #tpu.memory_space<vmem>> -> memref<128x16xf32, #tpu.memory_space<vmem>>
      %dma_wait3A_625 = arith.constant 0 : i32
      %dma_wait3A_626 = tpu.memref_slice %arg7[%dma_wait3A_618, %dma_wait3A_619, %dma_wait3A_625] : memref<26x2x128xi32, #tpu.memory_space<vmem>> -> memref<1x1x128xi32, #tpu.memory_space<vmem>>
      %dma_wait3A_627 = tpu.memref_squeeze %dma_wait3A_626 : memref<1x1x128xi32, #tpu.memory_space<vmem>> -> memref<128xi32, #tpu.memory_space<vmem>>
      %dma_wait3A_628 = arith.constant 0 : i32
      %dma_wait3A_629 = arith.constant 0 : i32
      %dma_wait3A_630 = tpu.memref_slice %arg2[%dma_wait3A_628, %dma_wait3A_629] : memref<100000x16xf32, #tpu.memory_space<hbm>> -> memref<100000x16xf32, #tpu.memory_space<hbm>>
      tpu.wait_indirect_dma semaphore(%arg12 : memref<!tpu.dma_semaphore, #tpu.memory_space<semaphore_mem>>) src(%dma_wait3A_630 : memref<100000x16xf32, #tpu.memory_space<hbm>>) dst(%dma_wait3A_624 : memref<128x16xf32, #tpu.memory_space<vmem>>)
      %dma_wait3A_631 = arith.constant 24 : i32
      %dma_wait3A_632 = arith.constant 0 : i32
      %dma_wait3A_633 = arith.constant 11 : i32
      %dma_wait3A_634 = arith.constant 0 : i32
      %dma_wait3A_635 = arith.constant 0 : i32
      %dma_wait3A_636 = tpu.memref_slice %arg9[%dma_wait3A_633, %dma_wait3A_634, %dma_wait3A_635] : memref<13x256x16xf32, #tpu.memory_space<vmem>> -> memref<1x128x16xf32, #tpu.memory_space<vmem>>
      %dma_wait3A_637 = tpu.memref_squeeze %dma_wait3A_636 : memref<1x128x16xf32, #tpu.memory_space<vmem>> -> memref<128x16xf32, #tpu.memory_space<vmem>>
      %dma_wait3A_638 = arith.constant 0 : i32
      %dma_wait3A_639 = tpu.memref_slice %arg7[%dma_wait3A_631, %dma_wait3A_632, %dma_wait3A_638] : memref<26x2x128xi32, #tpu.memory_space<vmem>> -> memref<1x1x128xi32, #tpu.memory_space<vmem>>
      %dma_wait3A_640 = tpu.memref_squeeze %dma_wait3A_639 : memref<1x1x128xi32, #tpu.memory_space<vmem>> -> memref<128xi32, #tpu.memory_space<vmem>>
      %dma_wait3A_641 = arith.constant 0 : i32
      %dma_wait3A_642 = arith.constant 0 : i32
      %dma_wait3A_643 = tpu.memref_slice %arg2[%dma_wait3A_641, %dma_wait3A_642] : memref<100000x16xf32, #tpu.memory_space<hbm>> -> memref<100000x16xf32, #tpu.memory_space<hbm>>
      tpu.wait_indirect_dma semaphore(%arg12 : memref<!tpu.dma_semaphore, #tpu.memory_space<semaphore_mem>>) src(%dma_wait3A_643 : memref<100000x16xf32, #tpu.memory_space<hbm>>) dst(%dma_wait3A_637 : memref<128x16xf32, #tpu.memory_space<vmem>>)
      %dma_wait3A_644 = arith.constant 24 : i32
      %dma_wait3A_645 = arith.constant 1 : i32
      %dma_wait3A_646 = arith.constant 11 : i32
      %dma_wait3A_647 = arith.constant 128 : i32
      %dma_wait3A_648 = arith.constant 0 : i32
      %dma_wait3A_649 = tpu.memref_slice %arg9[%dma_wait3A_646, %dma_wait3A_647, %dma_wait3A_648] : memref<13x256x16xf32, #tpu.memory_space<vmem>> -> memref<1x128x16xf32, #tpu.memory_space<vmem>>
      %dma_wait3A_650 = tpu.memref_squeeze %dma_wait3A_649 : memref<1x128x16xf32, #tpu.memory_space<vmem>> -> memref<128x16xf32, #tpu.memory_space<vmem>>
      %dma_wait3A_651 = arith.constant 0 : i32
      %dma_wait3A_652 = tpu.memref_slice %arg7[%dma_wait3A_644, %dma_wait3A_645, %dma_wait3A_651] : memref<26x2x128xi32, #tpu.memory_space<vmem>> -> memref<1x1x128xi32, #tpu.memory_space<vmem>>
      %dma_wait3A_653 = tpu.memref_squeeze %dma_wait3A_652 : memref<1x1x128xi32, #tpu.memory_space<vmem>> -> memref<128xi32, #tpu.memory_space<vmem>>
      %dma_wait3A_654 = arith.constant 0 : i32
      %dma_wait3A_655 = arith.constant 0 : i32
      %dma_wait3A_656 = tpu.memref_slice %arg2[%dma_wait3A_654, %dma_wait3A_655] : memref<100000x16xf32, #tpu.memory_space<hbm>> -> memref<100000x16xf32, #tpu.memory_space<hbm>>
      tpu.wait_indirect_dma semaphore(%arg12 : memref<!tpu.dma_semaphore, #tpu.memory_space<semaphore_mem>>) src(%dma_wait3A_656 : memref<100000x16xf32, #tpu.memory_space<hbm>>) dst(%dma_wait3A_650 : memref<128x16xf32, #tpu.memory_space<vmem>>)
      %dma_wait3A_657 = arith.constant 25 : i32
      %dma_wait3A_658 = arith.constant 0 : i32
      %dma_wait3A_659 = arith.constant 12 : i32
      %dma_wait3A_660 = arith.constant 0 : i32
      %dma_wait3A_661 = arith.constant 0 : i32
      %dma_wait3A_662 = tpu.memref_slice %arg9[%dma_wait3A_659, %dma_wait3A_660, %dma_wait3A_661] : memref<13x256x16xf32, #tpu.memory_space<vmem>> -> memref<1x128x16xf32, #tpu.memory_space<vmem>>
      %dma_wait3A_663 = tpu.memref_squeeze %dma_wait3A_662 : memref<1x128x16xf32, #tpu.memory_space<vmem>> -> memref<128x16xf32, #tpu.memory_space<vmem>>
      %dma_wait3A_664 = arith.constant 0 : i32
      %dma_wait3A_665 = tpu.memref_slice %arg7[%dma_wait3A_657, %dma_wait3A_658, %dma_wait3A_664] : memref<26x2x128xi32, #tpu.memory_space<vmem>> -> memref<1x1x128xi32, #tpu.memory_space<vmem>>
      %dma_wait3A_666 = tpu.memref_squeeze %dma_wait3A_665 : memref<1x1x128xi32, #tpu.memory_space<vmem>> -> memref<128xi32, #tpu.memory_space<vmem>>
      %dma_wait3A_667 = arith.constant 0 : i32
      %dma_wait3A_668 = arith.constant 0 : i32
      %dma_wait3A_669 = tpu.memref_slice %arg2[%dma_wait3A_667, %dma_wait3A_668] : memref<100000x16xf32, #tpu.memory_space<hbm>> -> memref<100000x16xf32, #tpu.memory_space<hbm>>
      tpu.wait_indirect_dma semaphore(%arg12 : memref<!tpu.dma_semaphore, #tpu.memory_space<semaphore_mem>>) src(%dma_wait3A_669 : memref<100000x16xf32, #tpu.memory_space<hbm>>) dst(%dma_wait3A_663 : memref<128x16xf32, #tpu.memory_space<vmem>>)
      %dma_wait3A_670 = arith.constant 25 : i32
      %dma_wait3A_671 = arith.constant 1 : i32
      %dma_wait3A_672 = arith.constant 12 : i32
      %dma_wait3A_673 = arith.constant 128 : i32
      %dma_wait3A_674 = arith.constant 0 : i32
      %dma_wait3A_675 = tpu.memref_slice %arg9[%dma_wait3A_672, %dma_wait3A_673, %dma_wait3A_674] : memref<13x256x16xf32, #tpu.memory_space<vmem>> -> memref<1x128x16xf32, #tpu.memory_space<vmem>>
      %dma_wait3A_676 = tpu.memref_squeeze %dma_wait3A_675 : memref<1x128x16xf32, #tpu.memory_space<vmem>> -> memref<128x16xf32, #tpu.memory_space<vmem>>
      %dma_wait3A_677 = arith.constant 0 : i32
      %dma_wait3A_678 = tpu.memref_slice %arg7[%dma_wait3A_670, %dma_wait3A_671, %dma_wait3A_677] : memref<26x2x128xi32, #tpu.memory_space<vmem>> -> memref<1x1x128xi32, #tpu.memory_space<vmem>>
      %dma_wait3A_679 = tpu.memref_squeeze %dma_wait3A_678 : memref<1x1x128xi32, #tpu.memory_space<vmem>> -> memref<128xi32, #tpu.memory_space<vmem>>
      %dma_wait3A_680 = arith.constant 0 : i32
      %dma_wait3A_681 = arith.constant 0 : i32
      %dma_wait3A_682 = tpu.memref_slice %arg2[%dma_wait3A_680, %dma_wait3A_681] : memref<100000x16xf32, #tpu.memory_space<hbm>> -> memref<100000x16xf32, #tpu.memory_space<hbm>>
      tpu.wait_indirect_dma semaphore(%arg12 : memref<!tpu.dma_semaphore, #tpu.memory_space<semaphore_mem>>) src(%dma_wait3A_682 : memref<100000x16xf32, #tpu.memory_space<hbm>>) dst(%dma_wait3A_676 : memref<128x16xf32, #tpu.memory_space<vmem>>)
      %get3A = arith.constant 0 : index
      %get3A_683 = tpu.vector_load %arg11[%get3A] {strides = array<i32>} : memref<16xf32, #tpu.memory_space<vmem>>, vector<16xf32>,
      %get3A_684 = vector.shape_cast %get3A_683 : vector<16xf32> to vector<16xf32>
      %scan3A_685 = arith.constant 0 : i32
      %scan3A_686 = arith.constant 16 : i32
      %scan3A_687 = arith.addi %scan3A_685, %scan3A_686 : i32
      %scan3A_688 = arith.constant 1 : i32
      scf.for %scan3A_1264 = %scan3A_685 to %scan3A_687 step %scan3A_688  : i32 {
        %mul3A_1265 = arith.constant 16 : i32
        %mul3A_1266 = arith.muli %scan3A_1264, %mul3A_1265 : i32
        %get3A_1267 = arith.constant 0 : i32
        %get3A_1268 = arith.index_cast %get3A_1267 : i32 to index
        %get3A_1269 = arith.index_cast %mul3A_1266 : i32 to index
        %get3A_1270 = tpu.vector_load %arg8[%get3A_1268, %get3A_1269] {strides = array<i32>} : memref<13x256xf32, #tpu.memory_space<vmem>>, vector<1x16xf32>,
        %get3A_1271 = vector.shape_cast %get3A_1270 : vector<1x16xf32> to vector<16xf32>
        %mul3A_1272 = arith.constant 16 : i32
        %mul3A_1273 = arith.muli %scan3A_1264, %mul3A_1272 : i32
        %get3A_1274 = arith.constant 1 : i32
        %get3A_1275 = arith.index_cast %get3A_1274 : i32 to index
        %get3A_1276 = arith.index_cast %mul3A_1273 : i32 to index
        %get3A_1277 = tpu.vector_load %arg8[%get3A_1275, %get3A_1276] {strides = array<i32>} : memref<13x256xf32, #tpu.memory_space<vmem>>, vector<1x16xf32>,
        %get3A_1278 = vector.shape_cast %get3A_1277 : vector<1x16xf32> to vector<16xf32>
        %mul3A_1279 = arith.constant 16 : i32
        %mul3A_1280 = arith.muli %scan3A_1264, %mul3A_1279 : i32
        %get3A_1281 = arith.constant 2 : i32
        %get3A_1282 = arith.index_cast %get3A_1281 : i32 to index
        %get3A_1283 = arith.index_cast %mul3A_1280 : i32 to index
        %get3A_1284 = tpu.vector_load %arg8[%get3A_1282, %get3A_1283] {strides = array<i32>} : memref<13x256xf32, #tpu.memory_space<vmem>>, vector<1x16xf32>,
        %get3A_1285 = vector.shape_cast %get3A_1284 : vector<1x16xf32> to vector<16xf32>
        %mul3A_1286 = arith.constant 16 : i32
        %mul3A_1287 = arith.muli %scan3A_1264, %mul3A_1286 : i32
        %get3A_1288 = arith.constant 3 : i32
        %get3A_1289 = arith.index_cast %get3A_1288 : i32 to index
        %get3A_1290 = arith.index_cast %mul3A_1287 : i32 to index
        %get3A_1291 = tpu.vector_load %arg8[%get3A_1289, %get3A_1290] {strides = array<i32>} : memref<13x256xf32, #tpu.memory_space<vmem>>, vector<1x16xf32>,
        %get3A_1292 = vector.shape_cast %get3A_1291 : vector<1x16xf32> to vector<16xf32>
        %mul3A_1293 = arith.constant 16 : i32
        %mul3A_1294 = arith.muli %scan3A_1264, %mul3A_1293 : i32
        %get3A_1295 = arith.constant 4 : i32
        %get3A_1296 = arith.index_cast %get3A_1295 : i32 to index
        %get3A_1297 = arith.index_cast %mul3A_1294 : i32 to index
        %get3A_1298 = tpu.vector_load %arg8[%get3A_1296, %get3A_1297] {strides = array<i32>} : memref<13x256xf32, #tpu.memory_space<vmem>>, vector<1x16xf32>,
        %get3A_1299 = vector.shape_cast %get3A_1298 : vector<1x16xf32> to vector<16xf32>
        %mul3A_1300 = arith.constant 16 : i32
        %mul3A_1301 = arith.muli %scan3A_1264, %mul3A_1300 : i32
        %get3A_1302 = arith.constant 5 : i32
        %get3A_1303 = arith.index_cast %get3A_1302 : i32 to index
        %get3A_1304 = arith.index_cast %mul3A_1301 : i32 to index
        %get3A_1305 = tpu.vector_load %arg8[%get3A_1303, %get3A_1304] {strides = array<i32>} : memref<13x256xf32, #tpu.memory_space<vmem>>, vector<1x16xf32>,
        %get3A_1306 = vector.shape_cast %get3A_1305 : vector<1x16xf32> to vector<16xf32>
        %mul3A_1307 = arith.constant 16 : i32
        %mul3A_1308 = arith.muli %scan3A_1264, %mul3A_1307 : i32
        %get3A_1309 = arith.constant 6 : i32
        %get3A_1310 = arith.index_cast %get3A_1309 : i32 to index
        %get3A_1311 = arith.index_cast %mul3A_1308 : i32 to index
        %get3A_1312 = tpu.vector_load %arg8[%get3A_1310, %get3A_1311] {strides = array<i32>} : memref<13x256xf32, #tpu.memory_space<vmem>>, vector<1x16xf32>,
        %get3A_1313 = vector.shape_cast %get3A_1312 : vector<1x16xf32> to vector<16xf32>
        %mul3A_1314 = arith.constant 16 : i32
        %mul3A_1315 = arith.muli %scan3A_1264, %mul3A_1314 : i32
        %get3A_1316 = arith.constant 7 : i32
        %get3A_1317 = arith.index_cast %get3A_1316 : i32 to index
        %get3A_1318 = arith.index_cast %mul3A_1315 : i32 to index
        %get3A_1319 = tpu.vector_load %arg8[%get3A_1317, %get3A_1318] {strides = array<i32>} : memref<13x256xf32, #tpu.memory_space<vmem>>, vector<1x16xf32>,
        %get3A_1320 = vector.shape_cast %get3A_1319 : vector<1x16xf32> to vector<16xf32>
        %mul3A_1321 = arith.constant 16 : i32
        %mul3A_1322 = arith.muli %scan3A_1264, %mul3A_1321 : i32
        %get3A_1323 = arith.constant 8 : i32
        %get3A_1324 = arith.index_cast %get3A_1323 : i32 to index
        %get3A_1325 = arith.index_cast %mul3A_1322 : i32 to index
        %get3A_1326 = tpu.vector_load %arg8[%get3A_1324, %get3A_1325] {strides = array<i32>} : memref<13x256xf32, #tpu.memory_space<vmem>>, vector<1x16xf32>,
        %get3A_1327 = vector.shape_cast %get3A_1326 : vector<1x16xf32> to vector<16xf32>
        %mul3A_1328 = arith.constant 16 : i32
        %mul3A_1329 = arith.muli %scan3A_1264, %mul3A_1328 : i32
        %get3A_1330 = arith.constant 9 : i32
        %get3A_1331 = arith.index_cast %get3A_1330 : i32 to index
        %get3A_1332 = arith.index_cast %mul3A_1329 : i32 to index
        %get3A_1333 = tpu.vector_load %arg8[%get3A_1331, %get3A_1332] {strides = array<i32>} : memref<13x256xf32, #tpu.memory_space<vmem>>, vector<1x16xf32>,
        %get3A_1334 = vector.shape_cast %get3A_1333 : vector<1x16xf32> to vector<16xf32>
        %mul3A_1335 = arith.constant 16 : i32
        %mul3A_1336 = arith.muli %scan3A_1264, %mul3A_1335 : i32
        %get3A_1337 = arith.constant 10 : i32
        %get3A_1338 = arith.index_cast %get3A_1337 : i32 to index
        %get3A_1339 = arith.index_cast %mul3A_1336 : i32 to index
        %get3A_1340 = tpu.vector_load %arg8[%get3A_1338, %get3A_1339] {strides = array<i32>} : memref<13x256xf32, #tpu.memory_space<vmem>>, vector<1x16xf32>,
        %get3A_1341 = vector.shape_cast %get3A_1340 : vector<1x16xf32> to vector<16xf32>
        %mul3A_1342 = arith.constant 16 : i32
        %mul3A_1343 = arith.muli %scan3A_1264, %mul3A_1342 : i32
        %get3A_1344 = arith.constant 11 : i32
        %get3A_1345 = arith.index_cast %get3A_1344 : i32 to index
        %get3A_1346 = arith.index_cast %mul3A_1343 : i32 to index
        %get3A_1347 = tpu.vector_load %arg8[%get3A_1345, %get3A_1346] {strides = array<i32>} : memref<13x256xf32, #tpu.memory_space<vmem>>, vector<1x16xf32>,
        %get3A_1348 = vector.shape_cast %get3A_1347 : vector<1x16xf32> to vector<16xf32>
        %mul3A_1349 = arith.constant 16 : i32
        %mul3A_1350 = arith.muli %scan3A_1264, %mul3A_1349 : i32
        %get3A_1351 = arith.constant 12 : i32
        %get3A_1352 = arith.index_cast %get3A_1351 : i32 to index
        %get3A_1353 = arith.index_cast %mul3A_1350 : i32 to index
        %get3A_1354 = tpu.vector_load %arg8[%get3A_1352, %get3A_1353] {strides = array<i32>} : memref<13x256xf32, #tpu.memory_space<vmem>>, vector<1x16xf32>,
        %get3A_1355 = vector.shape_cast %get3A_1354 : vector<1x16xf32> to vector<16xf32>
        %mul3A_1356 = arith.constant 16 : i32
        %mul3A_1357 = arith.muli %scan3A_1264, %mul3A_1356 : i32
        %add3A_1358 = arith.constant 0 : i32
        %add3A_1359 = arith.addi %mul3A_1357, %add3A_1358 : i32
        %get3A_1360 = arith.constant 0 : i32
        %get3A_1361 = arith.index_cast %get3A_1360 : i32 to index
        %get3A_1362 = arith.index_cast %add3A_1359 : i32 to index
        %get3A_1363 = arith.constant 0 : index
        %get3A_1364 = tpu.vector_load %arg9[%get3A_1361, %get3A_1362, %get3A_1363] {strides = array<i32>} : memref<13x256x16xf32, #tpu.memory_space<vmem>>, vector<1x1x16xf32>,
        %get3A_1365 = vector.shape_cast %get3A_1364 : vector<1x1x16xf32> to vector<16xf32>
        %slice3A = vector.extract_strided_slice %get3A_1271 {offsets = [0], sizes = [1], strides = [1]} : vector<16xf32> to vector<1xf32>
        %squeeze3A = vector.extract %slice3A[0] : f32 from vector<1xf32>
        %mul3A_1366 = vector.broadcast %squeeze3A : f32 to vector<16xf32>
        %mul3A_1367 = arith.mulf %get3A_1365, %mul3A_1366 : vector<16xf32>
        %add3A_1368 = arith.addf %get3A_684, %mul3A_1367 : vector<16xf32>
        %get3A_1369 = arith.constant 1 : i32
        %get3A_1370 = arith.index_cast %get3A_1369 : i32 to index
        %get3A_1371 = arith.index_cast %add3A_1359 : i32 to index
        %get3A_1372 = arith.constant 0 : index
        %get3A_1373 = tpu.vector_load %arg9[%get3A_1370, %get3A_1371, %get3A_1372] {strides = array<i32>} : memref<13x256x16xf32, #tpu.memory_space<vmem>>, vector<1x1x16xf32>,
        %get3A_1374 = vector.shape_cast %get3A_1373 : vector<1x1x16xf32> to vector<16xf32>
        %slice3A_1375 = vector.extract_strided_slice %get3A_1278 {offsets = [0], sizes = [1], strides = [1]} : vector<16xf32> to vector<1xf32>
        %squeeze3A_1376 = vector.extract %slice3A_1375[0] : f32 from vector<1xf32>
        %mul3A_1377 = vector.broadcast %squeeze3A_1376 : f32 to vector<16xf32>
        %mul3A_1378 = arith.mulf %get3A_1374, %mul3A_1377 : vector<16xf32>
        %add3A_1379 = arith.addf %add3A_1368, %mul3A_1378 : vector<16xf32>
        %get3A_1380 = arith.constant 2 : i32
        %get3A_1381 = arith.index_cast %get3A_1380 : i32 to index
        %get3A_1382 = arith.index_cast %add3A_1359 : i32 to index
        %get3A_1383 = arith.constant 0 : index
        %get3A_1384 = tpu.vector_load %arg9[%get3A_1381, %get3A_1382, %get3A_1383] {strides = array<i32>} : memref<13x256x16xf32, #tpu.memory_space<vmem>>, vector<1x1x16xf32>,
        %get3A_1385 = vector.shape_cast %get3A_1384 : vector<1x1x16xf32> to vector<16xf32>
        %slice3A_1386 = vector.extract_strided_slice %get3A_1285 {offsets = [0], sizes = [1], strides = [1]} : vector<16xf32> to vector<1xf32>
        %squeeze3A_1387 = vector.extract %slice3A_1386[0] : f32 from vector<1xf32>
        %mul3A_1388 = vector.broadcast %squeeze3A_1387 : f32 to vector<16xf32>
        %mul3A_1389 = arith.mulf %get3A_1385, %mul3A_1388 : vector<16xf32>
        %add3A_1390 = arith.addf %add3A_1379, %mul3A_1389 : vector<16xf32>
        %get3A_1391 = arith.constant 3 : i32
        %get3A_1392 = arith.index_cast %get3A_1391 : i32 to index
        %get3A_1393 = arith.index_cast %add3A_1359 : i32 to index
        %get3A_1394 = arith.constant 0 : index
        %get3A_1395 = tpu.vector_load %arg9[%get3A_1392, %get3A_1393, %get3A_1394] {strides = array<i32>} : memref<13x256x16xf32, #tpu.memory_space<vmem>>, vector<1x1x16xf32>,
        %get3A_1396 = vector.shape_cast %get3A_1395 : vector<1x1x16xf32> to vector<16xf32>
        %slice3A_1397 = vector.extract_strided_slice %get3A_1292 {offsets = [0], sizes = [1], strides = [1]} : vector<16xf32> to vector<1xf32>
        %squeeze3A_1398 = vector.extract %slice3A_1397[0] : f32 from vector<1xf32>
        %mul3A_1399 = vector.broadcast %squeeze3A_1398 : f32 to vector<16xf32>
        %mul3A_1400 = arith.mulf %get3A_1396, %mul3A_1399 : vector<16xf32>
        %add3A_1401 = arith.addf %add3A_1390, %mul3A_1400 : vector<16xf32>
        %get3A_1402 = arith.constant 4 : i32
        %get3A_1403 = arith.index_cast %get3A_1402 : i32 to index
        %get3A_1404 = arith.index_cast %add3A_1359 : i32 to index
        %get3A_1405 = arith.constant 0 : index
        %get3A_1406 = tpu.vector_load %arg9[%get3A_1403, %get3A_1404, %get3A_1405] {strides = array<i32>} : memref<13x256x16xf32, #tpu.memory_space<vmem>>, vector<1x1x16xf32>,
        %get3A_1407 = vector.shape_cast %get3A_1406 : vector<1x1x16xf32> to vector<16xf32>
        %slice3A_1408 = vector.extract_strided_slice %get3A_1299 {offsets = [0], sizes = [1], strides = [1]} : vector<16xf32> to vector<1xf32>
        %squeeze3A_1409 = vector.extract %slice3A_1408[0] : f32 from vector<1xf32>
        %mul3A_1410 = vector.broadcast %squeeze3A_1409 : f32 to vector<16xf32>
        %mul3A_1411 = arith.mulf %get3A_1407, %mul3A_1410 : vector<16xf32>
        %add3A_1412 = arith.addf %add3A_1401, %mul3A_1411 : vector<16xf32>
        %get3A_1413 = arith.constant 5 : i32
        %get3A_1414 = arith.index_cast %get3A_1413 : i32 to index
        %get3A_1415 = arith.index_cast %add3A_1359 : i32 to index
        %get3A_1416 = arith.constant 0 : index
        %get3A_1417 = tpu.vector_load %arg9[%get3A_1414, %get3A_1415, %get3A_1416] {strides = array<i32>} : memref<13x256x16xf32, #tpu.memory_space<vmem>>, vector<1x1x16xf32>,
        %get3A_1418 = vector.shape_cast %get3A_1417 : vector<1x1x16xf32> to vector<16xf32>
        %slice3A_1419 = vector.extract_strided_slice %get3A_1306 {offsets = [0], sizes = [1], strides = [1]} : vector<16xf32> to vector<1xf32>
        %squeeze3A_1420 = vector.extract %slice3A_1419[0] : f32 from vector<1xf32>
        %mul3A_1421 = vector.broadcast %squeeze3A_1420 : f32 to vector<16xf32>
        %mul3A_1422 = arith.mulf %get3A_1418, %mul3A_1421 : vector<16xf32>
        %add3A_1423 = arith.addf %add3A_1412, %mul3A_1422 : vector<16xf32>
        %get3A_1424 = arith.constant 6 : i32
        %get3A_1425 = arith.index_cast %get3A_1424 : i32 to index
        %get3A_1426 = arith.index_cast %add3A_1359 : i32 to index
        %get3A_1427 = arith.constant 0 : index
        %get3A_1428 = tpu.vector_load %arg9[%get3A_1425, %get3A_1426, %get3A_1427] {strides = array<i32>} : memref<13x256x16xf32, #tpu.memory_space<vmem>>, vector<1x1x16xf32>,
        %get3A_1429 = vector.shape_cast %get3A_1428 : vector<1x1x16xf32> to vector<16xf32>
        %slice3A_1430 = vector.extract_strided_slice %get3A_1313 {offsets = [0], sizes = [1], strides = [1]} : vector<16xf32> to vector<1xf32>
        %squeeze3A_1431 = vector.extract %slice3A_1430[0] : f32 from vector<1xf32>
        %mul3A_1432 = vector.broadcast %squeeze3A_1431 : f32 to vector<16xf32>
        %mul3A_1433 = arith.mulf %get3A_1429, %mul3A_1432 : vector<16xf32>
        %add3A_1434 = arith.addf %add3A_1423, %mul3A_1433 : vector<16xf32>
        %get3A_1435 = arith.constant 7 : i32
        %get3A_1436 = arith.index_cast %get3A_1435 : i32 to index
        %get3A_1437 = arith.index_cast %add3A_1359 : i32 to index
        %get3A_1438 = arith.constant 0 : index
        %get3A_1439 = tpu.vector_load %arg9[%get3A_1436, %get3A_1437, %get3A_1438] {strides = array<i32>} : memref<13x256x16xf32, #tpu.memory_space<vmem>>, vector<1x1x16xf32>,
        %get3A_1440 = vector.shape_cast %get3A_1439 : vector<1x1x16xf32> to vector<16xf32>
        %slice3A_1441 = vector.extract_strided_slice %get3A_1320 {offsets = [0], sizes = [1], strides = [1]} : vector<16xf32> to vector<1xf32>
        %squeeze3A_1442 = vector.extract %slice3A_1441[0] : f32 from vector<1xf32>
        %mul3A_1443 = vector.broadcast %squeeze3A_1442 : f32 to vector<16xf32>
        %mul3A_1444 = arith.mulf %get3A_1440, %mul3A_1443 : vector<16xf32>
        %add3A_1445 = arith.addf %add3A_1434, %mul3A_1444 : vector<16xf32>
        %get3A_1446 = arith.constant 8 : i32
        %get3A_1447 = arith.index_cast %get3A_1446 : i32 to index
        %get3A_1448 = arith.index_cast %add3A_1359 : i32 to index
        %get3A_1449 = arith.constant 0 : index
        %get3A_1450 = tpu.vector_load %arg9[%get3A_1447, %get3A_1448, %get3A_1449] {strides = array<i32>} : memref<13x256x16xf32, #tpu.memory_space<vmem>>, vector<1x1x16xf32>,
        %get3A_1451 = vector.shape_cast %get3A_1450 : vector<1x1x16xf32> to vector<16xf32>
        %slice3A_1452 = vector.extract_strided_slice %get3A_1327 {offsets = [0], sizes = [1], strides = [1]} : vector<16xf32> to vector<1xf32>
        %squeeze3A_1453 = vector.extract %slice3A_1452[0] : f32 from vector<1xf32>
        %mul3A_1454 = vector.broadcast %squeeze3A_1453 : f32 to vector<16xf32>
        %mul3A_1455 = arith.mulf %get3A_1451, %mul3A_1454 : vector<16xf32>
        %add3A_1456 = arith.addf %add3A_1445, %mul3A_1455 : vector<16xf32>
        %get3A_1457 = arith.constant 9 : i32
        %get3A_1458 = arith.index_cast %get3A_1457 : i32 to index
        %get3A_1459 = arith.index_cast %add3A_1359 : i32 to index
        %get3A_1460 = arith.constant 0 : index
        %get3A_1461 = tpu.vector_load %arg9[%get3A_1458, %get3A_1459, %get3A_1460] {strides = array<i32>} : memref<13x256x16xf32, #tpu.memory_space<vmem>>, vector<1x1x16xf32>,
        %get3A_1462 = vector.shape_cast %get3A_1461 : vector<1x1x16xf32> to vector<16xf32>
        %slice3A_1463 = vector.extract_strided_slice %get3A_1334 {offsets = [0], sizes = [1], strides = [1]} : vector<16xf32> to vector<1xf32>
        %squeeze3A_1464 = vector.extract %slice3A_1463[0] : f32 from vector<1xf32>
        %mul3A_1465 = vector.broadcast %squeeze3A_1464 : f32 to vector<16xf32>
        %mul3A_1466 = arith.mulf %get3A_1462, %mul3A_1465 : vector<16xf32>
        %add3A_1467 = arith.addf %add3A_1456, %mul3A_1466 : vector<16xf32>
        %get3A_1468 = arith.constant 10 : i32
        %get3A_1469 = arith.index_cast %get3A_1468 : i32 to index
        %get3A_1470 = arith.index_cast %add3A_1359 : i32 to index
        %get3A_1471 = arith.constant 0 : index
        %get3A_1472 = tpu.vector_load %arg9[%get3A_1469, %get3A_1470, %get3A_1471] {strides = array<i32>} : memref<13x256x16xf32, #tpu.memory_space<vmem>>, vector<1x1x16xf32>,
        %get3A_1473 = vector.shape_cast %get3A_1472 : vector<1x1x16xf32> to vector<16xf32>
        %slice3A_1474 = vector.extract_strided_slice %get3A_1341 {offsets = [0], sizes = [1], strides = [1]} : vector<16xf32> to vector<1xf32>
        %squeeze3A_1475 = vector.extract %slice3A_1474[0] : f32 from vector<1xf32>
        %mul3A_1476 = vector.broadcast %squeeze3A_1475 : f32 to vector<16xf32>
        %mul3A_1477 = arith.mulf %get3A_1473, %mul3A_1476 : vector<16xf32>
        %add3A_1478 = arith.addf %add3A_1467, %mul3A_1477 : vector<16xf32>
        %get3A_1479 = arith.constant 11 : i32
        %get3A_1480 = arith.index_cast %get3A_1479 : i32 to index
        %get3A_1481 = arith.index_cast %add3A_1359 : i32 to index
        %get3A_1482 = arith.constant 0 : index
        %get3A_1483 = tpu.vector_load %arg9[%get3A_1480, %get3A_1481, %get3A_1482] {strides = array<i32>} : memref<13x256x16xf32, #tpu.memory_space<vmem>>, vector<1x1x16xf32>,
        %get3A_1484 = vector.shape_cast %get3A_1483 : vector<1x1x16xf32> to vector<16xf32>
        %slice3A_1485 = vector.extract_strided_slice %get3A_1348 {offsets = [0], sizes = [1], strides = [1]} : vector<16xf32> to vector<1xf32>
        %squeeze3A_1486 = vector.extract %slice3A_1485[0] : f32 from vector<1xf32>
        %mul3A_1487 = vector.broadcast %squeeze3A_1486 : f32 to vector<16xf32>
        %mul3A_1488 = arith.mulf %get3A_1484, %mul3A_1487 : vector<16xf32>
        %add3A_1489 = arith.addf %add3A_1478, %mul3A_1488 : vector<16xf32>
        %get3A_1490 = arith.constant 12 : i32
        %get3A_1491 = arith.index_cast %get3A_1490 : i32 to index
        %get3A_1492 = arith.index_cast %add3A_1359 : i32 to index
        %get3A_1493 = arith.constant 0 : index
        %get3A_1494 = tpu.vector_load %arg9[%get3A_1491, %get3A_1492, %get3A_1493] {strides = array<i32>} : memref<13x256x16xf32, #tpu.memory_space<vmem>>, vector<1x1x16xf32>,
        %get3A_1495 = vector.shape_cast %get3A_1494 : vector<1x1x16xf32> to vector<16xf32>
        %slice3A_1496 = vector.extract_strided_slice %get3A_1355 {offsets = [0], sizes = [1], strides = [1]} : vector<16xf32> to vector<1xf32>
        %squeeze3A_1497 = vector.extract %slice3A_1496[0] : f32 from vector<1xf32>
        %mul3A_1498 = vector.broadcast %squeeze3A_1497 : f32 to vector<16xf32>
        %mul3A_1499 = arith.mulf %get3A_1495, %mul3A_1498 : vector<16xf32>
        %add3A_1500 = arith.addf %add3A_1489, %mul3A_1499 : vector<16xf32>
        %swap3A = arith.index_cast %add3A_1359 : i32 to index
        %swap3A_1501 = arith.constant 0 : index
        %swap3A_1502 = tpu.vector_load %arg10[%swap3A, %swap3A_1501] {strides = array<i32>} : memref<256x16xf32, #tpu.memory_space<vmem>>, vector<1x16xf32>,
        %swap3A_1503 = vector.shape_cast %swap3A_1502 : vector<1x16xf32> to vector<16xf32>
        %swap3A_1504 = vector.shape_cast %add3A_1500 : vector<16xf32> to vector<1x16xf32>
        tpu.vector_store %arg10[%swap3A, %swap3A_1501], %swap3A_1504 {strides = array<i32>} : memref<256x16xf32, #tpu.memory_space<vmem>>, vector<1x16xf32>,
        %mul3A_1505 = arith.constant 16 : i32
        %mul3A_1506 = arith.muli %scan3A_1264, %mul3A_1505 : i32
        %add3A_1507 = arith.constant 1 : i32
        %add3A_1508 = arith.addi %mul3A_1506, %add3A_1507 : i32
        %get3A_1509 = arith.constant 0 : i32
        %get3A_1510 = arith.index_cast %get3A_1509 : i32 to index
        %get3A_1511 = arith.index_cast %add3A_1508 : i32 to index
        %get3A_1512 = arith.constant 0 : index
        %get3A_1513 = tpu.vector_load %arg9[%get3A_1510, %get3A_1511, %get3A_1512] {strides = array<i32>} : memref<13x256x16xf32, #tpu.memory_space<vmem>>, vector<1x1x16xf32>,
        %get3A_1514 = vector.shape_cast %get3A_1513 : vector<1x1x16xf32> to vector<16xf32>
        %slice3A_1515 = vector.extract_strided_slice %get3A_1271 {offsets = [1], sizes = [1], strides = [1]} : vector<16xf32> to vector<1xf32>
        %squeeze3A_1516 = vector.extract %slice3A_1515[0] : f32 from vector<1xf32>
        %mul3A_1517 = vector.broadcast %squeeze3A_1516 : f32 to vector<16xf32>
        %mul3A_1518 = arith.mulf %get3A_1514, %mul3A_1517 : vector<16xf32>
        %add3A_1519 = arith.addf %get3A_684, %mul3A_1518 : vector<16xf32>
        %get3A_1520 = arith.constant 1 : i32
        %get3A_1521 = arith.index_cast %get3A_1520 : i32 to index
        %get3A_1522 = arith.index_cast %add3A_1508 : i32 to index
        %get3A_1523 = arith.constant 0 : index
        %get3A_1524 = tpu.vector_load %arg9[%get3A_1521, %get3A_1522, %get3A_1523] {strides = array<i32>} : memref<13x256x16xf32, #tpu.memory_space<vmem>>, vector<1x1x16xf32>,
        %get3A_1525 = vector.shape_cast %get3A_1524 : vector<1x1x16xf32> to vector<16xf32>
        %slice3A_1526 = vector.extract_strided_slice %get3A_1278 {offsets = [1], sizes = [1], strides = [1]} : vector<16xf32> to vector<1xf32>
        %squeeze3A_1527 = vector.extract %slice3A_1526[0] : f32 from vector<1xf32>
        %mul3A_1528 = vector.broadcast %squeeze3A_1527 : f32 to vector<16xf32>
        %mul3A_1529 = arith.mulf %get3A_1525, %mul3A_1528 : vector<16xf32>
        %add3A_1530 = arith.addf %add3A_1519, %mul3A_1529 : vector<16xf32>
        %get3A_1531 = arith.constant 2 : i32
        %get3A_1532 = arith.index_cast %get3A_1531 : i32 to index
        %get3A_1533 = arith.index_cast %add3A_1508 : i32 to index
        %get3A_1534 = arith.constant 0 : index
        %get3A_1535 = tpu.vector_load %arg9[%get3A_1532, %get3A_1533, %get3A_1534] {strides = array<i32>} : memref<13x256x16xf32, #tpu.memory_space<vmem>>, vector<1x1x16xf32>,
        %get3A_1536 = vector.shape_cast %get3A_1535 : vector<1x1x16xf32> to vector<16xf32>
        %slice3A_1537 = vector.extract_strided_slice %get3A_1285 {offsets = [1], sizes = [1], strides = [1]} : vector<16xf32> to vector<1xf32>
        %squeeze3A_1538 = vector.extract %slice3A_1537[0] : f32 from vector<1xf32>
        %mul3A_1539 = vector.broadcast %squeeze3A_1538 : f32 to vector<16xf32>
        %mul3A_1540 = arith.mulf %get3A_1536, %mul3A_1539 : vector<16xf32>
        %add3A_1541 = arith.addf %add3A_1530, %mul3A_1540 : vector<16xf32>
        %get3A_1542 = arith.constant 3 : i32
        %get3A_1543 = arith.index_cast %get3A_1542 : i32 to index
        %get3A_1544 = arith.index_cast %add3A_1508 : i32 to index
        %get3A_1545 = arith.constant 0 : index
        %get3A_1546 = tpu.vector_load %arg9[%get3A_1543, %get3A_1544, %get3A_1545] {strides = array<i32>} : memref<13x256x16xf32, #tpu.memory_space<vmem>>, vector<1x1x16xf32>,
        %get3A_1547 = vector.shape_cast %get3A_1546 : vector<1x1x16xf32> to vector<16xf32>
        %slice3A_1548 = vector.extract_strided_slice %get3A_1292 {offsets = [1], sizes = [1], strides = [1]} : vector<16xf32> to vector<1xf32>
        %squeeze3A_1549 = vector.extract %slice3A_1548[0] : f32 from vector<1xf32>
        %mul3A_1550 = vector.broadcast %squeeze3A_1549 : f32 to vector<16xf32>
        %mul3A_1551 = arith.mulf %get3A_1547, %mul3A_1550 : vector<16xf32>
        %add3A_1552 = arith.addf %add3A_1541, %mul3A_1551 : vector<16xf32>
        %get3A_1553 = arith.constant 4 : i32
        %get3A_1554 = arith.index_cast %get3A_1553 : i32 to index
        %get3A_1555 = arith.index_cast %add3A_1508 : i32 to index
        %get3A_1556 = arith.constant 0 : index
        %get3A_1557 = tpu.vector_load %arg9[%get3A_1554, %get3A_1555, %get3A_1556] {strides = array<i32>} : memref<13x256x16xf32, #tpu.memory_space<vmem>>, vector<1x1x16xf32>,
        %get3A_1558 = vector.shape_cast %get3A_1557 : vector<1x1x16xf32> to vector<16xf32>
        %slice3A_1559 = vector.extract_strided_slice %get3A_1299 {offsets = [1], sizes = [1], strides = [1]} : vector<16xf32> to vector<1xf32>
        %squeeze3A_1560 = vector.extract %slice3A_1559[0] : f32 from vector<1xf32>
        %mul3A_1561 = vector.broadcast %squeeze3A_1560 : f32 to vector<16xf32>
        %mul3A_1562 = arith.mulf %get3A_1558, %mul3A_1561 : vector<16xf32>
        %add3A_1563 = arith.addf %add3A_1552, %mul3A_1562 : vector<16xf32>
        %get3A_1564 = arith.constant 5 : i32
        %get3A_1565 = arith.index_cast %get3A_1564 : i32 to index
        %get3A_1566 = arith.index_cast %add3A_1508 : i32 to index
        %get3A_1567 = arith.constant 0 : index
        %get3A_1568 = tpu.vector_load %arg9[%get3A_1565, %get3A_1566, %get3A_1567] {strides = array<i32>} : memref<13x256x16xf32, #tpu.memory_space<vmem>>, vector<1x1x16xf32>,
        %get3A_1569 = vector.shape_cast %get3A_1568 : vector<1x1x16xf32> to vector<16xf32>
        %slice3A_1570 = vector.extract_strided_slice %get3A_1306 {offsets = [1], sizes = [1], strides = [1]} : vector<16xf32> to vector<1xf32>
        %squeeze3A_1571 = vector.extract %slice3A_1570[0] : f32 from vector<1xf32>
        %mul3A_1572 = vector.broadcast %squeeze3A_1571 : f32 to vector<16xf32>
        %mul3A_1573 = arith.mulf %get3A_1569, %mul3A_1572 : vector<16xf32>
        %add3A_1574 = arith.addf %add3A_1563, %mul3A_1573 : vector<16xf32>
        %get3A_1575 = arith.constant 6 : i32
        %get3A_1576 = arith.index_cast %get3A_1575 : i32 to index
        %get3A_1577 = arith.index_cast %add3A_1508 : i32 to index
        %get3A_1578 = arith.constant 0 : index
        %get3A_1579 = tpu.vector_load %arg9[%get3A_1576, %get3A_1577, %get3A_1578] {strides = array<i32>} : memref<13x256x16xf32, #tpu.memory_space<vmem>>, vector<1x1x16xf32>,
        %get3A_1580 = vector.shape_cast %get3A_1579 : vector<1x1x16xf32> to vector<16xf32>
        %slice3A_1581 = vector.extract_strided_slice %get3A_1313 {offsets = [1], sizes = [1], strides = [1]} : vector<16xf32> to vector<1xf32>
        %squeeze3A_1582 = vector.extract %slice3A_1581[0] : f32 from vector<1xf32>
        %mul3A_1583 = vector.broadcast %squeeze3A_1582 : f32 to vector<16xf32>
        %mul3A_1584 = arith.mulf %get3A_1580, %mul3A_1583 : vector<16xf32>
        %add3A_1585 = arith.addf %add3A_1574, %mul3A_1584 : vector<16xf32>
        %get3A_1586 = arith.constant 7 : i32
        %get3A_1587 = arith.index_cast %get3A_1586 : i32 to index
        %get3A_1588 = arith.index_cast %add3A_1508 : i32 to index
        %get3A_1589 = arith.constant 0 : index
        %get3A_1590 = tpu.vector_load %arg9[%get3A_1587, %get3A_1588, %get3A_1589] {strides = array<i32>} : memref<13x256x16xf32, #tpu.memory_space<vmem>>, vector<1x1x16xf32>,
        %get3A_1591 = vector.shape_cast %get3A_1590 : vector<1x1x16xf32> to vector<16xf32>
        %slice3A_1592 = vector.extract_strided_slice %get3A_1320 {offsets = [1], sizes = [1], strides = [1]} : vector<16xf32> to vector<1xf32>
        %squeeze3A_1593 = vector.extract %slice3A_1592[0] : f32 from vector<1xf32>
        %mul3A_1594 = vector.broadcast %squeeze3A_1593 : f32 to vector<16xf32>
        %mul3A_1595 = arith.mulf %get3A_1591, %mul3A_1594 : vector<16xf32>
        %add3A_1596 = arith.addf %add3A_1585, %mul3A_1595 : vector<16xf32>
        %get3A_1597 = arith.constant 8 : i32
        %get3A_1598 = arith.index_cast %get3A_1597 : i32 to index
        %get3A_1599 = arith.index_cast %add3A_1508 : i32 to index
        %get3A_1600 = arith.constant 0 : index
        %get3A_1601 = tpu.vector_load %arg9[%get3A_1598, %get3A_1599, %get3A_1600] {strides = array<i32>} : memref<13x256x16xf32, #tpu.memory_space<vmem>>, vector<1x1x16xf32>,
        %get3A_1602 = vector.shape_cast %get3A_1601 : vector<1x1x16xf32> to vector<16xf32>
        %slice3A_1603 = vector.extract_strided_slice %get3A_1327 {offsets = [1], sizes = [1], strides = [1]} : vector<16xf32> to vector<1xf32>
        %squeeze3A_1604 = vector.extract %slice3A_1603[0] : f32 from vector<1xf32>
        %mul3A_1605 = vector.broadcast %squeeze3A_1604 : f32 to vector<16xf32>
        %mul3A_1606 = arith.mulf %get3A_1602, %mul3A_1605 : vector<16xf32>
        %add3A_1607 = arith.addf %add3A_1596, %mul3A_1606 : vector<16xf32>
        %get3A_1608 = arith.constant 9 : i32
        %get3A_1609 = arith.index_cast %get3A_1608 : i32 to index
        %get3A_1610 = arith.index_cast %add3A_1508 : i32 to index
        %get3A_1611 = arith.constant 0 : index
        %get3A_1612 = tpu.vector_load %arg9[%get3A_1609, %get3A_1610, %get3A_1611] {strides = array<i32>} : memref<13x256x16xf32, #tpu.memory_space<vmem>>, vector<1x1x16xf32>,
        %get3A_1613 = vector.shape_cast %get3A_1612 : vector<1x1x16xf32> to vector<16xf32>
        %slice3A_1614 = vector.extract_strided_slice %get3A_1334 {offsets = [1], sizes = [1], strides = [1]} : vector<16xf32> to vector<1xf32>
        %squeeze3A_1615 = vector.extract %slice3A_1614[0] : f32 from vector<1xf32>
        %mul3A_1616 = vector.broadcast %squeeze3A_1615 : f32 to vector<16xf32>
        %mul3A_1617 = arith.mulf %get3A_1613, %mul3A_1616 : vector<16xf32>
        %add3A_1618 = arith.addf %add3A_1607, %mul3A_1617 : vector<16xf32>
        %get3A_1619 = arith.constant 10 : i32
        %get3A_1620 = arith.index_cast %get3A_1619 : i32 to index
        %get3A_1621 = arith.index_cast %add3A_1508 : i32 to index
        %get3A_1622 = arith.constant 0 : index
        %get3A_1623 = tpu.vector_load %arg9[%get3A_1620, %get3A_1621, %get3A_1622] {strides = array<i32>} : memref<13x256x16xf32, #tpu.memory_space<vmem>>, vector<1x1x16xf32>,
        %get3A_1624 = vector.shape_cast %get3A_1623 : vector<1x1x16xf32> to vector<16xf32>
        %slice3A_1625 = vector.extract_strided_slice %get3A_1341 {offsets = [1], sizes = [1], strides = [1]} : vector<16xf32> to vector<1xf32>
        %squeeze3A_1626 = vector.extract %slice3A_1625[0] : f32 from vector<1xf32>
        %mul3A_1627 = vector.broadcast %squeeze3A_1626 : f32 to vector<16xf32>
        %mul3A_1628 = arith.mulf %get3A_1624, %mul3A_1627 : vector<16xf32>
        %add3A_1629 = arith.addf %add3A_1618, %mul3A_1628 : vector<16xf32>
        %get3A_1630 = arith.constant 11 : i32
        %get3A_1631 = arith.index_cast %get3A_1630 : i32 to index
        %get3A_1632 = arith.index_cast %add3A_1508 : i32 to index
        %get3A_1633 = arith.constant 0 : index
        %get3A_1634 = tpu.vector_load %arg9[%get3A_1631, %get3A_1632, %get3A_1633] {strides = array<i32>} : memref<13x256x16xf32, #tpu.memory_space<vmem>>, vector<1x1x16xf32>,
        %get3A_1635 = vector.shape_cast %get3A_1634 : vector<1x1x16xf32> to vector<16xf32>
        %slice3A_1636 = vector.extract_strided_slice %get3A_1348 {offsets = [1], sizes = [1], strides = [1]} : vector<16xf32> to vector<1xf32>
        %squeeze3A_1637 = vector.extract %slice3A_1636[0] : f32 from vector<1xf32>
        %mul3A_1638 = vector.broadcast %squeeze3A_1637 : f32 to vector<16xf32>
        %mul3A_1639 = arith.mulf %get3A_1635, %mul3A_1638 : vector<16xf32>
        %add3A_1640 = arith.addf %add3A_1629, %mul3A_1639 : vector<16xf32>
        %get3A_1641 = arith.constant 12 : i32
        %get3A_1642 = arith.index_cast %get3A_1641 : i32 to index
        %get3A_1643 = arith.index_cast %add3A_1508 : i32 to index
        %get3A_1644 = arith.constant 0 : index
        %get3A_1645 = tpu.vector_load %arg9[%get3A_1642, %get3A_1643, %get3A_1644] {strides = array<i32>} : memref<13x256x16xf32, #tpu.memory_space<vmem>>, vector<1x1x16xf32>,
        %get3A_1646 = vector.shape_cast %get3A_1645 : vector<1x1x16xf32> to vector<16xf32>
        %slice3A_1647 = vector.extract_strided_slice %get3A_1355 {offsets = [1], sizes = [1], strides = [1]} : vector<16xf32> to vector<1xf32>
        %squeeze3A_1648 = vector.extract %slice3A_1647[0] : f32 from vector<1xf32>
        %mul3A_1649 = vector.broadcast %squeeze3A_1648 : f32 to vector<16xf32>
        %mul3A_1650 = arith.mulf %get3A_1646, %mul3A_1649 : vector<16xf32>
        %add3A_1651 = arith.addf %add3A_1640, %mul3A_1650 : vector<16xf32>
        %swap3A_1652 = arith.index_cast %add3A_1508 : i32 to index
        %swap3A_1653 = arith.constant 0 : index
        %swap3A_1654 = tpu.vector_load %arg10[%swap3A_1652, %swap3A_1653] {strides = array<i32>} : memref<256x16xf32, #tpu.memory_space<vmem>>, vector<1x16xf32>,
        %swap3A_1655 = vector.shape_cast %swap3A_1654 : vector<1x16xf32> to vector<16xf32>
        %swap3A_1656 = vector.shape_cast %add3A_1651 : vector<16xf32> to vector<1x16xf32>
        tpu.vector_store %arg10[%swap3A_1652, %swap3A_1653], %swap3A_1656 {strides = array<i32>} : memref<256x16xf32, #tpu.memory_space<vmem>>, vector<1x16xf32>,
        %mul3A_1657 = arith.constant 16 : i32
        %mul3A_1658 = arith.muli %scan3A_1264, %mul3A_1657 : i32
        %add3A_1659 = arith.constant 2 : i32
        %add3A_1660 = arith.addi %mul3A_1658, %add3A_1659 : i32
        %get3A_1661 = arith.constant 0 : i32
        %get3A_1662 = arith.index_cast %get3A_1661 : i32 to index
        %get3A_1663 = arith.index_cast %add3A_1660 : i32 to index
        %get3A_1664 = arith.constant 0 : index
        %get3A_1665 = tpu.vector_load %arg9[%get3A_1662, %get3A_1663, %get3A_1664] {strides = array<i32>} : memref<13x256x16xf32, #tpu.memory_space<vmem>>, vector<1x1x16xf32>,
        %get3A_1666 = vector.shape_cast %get3A_1665 : vector<1x1x16xf32> to vector<16xf32>
        %slice3A_1667 = vector.extract_strided_slice %get3A_1271 {offsets = [2], sizes = [1], strides = [1]} : vector<16xf32> to vector<1xf32>
        %squeeze3A_1668 = vector.extract %slice3A_1667[0] : f32 from vector<1xf32>
        %mul3A_1669 = vector.broadcast %squeeze3A_1668 : f32 to vector<16xf32>
        %mul3A_1670 = arith.mulf %get3A_1666, %mul3A_1669 : vector<16xf32>
        %add3A_1671 = arith.addf %get3A_684, %mul3A_1670 : vector<16xf32>
        %get3A_1672 = arith.constant 1 : i32
        %get3A_1673 = arith.index_cast %get3A_1672 : i32 to index
        %get3A_1674 = arith.index_cast %add3A_1660 : i32 to index
        %get3A_1675 = arith.constant 0 : index
        %get3A_1676 = tpu.vector_load %arg9[%get3A_1673, %get3A_1674, %get3A_1675] {strides = array<i32>} : memref<13x256x16xf32, #tpu.memory_space<vmem>>, vector<1x1x16xf32>,
        %get3A_1677 = vector.shape_cast %get3A_1676 : vector<1x1x16xf32> to vector<16xf32>
        %slice3A_1678 = vector.extract_strided_slice %get3A_1278 {offsets = [2], sizes = [1], strides = [1]} : vector<16xf32> to vector<1xf32>
        %squeeze3A_1679 = vector.extract %slice3A_1678[0] : f32 from vector<1xf32>
        %mul3A_1680 = vector.broadcast %squeeze3A_1679 : f32 to vector<16xf32>
        %mul3A_1681 = arith.mulf %get3A_1677, %mul3A_1680 : vector<16xf32>
        %add3A_1682 = arith.addf %add3A_1671, %mul3A_1681 : vector<16xf32>
        %get3A_1683 = arith.constant 2 : i32
        %get3A_1684 = arith.index_cast %get3A_1683 : i32 to index
        %get3A_1685 = arith.index_cast %add3A_1660 : i32 to index
        %get3A_1686 = arith.constant 0 : index
        %get3A_1687 = tpu.vector_load %arg9[%get3A_1684, %get3A_1685, %get3A_1686] {strides = array<i32>} : memref<13x256x16xf32, #tpu.memory_space<vmem>>, vector<1x1x16xf32>,
        %get3A_1688 = vector.shape_cast %get3A_1687 : vector<1x1x16xf32> to vector<16xf32>
        %slice3A_1689 = vector.extract_strided_slice %get3A_1285 {offsets = [2], sizes = [1], strides = [1]} : vector<16xf32> to vector<1xf32>
        %squeeze3A_1690 = vector.extract %slice3A_1689[0] : f32 from vector<1xf32>
        %mul3A_1691 = vector.broadcast %squeeze3A_1690 : f32 to vector<16xf32>
        %mul3A_1692 = arith.mulf %get3A_1688, %mul3A_1691 : vector<16xf32>
        %add3A_1693 = arith.addf %add3A_1682, %mul3A_1692 : vector<16xf32>
        %get3A_1694 = arith.constant 3 : i32
        %get3A_1695 = arith.index_cast %get3A_1694 : i32 to index
        %get3A_1696 = arith.index_cast %add3A_1660 : i32 to index
        %get3A_1697 = arith.constant 0 : index
        %get3A_1698 = tpu.vector_load %arg9[%get3A_1695, %get3A_1696, %get3A_1697] {strides = array<i32>} : memref<13x256x16xf32, #tpu.memory_space<vmem>>, vector<1x1x16xf32>,
        %get3A_1699 = vector.shape_cast %get3A_1698 : vector<1x1x16xf32> to vector<16xf32>
        %slice3A_1700 = vector.extract_strided_slice %get3A_1292 {offsets = [2], sizes = [1], strides = [1]} : vector<16xf32> to vector<1xf32>
        %squeeze3A_1701 = vector.extract %slice3A_1700[0] : f32 from vector<1xf32>
        %mul3A_1702 = vector.broadcast %squeeze3A_1701 : f32 to vector<16xf32>
        %mul3A_1703 = arith.mulf %get3A_1699, %mul3A_1702 : vector<16xf32>
        %add3A_1704 = arith.addf %add3A_1693, %mul3A_1703 : vector<16xf32>
        %get3A_1705 = arith.constant 4 : i32
        %get3A_1706 = arith.index_cast %get3A_1705 : i32 to index
        %get3A_1707 = arith.index_cast %add3A_1660 : i32 to index
        %get3A_1708 = arith.constant 0 : index
        %get3A_1709 = tpu.vector_load %arg9[%get3A_1706, %get3A_1707, %get3A_1708] {strides = array<i32>} : memref<13x256x16xf32, #tpu.memory_space<vmem>>, vector<1x1x16xf32>,
        %get3A_1710 = vector.shape_cast %get3A_1709 : vector<1x1x16xf32> to vector<16xf32>
        %slice3A_1711 = vector.extract_strided_slice %get3A_1299 {offsets = [2], sizes = [1], strides = [1]} : vector<16xf32> to vector<1xf32>
        %squeeze3A_1712 = vector.extract %slice3A_1711[0] : f32 from vector<1xf32>
        %mul3A_1713 = vector.broadcast %squeeze3A_1712 : f32 to vector<16xf32>
        %mul3A_1714 = arith.mulf %get3A_1710, %mul3A_1713 : vector<16xf32>
        %add3A_1715 = arith.addf %add3A_1704, %mul3A_1714 : vector<16xf32>
        %get3A_1716 = arith.constant 5 : i32
        %get3A_1717 = arith.index_cast %get3A_1716 : i32 to index
        %get3A_1718 = arith.index_cast %add3A_1660 : i32 to index
        %get3A_1719 = arith.constant 0 : index
        %get3A_1720 = tpu.vector_load %arg9[%get3A_1717, %get3A_1718, %get3A_1719] {strides = array<i32>} : memref<13x256x16xf32, #tpu.memory_space<vmem>>, vector<1x1x16xf32>,
        %get3A_1721 = vector.shape_cast %get3A_1720 : vector<1x1x16xf32> to vector<16xf32>
        %slice3A_1722 = vector.extract_strided_slice %get3A_1306 {offsets = [2], sizes = [1], strides = [1]} : vector<16xf32> to vector<1xf32>
        %squeeze3A_1723 = vector.extract %slice3A_1722[0] : f32 from vector<1xf32>
        %mul3A_1724 = vector.broadcast %squeeze3A_1723 : f32 to vector<16xf32>
        %mul3A_1725 = arith.mulf %get3A_1721, %mul3A_1724 : vector<16xf32>
        %add3A_1726 = arith.addf %add3A_1715, %mul3A_1725 : vector<16xf32>
        %get3A_1727 = arith.constant 6 : i32
        %get3A_1728 = arith.index_cast %get3A_1727 : i32 to index
        %get3A_1729 = arith.index_cast %add3A_1660 : i32 to index
        %get3A_1730 = arith.constant 0 : index
        %get3A_1731 = tpu.vector_load %arg9[%get3A_1728, %get3A_1729, %get3A_1730] {strides = array<i32>} : memref<13x256x16xf32, #tpu.memory_space<vmem>>, vector<1x1x16xf32>,
        %get3A_1732 = vector.shape_cast %get3A_1731 : vector<1x1x16xf32> to vector<16xf32>
        %slice3A_1733 = vector.extract_strided_slice %get3A_1313 {offsets = [2], sizes = [1], strides = [1]} : vector<16xf32> to vector<1xf32>
        %squeeze3A_1734 = vector.extract %slice3A_1733[0] : f32 from vector<1xf32>
        %mul3A_1735 = vector.broadcast %squeeze3A_1734 : f32 to vector<16xf32>
        %mul3A_1736 = arith.mulf %get3A_1732, %mul3A_1735 : vector<16xf32>
        %add3A_1737 = arith.addf %add3A_1726, %mul3A_1736 : vector<16xf32>
        %get3A_1738 = arith.constant 7 : i32
        %get3A_1739 = arith.index_cast %get3A_1738 : i32 to index
        %get3A_1740 = arith.index_cast %add3A_1660 : i32 to index
        %get3A_1741 = arith.constant 0 : index
        %get3A_1742 = tpu.vector_load %arg9[%get3A_1739, %get3A_1740, %get3A_1741] {strides = array<i32>} : memref<13x256x16xf32, #tpu.memory_space<vmem>>, vector<1x1x16xf32>,
        %get3A_1743 = vector.shape_cast %get3A_1742 : vector<1x1x16xf32> to vector<16xf32>
        %slice3A_1744 = vector.extract_strided_slice %get3A_1320 {offsets = [2], sizes = [1], strides = [1]} : vector<16xf32> to vector<1xf32>
        %squeeze3A_1745 = vector.extract %slice3A_1744[0] : f32 from vector<1xf32>
        %mul3A_1746 = vector.broadcast %squeeze3A_1745 : f32 to vector<16xf32>
        %mul3A_1747 = arith.mulf %get3A_1743, %mul3A_1746 : vector<16xf32>
        %add3A_1748 = arith.addf %add3A_1737, %mul3A_1747 : vector<16xf32>
        %get3A_1749 = arith.constant 8 : i32
        %get3A_1750 = arith.index_cast %get3A_1749 : i32 to index
        %get3A_1751 = arith.index_cast %add3A_1660 : i32 to index
        %get3A_1752 = arith.constant 0 : index
        %get3A_1753 = tpu.vector_load %arg9[%get3A_1750, %get3A_1751, %get3A_1752] {strides = array<i32>} : memref<13x256x16xf32, #tpu.memory_space<vmem>>, vector<1x1x16xf32>,
        %get3A_1754 = vector.shape_cast %get3A_1753 : vector<1x1x16xf32> to vector<16xf32>
        %slice3A_1755 = vector.extract_strided_slice %get3A_1327 {offsets = [2], sizes = [1], strides = [1]} : vector<16xf32> to vector<1xf32>
        %squeeze3A_1756 = vector.extract %slice3A_1755[0] : f32 from vector<1xf32>
        %mul3A_1757 = vector.broadcast %squeeze3A_1756 : f32 to vector<16xf32>
        %mul3A_1758 = arith.mulf %get3A_1754, %mul3A_1757 : vector<16xf32>
        %add3A_1759 = arith.addf %add3A_1748, %mul3A_1758 : vector<16xf32>
        %get3A_1760 = arith.constant 9 : i32
        %get3A_1761 = arith.index_cast %get3A_1760 : i32 to index
        %get3A_1762 = arith.index_cast %add3A_1660 : i32 to index
        %get3A_1763 = arith.constant 0 : index
        %get3A_1764 = tpu.vector_load %arg9[%get3A_1761, %get3A_1762, %get3A_1763] {strides = array<i32>} : memref<13x256x16xf32, #tpu.memory_space<vmem>>, vector<1x1x16xf32>,
        %get3A_1765 = vector.shape_cast %get3A_1764 : vector<1x1x16xf32> to vector<16xf32>
        %slice3A_1766 = vector.extract_strided_slice %get3A_1334 {offsets = [2], sizes = [1], strides = [1]} : vector<16xf32> to vector<1xf32>
        %squeeze3A_1767 = vector.extract %slice3A_1766[0] : f32 from vector<1xf32>
        %mul3A_1768 = vector.broadcast %squeeze3A_1767 : f32 to vector<16xf32>
        %mul3A_1769 = arith.mulf %get3A_1765, %mul3A_1768 : vector<16xf32>
        %add3A_1770 = arith.addf %add3A_1759, %mul3A_1769 : vector<16xf32>
        %get3A_1771 = arith.constant 10 : i32
        %get3A_1772 = arith.index_cast %get3A_1771 : i32 to index
        %get3A_1773 = arith.index_cast %add3A_1660 : i32 to index
        %get3A_1774 = arith.constant 0 : index
        %get3A_1775 = tpu.vector_load %arg9[%get3A_1772, %get3A_1773, %get3A_1774] {strides = array<i32>} : memref<13x256x16xf32, #tpu.memory_space<vmem>>, vector<1x1x16xf32>,
        %get3A_1776 = vector.shape_cast %get3A_1775 : vector<1x1x16xf32> to vector<16xf32>
        %slice3A_1777 = vector.extract_strided_slice %get3A_1341 {offsets = [2], sizes = [1], strides = [1]} : vector<16xf32> to vector<1xf32>
        %squeeze3A_1778 = vector.extract %slice3A_1777[0] : f32 from vector<1xf32>
        %mul3A_1779 = vector.broadcast %squeeze3A_1778 : f32 to vector<16xf32>
        %mul3A_1780 = arith.mulf %get3A_1776, %mul3A_1779 : vector<16xf32>
        %add3A_1781 = arith.addf %add3A_1770, %mul3A_1780 : vector<16xf32>
        %get3A_1782 = arith.constant 11 : i32
        %get3A_1783 = arith.index_cast %get3A_1782 : i32 to index
        %get3A_1784 = arith.index_cast %add3A_1660 : i32 to index
        %get3A_1785 = arith.constant 0 : index
        %get3A_1786 = tpu.vector_load %arg9[%get3A_1783, %get3A_1784, %get3A_1785] {strides = array<i32>} : memref<13x256x16xf32, #tpu.memory_space<vmem>>, vector<1x1x16xf32>,
        %get3A_1787 = vector.shape_cast %get3A_1786 : vector<1x1x16xf32> to vector<16xf32>
        %slice3A_1788 = vector.extract_strided_slice %get3A_1348 {offsets = [2], sizes = [1], strides = [1]} : vector<16xf32> to vector<1xf32>
        %squeeze3A_1789 = vector.extract %slice3A_1788[0] : f32 from vector<1xf32>
        %mul3A_1790 = vector.broadcast %squeeze3A_1789 : f32 to vector<16xf32>
        %mul3A_1791 = arith.mulf %get3A_1787, %mul3A_1790 : vector<16xf32>
        %add3A_1792 = arith.addf %add3A_1781, %mul3A_1791 : vector<16xf32>
        %get3A_1793 = arith.constant 12 : i32
        %get3A_1794 = arith.index_cast %get3A_1793 : i32 to index
        %get3A_1795 = arith.index_cast %add3A_1660 : i32 to index
        %get3A_1796 = arith.constant 0 : index
        %get3A_1797 = tpu.vector_load %arg9[%get3A_1794, %get3A_1795, %get3A_1796] {strides = array<i32>} : memref<13x256x16xf32, #tpu.memory_space<vmem>>, vector<1x1x16xf32>,
        %get3A_1798 = vector.shape_cast %get3A_1797 : vector<1x1x16xf32> to vector<16xf32>
        %slice3A_1799 = vector.extract_strided_slice %get3A_1355 {offsets = [2], sizes = [1], strides = [1]} : vector<16xf32> to vector<1xf32>
        %squeeze3A_1800 = vector.extract %slice3A_1799[0] : f32 from vector<1xf32>
        %mul3A_1801 = vector.broadcast %squeeze3A_1800 : f32 to vector<16xf32>
        %mul3A_1802 = arith.mulf %get3A_1798, %mul3A_1801 : vector<16xf32>
        %add3A_1803 = arith.addf %add3A_1792, %mul3A_1802 : vector<16xf32>
        %swap3A_1804 = arith.index_cast %add3A_1660 : i32 to index
        %swap3A_1805 = arith.constant 0 : index
        %swap3A_1806 = tpu.vector_load %arg10[%swap3A_1804, %swap3A_1805] {strides = array<i32>} : memref<256x16xf32, #tpu.memory_space<vmem>>, vector<1x16xf32>,
        %swap3A_1807 = vector.shape_cast %swap3A_1806 : vector<1x16xf32> to vector<16xf32>
        %swap3A_1808 = vector.shape_cast %add3A_1803 : vector<16xf32> to vector<1x16xf32>
        tpu.vector_store %arg10[%swap3A_1804, %swap3A_1805], %swap3A_1808 {strides = array<i32>} : memref<256x16xf32, #tpu.memory_space<vmem>>, vector<1x16xf32>,
        %mul3A_1809 = arith.constant 16 : i32
        %mul3A_1810 = arith.muli %scan3A_1264, %mul3A_1809 : i32
        %add3A_1811 = arith.constant 3 : i32
        %add3A_1812 = arith.addi %mul3A_1810, %add3A_1811 : i32
        %get3A_1813 = arith.constant 0 : i32
        %get3A_1814 = arith.index_cast %get3A_1813 : i32 to index
        %get3A_1815 = arith.index_cast %add3A_1812 : i32 to index
        %get3A_1816 = arith.constant 0 : index
        %get3A_1817 = tpu.vector_load %arg9[%get3A_1814, %get3A_1815, %get3A_1816] {strides = array<i32>} : memref<13x256x16xf32, #tpu.memory_space<vmem>>, vector<1x1x16xf32>,
        %get3A_1818 = vector.shape_cast %get3A_1817 : vector<1x1x16xf32> to vector<16xf32>
        %slice3A_1819 = vector.extract_strided_slice %get3A_1271 {offsets = [3], sizes = [1], strides = [1]} : vector<16xf32> to vector<1xf32>
        %squeeze3A_1820 = vector.extract %slice3A_1819[0] : f32 from vector<1xf32>
        %mul3A_1821 = vector.broadcast %squeeze3A_1820 : f32 to vector<16xf32>
        %mul3A_1822 = arith.mulf %get3A_1818, %mul3A_1821 : vector<16xf32>
        %add3A_1823 = arith.addf %get3A_684, %mul3A_1822 : vector<16xf32>
        %get3A_1824 = arith.constant 1 : i32
        %get3A_1825 = arith.index_cast %get3A_1824 : i32 to index
        %get3A_1826 = arith.index_cast %add3A_1812 : i32 to index
        %get3A_1827 = arith.constant 0 : index
        %get3A_1828 = tpu.vector_load %arg9[%get3A_1825, %get3A_1826, %get3A_1827] {strides = array<i32>} : memref<13x256x16xf32, #tpu.memory_space<vmem>>, vector<1x1x16xf32>,
        %get3A_1829 = vector.shape_cast %get3A_1828 : vector<1x1x16xf32> to vector<16xf32>
        %slice3A_1830 = vector.extract_strided_slice %get3A_1278 {offsets = [3], sizes = [1], strides = [1]} : vector<16xf32> to vector<1xf32>
        %squeeze3A_1831 = vector.extract %slice3A_1830[0] : f32 from vector<1xf32>
        %mul3A_1832 = vector.broadcast %squeeze3A_1831 : f32 to vector<16xf32>
        %mul3A_1833 = arith.mulf %get3A_1829, %mul3A_1832 : vector<16xf32>
        %add3A_1834 = arith.addf %add3A_1823, %mul3A_1833 : vector<16xf32>
        %get3A_1835 = arith.constant 2 : i32
        %get3A_1836 = arith.index_cast %get3A_1835 : i32 to index
        %get3A_1837 = arith.index_cast %add3A_1812 : i32 to index
        %get3A_1838 = arith.constant 0 : index
        %get3A_1839 = tpu.vector_load %arg9[%get3A_1836, %get3A_1837, %get3A_1838] {strides = array<i32>} : memref<13x256x16xf32, #tpu.memory_space<vmem>>, vector<1x1x16xf32>,
        %get3A_1840 = vector.shape_cast %get3A_1839 : vector<1x1x16xf32> to vector<16xf32>
        %slice3A_1841 = vector.extract_strided_slice %get3A_1285 {offsets = [3], sizes = [1], strides = [1]} : vector<16xf32> to vector<1xf32>
        %squeeze3A_1842 = vector.extract %slice3A_1841[0] : f32 from vector<1xf32>
        %mul3A_1843 = vector.broadcast %squeeze3A_1842 : f32 to vector<16xf32>
        %mul3A_1844 = arith.mulf %get3A_1840, %mul3A_1843 : vector<16xf32>
        %add3A_1845 = arith.addf %add3A_1834, %mul3A_1844 : vector<16xf32>
        %get3A_1846 = arith.constant 3 : i32
        %get3A_1847 = arith.index_cast %get3A_1846 : i32 to index
        %get3A_1848 = arith.index_cast %add3A_1812 : i32 to index
        %get3A_1849 = arith.constant 0 : index
        %get3A_1850 = tpu.vector_load %arg9[%get3A_1847, %get3A_1848, %get3A_1849] {strides = array<i32>} : memref<13x256x16xf32, #tpu.memory_space<vmem>>, vector<1x1x16xf32>,
        %get3A_1851 = vector.shape_cast %get3A_1850 : vector<1x1x16xf32> to vector<16xf32>
        %slice3A_1852 = vector.extract_strided_slice %get3A_1292 {offsets = [3], sizes = [1], strides = [1]} : vector<16xf32> to vector<1xf32>
        %squeeze3A_1853 = vector.extract %slice3A_1852[0] : f32 from vector<1xf32>
        %mul3A_1854 = vector.broadcast %squeeze3A_1853 : f32 to vector<16xf32>
        %mul3A_1855 = arith.mulf %get3A_1851, %mul3A_1854 : vector<16xf32>
        %add3A_1856 = arith.addf %add3A_1845, %mul3A_1855 : vector<16xf32>
        %get3A_1857 = arith.constant 4 : i32
        %get3A_1858 = arith.index_cast %get3A_1857 : i32 to index
        %get3A_1859 = arith.index_cast %add3A_1812 : i32 to index
        %get3A_1860 = arith.constant 0 : index
        %get3A_1861 = tpu.vector_load %arg9[%get3A_1858, %get3A_1859, %get3A_1860] {strides = array<i32>} : memref<13x256x16xf32, #tpu.memory_space<vmem>>, vector<1x1x16xf32>,
        %get3A_1862 = vector.shape_cast %get3A_1861 : vector<1x1x16xf32> to vector<16xf32>
        %slice3A_1863 = vector.extract_strided_slice %get3A_1299 {offsets = [3], sizes = [1], strides = [1]} : vector<16xf32> to vector<1xf32>
        %squeeze3A_1864 = vector.extract %slice3A_1863[0] : f32 from vector<1xf32>
        %mul3A_1865 = vector.broadcast %squeeze3A_1864 : f32 to vector<16xf32>
        %mul3A_1866 = arith.mulf %get3A_1862, %mul3A_1865 : vector<16xf32>
        %add3A_1867 = arith.addf %add3A_1856, %mul3A_1866 : vector<16xf32>
        %get3A_1868 = arith.constant 5 : i32
        %get3A_1869 = arith.index_cast %get3A_1868 : i32 to index
        %get3A_1870 = arith.index_cast %add3A_1812 : i32 to index
        %get3A_1871 = arith.constant 0 : index
        %get3A_1872 = tpu.vector_load %arg9[%get3A_1869, %get3A_1870, %get3A_1871] {strides = array<i32>} : memref<13x256x16xf32, #tpu.memory_space<vmem>>, vector<1x1x16xf32>,
        %get3A_1873 = vector.shape_cast %get3A_1872 : vector<1x1x16xf32> to vector<16xf32>
        %slice3A_1874 = vector.extract_strided_slice %get3A_1306 {offsets = [3], sizes = [1], strides = [1]} : vector<16xf32> to vector<1xf32>
        %squeeze3A_1875 = vector.extract %slice3A_1874[0] : f32 from vector<1xf32>
        %mul3A_1876 = vector.broadcast %squeeze3A_1875 : f32 to vector<16xf32>
        %mul3A_1877 = arith.mulf %get3A_1873, %mul3A_1876 : vector<16xf32>
        %add3A_1878 = arith.addf %add3A_1867, %mul3A_1877 : vector<16xf32>
        %get3A_1879 = arith.constant 6 : i32
        %get3A_1880 = arith.index_cast %get3A_1879 : i32 to index
        %get3A_1881 = arith.index_cast %add3A_1812 : i32 to index
        %get3A_1882 = arith.constant 0 : index
        %get3A_1883 = tpu.vector_load %arg9[%get3A_1880, %get3A_1881, %get3A_1882] {strides = array<i32>} : memref<13x256x16xf32, #tpu.memory_space<vmem>>, vector<1x1x16xf32>,
        %get3A_1884 = vector.shape_cast %get3A_1883 : vector<1x1x16xf32> to vector<16xf32>
        %slice3A_1885 = vector.extract_strided_slice %get3A_1313 {offsets = [3], sizes = [1], strides = [1]} : vector<16xf32> to vector<1xf32>
        %squeeze3A_1886 = vector.extract %slice3A_1885[0] : f32 from vector<1xf32>
        %mul3A_1887 = vector.broadcast %squeeze3A_1886 : f32 to vector<16xf32>
        %mul3A_1888 = arith.mulf %get3A_1884, %mul3A_1887 : vector<16xf32>
        %add3A_1889 = arith.addf %add3A_1878, %mul3A_1888 : vector<16xf32>
        %get3A_1890 = arith.constant 7 : i32
        %get3A_1891 = arith.index_cast %get3A_1890 : i32 to index
        %get3A_1892 = arith.index_cast %add3A_1812 : i32 to index
        %get3A_1893 = arith.constant 0 : index
        %get3A_1894 = tpu.vector_load %arg9[%get3A_1891, %get3A_1892, %get3A_1893] {strides = array<i32>} : memref<13x256x16xf32, #tpu.memory_space<vmem>>, vector<1x1x16xf32>,
        %get3A_1895 = vector.shape_cast %get3A_1894 : vector<1x1x16xf32> to vector<16xf32>
        %slice3A_1896 = vector.extract_strided_slice %get3A_1320 {offsets = [3], sizes = [1], strides = [1]} : vector<16xf32> to vector<1xf32>
        %squeeze3A_1897 = vector.extract %slice3A_1896[0] : f32 from vector<1xf32>
        %mul3A_1898 = vector.broadcast %squeeze3A_1897 : f32 to vector<16xf32>
        %mul3A_1899 = arith.mulf %get3A_1895, %mul3A_1898 : vector<16xf32>
        %add3A_1900 = arith.addf %add3A_1889, %mul3A_1899 : vector<16xf32>
        %get3A_1901 = arith.constant 8 : i32
        %get3A_1902 = arith.index_cast %get3A_1901 : i32 to index
        %get3A_1903 = arith.index_cast %add3A_1812 : i32 to index
        %get3A_1904 = arith.constant 0 : index
        %get3A_1905 = tpu.vector_load %arg9[%get3A_1902, %get3A_1903, %get3A_1904] {strides = array<i32>} : memref<13x256x16xf32, #tpu.memory_space<vmem>>, vector<1x1x16xf32>,
        %get3A_1906 = vector.shape_cast %get3A_1905 : vector<1x1x16xf32> to vector<16xf32>
        %slice3A_1907 = vector.extract_strided_slice %get3A_1327 {offsets = [3], sizes = [1], strides = [1]} : vector<16xf32> to vector<1xf32>
        %squeeze3A_1908 = vector.extract %slice3A_1907[0] : f32 from vector<1xf32>
        %mul3A_1909 = vector.broadcast %squeeze3A_1908 : f32 to vector<16xf32>
        %mul3A_1910 = arith.mulf %get3A_1906, %mul3A_1909 : vector<16xf32>
        %add3A_1911 = arith.addf %add3A_1900, %mul3A_1910 : vector<16xf32>
        %get3A_1912 = arith.constant 9 : i32
        %get3A_1913 = arith.index_cast %get3A_1912 : i32 to index
        %get3A_1914 = arith.index_cast %add3A_1812 : i32 to index
        %get3A_1915 = arith.constant 0 : index
        %get3A_1916 = tpu.vector_load %arg9[%get3A_1913, %get3A_1914, %get3A_1915] {strides = array<i32>} : memref<13x256x16xf32, #tpu.memory_space<vmem>>, vector<1x1x16xf32>,
        %get3A_1917 = vector.shape_cast %get3A_1916 : vector<1x1x16xf32> to vector<16xf32>
        %slice3A_1918 = vector.extract_strided_slice %get3A_1334 {offsets = [3], sizes = [1], strides = [1]} : vector<16xf32> to vector<1xf32>
        %squeeze3A_1919 = vector.extract %slice3A_1918[0] : f32 from vector<1xf32>
        %mul3A_1920 = vector.broadcast %squeeze3A_1919 : f32 to vector<16xf32>
        %mul3A_1921 = arith.mulf %get3A_1917, %mul3A_1920 : vector<16xf32>
        %add3A_1922 = arith.addf %add3A_1911, %mul3A_1921 : vector<16xf32>
        %get3A_1923 = arith.constant 10 : i32
        %get3A_1924 = arith.index_cast %get3A_1923 : i32 to index
        %get3A_1925 = arith.index_cast %add3A_1812 : i32 to index
        %get3A_1926 = arith.constant 0 : index
        %get3A_1927 = tpu.vector_load %arg9[%get3A_1924, %get3A_1925, %get3A_1926] {strides = array<i32>} : memref<13x256x16xf32, #tpu.memory_space<vmem>>, vector<1x1x16xf32>,
        %get3A_1928 = vector.shape_cast %get3A_1927 : vector<1x1x16xf32> to vector<16xf32>
        %slice3A_1929 = vector.extract_strided_slice %get3A_1341 {offsets = [3], sizes = [1], strides = [1]} : vector<16xf32> to vector<1xf32>
        %squeeze3A_1930 = vector.extract %slice3A_1929[0] : f32 from vector<1xf32>
        %mul3A_1931 = vector.broadcast %squeeze3A_1930 : f32 to vector<16xf32>
        %mul3A_1932 = arith.mulf %get3A_1928, %mul3A_1931 : vector<16xf32>
        %add3A_1933 = arith.addf %add3A_1922, %mul3A_1932 : vector<16xf32>
        %get3A_1934 = arith.constant 11 : i32
        %get3A_1935 = arith.index_cast %get3A_1934 : i32 to index
        %get3A_1936 = arith.index_cast %add3A_1812 : i32 to index
        %get3A_1937 = arith.constant 0 : index
        %get3A_1938 = tpu.vector_load %arg9[%get3A_1935, %get3A_1936, %get3A_1937] {strides = array<i32>} : memref<13x256x16xf32, #tpu.memory_space<vmem>>, vector<1x1x16xf32>,
        %get3A_1939 = vector.shape_cast %get3A_1938 : vector<1x1x16xf32> to vector<16xf32>
        %slice3A_1940 = vector.extract_strided_slice %get3A_1348 {offsets = [3], sizes = [1], strides = [1]} : vector<16xf32> to vector<1xf32>
        %squeeze3A_1941 = vector.extract %slice3A_1940[0] : f32 from vector<1xf32>
        %mul3A_1942 = vector.broadcast %squeeze3A_1941 : f32 to vector<16xf32>
        %mul3A_1943 = arith.mulf %get3A_1939, %mul3A_1942 : vector<16xf32>
        %add3A_1944 = arith.addf %add3A_1933, %mul3A_1943 : vector<16xf32>
        %get3A_1945 = arith.constant 12 : i32
        %get3A_1946 = arith.index_cast %get3A_1945 : i32 to index
        %get3A_1947 = arith.index_cast %add3A_1812 : i32 to index
        %get3A_1948 = arith.constant 0 : index
        %get3A_1949 = tpu.vector_load %arg9[%get3A_1946, %get3A_1947, %get3A_1948] {strides = array<i32>} : memref<13x256x16xf32, #tpu.memory_space<vmem>>, vector<1x1x16xf32>,
        %get3A_1950 = vector.shape_cast %get3A_1949 : vector<1x1x16xf32> to vector<16xf32>
        %slice3A_1951 = vector.extract_strided_slice %get3A_1355 {offsets = [3], sizes = [1], strides = [1]} : vector<16xf32> to vector<1xf32>
        %squeeze3A_1952 = vector.extract %slice3A_1951[0] : f32 from vector<1xf32>
        %mul3A_1953 = vector.broadcast %squeeze3A_1952 : f32 to vector<16xf32>
        %mul3A_1954 = arith.mulf %get3A_1950, %mul3A_1953 : vector<16xf32>
        %add3A_1955 = arith.addf %add3A_1944, %mul3A_1954 : vector<16xf32>
        %swap3A_1956 = arith.index_cast %add3A_1812 : i32 to index
        %swap3A_1957 = arith.constant 0 : index
        %swap3A_1958 = tpu.vector_load %arg10[%swap3A_1956, %swap3A_1957] {strides = array<i32>} : memref<256x16xf32, #tpu.memory_space<vmem>>, vector<1x16xf32>,
        %swap3A_1959 = vector.shape_cast %swap3A_1958 : vector<1x16xf32> to vector<16xf32>
        %swap3A_1960 = vector.shape_cast %add3A_1955 : vector<16xf32> to vector<1x16xf32>
        tpu.vector_store %arg10[%swap3A_1956, %swap3A_1957], %swap3A_1960 {strides = array<i32>} : memref<256x16xf32, #tpu.memory_space<vmem>>, vector<1x16xf32>,
        %mul3A_1961 = arith.constant 16 : i32
        %mul3A_1962 = arith.muli %scan3A_1264, %mul3A_1961 : i32
        %add3A_1963 = arith.constant 4 : i32
        %add3A_1964 = arith.addi %mul3A_1962, %add3A_1963 : i32
        %get3A_1965 = arith.constant 0 : i32
        %get3A_1966 = arith.index_cast %get3A_1965 : i32 to index
        %get3A_1967 = arith.index_cast %add3A_1964 : i32 to index
        %get3A_1968 = arith.constant 0 : index
        %get3A_1969 = tpu.vector_load %arg9[%get3A_1966, %get3A_1967, %get3A_1968] {strides = array<i32>} : memref<13x256x16xf32, #tpu.memory_space<vmem>>, vector<1x1x16xf32>,
        %get3A_1970 = vector.shape_cast %get3A_1969 : vector<1x1x16xf32> to vector<16xf32>
        %slice3A_1971 = vector.extract_strided_slice %get3A_1271 {offsets = [4], sizes = [1], strides = [1]} : vector<16xf32> to vector<1xf32>
        %squeeze3A_1972 = vector.extract %slice3A_1971[0] : f32 from vector<1xf32>
        %mul3A_1973 = vector.broadcast %squeeze3A_1972 : f32 to vector<16xf32>
        %mul3A_1974 = arith.mulf %get3A_1970, %mul3A_1973 : vector<16xf32>
        %add3A_1975 = arith.addf %get3A_684, %mul3A_1974 : vector<16xf32>
        %get3A_1976 = arith.constant 1 : i32
        %get3A_1977 = arith.index_cast %get3A_1976 : i32 to index
        %get3A_1978 = arith.index_cast %add3A_1964 : i32 to index
        %get3A_1979 = arith.constant 0 : index
        %get3A_1980 = tpu.vector_load %arg9[%get3A_1977, %get3A_1978, %get3A_1979] {strides = array<i32>} : memref<13x256x16xf32, #tpu.memory_space<vmem>>, vector<1x1x16xf32>,
        %get3A_1981 = vector.shape_cast %get3A_1980 : vector<1x1x16xf32> to vector<16xf32>
        %slice3A_1982 = vector.extract_strided_slice %get3A_1278 {offsets = [4], sizes = [1], strides = [1]} : vector<16xf32> to vector<1xf32>
        %squeeze3A_1983 = vector.extract %slice3A_1982[0] : f32 from vector<1xf32>
        %mul3A_1984 = vector.broadcast %squeeze3A_1983 : f32 to vector<16xf32>
        %mul3A_1985 = arith.mulf %get3A_1981, %mul3A_1984 : vector<16xf32>
        %add3A_1986 = arith.addf %add3A_1975, %mul3A_1985 : vector<16xf32>
        %get3A_1987 = arith.constant 2 : i32
        %get3A_1988 = arith.index_cast %get3A_1987 : i32 to index
        %get3A_1989 = arith.index_cast %add3A_1964 : i32 to index
        %get3A_1990 = arith.constant 0 : index
        %get3A_1991 = tpu.vector_load %arg9[%get3A_1988, %get3A_1989, %get3A_1990] {strides = array<i32>} : memref<13x256x16xf32, #tpu.memory_space<vmem>>, vector<1x1x16xf32>,
        %get3A_1992 = vector.shape_cast %get3A_1991 : vector<1x1x16xf32> to vector<16xf32>
        %slice3A_1993 = vector.extract_strided_slice %get3A_1285 {offsets = [4], sizes = [1], strides = [1]} : vector<16xf32> to vector<1xf32>
        %squeeze3A_1994 = vector.extract %slice3A_1993[0] : f32 from vector<1xf32>
        %mul3A_1995 = vector.broadcast %squeeze3A_1994 : f32 to vector<16xf32>
        %mul3A_1996 = arith.mulf %get3A_1992, %mul3A_1995 : vector<16xf32>
        %add3A_1997 = arith.addf %add3A_1986, %mul3A_1996 : vector<16xf32>
        %get3A_1998 = arith.constant 3 : i32
        %get3A_1999 = arith.index_cast %get3A_1998 : i32 to index
        %get3A_2000 = arith.index_cast %add3A_1964 : i32 to index
        %get3A_2001 = arith.constant 0 : index
        %get3A_2002 = tpu.vector_load %arg9[%get3A_1999, %get3A_2000, %get3A_2001] {strides = array<i32>} : memref<13x256x16xf32, #tpu.memory_space<vmem>>, vector<1x1x16xf32>,
        %get3A_2003 = vector.shape_cast %get3A_2002 : vector<1x1x16xf32> to vector<16xf32>
        %slice3A_2004 = vector.extract_strided_slice %get3A_1292 {offsets = [4], sizes = [1], strides = [1]} : vector<16xf32> to vector<1xf32>
        %squeeze3A_2005 = vector.extract %slice3A_2004[0] : f32 from vector<1xf32>
        %mul3A_2006 = vector.broadcast %squeeze3A_2005 : f32 to vector<16xf32>
        %mul3A_2007 = arith.mulf %get3A_2003, %mul3A_2006 : vector<16xf32>
        %add3A_2008 = arith.addf %add3A_1997, %mul3A_2007 : vector<16xf32>
        %get3A_2009 = arith.constant 4 : i32
        %get3A_2010 = arith.index_cast %get3A_2009 : i32 to index
        %get3A_2011 = arith.index_cast %add3A_1964 : i32 to index
        %get3A_2012 = arith.constant 0 : index
        %get3A_2013 = tpu.vector_load %arg9[%get3A_2010, %get3A_2011, %get3A_2012] {strides = array<i32>} : memref<13x256x16xf32, #tpu.memory_space<vmem>>, vector<1x1x16xf32>,
        %get3A_2014 = vector.shape_cast %get3A_2013 : vector<1x1x16xf32> to vector<16xf32>
        %slice3A_2015 = vector.extract_strided_slice %get3A_1299 {offsets = [4], sizes = [1], strides = [1]} : vector<16xf32> to vector<1xf32>
        %squeeze3A_2016 = vector.extract %slice3A_2015[0] : f32 from vector<1xf32>
        %mul3A_2017 = vector.broadcast %squeeze3A_2016 : f32 to vector<16xf32>
        %mul3A_2018 = arith.mulf %get3A_2014, %mul3A_2017 : vector<16xf32>
        %add3A_2019 = arith.addf %add3A_2008, %mul3A_2018 : vector<16xf32>
        %get3A_2020 = arith.constant 5 : i32
        %get3A_2021 = arith.index_cast %get3A_2020 : i32 to index
        %get3A_2022 = arith.index_cast %add3A_1964 : i32 to index
        %get3A_2023 = arith.constant 0 : index
        %get3A_2024 = tpu.vector_load %arg9[%get3A_2021, %get3A_2022, %get3A_2023] {strides = array<i32>} : memref<13x256x16xf32, #tpu.memory_space<vmem>>, vector<1x1x16xf32>,
        %get3A_2025 = vector.shape_cast %get3A_2024 : vector<1x1x16xf32> to vector<16xf32>
        %slice3A_2026 = vector.extract_strided_slice %get3A_1306 {offsets = [4], sizes = [1], strides = [1]} : vector<16xf32> to vector<1xf32>
        %squeeze3A_2027 = vector.extract %slice3A_2026[0] : f32 from vector<1xf32>
        %mul3A_2028 = vector.broadcast %squeeze3A_2027 : f32 to vector<16xf32>
        %mul3A_2029 = arith.mulf %get3A_2025, %mul3A_2028 : vector<16xf32>
        %add3A_2030 = arith.addf %add3A_2019, %mul3A_2029 : vector<16xf32>
        %get3A_2031 = arith.constant 6 : i32
        %get3A_2032 = arith.index_cast %get3A_2031 : i32 to index
        %get3A_2033 = arith.index_cast %add3A_1964 : i32 to index
        %get3A_2034 = arith.constant 0 : index
        %get3A_2035 = tpu.vector_load %arg9[%get3A_2032, %get3A_2033, %get3A_2034] {strides = array<i32>} : memref<13x256x16xf32, #tpu.memory_space<vmem>>, vector<1x1x16xf32>,
        %get3A_2036 = vector.shape_cast %get3A_2035 : vector<1x1x16xf32> to vector<16xf32>
        %slice3A_2037 = vector.extract_strided_slice %get3A_1313 {offsets = [4], sizes = [1], strides = [1]} : vector<16xf32> to vector<1xf32>
        %squeeze3A_2038 = vector.extract %slice3A_2037[0] : f32 from vector<1xf32>
        %mul3A_2039 = vector.broadcast %squeeze3A_2038 : f32 to vector<16xf32>
        %mul3A_2040 = arith.mulf %get3A_2036, %mul3A_2039 : vector<16xf32>
        %add3A_2041 = arith.addf %add3A_2030, %mul3A_2040 : vector<16xf32>
        %get3A_2042 = arith.constant 7 : i32
        %get3A_2043 = arith.index_cast %get3A_2042 : i32 to index
        %get3A_2044 = arith.index_cast %add3A_1964 : i32 to index
        %get3A_2045 = arith.constant 0 : index
        %get3A_2046 = tpu.vector_load %arg9[%get3A_2043, %get3A_2044, %get3A_2045] {strides = array<i32>} : memref<13x256x16xf32, #tpu.memory_space<vmem>>, vector<1x1x16xf32>,
        %get3A_2047 = vector.shape_cast %get3A_2046 : vector<1x1x16xf32> to vector<16xf32>
        %slice3A_2048 = vector.extract_strided_slice %get3A_1320 {offsets = [4], sizes = [1], strides = [1]} : vector<16xf32> to vector<1xf32>
        %squeeze3A_2049 = vector.extract %slice3A_2048[0] : f32 from vector<1xf32>
        %mul3A_2050 = vector.broadcast %squeeze3A_2049 : f32 to vector<16xf32>
        %mul3A_2051 = arith.mulf %get3A_2047, %mul3A_2050 : vector<16xf32>
        %add3A_2052 = arith.addf %add3A_2041, %mul3A_2051 : vector<16xf32>
        %get3A_2053 = arith.constant 8 : i32
        %get3A_2054 = arith.index_cast %get3A_2053 : i32 to index
        %get3A_2055 = arith.index_cast %add3A_1964 : i32 to index
        %get3A_2056 = arith.constant 0 : index
        %get3A_2057 = tpu.vector_load %arg9[%get3A_2054, %get3A_2055, %get3A_2056] {strides = array<i32>} : memref<13x256x16xf32, #tpu.memory_space<vmem>>, vector<1x1x16xf32>,
        %get3A_2058 = vector.shape_cast %get3A_2057 : vector<1x1x16xf32> to vector<16xf32>
        %slice3A_2059 = vector.extract_strided_slice %get3A_1327 {offsets = [4], sizes = [1], strides = [1]} : vector<16xf32> to vector<1xf32>
        %squeeze3A_2060 = vector.extract %slice3A_2059[0] : f32 from vector<1xf32>
        %mul3A_2061 = vector.broadcast %squeeze3A_2060 : f32 to vector<16xf32>
        %mul3A_2062 = arith.mulf %get3A_2058, %mul3A_2061 : vector<16xf32>
        %add3A_2063 = arith.addf %add3A_2052, %mul3A_2062 : vector<16xf32>
        %get3A_2064 = arith.constant 9 : i32
        %get3A_2065 = arith.index_cast %get3A_2064 : i32 to index
        %get3A_2066 = arith.index_cast %add3A_1964 : i32 to index
        %get3A_2067 = arith.constant 0 : index
        %get3A_2068 = tpu.vector_load %arg9[%get3A_2065, %get3A_2066, %get3A_2067] {strides = array<i32>} : memref<13x256x16xf32, #tpu.memory_space<vmem>>, vector<1x1x16xf32>,
        %get3A_2069 = vector.shape_cast %get3A_2068 : vector<1x1x16xf32> to vector<16xf32>
        %slice3A_2070 = vector.extract_strided_slice %get3A_1334 {offsets = [4], sizes = [1], strides = [1]} : vector<16xf32> to vector<1xf32>
        %squeeze3A_2071 = vector.extract %slice3A_2070[0] : f32 from vector<1xf32>
        %mul3A_2072 = vector.broadcast %squeeze3A_2071 : f32 to vector<16xf32>
        %mul3A_2073 = arith.mulf %get3A_2069, %mul3A_2072 : vector<16xf32>
        %add3A_2074 = arith.addf %add3A_2063, %mul3A_2073 : vector<16xf32>
        %get3A_2075 = arith.constant 10 : i32
        %get3A_2076 = arith.index_cast %get3A_2075 : i32 to index
        %get3A_2077 = arith.index_cast %add3A_1964 : i32 to index
        %get3A_2078 = arith.constant 0 : index
        %get3A_2079 = tpu.vector_load %arg9[%get3A_2076, %get3A_2077, %get3A_2078] {strides = array<i32>} : memref<13x256x16xf32, #tpu.memory_space<vmem>>, vector<1x1x16xf32>,
        %get3A_2080 = vector.shape_cast %get3A_2079 : vector<1x1x16xf32> to vector<16xf32>
        %slice3A_2081 = vector.extract_strided_slice %get3A_1341 {offsets = [4], sizes = [1], strides = [1]} : vector<16xf32> to vector<1xf32>
        %squeeze3A_2082 = vector.extract %slice3A_2081[0] : f32 from vector<1xf32>
        %mul3A_2083 = vector.broadcast %squeeze3A_2082 : f32 to vector<16xf32>
        %mul3A_2084 = arith.mulf %get3A_2080, %mul3A_2083 : vector<16xf32>
        %add3A_2085 = arith.addf %add3A_2074, %mul3A_2084 : vector<16xf32>
        %get3A_2086 = arith.constant 11 : i32
        %get3A_2087 = arith.index_cast %get3A_2086 : i32 to index
        %get3A_2088 = arith.index_cast %add3A_1964 : i32 to index
        %get3A_2089 = arith.constant 0 : index
        %get3A_2090 = tpu.vector_load %arg9[%get3A_2087, %get3A_2088, %get3A_2089] {strides = array<i32>} : memref<13x256x16xf32, #tpu.memory_space<vmem>>, vector<1x1x16xf32>,
        %get3A_2091 = vector.shape_cast %get3A_2090 : vector<1x1x16xf32> to vector<16xf32>
        %slice3A_2092 = vector.extract_strided_slice %get3A_1348 {offsets = [4], sizes = [1], strides = [1]} : vector<16xf32> to vector<1xf32>
        %squeeze3A_2093 = vector.extract %slice3A_2092[0] : f32 from vector<1xf32>
        %mul3A_2094 = vector.broadcast %squeeze3A_2093 : f32 to vector<16xf32>
        %mul3A_2095 = arith.mulf %get3A_2091, %mul3A_2094 : vector<16xf32>
        %add3A_2096 = arith.addf %add3A_2085, %mul3A_2095 : vector<16xf32>
        %get3A_2097 = arith.constant 12 : i32
        %get3A_2098 = arith.index_cast %get3A_2097 : i32 to index
        %get3A_2099 = arith.index_cast %add3A_1964 : i32 to index
        %get3A_2100 = arith.constant 0 : index
        %get3A_2101 = tpu.vector_load %arg9[%get3A_2098, %get3A_2099, %get3A_2100] {strides = array<i32>} : memref<13x256x16xf32, #tpu.memory_space<vmem>>, vector<1x1x16xf32>,
        %get3A_2102 = vector.shape_cast %get3A_2101 : vector<1x1x16xf32> to vector<16xf32>
        %slice3A_2103 = vector.extract_strided_slice %get3A_1355 {offsets = [4], sizes = [1], strides = [1]} : vector<16xf32> to vector<1xf32>
        %squeeze3A_2104 = vector.extract %slice3A_2103[0] : f32 from vector<1xf32>
        %mul3A_2105 = vector.broadcast %squeeze3A_2104 : f32 to vector<16xf32>
        %mul3A_2106 = arith.mulf %get3A_2102, %mul3A_2105 : vector<16xf32>
        %add3A_2107 = arith.addf %add3A_2096, %mul3A_2106 : vector<16xf32>
        %swap3A_2108 = arith.index_cast %add3A_1964 : i32 to index
        %swap3A_2109 = arith.constant 0 : index
        %swap3A_2110 = tpu.vector_load %arg10[%swap3A_2108, %swap3A_2109] {strides = array<i32>} : memref<256x16xf32, #tpu.memory_space<vmem>>, vector<1x16xf32>,
        %swap3A_2111 = vector.shape_cast %swap3A_2110 : vector<1x16xf32> to vector<16xf32>
        %swap3A_2112 = vector.shape_cast %add3A_2107 : vector<16xf32> to vector<1x16xf32>
        tpu.vector_store %arg10[%swap3A_2108, %swap3A_2109], %swap3A_2112 {strides = array<i32>} : memref<256x16xf32, #tpu.memory_space<vmem>>, vector<1x16xf32>,
        %mul3A_2113 = arith.constant 16 : i32
        %mul3A_2114 = arith.muli %scan3A_1264, %mul3A_2113 : i32
        %add3A_2115 = arith.constant 5 : i32
        %add3A_2116 = arith.addi %mul3A_2114, %add3A_2115 : i32
        %get3A_2117 = arith.constant 0 : i32
        %get3A_2118 = arith.index_cast %get3A_2117 : i32 to index
        %get3A_2119 = arith.index_cast %add3A_2116 : i32 to index
        %get3A_2120 = arith.constant 0 : index
        %get3A_2121 = tpu.vector_load %arg9[%get3A_2118, %get3A_2119, %get3A_2120] {strides = array<i32>} : memref<13x256x16xf32, #tpu.memory_space<vmem>>, vector<1x1x16xf32>,
        %get3A_2122 = vector.shape_cast %get3A_2121 : vector<1x1x16xf32> to vector<16xf32>
        %slice3A_2123 = vector.extract_strided_slice %get3A_1271 {offsets = [5], sizes = [1], strides = [1]} : vector<16xf32> to vector<1xf32>
        %squeeze3A_2124 = vector.extract %slice3A_2123[0] : f32 from vector<1xf32>
        %mul3A_2125 = vector.broadcast %squeeze3A_2124 : f32 to vector<16xf32>
        %mul3A_2126 = arith.mulf %get3A_2122, %mul3A_2125 : vector<16xf32>
        %add3A_2127 = arith.addf %get3A_684, %mul3A_2126 : vector<16xf32>
        %get3A_2128 = arith.constant 1 : i32
        %get3A_2129 = arith.index_cast %get3A_2128 : i32 to index
        %get3A_2130 = arith.index_cast %add3A_2116 : i32 to index
        %get3A_2131 = arith.constant 0 : index
        %get3A_2132 = tpu.vector_load %arg9[%get3A_2129, %get3A_2130, %get3A_2131] {strides = array<i32>} : memref<13x256x16xf32, #tpu.memory_space<vmem>>, vector<1x1x16xf32>,
        %get3A_2133 = vector.shape_cast %get3A_2132 : vector<1x1x16xf32> to vector<16xf32>
        %slice3A_2134 = vector.extract_strided_slice %get3A_1278 {offsets = [5], sizes = [1], strides = [1]} : vector<16xf32> to vector<1xf32>
        %squeeze3A_2135 = vector.extract %slice3A_2134[0] : f32 from vector<1xf32>
        %mul3A_2136 = vector.broadcast %squeeze3A_2135 : f32 to vector<16xf32>
        %mul3A_2137 = arith.mulf %get3A_2133, %mul3A_2136 : vector<16xf32>
        %add3A_2138 = arith.addf %add3A_2127, %mul3A_2137 : vector<16xf32>
        %get3A_2139 = arith.constant 2 : i32
        %get3A_2140 = arith.index_cast %get3A_2139 : i32 to index
        %get3A_2141 = arith.index_cast %add3A_2116 : i32 to index
        %get3A_2142 = arith.constant 0 : index
        %get3A_2143 = tpu.vector_load %arg9[%get3A_2140, %get3A_2141, %get3A_2142] {strides = array<i32>} : memref<13x256x16xf32, #tpu.memory_space<vmem>>, vector<1x1x16xf32>,
        %get3A_2144 = vector.shape_cast %get3A_2143 : vector<1x1x16xf32> to vector<16xf32>
        %slice3A_2145 = vector.extract_strided_slice %get3A_1285 {offsets = [5], sizes = [1], strides = [1]} : vector<16xf32> to vector<1xf32>
        %squeeze3A_2146 = vector.extract %slice3A_2145[0] : f32 from vector<1xf32>
        %mul3A_2147 = vector.broadcast %squeeze3A_2146 : f32 to vector<16xf32>
        %mul3A_2148 = arith.mulf %get3A_2144, %mul3A_2147 : vector<16xf32>
        %add3A_2149 = arith.addf %add3A_2138, %mul3A_2148 : vector<16xf32>
        %get3A_2150 = arith.constant 3 : i32
        %get3A_2151 = arith.index_cast %get3A_2150 : i32 to index
        %get3A_2152 = arith.index_cast %add3A_2116 : i32 to index
        %get3A_2153 = arith.constant 0 : index
        %get3A_2154 = tpu.vector_load %arg9[%get3A_2151, %get3A_2152, %get3A_2153] {strides = array<i32>} : memref<13x256x16xf32, #tpu.memory_space<vmem>>, vector<1x1x16xf32>,
        %get3A_2155 = vector.shape_cast %get3A_2154 : vector<1x1x16xf32> to vector<16xf32>
        %slice3A_2156 = vector.extract_strided_slice %get3A_1292 {offsets = [5], sizes = [1], strides = [1]} : vector<16xf32> to vector<1xf32>
        %squeeze3A_2157 = vector.extract %slice3A_2156[0] : f32 from vector<1xf32>
        %mul3A_2158 = vector.broadcast %squeeze3A_2157 : f32 to vector<16xf32>
        %mul3A_2159 = arith.mulf %get3A_2155, %mul3A_2158 : vector<16xf32>
        %add3A_2160 = arith.addf %add3A_2149, %mul3A_2159 : vector<16xf32>
        %get3A_2161 = arith.constant 4 : i32
        %get3A_2162 = arith.index_cast %get3A_2161 : i32 to index
        %get3A_2163 = arith.index_cast %add3A_2116 : i32 to index
        %get3A_2164 = arith.constant 0 : index
        %get3A_2165 = tpu.vector_load %arg9[%get3A_2162, %get3A_2163, %get3A_2164] {strides = array<i32>} : memref<13x256x16xf32, #tpu.memory_space<vmem>>, vector<1x1x16xf32>,
        %get3A_2166 = vector.shape_cast %get3A_2165 : vector<1x1x16xf32> to vector<16xf32>
        %slice3A_2167 = vector.extract_strided_slice %get3A_1299 {offsets = [5], sizes = [1], strides = [1]} : vector<16xf32> to vector<1xf32>
        %squeeze3A_2168 = vector.extract %slice3A_2167[0] : f32 from vector<1xf32>
        %mul3A_2169 = vector.broadcast %squeeze3A_2168 : f32 to vector<16xf32>
        %mul3A_2170 = arith.mulf %get3A_2166, %mul3A_2169 : vector<16xf32>
        %add3A_2171 = arith.addf %add3A_2160, %mul3A_2170 : vector<16xf32>
        %get3A_2172 = arith.constant 5 : i32
        %get3A_2173 = arith.index_cast %get3A_2172 : i32 to index
        %get3A_2174 = arith.index_cast %add3A_2116 : i32 to index
        %get3A_2175 = arith.constant 0 : index
        %get3A_2176 = tpu.vector_load %arg9[%get3A_2173, %get3A_2174, %get3A_2175] {strides = array<i32>} : memref<13x256x16xf32, #tpu.memory_space<vmem>>, vector<1x1x16xf32>,
        %get3A_2177 = vector.shape_cast %get3A_2176 : vector<1x1x16xf32> to vector<16xf32>
        %slice3A_2178 = vector.extract_strided_slice %get3A_1306 {offsets = [5], sizes = [1], strides = [1]} : vector<16xf32> to vector<1xf32>
        %squeeze3A_2179 = vector.extract %slice3A_2178[0] : f32 from vector<1xf32>
        %mul3A_2180 = vector.broadcast %squeeze3A_2179 : f32 to vector<16xf32>
        %mul3A_2181 = arith.mulf %get3A_2177, %mul3A_2180 : vector<16xf32>
        %add3A_2182 = arith.addf %add3A_2171, %mul3A_2181 : vector<16xf32>
        %get3A_2183 = arith.constant 6 : i32
        %get3A_2184 = arith.index_cast %get3A_2183 : i32 to index
        %get3A_2185 = arith.index_cast %add3A_2116 : i32 to index
        %get3A_2186 = arith.constant 0 : index
        %get3A_2187 = tpu.vector_load %arg9[%get3A_2184, %get3A_2185, %get3A_2186] {strides = array<i32>} : memref<13x256x16xf32, #tpu.memory_space<vmem>>, vector<1x1x16xf32>,
        %get3A_2188 = vector.shape_cast %get3A_2187 : vector<1x1x16xf32> to vector<16xf32>
        %slice3A_2189 = vector.extract_strided_slice %get3A_1313 {offsets = [5], sizes = [1], strides = [1]} : vector<16xf32> to vector<1xf32>
        %squeeze3A_2190 = vector.extract %slice3A_2189[0] : f32 from vector<1xf32>
        %mul3A_2191 = vector.broadcast %squeeze3A_2190 : f32 to vector<16xf32>
        %mul3A_2192 = arith.mulf %get3A_2188, %mul3A_2191 : vector<16xf32>
        %add3A_2193 = arith.addf %add3A_2182, %mul3A_2192 : vector<16xf32>
        %get3A_2194 = arith.constant 7 : i32
        %get3A_2195 = arith.index_cast %get3A_2194 : i32 to index
        %get3A_2196 = arith.index_cast %add3A_2116 : i32 to index
        %get3A_2197 = arith.constant 0 : index
        %get3A_2198 = tpu.vector_load %arg9[%get3A_2195, %get3A_2196, %get3A_2197] {strides = array<i32>} : memref<13x256x16xf32, #tpu.memory_space<vmem>>, vector<1x1x16xf32>,
        %get3A_2199 = vector.shape_cast %get3A_2198 : vector<1x1x16xf32> to vector<16xf32>
        %slice3A_2200 = vector.extract_strided_slice %get3A_1320 {offsets = [5], sizes = [1], strides = [1]} : vector<16xf32> to vector<1xf32>
        %squeeze3A_2201 = vector.extract %slice3A_2200[0] : f32 from vector<1xf32>
        %mul3A_2202 = vector.broadcast %squeeze3A_2201 : f32 to vector<16xf32>
        %mul3A_2203 = arith.mulf %get3A_2199, %mul3A_2202 : vector<16xf32>
        %add3A_2204 = arith.addf %add3A_2193, %mul3A_2203 : vector<16xf32>
        %get3A_2205 = arith.constant 8 : i32
        %get3A_2206 = arith.index_cast %get3A_2205 : i32 to index
        %get3A_2207 = arith.index_cast %add3A_2116 : i32 to index
        %get3A_2208 = arith.constant 0 : index
        %get3A_2209 = tpu.vector_load %arg9[%get3A_2206, %get3A_2207, %get3A_2208] {strides = array<i32>} : memref<13x256x16xf32, #tpu.memory_space<vmem>>, vector<1x1x16xf32>,
        %get3A_2210 = vector.shape_cast %get3A_2209 : vector<1x1x16xf32> to vector<16xf32>
        %slice3A_2211 = vector.extract_strided_slice %get3A_1327 {offsets = [5], sizes = [1], strides = [1]} : vector<16xf32> to vector<1xf32>
        %squeeze3A_2212 = vector.extract %slice3A_2211[0] : f32 from vector<1xf32>
        %mul3A_2213 = vector.broadcast %squeeze3A_2212 : f32 to vector<16xf32>
        %mul3A_2214 = arith.mulf %get3A_2210, %mul3A_2213 : vector<16xf32>
        %add3A_2215 = arith.addf %add3A_2204, %mul3A_2214 : vector<16xf32>
        %get3A_2216 = arith.constant 9 : i32
        %get3A_2217 = arith.index_cast %get3A_2216 : i32 to index
        %get3A_2218 = arith.index_cast %add3A_2116 : i32 to index
        %get3A_2219 = arith.constant 0 : index
        %get3A_2220 = tpu.vector_load %arg9[%get3A_2217, %get3A_2218, %get3A_2219] {strides = array<i32>} : memref<13x256x16xf32, #tpu.memory_space<vmem>>, vector<1x1x16xf32>,
        %get3A_2221 = vector.shape_cast %get3A_2220 : vector<1x1x16xf32> to vector<16xf32>
        %slice3A_2222 = vector.extract_strided_slice %get3A_1334 {offsets = [5], sizes = [1], strides = [1]} : vector<16xf32> to vector<1xf32>
        %squeeze3A_2223 = vector.extract %slice3A_2222[0] : f32 from vector<1xf32>
        %mul3A_2224 = vector.broadcast %squeeze3A_2223 : f32 to vector<16xf32>
        %mul3A_2225 = arith.mulf %get3A_2221, %mul3A_2224 : vector<16xf32>
        %add3A_2226 = arith.addf %add3A_2215, %mul3A_2225 : vector<16xf32>
        %get3A_2227 = arith.constant 10 : i32
        %get3A_2228 = arith.index_cast %get3A_2227 : i32 to index
        %get3A_2229 = arith.index_cast %add3A_2116 : i32 to index
        %get3A_2230 = arith.constant 0 : index
        %get3A_2231 = tpu.vector_load %arg9[%get3A_2228, %get3A_2229, %get3A_2230] {strides = array<i32>} : memref<13x256x16xf32, #tpu.memory_space<vmem>>, vector<1x1x16xf32>,
        %get3A_2232 = vector.shape_cast %get3A_2231 : vector<1x1x16xf32> to vector<16xf32>
        %slice3A_2233 = vector.extract_strided_slice %get3A_1341 {offsets = [5], sizes = [1], strides = [1]} : vector<16xf32> to vector<1xf32>
        %squeeze3A_2234 = vector.extract %slice3A_2233[0] : f32 from vector<1xf32>
        %mul3A_2235 = vector.broadcast %squeeze3A_2234 : f32 to vector<16xf32>
        %mul3A_2236 = arith.mulf %get3A_2232, %mul3A_2235 : vector<16xf32>
        %add3A_2237 = arith.addf %add3A_2226, %mul3A_2236 : vector<16xf32>
        %get3A_2238 = arith.constant 11 : i32
        %get3A_2239 = arith.index_cast %get3A_2238 : i32 to index
        %get3A_2240 = arith.index_cast %add3A_2116 : i32 to index
        %get3A_2241 = arith.constant 0 : index
        %get3A_2242 = tpu.vector_load %arg9[%get3A_2239, %get3A_2240, %get3A_2241] {strides = array<i32>} : memref<13x256x16xf32, #tpu.memory_space<vmem>>, vector<1x1x16xf32>,
        %get3A_2243 = vector.shape_cast %get3A_2242 : vector<1x1x16xf32> to vector<16xf32>
        %slice3A_2244 = vector.extract_strided_slice %get3A_1348 {offsets = [5], sizes = [1], strides = [1]} : vector<16xf32> to vector<1xf32>
        %squeeze3A_2245 = vector.extract %slice3A_2244[0] : f32 from vector<1xf32>
        %mul3A_2246 = vector.broadcast %squeeze3A_2245 : f32 to vector<16xf32>
        %mul3A_2247 = arith.mulf %get3A_2243, %mul3A_2246 : vector<16xf32>
        %add3A_2248 = arith.addf %add3A_2237, %mul3A_2247 : vector<16xf32>
        %get3A_2249 = arith.constant 12 : i32
        %get3A_2250 = arith.index_cast %get3A_2249 : i32 to index
        %get3A_2251 = arith.index_cast %add3A_2116 : i32 to index
        %get3A_2252 = arith.constant 0 : index
        %get3A_2253 = tpu.vector_load %arg9[%get3A_2250, %get3A_2251, %get3A_2252] {strides = array<i32>} : memref<13x256x16xf32, #tpu.memory_space<vmem>>, vector<1x1x16xf32>,
        %get3A_2254 = vector.shape_cast %get3A_2253 : vector<1x1x16xf32> to vector<16xf32>
        %slice3A_2255 = vector.extract_strided_slice %get3A_1355 {offsets = [5], sizes = [1], strides = [1]} : vector<16xf32> to vector<1xf32>
        %squeeze3A_2256 = vector.extract %slice3A_2255[0] : f32 from vector<1xf32>
        %mul3A_2257 = vector.broadcast %squeeze3A_2256 : f32 to vector<16xf32>
        %mul3A_2258 = arith.mulf %get3A_2254, %mul3A_2257 : vector<16xf32>
        %add3A_2259 = arith.addf %add3A_2248, %mul3A_2258 : vector<16xf32>
        %swap3A_2260 = arith.index_cast %add3A_2116 : i32 to index
        %swap3A_2261 = arith.constant 0 : index
        %swap3A_2262 = tpu.vector_load %arg10[%swap3A_2260, %swap3A_2261] {strides = array<i32>} : memref<256x16xf32, #tpu.memory_space<vmem>>, vector<1x16xf32>,
        %swap3A_2263 = vector.shape_cast %swap3A_2262 : vector<1x16xf32> to vector<16xf32>
        %swap3A_2264 = vector.shape_cast %add3A_2259 : vector<16xf32> to vector<1x16xf32>
        tpu.vector_store %arg10[%swap3A_2260, %swap3A_2261], %swap3A_2264 {strides = array<i32>} : memref<256x16xf32, #tpu.memory_space<vmem>>, vector<1x16xf32>,
        %mul3A_2265 = arith.constant 16 : i32
        %mul3A_2266 = arith.muli %scan3A_1264, %mul3A_2265 : i32
        %add3A_2267 = arith.constant 6 : i32
        %add3A_2268 = arith.addi %mul3A_2266, %add3A_2267 : i32
        %get3A_2269 = arith.constant 0 : i32
        %get3A_2270 = arith.index_cast %get3A_2269 : i32 to index
        %get3A_2271 = arith.index_cast %add3A_2268 : i32 to index
        %get3A_2272 = arith.constant 0 : index
        %get3A_2273 = tpu.vector_load %arg9[%get3A_2270, %get3A_2271, %get3A_2272] {strides = array<i32>} : memref<13x256x16xf32, #tpu.memory_space<vmem>>, vector<1x1x16xf32>,
        %get3A_2274 = vector.shape_cast %get3A_2273 : vector<1x1x16xf32> to vector<16xf32>
        %slice3A_2275 = vector.extract_strided_slice %get3A_1271 {offsets = [6], sizes = [1], strides = [1]} : vector<16xf32> to vector<1xf32>
        %squeeze3A_2276 = vector.extract %slice3A_2275[0] : f32 from vector<1xf32>
        %mul3A_2277 = vector.broadcast %squeeze3A_2276 : f32 to vector<16xf32>
        %mul3A_2278 = arith.mulf %get3A_2274, %mul3A_2277 : vector<16xf32>
        %add3A_2279 = arith.addf %get3A_684, %mul3A_2278 : vector<16xf32>
        %get3A_2280 = arith.constant 1 : i32
        %get3A_2281 = arith.index_cast %get3A_2280 : i32 to index
        %get3A_2282 = arith.index_cast %add3A_2268 : i32 to index
        %get3A_2283 = arith.constant 0 : index
        %get3A_2284 = tpu.vector_load %arg9[%get3A_2281, %get3A_2282, %get3A_2283] {strides = array<i32>} : memref<13x256x16xf32, #tpu.memory_space<vmem>>, vector<1x1x16xf32>,
        %get3A_2285 = vector.shape_cast %get3A_2284 : vector<1x1x16xf32> to vector<16xf32>
        %slice3A_2286 = vector.extract_strided_slice %get3A_1278 {offsets = [6], sizes = [1], strides = [1]} : vector<16xf32> to vector<1xf32>
        %squeeze3A_2287 = vector.extract %slice3A_2286[0] : f32 from vector<1xf32>
        %mul3A_2288 = vector.broadcast %squeeze3A_2287 : f32 to vector<16xf32>
        %mul3A_2289 = arith.mulf %get3A_2285, %mul3A_2288 : vector<16xf32>
        %add3A_2290 = arith.addf %add3A_2279, %mul3A_2289 : vector<16xf32>
        %get3A_2291 = arith.constant 2 : i32
        %get3A_2292 = arith.index_cast %get3A_2291 : i32 to index
        %get3A_2293 = arith.index_cast %add3A_2268 : i32 to index
        %get3A_2294 = arith.constant 0 : index
        %get3A_2295 = tpu.vector_load %arg9[%get3A_2292, %get3A_2293, %get3A_2294] {strides = array<i32>} : memref<13x256x16xf32, #tpu.memory_space<vmem>>, vector<1x1x16xf32>,
        %get3A_2296 = vector.shape_cast %get3A_2295 : vector<1x1x16xf32> to vector<16xf32>
        %slice3A_2297 = vector.extract_strided_slice %get3A_1285 {offsets = [6], sizes = [1], strides = [1]} : vector<16xf32> to vector<1xf32>
        %squeeze3A_2298 = vector.extract %slice3A_2297[0] : f32 from vector<1xf32>
        %mul3A_2299 = vector.broadcast %squeeze3A_2298 : f32 to vector<16xf32>
        %mul3A_2300 = arith.mulf %get3A_2296, %mul3A_2299 : vector<16xf32>
        %add3A_2301 = arith.addf %add3A_2290, %mul3A_2300 : vector<16xf32>
        %get3A_2302 = arith.constant 3 : i32
        %get3A_2303 = arith.index_cast %get3A_2302 : i32 to index
        %get3A_2304 = arith.index_cast %add3A_2268 : i32 to index
        %get3A_2305 = arith.constant 0 : index
        %get3A_2306 = tpu.vector_load %arg9[%get3A_2303, %get3A_2304, %get3A_2305] {strides = array<i32>} : memref<13x256x16xf32, #tpu.memory_space<vmem>>, vector<1x1x16xf32>,
        %get3A_2307 = vector.shape_cast %get3A_2306 : vector<1x1x16xf32> to vector<16xf32>
        %slice3A_2308 = vector.extract_strided_slice %get3A_1292 {offsets = [6], sizes = [1], strides = [1]} : vector<16xf32> to vector<1xf32>
        %squeeze3A_2309 = vector.extract %slice3A_2308[0] : f32 from vector<1xf32>
        %mul3A_2310 = vector.broadcast %squeeze3A_2309 : f32 to vector<16xf32>
        %mul3A_2311 = arith.mulf %get3A_2307, %mul3A_2310 : vector<16xf32>
        %add3A_2312 = arith.addf %add3A_2301, %mul3A_2311 : vector<16xf32>
        %get3A_2313 = arith.constant 4 : i32
        %get3A_2314 = arith.index_cast %get3A_2313 : i32 to index
        %get3A_2315 = arith.index_cast %add3A_2268 : i32 to index
        %get3A_2316 = arith.constant 0 : index
        %get3A_2317 = tpu.vector_load %arg9[%get3A_2314, %get3A_2315, %get3A_2316] {strides = array<i32>} : memref<13x256x16xf32, #tpu.memory_space<vmem>>, vector<1x1x16xf32>,
        %get3A_2318 = vector.shape_cast %get3A_2317 : vector<1x1x16xf32> to vector<16xf32>
        %slice3A_2319 = vector.extract_strided_slice %get3A_1299 {offsets = [6], sizes = [1], strides = [1]} : vector<16xf32> to vector<1xf32>
        %squeeze3A_2320 = vector.extract %slice3A_2319[0] : f32 from vector<1xf32>
        %mul3A_2321 = vector.broadcast %squeeze3A_2320 : f32 to vector<16xf32>
        %mul3A_2322 = arith.mulf %get3A_2318, %mul3A_2321 : vector<16xf32>
        %add3A_2323 = arith.addf %add3A_2312, %mul3A_2322 : vector<16xf32>
        %get3A_2324 = arith.constant 5 : i32
        %get3A_2325 = arith.index_cast %get3A_2324 : i32 to index
        %get3A_2326 = arith.index_cast %add3A_2268 : i32 to index
        %get3A_2327 = arith.constant 0 : index
        %get3A_2328 = tpu.vector_load %arg9[%get3A_2325, %get3A_2326, %get3A_2327] {strides = array<i32>} : memref<13x256x16xf32, #tpu.memory_space<vmem>>, vector<1x1x16xf32>,
        %get3A_2329 = vector.shape_cast %get3A_2328 : vector<1x1x16xf32> to vector<16xf32>
        %slice3A_2330 = vector.extract_strided_slice %get3A_1306 {offsets = [6], sizes = [1], strides = [1]} : vector<16xf32> to vector<1xf32>
        %squeeze3A_2331 = vector.extract %slice3A_2330[0] : f32 from vector<1xf32>
        %mul3A_2332 = vector.broadcast %squeeze3A_2331 : f32 to vector<16xf32>
        %mul3A_2333 = arith.mulf %get3A_2329, %mul3A_2332 : vector<16xf32>
        %add3A_2334 = arith.addf %add3A_2323, %mul3A_2333 : vector<16xf32>
        %get3A_2335 = arith.constant 6 : i32
        %get3A_2336 = arith.index_cast %get3A_2335 : i32 to index
        %get3A_2337 = arith.index_cast %add3A_2268 : i32 to index
        %get3A_2338 = arith.constant 0 : index
        %get3A_2339 = tpu.vector_load %arg9[%get3A_2336, %get3A_2337, %get3A_2338] {strides = array<i32>} : memref<13x256x16xf32, #tpu.memory_space<vmem>>, vector<1x1x16xf32>,
        %get3A_2340 = vector.shape_cast %get3A_2339 : vector<1x1x16xf32> to vector<16xf32>
        %slice3A_2341 = vector.extract_strided_slice %get3A_1313 {offsets = [6], sizes = [1], strides = [1]} : vector<16xf32> to vector<1xf32>
        %squeeze3A_2342 = vector.extract %slice3A_2341[0] : f32 from vector<1xf32>
        %mul3A_2343 = vector.broadcast %squeeze3A_2342 : f32 to vector<16xf32>
        %mul3A_2344 = arith.mulf %get3A_2340, %mul3A_2343 : vector<16xf32>
        %add3A_2345 = arith.addf %add3A_2334, %mul3A_2344 : vector<16xf32>
        %get3A_2346 = arith.constant 7 : i32
        %get3A_2347 = arith.index_cast %get3A_2346 : i32 to index
        %get3A_2348 = arith.index_cast %add3A_2268 : i32 to index
        %get3A_2349 = arith.constant 0 : index
        %get3A_2350 = tpu.vector_load %arg9[%get3A_2347, %get3A_2348, %get3A_2349] {strides = array<i32>} : memref<13x256x16xf32, #tpu.memory_space<vmem>>, vector<1x1x16xf32>,
        %get3A_2351 = vector.shape_cast %get3A_2350 : vector<1x1x16xf32> to vector<16xf32>
        %slice3A_2352 = vector.extract_strided_slice %get3A_1320 {offsets = [6], sizes = [1], strides = [1]} : vector<16xf32> to vector<1xf32>
        %squeeze3A_2353 = vector.extract %slice3A_2352[0] : f32 from vector<1xf32>
        %mul3A_2354 = vector.broadcast %squeeze3A_2353 : f32 to vector<16xf32>
        %mul3A_2355 = arith.mulf %get3A_2351, %mul3A_2354 : vector<16xf32>
        %add3A_2356 = arith.addf %add3A_2345, %mul3A_2355 : vector<16xf32>
        %get3A_2357 = arith.constant 8 : i32
        %get3A_2358 = arith.index_cast %get3A_2357 : i32 to index
        %get3A_2359 = arith.index_cast %add3A_2268 : i32 to index
        %get3A_2360 = arith.constant 0 : index
        %get3A_2361 = tpu.vector_load %arg9[%get3A_2358, %get3A_2359, %get3A_2360] {strides = array<i32>} : memref<13x256x16xf32, #tpu.memory_space<vmem>>, vector<1x1x16xf32>,
        %get3A_2362 = vector.shape_cast %get3A_2361 : vector<1x1x16xf32> to vector<16xf32>
        %slice3A_2363 = vector.extract_strided_slice %get3A_1327 {offsets = [6], sizes = [1], strides = [1]} : vector<16xf32> to vector<1xf32>
        %squeeze3A_2364 = vector.extract %slice3A_2363[0] : f32 from vector<1xf32>
        %mul3A_2365 = vector.broadcast %squeeze3A_2364 : f32 to vector<16xf32>
        %mul3A_2366 = arith.mulf %get3A_2362, %mul3A_2365 : vector<16xf32>
        %add3A_2367 = arith.addf %add3A_2356, %mul3A_2366 : vector<16xf32>
        %get3A_2368 = arith.constant 9 : i32
        %get3A_2369 = arith.index_cast %get3A_2368 : i32 to index
        %get3A_2370 = arith.index_cast %add3A_2268 : i32 to index
        %get3A_2371 = arith.constant 0 : index
        %get3A_2372 = tpu.vector_load %arg9[%get3A_2369, %get3A_2370, %get3A_2371] {strides = array<i32>} : memref<13x256x16xf32, #tpu.memory_space<vmem>>, vector<1x1x16xf32>,
        %get3A_2373 = vector.shape_cast %get3A_2372 : vector<1x1x16xf32> to vector<16xf32>
        %slice3A_2374 = vector.extract_strided_slice %get3A_1334 {offsets = [6], sizes = [1], strides = [1]} : vector<16xf32> to vector<1xf32>
        %squeeze3A_2375 = vector.extract %slice3A_2374[0] : f32 from vector<1xf32>
        %mul3A_2376 = vector.broadcast %squeeze3A_2375 : f32 to vector<16xf32>
        %mul3A_2377 = arith.mulf %get3A_2373, %mul3A_2376 : vector<16xf32>
        %add3A_2378 = arith.addf %add3A_2367, %mul3A_2377 : vector<16xf32>
        %get3A_2379 = arith.constant 10 : i32
        %get3A_2380 = arith.index_cast %get3A_2379 : i32 to index
        %get3A_2381 = arith.index_cast %add3A_2268 : i32 to index
        %get3A_2382 = arith.constant 0 : index
        %get3A_2383 = tpu.vector_load %arg9[%get3A_2380, %get3A_2381, %get3A_2382] {strides = array<i32>} : memref<13x256x16xf32, #tpu.memory_space<vmem>>, vector<1x1x16xf32>,
        %get3A_2384 = vector.shape_cast %get3A_2383 : vector<1x1x16xf32> to vector<16xf32>
        %slice3A_2385 = vector.extract_strided_slice %get3A_1341 {offsets = [6], sizes = [1], strides = [1]} : vector<16xf32> to vector<1xf32>
        %squeeze3A_2386 = vector.extract %slice3A_2385[0] : f32 from vector<1xf32>
        %mul3A_2387 = vector.broadcast %squeeze3A_2386 : f32 to vector<16xf32>
        %mul3A_2388 = arith.mulf %get3A_2384, %mul3A_2387 : vector<16xf32>
        %add3A_2389 = arith.addf %add3A_2378, %mul3A_2388 : vector<16xf32>
        %get3A_2390 = arith.constant 11 : i32
        %get3A_2391 = arith.index_cast %get3A_2390 : i32 to index
        %get3A_2392 = arith.index_cast %add3A_2268 : i32 to index
        %get3A_2393 = arith.constant 0 : index
        %get3A_2394 = tpu.vector_load %arg9[%get3A_2391, %get3A_2392, %get3A_2393] {strides = array<i32>} : memref<13x256x16xf32, #tpu.memory_space<vmem>>, vector<1x1x16xf32>,
        %get3A_2395 = vector.shape_cast %get3A_2394 : vector<1x1x16xf32> to vector<16xf32>
        %slice3A_2396 = vector.extract_strided_slice %get3A_1348 {offsets = [6], sizes = [1], strides = [1]} : vector<16xf32> to vector<1xf32>
        %squeeze3A_2397 = vector.extract %slice3A_2396[0] : f32 from vector<1xf32>
        %mul3A_2398 = vector.broadcast %squeeze3A_2397 : f32 to vector<16xf32>
        %mul3A_2399 = arith.mulf %get3A_2395, %mul3A_2398 : vector<16xf32>
        %add3A_2400 = arith.addf %add3A_2389, %mul3A_2399 : vector<16xf32>
        %get3A_2401 = arith.constant 12 : i32
        %get3A_2402 = arith.index_cast %get3A_2401 : i32 to index
        %get3A_2403 = arith.index_cast %add3A_2268 : i32 to index
        %get3A_2404 = arith.constant 0 : index
        %get3A_2405 = tpu.vector_load %arg9[%get3A_2402, %get3A_2403, %get3A_2404] {strides = array<i32>} : memref<13x256x16xf32, #tpu.memory_space<vmem>>, vector<1x1x16xf32>,
        %get3A_2406 = vector.shape_cast %get3A_2405 : vector<1x1x16xf32> to vector<16xf32>
        %slice3A_2407 = vector.extract_strided_slice %get3A_1355 {offsets = [6], sizes = [1], strides = [1]} : vector<16xf32> to vector<1xf32>
        %squeeze3A_2408 = vector.extract %slice3A_2407[0] : f32 from vector<1xf32>
        %mul3A_2409 = vector.broadcast %squeeze3A_2408 : f32 to vector<16xf32>
        %mul3A_2410 = arith.mulf %get3A_2406, %mul3A_2409 : vector<16xf32>
        %add3A_2411 = arith.addf %add3A_2400, %mul3A_2410 : vector<16xf32>
        %swap3A_2412 = arith.index_cast %add3A_2268 : i32 to index
        %swap3A_2413 = arith.constant 0 : index
        %swap3A_2414 = tpu.vector_load %arg10[%swap3A_2412, %swap3A_2413] {strides = array<i32>} : memref<256x16xf32, #tpu.memory_space<vmem>>, vector<1x16xf32>,
        %swap3A_2415 = vector.shape_cast %swap3A_2414 : vector<1x16xf32> to vector<16xf32>
        %swap3A_2416 = vector.shape_cast %add3A_2411 : vector<16xf32> to vector<1x16xf32>
        tpu.vector_store %arg10[%swap3A_2412, %swap3A_2413], %swap3A_2416 {strides = array<i32>} : memref<256x16xf32, #tpu.memory_space<vmem>>, vector<1x16xf32>,
        %mul3A_2417 = arith.constant 16 : i32
        %mul3A_2418 = arith.muli %scan3A_1264, %mul3A_2417 : i32
        %add3A_2419 = arith.constant 7 : i32
        %add3A_2420 = arith.addi %mul3A_2418, %add3A_2419 : i32
        %get3A_2421 = arith.constant 0 : i32
        %get3A_2422 = arith.index_cast %get3A_2421 : i32 to index
        %get3A_2423 = arith.index_cast %add3A_2420 : i32 to index
        %get3A_2424 = arith.constant 0 : index
        %get3A_2425 = tpu.vector_load %arg9[%get3A_2422, %get3A_2423, %get3A_2424] {strides = array<i32>} : memref<13x256x16xf32, #tpu.memory_space<vmem>>, vector<1x1x16xf32>,
        %get3A_2426 = vector.shape_cast %get3A_2425 : vector<1x1x16xf32> to vector<16xf32>
        %slice3A_2427 = vector.extract_strided_slice %get3A_1271 {offsets = [7], sizes = [1], strides = [1]} : vector<16xf32> to vector<1xf32>
        %squeeze3A_2428 = vector.extract %slice3A_2427[0] : f32 from vector<1xf32>
        %mul3A_2429 = vector.broadcast %squeeze3A_2428 : f32 to vector<16xf32>
        %mul3A_2430 = arith.mulf %get3A_2426, %mul3A_2429 : vector<16xf32>
        %add3A_2431 = arith.addf %get3A_684, %mul3A_2430 : vector<16xf32>
        %get3A_2432 = arith.constant 1 : i32
        %get3A_2433 = arith.index_cast %get3A_2432 : i32 to index
        %get3A_2434 = arith.index_cast %add3A_2420 : i32 to index
        %get3A_2435 = arith.constant 0 : index
        %get3A_2436 = tpu.vector_load %arg9[%get3A_2433, %get3A_2434, %get3A_2435] {strides = array<i32>} : memref<13x256x16xf32, #tpu.memory_space<vmem>>, vector<1x1x16xf32>,
        %get3A_2437 = vector.shape_cast %get3A_2436 : vector<1x1x16xf32> to vector<16xf32>
        %slice3A_2438 = vector.extract_strided_slice %get3A_1278 {offsets = [7], sizes = [1], strides = [1]} : vector<16xf32> to vector<1xf32>
        %squeeze3A_2439 = vector.extract %slice3A_2438[0] : f32 from vector<1xf32>
        %mul3A_2440 = vector.broadcast %squeeze3A_2439 : f32 to vector<16xf32>
        %mul3A_2441 = arith.mulf %get3A_2437, %mul3A_2440 : vector<16xf32>
        %add3A_2442 = arith.addf %add3A_2431, %mul3A_2441 : vector<16xf32>
        %get3A_2443 = arith.constant 2 : i32
        %get3A_2444 = arith.index_cast %get3A_2443 : i32 to index
        %get3A_2445 = arith.index_cast %add3A_2420 : i32 to index
        %get3A_2446 = arith.constant 0 : index
        %get3A_2447 = tpu.vector_load %arg9[%get3A_2444, %get3A_2445, %get3A_2446] {strides = array<i32>} : memref<13x256x16xf32, #tpu.memory_space<vmem>>, vector<1x1x16xf32>,
        %get3A_2448 = vector.shape_cast %get3A_2447 : vector<1x1x16xf32> to vector<16xf32>
        %slice3A_2449 = vector.extract_strided_slice %get3A_1285 {offsets = [7], sizes = [1], strides = [1]} : vector<16xf32> to vector<1xf32>
        %squeeze3A_2450 = vector.extract %slice3A_2449[0] : f32 from vector<1xf32>
        %mul3A_2451 = vector.broadcast %squeeze3A_2450 : f32 to vector<16xf32>
        %mul3A_2452 = arith.mulf %get3A_2448, %mul3A_2451 : vector<16xf32>
        %add3A_2453 = arith.addf %add3A_2442, %mul3A_2452 : vector<16xf32>
        %get3A_2454 = arith.constant 3 : i32
        %get3A_2455 = arith.index_cast %get3A_2454 : i32 to index
        %get3A_2456 = arith.index_cast %add3A_2420 : i32 to index
        %get3A_2457 = arith.constant 0 : index
        %get3A_2458 = tpu.vector_load %arg9[%get3A_2455, %get3A_2456, %get3A_2457] {strides = array<i32>} : memref<13x256x16xf32, #tpu.memory_space<vmem>>, vector<1x1x16xf32>,
        %get3A_2459 = vector.shape_cast %get3A_2458 : vector<1x1x16xf32> to vector<16xf32>
        %slice3A_2460 = vector.extract_strided_slice %get3A_1292 {offsets = [7], sizes = [1], strides = [1]} : vector<16xf32> to vector<1xf32>
        %squeeze3A_2461 = vector.extract %slice3A_2460[0] : f32 from vector<1xf32>
        %mul3A_2462 = vector.broadcast %squeeze3A_2461 : f32 to vector<16xf32>
        %mul3A_2463 = arith.mulf %get3A_2459, %mul3A_2462 : vector<16xf32>
        %add3A_2464 = arith.addf %add3A_2453, %mul3A_2463 : vector<16xf32>
        %get3A_2465 = arith.constant 4 : i32
        %get3A_2466 = arith.index_cast %get3A_2465 : i32 to index
        %get3A_2467 = arith.index_cast %add3A_2420 : i32 to index
        %get3A_2468 = arith.constant 0 : index
        %get3A_2469 = tpu.vector_load %arg9[%get3A_2466, %get3A_2467, %get3A_2468] {strides = array<i32>} : memref<13x256x16xf32, #tpu.memory_space<vmem>>, vector<1x1x16xf32>,
        %get3A_2470 = vector.shape_cast %get3A_2469 : vector<1x1x16xf32> to vector<16xf32>
        %slice3A_2471 = vector.extract_strided_slice %get3A_1299 {offsets = [7], sizes = [1], strides = [1]} : vector<16xf32> to vector<1xf32>
        %squeeze3A_2472 = vector.extract %slice3A_2471[0] : f32 from vector<1xf32>
        %mul3A_2473 = vector.broadcast %squeeze3A_2472 : f32 to vector<16xf32>
        %mul3A_2474 = arith.mulf %get3A_2470, %mul3A_2473 : vector<16xf32>
        %add3A_2475 = arith.addf %add3A_2464, %mul3A_2474 : vector<16xf32>
        %get3A_2476 = arith.constant 5 : i32
        %get3A_2477 = arith.index_cast %get3A_2476 : i32 to index
        %get3A_2478 = arith.index_cast %add3A_2420 : i32 to index
        %get3A_2479 = arith.constant 0 : index
        %get3A_2480 = tpu.vector_load %arg9[%get3A_2477, %get3A_2478, %get3A_2479] {strides = array<i32>} : memref<13x256x16xf32, #tpu.memory_space<vmem>>, vector<1x1x16xf32>,
        %get3A_2481 = vector.shape_cast %get3A_2480 : vector<1x1x16xf32> to vector<16xf32>
        %slice3A_2482 = vector.extract_strided_slice %get3A_1306 {offsets = [7], sizes = [1], strides = [1]} : vector<16xf32> to vector<1xf32>
        %squeeze3A_2483 = vector.extract %slice3A_2482[0] : f32 from vector<1xf32>
        %mul3A_2484 = vector.broadcast %squeeze3A_2483 : f32 to vector<16xf32>
        %mul3A_2485 = arith.mulf %get3A_2481, %mul3A_2484 : vector<16xf32>
        %add3A_2486 = arith.addf %add3A_2475, %mul3A_2485 : vector<16xf32>
        %get3A_2487 = arith.constant 6 : i32
        %get3A_2488 = arith.index_cast %get3A_2487 : i32 to index
        %get3A_2489 = arith.index_cast %add3A_2420 : i32 to index
        %get3A_2490 = arith.constant 0 : index
        %get3A_2491 = tpu.vector_load %arg9[%get3A_2488, %get3A_2489, %get3A_2490] {strides = array<i32>} : memref<13x256x16xf32, #tpu.memory_space<vmem>>, vector<1x1x16xf32>,
        %get3A_2492 = vector.shape_cast %get3A_2491 : vector<1x1x16xf32> to vector<16xf32>
        %slice3A_2493 = vector.extract_strided_slice %get3A_1313 {offsets = [7], sizes = [1], strides = [1]} : vector<16xf32> to vector<1xf32>
        %squeeze3A_2494 = vector.extract %slice3A_2493[0] : f32 from vector<1xf32>
        %mul3A_2495 = vector.broadcast %squeeze3A_2494 : f32 to vector<16xf32>
        %mul3A_2496 = arith.mulf %get3A_2492, %mul3A_2495 : vector<16xf32>
        %add3A_2497 = arith.addf %add3A_2486, %mul3A_2496 : vector<16xf32>
        %get3A_2498 = arith.constant 7 : i32
        %get3A_2499 = arith.index_cast %get3A_2498 : i32 to index
        %get3A_2500 = arith.index_cast %add3A_2420 : i32 to index
        %get3A_2501 = arith.constant 0 : index
        %get3A_2502 = tpu.vector_load %arg9[%get3A_2499, %get3A_2500, %get3A_2501] {strides = array<i32>} : memref<13x256x16xf32, #tpu.memory_space<vmem>>, vector<1x1x16xf32>,
        %get3A_2503 = vector.shape_cast %get3A_2502 : vector<1x1x16xf32> to vector<16xf32>
        %slice3A_2504 = vector.extract_strided_slice %get3A_1320 {offsets = [7], sizes = [1], strides = [1]} : vector<16xf32> to vector<1xf32>
        %squeeze3A_2505 = vector.extract %slice3A_2504[0] : f32 from vector<1xf32>
        %mul3A_2506 = vector.broadcast %squeeze3A_2505 : f32 to vector<16xf32>
        %mul3A_2507 = arith.mulf %get3A_2503, %mul3A_2506 : vector<16xf32>
        %add3A_2508 = arith.addf %add3A_2497, %mul3A_2507 : vector<16xf32>
        %get3A_2509 = arith.constant 8 : i32
        %get3A_2510 = arith.index_cast %get3A_2509 : i32 to index
        %get3A_2511 = arith.index_cast %add3A_2420 : i32 to index
        %get3A_2512 = arith.constant 0 : index
        %get3A_2513 = tpu.vector_load %arg9[%get3A_2510, %get3A_2511, %get3A_2512] {strides = array<i32>} : memref<13x256x16xf32, #tpu.memory_space<vmem>>, vector<1x1x16xf32>,
        %get3A_2514 = vector.shape_cast %get3A_2513 : vector<1x1x16xf32> to vector<16xf32>
        %slice3A_2515 = vector.extract_strided_slice %get3A_1327 {offsets = [7], sizes = [1], strides = [1]} : vector<16xf32> to vector<1xf32>
        %squeeze3A_2516 = vector.extract %slice3A_2515[0] : f32 from vector<1xf32>
        %mul3A_2517 = vector.broadcast %squeeze3A_2516 : f32 to vector<16xf32>
        %mul3A_2518 = arith.mulf %get3A_2514, %mul3A_2517 : vector<16xf32>
        %add3A_2519 = arith.addf %add3A_2508, %mul3A_2518 : vector<16xf32>
        %get3A_2520 = arith.constant 9 : i32
        %get3A_2521 = arith.index_cast %get3A_2520 : i32 to index
        %get3A_2522 = arith.index_cast %add3A_2420 : i32 to index
        %get3A_2523 = arith.constant 0 : index
        %get3A_2524 = tpu.vector_load %arg9[%get3A_2521, %get3A_2522, %get3A_2523] {strides = array<i32>} : memref<13x256x16xf32, #tpu.memory_space<vmem>>, vector<1x1x16xf32>,
        %get3A_2525 = vector.shape_cast %get3A_2524 : vector<1x1x16xf32> to vector<16xf32>
        %slice3A_2526 = vector.extract_strided_slice %get3A_1334 {offsets = [7], sizes = [1], strides = [1]} : vector<16xf32> to vector<1xf32>
        %squeeze3A_2527 = vector.extract %slice3A_2526[0] : f32 from vector<1xf32>
        %mul3A_2528 = vector.broadcast %squeeze3A_2527 : f32 to vector<16xf32>
        %mul3A_2529 = arith.mulf %get3A_2525, %mul3A_2528 : vector<16xf32>
        %add3A_2530 = arith.addf %add3A_2519, %mul3A_2529 : vector<16xf32>
        %get3A_2531 = arith.constant 10 : i32
        %get3A_2532 = arith.index_cast %get3A_2531 : i32 to index
        %get3A_2533 = arith.index_cast %add3A_2420 : i32 to index
        %get3A_2534 = arith.constant 0 : index
        %get3A_2535 = tpu.vector_load %arg9[%get3A_2532, %get3A_2533, %get3A_2534] {strides = array<i32>} : memref<13x256x16xf32, #tpu.memory_space<vmem>>, vector<1x1x16xf32>,
        %get3A_2536 = vector.shape_cast %get3A_2535 : vector<1x1x16xf32> to vector<16xf32>
        %slice3A_2537 = vector.extract_strided_slice %get3A_1341 {offsets = [7], sizes = [1], strides = [1]} : vector<16xf32> to vector<1xf32>
        %squeeze3A_2538 = vector.extract %slice3A_2537[0] : f32 from vector<1xf32>
        %mul3A_2539 = vector.broadcast %squeeze3A_2538 : f32 to vector<16xf32>
        %mul3A_2540 = arith.mulf %get3A_2536, %mul3A_2539 : vector<16xf32>
        %add3A_2541 = arith.addf %add3A_2530, %mul3A_2540 : vector<16xf32>
        %get3A_2542 = arith.constant 11 : i32
        %get3A_2543 = arith.index_cast %get3A_2542 : i32 to index
        %get3A_2544 = arith.index_cast %add3A_2420 : i32 to index
        %get3A_2545 = arith.constant 0 : index
        %get3A_2546 = tpu.vector_load %arg9[%get3A_2543, %get3A_2544, %get3A_2545] {strides = array<i32>} : memref<13x256x16xf32, #tpu.memory_space<vmem>>, vector<1x1x16xf32>,
        %get3A_2547 = vector.shape_cast %get3A_2546 : vector<1x1x16xf32> to vector<16xf32>
        %slice3A_2548 = vector.extract_strided_slice %get3A_1348 {offsets = [7], sizes = [1], strides = [1]} : vector<16xf32> to vector<1xf32>
        %squeeze3A_2549 = vector.extract %slice3A_2548[0] : f32 from vector<1xf32>
        %mul3A_2550 = vector.broadcast %squeeze3A_2549 : f32 to vector<16xf32>
        %mul3A_2551 = arith.mulf %get3A_2547, %mul3A_2550 : vector<16xf32>
        %add3A_2552 = arith.addf %add3A_2541, %mul3A_2551 : vector<16xf32>
        %get3A_2553 = arith.constant 12 : i32
        %get3A_2554 = arith.index_cast %get3A_2553 : i32 to index
        %get3A_2555 = arith.index_cast %add3A_2420 : i32 to index
        %get3A_2556 = arith.constant 0 : index
        %get3A_2557 = tpu.vector_load %arg9[%get3A_2554, %get3A_2555, %get3A_2556] {strides = array<i32>} : memref<13x256x16xf32, #tpu.memory_space<vmem>>, vector<1x1x16xf32>,
        %get3A_2558 = vector.shape_cast %get3A_2557 : vector<1x1x16xf32> to vector<16xf32>
        %slice3A_2559 = vector.extract_strided_slice %get3A_1355 {offsets = [7], sizes = [1], strides = [1]} : vector<16xf32> to vector<1xf32>
        %squeeze3A_2560 = vector.extract %slice3A_2559[0] : f32 from vector<1xf32>
        %mul3A_2561 = vector.broadcast %squeeze3A_2560 : f32 to vector<16xf32>
        %mul3A_2562 = arith.mulf %get3A_2558, %mul3A_2561 : vector<16xf32>
        %add3A_2563 = arith.addf %add3A_2552, %mul3A_2562 : vector<16xf32>
        %swap3A_2564 = arith.index_cast %add3A_2420 : i32 to index
        %swap3A_2565 = arith.constant 0 : index
        %swap3A_2566 = tpu.vector_load %arg10[%swap3A_2564, %swap3A_2565] {strides = array<i32>} : memref<256x16xf32, #tpu.memory_space<vmem>>, vector<1x16xf32>,
        %swap3A_2567 = vector.shape_cast %swap3A_2566 : vector<1x16xf32> to vector<16xf32>
        %swap3A_2568 = vector.shape_cast %add3A_2563 : vector<16xf32> to vector<1x16xf32>
        tpu.vector_store %arg10[%swap3A_2564, %swap3A_2565], %swap3A_2568 {strides = array<i32>} : memref<256x16xf32, #tpu.memory_space<vmem>>, vector<1x16xf32>,
        %mul3A_2569 = arith.constant 16 : i32
        %mul3A_2570 = arith.muli %scan3A_1264, %mul3A_2569 : i32
        %add3A_2571 = arith.constant 8 : i32
        %add3A_2572 = arith.addi %mul3A_2570, %add3A_2571 : i32
        %get3A_2573 = arith.constant 0 : i32
        %get3A_2574 = arith.index_cast %get3A_2573 : i32 to index
        %get3A_2575 = arith.index_cast %add3A_2572 : i32 to index
        %get3A_2576 = arith.constant 0 : index
        %get3A_2577 = tpu.vector_load %arg9[%get3A_2574, %get3A_2575, %get3A_2576] {strides = array<i32>} : memref<13x256x16xf32, #tpu.memory_space<vmem>>, vector<1x1x16xf32>,
        %get3A_2578 = vector.shape_cast %get3A_2577 : vector<1x1x16xf32> to vector<16xf32>
        %slice3A_2579 = vector.extract_strided_slice %get3A_1271 {offsets = [8], sizes = [1], strides = [1]} : vector<16xf32> to vector<1xf32>
        %squeeze3A_2580 = vector.extract %slice3A_2579[0] : f32 from vector<1xf32>
        %mul3A_2581 = vector.broadcast %squeeze3A_2580 : f32 to vector<16xf32>
        %mul3A_2582 = arith.mulf %get3A_2578, %mul3A_2581 : vector<16xf32>
        %add3A_2583 = arith.addf %get3A_684, %mul3A_2582 : vector<16xf32>
        %get3A_2584 = arith.constant 1 : i32
        %get3A_2585 = arith.index_cast %get3A_2584 : i32 to index
        %get3A_2586 = arith.index_cast %add3A_2572 : i32 to index
        %get3A_2587 = arith.constant 0 : index
        %get3A_2588 = tpu.vector_load %arg9[%get3A_2585, %get3A_2586, %get3A_2587] {strides = array<i32>} : memref<13x256x16xf32, #tpu.memory_space<vmem>>, vector<1x1x16xf32>,
        %get3A_2589 = vector.shape_cast %get3A_2588 : vector<1x1x16xf32> to vector<16xf32>
        %slice3A_2590 = vector.extract_strided_slice %get3A_1278 {offsets = [8], sizes = [1], strides = [1]} : vector<16xf32> to vector<1xf32>
        %squeeze3A_2591 = vector.extract %slice3A_2590[0] : f32 from vector<1xf32>
        %mul3A_2592 = vector.broadcast %squeeze3A_2591 : f32 to vector<16xf32>
        %mul3A_2593 = arith.mulf %get3A_2589, %mul3A_2592 : vector<16xf32>
        %add3A_2594 = arith.addf %add3A_2583, %mul3A_2593 : vector<16xf32>
        %get3A_2595 = arith.constant 2 : i32
        %get3A_2596 = arith.index_cast %get3A_2595 : i32 to index
        %get3A_2597 = arith.index_cast %add3A_2572 : i32 to index
        %get3A_2598 = arith.constant 0 : index
        %get3A_2599 = tpu.vector_load %arg9[%get3A_2596, %get3A_2597, %get3A_2598] {strides = array<i32>} : memref<13x256x16xf32, #tpu.memory_space<vmem>>, vector<1x1x16xf32>,
        %get3A_2600 = vector.shape_cast %get3A_2599 : vector<1x1x16xf32> to vector<16xf32>
        %slice3A_2601 = vector.extract_strided_slice %get3A_1285 {offsets = [8], sizes = [1], strides = [1]} : vector<16xf32> to vector<1xf32>
        %squeeze3A_2602 = vector.extract %slice3A_2601[0] : f32 from vector<1xf32>
        %mul3A_2603 = vector.broadcast %squeeze3A_2602 : f32 to vector<16xf32>
        %mul3A_2604 = arith.mulf %get3A_2600, %mul3A_2603 : vector<16xf32>
        %add3A_2605 = arith.addf %add3A_2594, %mul3A_2604 : vector<16xf32>
        %get3A_2606 = arith.constant 3 : i32
        %get3A_2607 = arith.index_cast %get3A_2606 : i32 to index
        %get3A_2608 = arith.index_cast %add3A_2572 : i32 to index
        %get3A_2609 = arith.constant 0 : index
        %get3A_2610 = tpu.vector_load %arg9[%get3A_2607, %get3A_2608, %get3A_2609] {strides = array<i32>} : memref<13x256x16xf32, #tpu.memory_space<vmem>>, vector<1x1x16xf32>,
        %get3A_2611 = vector.shape_cast %get3A_2610 : vector<1x1x16xf32> to vector<16xf32>
        %slice3A_2612 = vector.extract_strided_slice %get3A_1292 {offsets = [8], sizes = [1], strides = [1]} : vector<16xf32> to vector<1xf32>
        %squeeze3A_2613 = vector.extract %slice3A_2612[0] : f32 from vector<1xf32>
        %mul3A_2614 = vector.broadcast %squeeze3A_2613 : f32 to vector<16xf32>
        %mul3A_2615 = arith.mulf %get3A_2611, %mul3A_2614 : vector<16xf32>
        %add3A_2616 = arith.addf %add3A_2605, %mul3A_2615 : vector<16xf32>
        %get3A_2617 = arith.constant 4 : i32
        %get3A_2618 = arith.index_cast %get3A_2617 : i32 to index
        %get3A_2619 = arith.index_cast %add3A_2572 : i32 to index
        %get3A_2620 = arith.constant 0 : index
        %get3A_2621 = tpu.vector_load %arg9[%get3A_2618, %get3A_2619, %get3A_2620] {strides = array<i32>} : memref<13x256x16xf32, #tpu.memory_space<vmem>>, vector<1x1x16xf32>,
        %get3A_2622 = vector.shape_cast %get3A_2621 : vector<1x1x16xf32> to vector<16xf32>
        %slice3A_2623 = vector.extract_strided_slice %get3A_1299 {offsets = [8], sizes = [1], strides = [1]} : vector<16xf32> to vector<1xf32>
        %squeeze3A_2624 = vector.extract %slice3A_2623[0] : f32 from vector<1xf32>
        %mul3A_2625 = vector.broadcast %squeeze3A_2624 : f32 to vector<16xf32>
        %mul3A_2626 = arith.mulf %get3A_2622, %mul3A_2625 : vector<16xf32>
        %add3A_2627 = arith.addf %add3A_2616, %mul3A_2626 : vector<16xf32>
        %get3A_2628 = arith.constant 5 : i32
        %get3A_2629 = arith.index_cast %get3A_2628 : i32 to index
        %get3A_2630 = arith.index_cast %add3A_2572 : i32 to index
        %get3A_2631 = arith.constant 0 : index
        %get3A_2632 = tpu.vector_load %arg9[%get3A_2629, %get3A_2630, %get3A_2631] {strides = array<i32>} : memref<13x256x16xf32, #tpu.memory_space<vmem>>, vector<1x1x16xf32>,
        %get3A_2633 = vector.shape_cast %get3A_2632 : vector<1x1x16xf32> to vector<16xf32>
        %slice3A_2634 = vector.extract_strided_slice %get3A_1306 {offsets = [8], sizes = [1], strides = [1]} : vector<16xf32> to vector<1xf32>
        %squeeze3A_2635 = vector.extract %slice3A_2634[0] : f32 from vector<1xf32>
        %mul3A_2636 = vector.broadcast %squeeze3A_2635 : f32 to vector<16xf32>
        %mul3A_2637 = arith.mulf %get3A_2633, %mul3A_2636 : vector<16xf32>
        %add3A_2638 = arith.addf %add3A_2627, %mul3A_2637 : vector<16xf32>
        %get3A_2639 = arith.constant 6 : i32
        %get3A_2640 = arith.index_cast %get3A_2639 : i32 to index
        %get3A_2641 = arith.index_cast %add3A_2572 : i32 to index
        %get3A_2642 = arith.constant 0 : index
        %get3A_2643 = tpu.vector_load %arg9[%get3A_2640, %get3A_2641, %get3A_2642] {strides = array<i32>} : memref<13x256x16xf32, #tpu.memory_space<vmem>>, vector<1x1x16xf32>,
        %get3A_2644 = vector.shape_cast %get3A_2643 : vector<1x1x16xf32> to vector<16xf32>
        %slice3A_2645 = vector.extract_strided_slice %get3A_1313 {offsets = [8], sizes = [1], strides = [1]} : vector<16xf32> to vector<1xf32>
        %squeeze3A_2646 = vector.extract %slice3A_2645[0] : f32 from vector<1xf32>
        %mul3A_2647 = vector.broadcast %squeeze3A_2646 : f32 to vector<16xf32>
        %mul3A_2648 = arith.mulf %get3A_2644, %mul3A_2647 : vector<16xf32>
        %add3A_2649 = arith.addf %add3A_2638, %mul3A_2648 : vector<16xf32>
        %get3A_2650 = arith.constant 7 : i32
        %get3A_2651 = arith.index_cast %get3A_2650 : i32 to index
        %get3A_2652 = arith.index_cast %add3A_2572 : i32 to index
        %get3A_2653 = arith.constant 0 : index
        %get3A_2654 = tpu.vector_load %arg9[%get3A_2651, %get3A_2652, %get3A_2653] {strides = array<i32>} : memref<13x256x16xf32, #tpu.memory_space<vmem>>, vector<1x1x16xf32>,
        %get3A_2655 = vector.shape_cast %get3A_2654 : vector<1x1x16xf32> to vector<16xf32>
        %slice3A_2656 = vector.extract_strided_slice %get3A_1320 {offsets = [8], sizes = [1], strides = [1]} : vector<16xf32> to vector<1xf32>
        %squeeze3A_2657 = vector.extract %slice3A_2656[0] : f32 from vector<1xf32>
        %mul3A_2658 = vector.broadcast %squeeze3A_2657 : f32 to vector<16xf32>
        %mul3A_2659 = arith.mulf %get3A_2655, %mul3A_2658 : vector<16xf32>
        %add3A_2660 = arith.addf %add3A_2649, %mul3A_2659 : vector<16xf32>
        %get3A_2661 = arith.constant 8 : i32
        %get3A_2662 = arith.index_cast %get3A_2661 : i32 to index
        %get3A_2663 = arith.index_cast %add3A_2572 : i32 to index
        %get3A_2664 = arith.constant 0 : index
        %get3A_2665 = tpu.vector_load %arg9[%get3A_2662, %get3A_2663, %get3A_2664] {strides = array<i32>} : memref<13x256x16xf32, #tpu.memory_space<vmem>>, vector<1x1x16xf32>,
        %get3A_2666 = vector.shape_cast %get3A_2665 : vector<1x1x16xf32> to vector<16xf32>
        %slice3A_2667 = vector.extract_strided_slice %get3A_1327 {offsets = [8], sizes = [1], strides = [1]} : vector<16xf32> to vector<1xf32>
        %squeeze3A_2668 = vector.extract %slice3A_2667[0] : f32 from vector<1xf32>
        %mul3A_2669 = vector.broadcast %squeeze3A_2668 : f32 to vector<16xf32>
        %mul3A_2670 = arith.mulf %get3A_2666, %mul3A_2669 : vector<16xf32>
        %add3A_2671 = arith.addf %add3A_2660, %mul3A_2670 : vector<16xf32>
        %get3A_2672 = arith.constant 9 : i32
        %get3A_2673 = arith.index_cast %get3A_2672 : i32 to index
        %get3A_2674 = arith.index_cast %add3A_2572 : i32 to index
        %get3A_2675 = arith.constant 0 : index
        %get3A_2676 = tpu.vector_load %arg9[%get3A_2673, %get3A_2674, %get3A_2675] {strides = array<i32>} : memref<13x256x16xf32, #tpu.memory_space<vmem>>, vector<1x1x16xf32>,
        %get3A_2677 = vector.shape_cast %get3A_2676 : vector<1x1x16xf32> to vector<16xf32>
        %slice3A_2678 = vector.extract_strided_slice %get3A_1334 {offsets = [8], sizes = [1], strides = [1]} : vector<16xf32> to vector<1xf32>
        %squeeze3A_2679 = vector.extract %slice3A_2678[0] : f32 from vector<1xf32>
        %mul3A_2680 = vector.broadcast %squeeze3A_2679 : f32 to vector<16xf32>
        %mul3A_2681 = arith.mulf %get3A_2677, %mul3A_2680 : vector<16xf32>
        %add3A_2682 = arith.addf %add3A_2671, %mul3A_2681 : vector<16xf32>
        %get3A_2683 = arith.constant 10 : i32
        %get3A_2684 = arith.index_cast %get3A_2683 : i32 to index
        %get3A_2685 = arith.index_cast %add3A_2572 : i32 to index
        %get3A_2686 = arith.constant 0 : index
        %get3A_2687 = tpu.vector_load %arg9[%get3A_2684, %get3A_2685, %get3A_2686] {strides = array<i32>} : memref<13x256x16xf32, #tpu.memory_space<vmem>>, vector<1x1x16xf32>,
        %get3A_2688 = vector.shape_cast %get3A_2687 : vector<1x1x16xf32> to vector<16xf32>
        %slice3A_2689 = vector.extract_strided_slice %get3A_1341 {offsets = [8], sizes = [1], strides = [1]} : vector<16xf32> to vector<1xf32>
        %squeeze3A_2690 = vector.extract %slice3A_2689[0] : f32 from vector<1xf32>
        %mul3A_2691 = vector.broadcast %squeeze3A_2690 : f32 to vector<16xf32>
        %mul3A_2692 = arith.mulf %get3A_2688, %mul3A_2691 : vector<16xf32>
        %add3A_2693 = arith.addf %add3A_2682, %mul3A_2692 : vector<16xf32>
        %get3A_2694 = arith.constant 11 : i32
        %get3A_2695 = arith.index_cast %get3A_2694 : i32 to index
        %get3A_2696 = arith.index_cast %add3A_2572 : i32 to index
        %get3A_2697 = arith.constant 0 : index
        %get3A_2698 = tpu.vector_load %arg9[%get3A_2695, %get3A_2696, %get3A_2697] {strides = array<i32>} : memref<13x256x16xf32, #tpu.memory_space<vmem>>, vector<1x1x16xf32>,
        %get3A_2699 = vector.shape_cast %get3A_2698 : vector<1x1x16xf32> to vector<16xf32>
        %slice3A_2700 = vector.extract_strided_slice %get3A_1348 {offsets = [8], sizes = [1], strides = [1]} : vector<16xf32> to vector<1xf32>
        %squeeze3A_2701 = vector.extract %slice3A_2700[0] : f32 from vector<1xf32>
        %mul3A_2702 = vector.broadcast %squeeze3A_2701 : f32 to vector<16xf32>
        %mul3A_2703 = arith.mulf %get3A_2699, %mul3A_2702 : vector<16xf32>
        %add3A_2704 = arith.addf %add3A_2693, %mul3A_2703 : vector<16xf32>
        %get3A_2705 = arith.constant 12 : i32
        %get3A_2706 = arith.index_cast %get3A_2705 : i32 to index
        %get3A_2707 = arith.index_cast %add3A_2572 : i32 to index
        %get3A_2708 = arith.constant 0 : index
        %get3A_2709 = tpu.vector_load %arg9[%get3A_2706, %get3A_2707, %get3A_2708] {strides = array<i32>} : memref<13x256x16xf32, #tpu.memory_space<vmem>>, vector<1x1x16xf32>,
        %get3A_2710 = vector.shape_cast %get3A_2709 : vector<1x1x16xf32> to vector<16xf32>
        %slice3A_2711 = vector.extract_strided_slice %get3A_1355 {offsets = [8], sizes = [1], strides = [1]} : vector<16xf32> to vector<1xf32>
        %squeeze3A_2712 = vector.extract %slice3A_2711[0] : f32 from vector<1xf32>
        %mul3A_2713 = vector.broadcast %squeeze3A_2712 : f32 to vector<16xf32>
        %mul3A_2714 = arith.mulf %get3A_2710, %mul3A_2713 : vector<16xf32>
        %add3A_2715 = arith.addf %add3A_2704, %mul3A_2714 : vector<16xf32>
        %swap3A_2716 = arith.index_cast %add3A_2572 : i32 to index
        %swap3A_2717 = arith.constant 0 : index
        %swap3A_2718 = tpu.vector_load %arg10[%swap3A_2716, %swap3A_2717] {strides = array<i32>} : memref<256x16xf32, #tpu.memory_space<vmem>>, vector<1x16xf32>,
        %swap3A_2719 = vector.shape_cast %swap3A_2718 : vector<1x16xf32> to vector<16xf32>
        %swap3A_2720 = vector.shape_cast %add3A_2715 : vector<16xf32> to vector<1x16xf32>
        tpu.vector_store %arg10[%swap3A_2716, %swap3A_2717], %swap3A_2720 {strides = array<i32>} : memref<256x16xf32, #tpu.memory_space<vmem>>, vector<1x16xf32>,
        %mul3A_2721 = arith.constant 16 : i32
        %mul3A_2722 = arith.muli %scan3A_1264, %mul3A_2721 : i32
        %add3A_2723 = arith.constant 9 : i32
        %add3A_2724 = arith.addi %mul3A_2722, %add3A_2723 : i32
        %get3A_2725 = arith.constant 0 : i32
        %get3A_2726 = arith.index_cast %get3A_2725 : i32 to index
        %get3A_2727 = arith.index_cast %add3A_2724 : i32 to index
        %get3A_2728 = arith.constant 0 : index
        %get3A_2729 = tpu.vector_load %arg9[%get3A_2726, %get3A_2727, %get3A_2728] {strides = array<i32>} : memref<13x256x16xf32, #tpu.memory_space<vmem>>, vector<1x1x16xf32>,
        %get3A_2730 = vector.shape_cast %get3A_2729 : vector<1x1x16xf32> to vector<16xf32>
        %slice3A_2731 = vector.extract_strided_slice %get3A_1271 {offsets = [9], sizes = [1], strides = [1]} : vector<16xf32> to vector<1xf32>
        %squeeze3A_2732 = vector.extract %slice3A_2731[0] : f32 from vector<1xf32>
        %mul3A_2733 = vector.broadcast %squeeze3A_2732 : f32 to vector<16xf32>
        %mul3A_2734 = arith.mulf %get3A_2730, %mul3A_2733 : vector<16xf32>
        %add3A_2735 = arith.addf %get3A_684, %mul3A_2734 : vector<16xf32>
        %get3A_2736 = arith.constant 1 : i32
        %get3A_2737 = arith.index_cast %get3A_2736 : i32 to index
        %get3A_2738 = arith.index_cast %add3A_2724 : i32 to index
        %get3A_2739 = arith.constant 0 : index
        %get3A_2740 = tpu.vector_load %arg9[%get3A_2737, %get3A_2738, %get3A_2739] {strides = array<i32>} : memref<13x256x16xf32, #tpu.memory_space<vmem>>, vector<1x1x16xf32>,
        %get3A_2741 = vector.shape_cast %get3A_2740 : vector<1x1x16xf32> to vector<16xf32>
        %slice3A_2742 = vector.extract_strided_slice %get3A_1278 {offsets = [9], sizes = [1], strides = [1]} : vector<16xf32> to vector<1xf32>
        %squeeze3A_2743 = vector.extract %slice3A_2742[0] : f32 from vector<1xf32>
        %mul3A_2744 = vector.broadcast %squeeze3A_2743 : f32 to vector<16xf32>
        %mul3A_2745 = arith.mulf %get3A_2741, %mul3A_2744 : vector<16xf32>
        %add3A_2746 = arith.addf %add3A_2735, %mul3A_2745 : vector<16xf32>
        %get3A_2747 = arith.constant 2 : i32
        %get3A_2748 = arith.index_cast %get3A_2747 : i32 to index
        %get3A_2749 = arith.index_cast %add3A_2724 : i32 to index
        %get3A_2750 = arith.constant 0 : index
        %get3A_2751 = tpu.vector_load %arg9[%get3A_2748, %get3A_2749, %get3A_2750] {strides = array<i32>} : memref<13x256x16xf32, #tpu.memory_space<vmem>>, vector<1x1x16xf32>,
        %get3A_2752 = vector.shape_cast %get3A_2751 : vector<1x1x16xf32> to vector<16xf32>
        %slice3A_2753 = vector.extract_strided_slice %get3A_1285 {offsets = [9], sizes = [1], strides = [1]} : vector<16xf32> to vector<1xf32>
        %squeeze3A_2754 = vector.extract %slice3A_2753[0] : f32 from vector<1xf32>
        %mul3A_2755 = vector.broadcast %squeeze3A_2754 : f32 to vector<16xf32>
        %mul3A_2756 = arith.mulf %get3A_2752, %mul3A_2755 : vector<16xf32>
        %add3A_2757 = arith.addf %add3A_2746, %mul3A_2756 : vector<16xf32>
        %get3A_2758 = arith.constant 3 : i32
        %get3A_2759 = arith.index_cast %get3A_2758 : i32 to index
        %get3A_2760 = arith.index_cast %add3A_2724 : i32 to index
        %get3A_2761 = arith.constant 0 : index
        %get3A_2762 = tpu.vector_load %arg9[%get3A_2759, %get3A_2760, %get3A_2761] {strides = array<i32>} : memref<13x256x16xf32, #tpu.memory_space<vmem>>, vector<1x1x16xf32>,
        %get3A_2763 = vector.shape_cast %get3A_2762 : vector<1x1x16xf32> to vector<16xf32>
        %slice3A_2764 = vector.extract_strided_slice %get3A_1292 {offsets = [9], sizes = [1], strides = [1]} : vector<16xf32> to vector<1xf32>
        %squeeze3A_2765 = vector.extract %slice3A_2764[0] : f32 from vector<1xf32>
        %mul3A_2766 = vector.broadcast %squeeze3A_2765 : f32 to vector<16xf32>
        %mul3A_2767 = arith.mulf %get3A_2763, %mul3A_2766 : vector<16xf32>
        %add3A_2768 = arith.addf %add3A_2757, %mul3A_2767 : vector<16xf32>
        %get3A_2769 = arith.constant 4 : i32
        %get3A_2770 = arith.index_cast %get3A_2769 : i32 to index
        %get3A_2771 = arith.index_cast %add3A_2724 : i32 to index
        %get3A_2772 = arith.constant 0 : index
        %get3A_2773 = tpu.vector_load %arg9[%get3A_2770, %get3A_2771, %get3A_2772] {strides = array<i32>} : memref<13x256x16xf32, #tpu.memory_space<vmem>>, vector<1x1x16xf32>,
        %get3A_2774 = vector.shape_cast %get3A_2773 : vector<1x1x16xf32> to vector<16xf32>
        %slice3A_2775 = vector.extract_strided_slice %get3A_1299 {offsets = [9], sizes = [1], strides = [1]} : vector<16xf32> to vector<1xf32>
        %squeeze3A_2776 = vector.extract %slice3A_2775[0] : f32 from vector<1xf32>
        %mul3A_2777 = vector.broadcast %squeeze3A_2776 : f32 to vector<16xf32>
        %mul3A_2778 = arith.mulf %get3A_2774, %mul3A_2777 : vector<16xf32>
        %add3A_2779 = arith.addf %add3A_2768, %mul3A_2778 : vector<16xf32>
        %get3A_2780 = arith.constant 5 : i32
        %get3A_2781 = arith.index_cast %get3A_2780 : i32 to index
        %get3A_2782 = arith.index_cast %add3A_2724 : i32 to index
        %get3A_2783 = arith.constant 0 : index
        %get3A_2784 = tpu.vector_load %arg9[%get3A_2781, %get3A_2782, %get3A_2783] {strides = array<i32>} : memref<13x256x16xf32, #tpu.memory_space<vmem>>, vector<1x1x16xf32>,
        %get3A_2785 = vector.shape_cast %get3A_2784 : vector<1x1x16xf32> to vector<16xf32>
        %slice3A_2786 = vector.extract_strided_slice %get3A_1306 {offsets = [9], sizes = [1], strides = [1]} : vector<16xf32> to vector<1xf32>
        %squeeze3A_2787 = vector.extract %slice3A_2786[0] : f32 from vector<1xf32>
        %mul3A_2788 = vector.broadcast %squeeze3A_2787 : f32 to vector<16xf32>
        %mul3A_2789 = arith.mulf %get3A_2785, %mul3A_2788 : vector<16xf32>
        %add3A_2790 = arith.addf %add3A_2779, %mul3A_2789 : vector<16xf32>
        %get3A_2791 = arith.constant 6 : i32
        %get3A_2792 = arith.index_cast %get3A_2791 : i32 to index
        %get3A_2793 = arith.index_cast %add3A_2724 : i32 to index
        %get3A_2794 = arith.constant 0 : index
        %get3A_2795 = tpu.vector_load %arg9[%get3A_2792, %get3A_2793, %get3A_2794] {strides = array<i32>} : memref<13x256x16xf32, #tpu.memory_space<vmem>>, vector<1x1x16xf32>,
        %get3A_2796 = vector.shape_cast %get3A_2795 : vector<1x1x16xf32> to vector<16xf32>
        %slice3A_2797 = vector.extract_strided_slice %get3A_1313 {offsets = [9], sizes = [1], strides = [1]} : vector<16xf32> to vector<1xf32>
        %squeeze3A_2798 = vector.extract %slice3A_2797[0] : f32 from vector<1xf32>
        %mul3A_2799 = vector.broadcast %squeeze3A_2798 : f32 to vector<16xf32>
        %mul3A_2800 = arith.mulf %get3A_2796, %mul3A_2799 : vector<16xf32>
        %add3A_2801 = arith.addf %add3A_2790, %mul3A_2800 : vector<16xf32>
        %get3A_2802 = arith.constant 7 : i32
        %get3A_2803 = arith.index_cast %get3A_2802 : i32 to index
        %get3A_2804 = arith.index_cast %add3A_2724 : i32 to index
        %get3A_2805 = arith.constant 0 : index
        %get3A_2806 = tpu.vector_load %arg9[%get3A_2803, %get3A_2804, %get3A_2805] {strides = array<i32>} : memref<13x256x16xf32, #tpu.memory_space<vmem>>, vector<1x1x16xf32>,
        %get3A_2807 = vector.shape_cast %get3A_2806 : vector<1x1x16xf32> to vector<16xf32>
        %slice3A_2808 = vector.extract_strided_slice %get3A_1320 {offsets = [9], sizes = [1], strides = [1]} : vector<16xf32> to vector<1xf32>
        %squeeze3A_2809 = vector.extract %slice3A_2808[0] : f32 from vector<1xf32>
        %mul3A_2810 = vector.broadcast %squeeze3A_2809 : f32 to vector<16xf32>
        %mul3A_2811 = arith.mulf %get3A_2807, %mul3A_2810 : vector<16xf32>
        %add3A_2812 = arith.addf %add3A_2801, %mul3A_2811 : vector<16xf32>
        %get3A_2813 = arith.constant 8 : i32
        %get3A_2814 = arith.index_cast %get3A_2813 : i32 to index
        %get3A_2815 = arith.index_cast %add3A_2724 : i32 to index
        %get3A_2816 = arith.constant 0 : index
        %get3A_2817 = tpu.vector_load %arg9[%get3A_2814, %get3A_2815, %get3A_2816] {strides = array<i32>} : memref<13x256x16xf32, #tpu.memory_space<vmem>>, vector<1x1x16xf32>,
        %get3A_2818 = vector.shape_cast %get3A_2817 : vector<1x1x16xf32> to vector<16xf32>
        %slice3A_2819 = vector.extract_strided_slice %get3A_1327 {offsets = [9], sizes = [1], strides = [1]} : vector<16xf32> to vector<1xf32>
        %squeeze3A_2820 = vector.extract %slice3A_2819[0] : f32 from vector<1xf32>
        %mul3A_2821 = vector.broadcast %squeeze3A_2820 : f32 to vector<16xf32>
        %mul3A_2822 = arith.mulf %get3A_2818, %mul3A_2821 : vector<16xf32>
        %add3A_2823 = arith.addf %add3A_2812, %mul3A_2822 : vector<16xf32>
        %get3A_2824 = arith.constant 9 : i32
        %get3A_2825 = arith.index_cast %get3A_2824 : i32 to index
        %get3A_2826 = arith.index_cast %add3A_2724 : i32 to index
        %get3A_2827 = arith.constant 0 : index
        %get3A_2828 = tpu.vector_load %arg9[%get3A_2825, %get3A_2826, %get3A_2827] {strides = array<i32>} : memref<13x256x16xf32, #tpu.memory_space<vmem>>, vector<1x1x16xf32>,
        %get3A_2829 = vector.shape_cast %get3A_2828 : vector<1x1x16xf32> to vector<16xf32>
        %slice3A_2830 = vector.extract_strided_slice %get3A_1334 {offsets = [9], sizes = [1], strides = [1]} : vector<16xf32> to vector<1xf32>
        %squeeze3A_2831 = vector.extract %slice3A_2830[0] : f32 from vector<1xf32>
        %mul3A_2832 = vector.broadcast %squeeze3A_2831 : f32 to vector<16xf32>
        %mul3A_2833 = arith.mulf %get3A_2829, %mul3A_2832 : vector<16xf32>
        %add3A_2834 = arith.addf %add3A_2823, %mul3A_2833 : vector<16xf32>
        %get3A_2835 = arith.constant 10 : i32
        %get3A_2836 = arith.index_cast %get3A_2835 : i32 to index
        %get3A_2837 = arith.index_cast %add3A_2724 : i32 to index
        %get3A_2838 = arith.constant 0 : index
        %get3A_2839 = tpu.vector_load %arg9[%get3A_2836, %get3A_2837, %get3A_2838] {strides = array<i32>} : memref<13x256x16xf32, #tpu.memory_space<vmem>>, vector<1x1x16xf32>,
        %get3A_2840 = vector.shape_cast %get3A_2839 : vector<1x1x16xf32> to vector<16xf32>
        %slice3A_2841 = vector.extract_strided_slice %get3A_1341 {offsets = [9], sizes = [1], strides = [1]} : vector<16xf32> to vector<1xf32>
        %squeeze3A_2842 = vector.extract %slice3A_2841[0] : f32 from vector<1xf32>
        %mul3A_2843 = vector.broadcast %squeeze3A_2842 : f32 to vector<16xf32>
        %mul3A_2844 = arith.mulf %get3A_2840, %mul3A_2843 : vector<16xf32>
        %add3A_2845 = arith.addf %add3A_2834, %mul3A_2844 : vector<16xf32>
        %get3A_2846 = arith.constant 11 : i32
        %get3A_2847 = arith.index_cast %get3A_2846 : i32 to index
        %get3A_2848 = arith.index_cast %add3A_2724 : i32 to index
        %get3A_2849 = arith.constant 0 : index
        %get3A_2850 = tpu.vector_load %arg9[%get3A_2847, %get3A_2848, %get3A_2849] {strides = array<i32>} : memref<13x256x16xf32, #tpu.memory_space<vmem>>, vector<1x1x16xf32>,
        %get3A_2851 = vector.shape_cast %get3A_2850 : vector<1x1x16xf32> to vector<16xf32>
        %slice3A_2852 = vector.extract_strided_slice %get3A_1348 {offsets = [9], sizes = [1], strides = [1]} : vector<16xf32> to vector<1xf32>
        %squeeze3A_2853 = vector.extract %slice3A_2852[0] : f32 from vector<1xf32>
        %mul3A_2854 = vector.broadcast %squeeze3A_2853 : f32 to vector<16xf32>
        %mul3A_2855 = arith.mulf %get3A_2851, %mul3A_2854 : vector<16xf32>
        %add3A_2856 = arith.addf %add3A_2845, %mul3A_2855 : vector<16xf32>
        %get3A_2857 = arith.constant 12 : i32
        %get3A_2858 = arith.index_cast %get3A_2857 : i32 to index
        %get3A_2859 = arith.index_cast %add3A_2724 : i32 to index
        %get3A_2860 = arith.constant 0 : index
        %get3A_2861 = tpu.vector_load %arg9[%get3A_2858, %get3A_2859, %get3A_2860] {strides = array<i32>} : memref<13x256x16xf32, #tpu.memory_space<vmem>>, vector<1x1x16xf32>,
        %get3A_2862 = vector.shape_cast %get3A_2861 : vector<1x1x16xf32> to vector<16xf32>
        %slice3A_2863 = vector.extract_strided_slice %get3A_1355 {offsets = [9], sizes = [1], strides = [1]} : vector<16xf32> to vector<1xf32>
        %squeeze3A_2864 = vector.extract %slice3A_2863[0] : f32 from vector<1xf32>
        %mul3A_2865 = vector.broadcast %squeeze3A_2864 : f32 to vector<16xf32>
        %mul3A_2866 = arith.mulf %get3A_2862, %mul3A_2865 : vector<16xf32>
        %add3A_2867 = arith.addf %add3A_2856, %mul3A_2866 : vector<16xf32>
        %swap3A_2868 = arith.index_cast %add3A_2724 : i32 to index
        %swap3A_2869 = arith.constant 0 : index
        %swap3A_2870 = tpu.vector_load %arg10[%swap3A_2868, %swap3A_2869] {strides = array<i32>} : memref<256x16xf32, #tpu.memory_space<vmem>>, vector<1x16xf32>,
        %swap3A_2871 = vector.shape_cast %swap3A_2870 : vector<1x16xf32> to vector<16xf32>
        %swap3A_2872 = vector.shape_cast %add3A_2867 : vector<16xf32> to vector<1x16xf32>
        tpu.vector_store %arg10[%swap3A_2868, %swap3A_2869], %swap3A_2872 {strides = array<i32>} : memref<256x16xf32, #tpu.memory_space<vmem>>, vector<1x16xf32>,
        %mul3A_2873 = arith.constant 16 : i32
        %mul3A_2874 = arith.muli %scan3A_1264, %mul3A_2873 : i32
        %add3A_2875 = arith.constant 10 : i32
        %add3A_2876 = arith.addi %mul3A_2874, %add3A_2875 : i32
        %get3A_2877 = arith.constant 0 : i32
        %get3A_2878 = arith.index_cast %get3A_2877 : i32 to index
        %get3A_2879 = arith.index_cast %add3A_2876 : i32 to index
        %get3A_2880 = arith.constant 0 : index
        %get3A_2881 = tpu.vector_load %arg9[%get3A_2878, %get3A_2879, %get3A_2880] {strides = array<i32>} : memref<13x256x16xf32, #tpu.memory_space<vmem>>, vector<1x1x16xf32>,
        %get3A_2882 = vector.shape_cast %get3A_2881 : vector<1x1x16xf32> to vector<16xf32>
        %slice3A_2883 = vector.extract_strided_slice %get3A_1271 {offsets = [10], sizes = [1], strides = [1]} : vector<16xf32> to vector<1xf32>
        %squeeze3A_2884 = vector.extract %slice3A_2883[0] : f32 from vector<1xf32>
        %mul3A_2885 = vector.broadcast %squeeze3A_2884 : f32 to vector<16xf32>
        %mul3A_2886 = arith.mulf %get3A_2882, %mul3A_2885 : vector<16xf32>
        %add3A_2887 = arith.addf %get3A_684, %mul3A_2886 : vector<16xf32>
        %get3A_2888 = arith.constant 1 : i32
        %get3A_2889 = arith.index_cast %get3A_2888 : i32 to index
        %get3A_2890 = arith.index_cast %add3A_2876 : i32 to index
        %get3A_2891 = arith.constant 0 : index
        %get3A_2892 = tpu.vector_load %arg9[%get3A_2889, %get3A_2890, %get3A_2891] {strides = array<i32>} : memref<13x256x16xf32, #tpu.memory_space<vmem>>, vector<1x1x16xf32>,
        %get3A_2893 = vector.shape_cast %get3A_2892 : vector<1x1x16xf32> to vector<16xf32>
        %slice3A_2894 = vector.extract_strided_slice %get3A_1278 {offsets = [10], sizes = [1], strides = [1]} : vector<16xf32> to vector<1xf32>
        %squeeze3A_2895 = vector.extract %slice3A_2894[0] : f32 from vector<1xf32>
        %mul3A_2896 = vector.broadcast %squeeze3A_2895 : f32 to vector<16xf32>
        %mul3A_2897 = arith.mulf %get3A_2893, %mul3A_2896 : vector<16xf32>
        %add3A_2898 = arith.addf %add3A_2887, %mul3A_2897 : vector<16xf32>
        %get3A_2899 = arith.constant 2 : i32
        %get3A_2900 = arith.index_cast %get3A_2899 : i32 to index
        %get3A_2901 = arith.index_cast %add3A_2876 : i32 to index
        %get3A_2902 = arith.constant 0 : index
        %get3A_2903 = tpu.vector_load %arg9[%get3A_2900, %get3A_2901, %get3A_2902] {strides = array<i32>} : memref<13x256x16xf32, #tpu.memory_space<vmem>>, vector<1x1x16xf32>,
        %get3A_2904 = vector.shape_cast %get3A_2903 : vector<1x1x16xf32> to vector<16xf32>
        %slice3A_2905 = vector.extract_strided_slice %get3A_1285 {offsets = [10], sizes = [1], strides = [1]} : vector<16xf32> to vector<1xf32>
        %squeeze3A_2906 = vector.extract %slice3A_2905[0] : f32 from vector<1xf32>
        %mul3A_2907 = vector.broadcast %squeeze3A_2906 : f32 to vector<16xf32>
        %mul3A_2908 = arith.mulf %get3A_2904, %mul3A_2907 : vector<16xf32>
        %add3A_2909 = arith.addf %add3A_2898, %mul3A_2908 : vector<16xf32>
        %get3A_2910 = arith.constant 3 : i32
        %get3A_2911 = arith.index_cast %get3A_2910 : i32 to index
        %get3A_2912 = arith.index_cast %add3A_2876 : i32 to index
        %get3A_2913 = arith.constant 0 : index
        %get3A_2914 = tpu.vector_load %arg9[%get3A_2911, %get3A_2912, %get3A_2913] {strides = array<i32>} : memref<13x256x16xf32, #tpu.memory_space<vmem>>, vector<1x1x16xf32>,
        %get3A_2915 = vector.shape_cast %get3A_2914 : vector<1x1x16xf32> to vector<16xf32>
        %slice3A_2916 = vector.extract_strided_slice %get3A_1292 {offsets = [10], sizes = [1], strides = [1]} : vector<16xf32> to vector<1xf32>
        %squeeze3A_2917 = vector.extract %slice3A_2916[0] : f32 from vector<1xf32>
        %mul3A_2918 = vector.broadcast %squeeze3A_2917 : f32 to vector<16xf32>
        %mul3A_2919 = arith.mulf %get3A_2915, %mul3A_2918 : vector<16xf32>
        %add3A_2920 = arith.addf %add3A_2909, %mul3A_2919 : vector<16xf32>
        %get3A_2921 = arith.constant 4 : i32
        %get3A_2922 = arith.index_cast %get3A_2921 : i32 to index
        %get3A_2923 = arith.index_cast %add3A_2876 : i32 to index
        %get3A_2924 = arith.constant 0 : index
        %get3A_2925 = tpu.vector_load %arg9[%get3A_2922, %get3A_2923, %get3A_2924] {strides = array<i32>} : memref<13x256x16xf32, #tpu.memory_space<vmem>>, vector<1x1x16xf32>,
        %get3A_2926 = vector.shape_cast %get3A_2925 : vector<1x1x16xf32> to vector<16xf32>
        %slice3A_2927 = vector.extract_strided_slice %get3A_1299 {offsets = [10], sizes = [1], strides = [1]} : vector<16xf32> to vector<1xf32>
        %squeeze3A_2928 = vector.extract %slice3A_2927[0] : f32 from vector<1xf32>
        %mul3A_2929 = vector.broadcast %squeeze3A_2928 : f32 to vector<16xf32>
        %mul3A_2930 = arith.mulf %get3A_2926, %mul3A_2929 : vector<16xf32>
        %add3A_2931 = arith.addf %add3A_2920, %mul3A_2930 : vector<16xf32>
        %get3A_2932 = arith.constant 5 : i32
        %get3A_2933 = arith.index_cast %get3A_2932 : i32 to index
        %get3A_2934 = arith.index_cast %add3A_2876 : i32 to index
        %get3A_2935 = arith.constant 0 : index
        %get3A_2936 = tpu.vector_load %arg9[%get3A_2933, %get3A_2934, %get3A_2935] {strides = array<i32>} : memref<13x256x16xf32, #tpu.memory_space<vmem>>, vector<1x1x16xf32>,
        %get3A_2937 = vector.shape_cast %get3A_2936 : vector<1x1x16xf32> to vector<16xf32>
        %slice3A_2938 = vector.extract_strided_slice %get3A_1306 {offsets = [10], sizes = [1], strides = [1]} : vector<16xf32> to vector<1xf32>
        %squeeze3A_2939 = vector.extract %slice3A_2938[0] : f32 from vector<1xf32>
        %mul3A_2940 = vector.broadcast %squeeze3A_2939 : f32 to vector<16xf32>
        %mul3A_2941 = arith.mulf %get3A_2937, %mul3A_2940 : vector<16xf32>
        %add3A_2942 = arith.addf %add3A_2931, %mul3A_2941 : vector<16xf32>
        %get3A_2943 = arith.constant 6 : i32
        %get3A_2944 = arith.index_cast %get3A_2943 : i32 to index
        %get3A_2945 = arith.index_cast %add3A_2876 : i32 to index
        %get3A_2946 = arith.constant 0 : index
        %get3A_2947 = tpu.vector_load %arg9[%get3A_2944, %get3A_2945, %get3A_2946] {strides = array<i32>} : memref<13x256x16xf32, #tpu.memory_space<vmem>>, vector<1x1x16xf32>,
        %get3A_2948 = vector.shape_cast %get3A_2947 : vector<1x1x16xf32> to vector<16xf32>
        %slice3A_2949 = vector.extract_strided_slice %get3A_1313 {offsets = [10], sizes = [1], strides = [1]} : vector<16xf32> to vector<1xf32>
        %squeeze3A_2950 = vector.extract %slice3A_2949[0] : f32 from vector<1xf32>
        %mul3A_2951 = vector.broadcast %squeeze3A_2950 : f32 to vector<16xf32>
        %mul3A_2952 = arith.mulf %get3A_2948, %mul3A_2951 : vector<16xf32>
        %add3A_2953 = arith.addf %add3A_2942, %mul3A_2952 : vector<16xf32>
        %get3A_2954 = arith.constant 7 : i32
        %get3A_2955 = arith.index_cast %get3A_2954 : i32 to index
        %get3A_2956 = arith.index_cast %add3A_2876 : i32 to index
        %get3A_2957 = arith.constant 0 : index
        %get3A_2958 = tpu.vector_load %arg9[%get3A_2955, %get3A_2956, %get3A_2957] {strides = array<i32>} : memref<13x256x16xf32, #tpu.memory_space<vmem>>, vector<1x1x16xf32>,
        %get3A_2959 = vector.shape_cast %get3A_2958 : vector<1x1x16xf32> to vector<16xf32>
        %slice3A_2960 = vector.extract_strided_slice %get3A_1320 {offsets = [10], sizes = [1], strides = [1]} : vector<16xf32> to vector<1xf32>
        %squeeze3A_2961 = vector.extract %slice3A_2960[0] : f32 from vector<1xf32>
        %mul3A_2962 = vector.broadcast %squeeze3A_2961 : f32 to vector<16xf32>
        %mul3A_2963 = arith.mulf %get3A_2959, %mul3A_2962 : vector<16xf32>
        %add3A_2964 = arith.addf %add3A_2953, %mul3A_2963 : vector<16xf32>
        %get3A_2965 = arith.constant 8 : i32
        %get3A_2966 = arith.index_cast %get3A_2965 : i32 to index
        %get3A_2967 = arith.index_cast %add3A_2876 : i32 to index
        %get3A_2968 = arith.constant 0 : index
        %get3A_2969 = tpu.vector_load %arg9[%get3A_2966, %get3A_2967, %get3A_2968] {strides = array<i32>} : memref<13x256x16xf32, #tpu.memory_space<vmem>>, vector<1x1x16xf32>,
        %get3A_2970 = vector.shape_cast %get3A_2969 : vector<1x1x16xf32> to vector<16xf32>
        %slice3A_2971 = vector.extract_strided_slice %get3A_1327 {offsets = [10], sizes = [1], strides = [1]} : vector<16xf32> to vector<1xf32>
        %squeeze3A_2972 = vector.extract %slice3A_2971[0] : f32 from vector<1xf32>
        %mul3A_2973 = vector.broadcast %squeeze3A_2972 : f32 to vector<16xf32>
        %mul3A_2974 = arith.mulf %get3A_2970, %mul3A_2973 : vector<16xf32>
        %add3A_2975 = arith.addf %add3A_2964, %mul3A_2974 : vector<16xf32>
        %get3A_2976 = arith.constant 9 : i32
        %get3A_2977 = arith.index_cast %get3A_2976 : i32 to index
        %get3A_2978 = arith.index_cast %add3A_2876 : i32 to index
        %get3A_2979 = arith.constant 0 : index
        %get3A_2980 = tpu.vector_load %arg9[%get3A_2977, %get3A_2978, %get3A_2979] {strides = array<i32>} : memref<13x256x16xf32, #tpu.memory_space<vmem>>, vector<1x1x16xf32>,
        %get3A_2981 = vector.shape_cast %get3A_2980 : vector<1x1x16xf32> to vector<16xf32>
        %slice3A_2982 = vector.extract_strided_slice %get3A_1334 {offsets = [10], sizes = [1], strides = [1]} : vector<16xf32> to vector<1xf32>
        %squeeze3A_2983 = vector.extract %slice3A_2982[0] : f32 from vector<1xf32>
        %mul3A_2984 = vector.broadcast %squeeze3A_2983 : f32 to vector<16xf32>
        %mul3A_2985 = arith.mulf %get3A_2981, %mul3A_2984 : vector<16xf32>
        %add3A_2986 = arith.addf %add3A_2975, %mul3A_2985 : vector<16xf32>
        %get3A_2987 = arith.constant 10 : i32
        %get3A_2988 = arith.index_cast %get3A_2987 : i32 to index
        %get3A_2989 = arith.index_cast %add3A_2876 : i32 to index
        %get3A_2990 = arith.constant 0 : index
        %get3A_2991 = tpu.vector_load %arg9[%get3A_2988, %get3A_2989, %get3A_2990] {strides = array<i32>} : memref<13x256x16xf32, #tpu.memory_space<vmem>>, vector<1x1x16xf32>,
        %get3A_2992 = vector.shape_cast %get3A_2991 : vector<1x1x16xf32> to vector<16xf32>
        %slice3A_2993 = vector.extract_strided_slice %get3A_1341 {offsets = [10], sizes = [1], strides = [1]} : vector<16xf32> to vector<1xf32>
        %squeeze3A_2994 = vector.extract %slice3A_2993[0] : f32 from vector<1xf32>
        %mul3A_2995 = vector.broadcast %squeeze3A_2994 : f32 to vector<16xf32>
        %mul3A_2996 = arith.mulf %get3A_2992, %mul3A_2995 : vector<16xf32>
        %add3A_2997 = arith.addf %add3A_2986, %mul3A_2996 : vector<16xf32>
        %get3A_2998 = arith.constant 11 : i32
        %get3A_2999 = arith.index_cast %get3A_2998 : i32 to index
        %get3A_3000 = arith.index_cast %add3A_2876 : i32 to index
        %get3A_3001 = arith.constant 0 : index
        %get3A_3002 = tpu.vector_load %arg9[%get3A_2999, %get3A_3000, %get3A_3001] {strides = array<i32>} : memref<13x256x16xf32, #tpu.memory_space<vmem>>, vector<1x1x16xf32>,
        %get3A_3003 = vector.shape_cast %get3A_3002 : vector<1x1x16xf32> to vector<16xf32>
        %slice3A_3004 = vector.extract_strided_slice %get3A_1348 {offsets = [10], sizes = [1], strides = [1]} : vector<16xf32> to vector<1xf32>
        %squeeze3A_3005 = vector.extract %slice3A_3004[0] : f32 from vector<1xf32>
        %mul3A_3006 = vector.broadcast %squeeze3A_3005 : f32 to vector<16xf32>
        %mul3A_3007 = arith.mulf %get3A_3003, %mul3A_3006 : vector<16xf32>
        %add3A_3008 = arith.addf %add3A_2997, %mul3A_3007 : vector<16xf32>
        %get3A_3009 = arith.constant 12 : i32
        %get3A_3010 = arith.index_cast %get3A_3009 : i32 to index
        %get3A_3011 = arith.index_cast %add3A_2876 : i32 to index
        %get3A_3012 = arith.constant 0 : index
        %get3A_3013 = tpu.vector_load %arg9[%get3A_3010, %get3A_3011, %get3A_3012] {strides = array<i32>} : memref<13x256x16xf32, #tpu.memory_space<vmem>>, vector<1x1x16xf32>,
        %get3A_3014 = vector.shape_cast %get3A_3013 : vector<1x1x16xf32> to vector<16xf32>
        %slice3A_3015 = vector.extract_strided_slice %get3A_1355 {offsets = [10], sizes = [1], strides = [1]} : vector<16xf32> to vector<1xf32>
        %squeeze3A_3016 = vector.extract %slice3A_3015[0] : f32 from vector<1xf32>
        %mul3A_3017 = vector.broadcast %squeeze3A_3016 : f32 to vector<16xf32>
        %mul3A_3018 = arith.mulf %get3A_3014, %mul3A_3017 : vector<16xf32>
        %add3A_3019 = arith.addf %add3A_3008, %mul3A_3018 : vector<16xf32>
        %swap3A_3020 = arith.index_cast %add3A_2876 : i32 to index
        %swap3A_3021 = arith.constant 0 : index
        %swap3A_3022 = tpu.vector_load %arg10[%swap3A_3020, %swap3A_3021] {strides = array<i32>} : memref<256x16xf32, #tpu.memory_space<vmem>>, vector<1x16xf32>,
        %swap3A_3023 = vector.shape_cast %swap3A_3022 : vector<1x16xf32> to vector<16xf32>
        %swap3A_3024 = vector.shape_cast %add3A_3019 : vector<16xf32> to vector<1x16xf32>
        tpu.vector_store %arg10[%swap3A_3020, %swap3A_3021], %swap3A_3024 {strides = array<i32>} : memref<256x16xf32, #tpu.memory_space<vmem>>, vector<1x16xf32>,
        %mul3A_3025 = arith.constant 16 : i32
        %mul3A_3026 = arith.muli %scan3A_1264, %mul3A_3025 : i32
        %add3A_3027 = arith.constant 11 : i32
        %add3A_3028 = arith.addi %mul3A_3026, %add3A_3027 : i32
        %get3A_3029 = arith.constant 0 : i32
        %get3A_3030 = arith.index_cast %get3A_3029 : i32 to index
        %get3A_3031 = arith.index_cast %add3A_3028 : i32 to index
        %get3A_3032 = arith.constant 0 : index
        %get3A_3033 = tpu.vector_load %arg9[%get3A_3030, %get3A_3031, %get3A_3032] {strides = array<i32>} : memref<13x256x16xf32, #tpu.memory_space<vmem>>, vector<1x1x16xf32>,
        %get3A_3034 = vector.shape_cast %get3A_3033 : vector<1x1x16xf32> to vector<16xf32>
        %slice3A_3035 = vector.extract_strided_slice %get3A_1271 {offsets = [11], sizes = [1], strides = [1]} : vector<16xf32> to vector<1xf32>
        %squeeze3A_3036 = vector.extract %slice3A_3035[0] : f32 from vector<1xf32>
        %mul3A_3037 = vector.broadcast %squeeze3A_3036 : f32 to vector<16xf32>
        %mul3A_3038 = arith.mulf %get3A_3034, %mul3A_3037 : vector<16xf32>
        %add3A_3039 = arith.addf %get3A_684, %mul3A_3038 : vector<16xf32>
        %get3A_3040 = arith.constant 1 : i32
        %get3A_3041 = arith.index_cast %get3A_3040 : i32 to index
        %get3A_3042 = arith.index_cast %add3A_3028 : i32 to index
        %get3A_3043 = arith.constant 0 : index
        %get3A_3044 = tpu.vector_load %arg9[%get3A_3041, %get3A_3042, %get3A_3043] {strides = array<i32>} : memref<13x256x16xf32, #tpu.memory_space<vmem>>, vector<1x1x16xf32>,
        %get3A_3045 = vector.shape_cast %get3A_3044 : vector<1x1x16xf32> to vector<16xf32>
        %slice3A_3046 = vector.extract_strided_slice %get3A_1278 {offsets = [11], sizes = [1], strides = [1]} : vector<16xf32> to vector<1xf32>
        %squeeze3A_3047 = vector.extract %slice3A_3046[0] : f32 from vector<1xf32>
        %mul3A_3048 = vector.broadcast %squeeze3A_3047 : f32 to vector<16xf32>
        %mul3A_3049 = arith.mulf %get3A_3045, %mul3A_3048 : vector<16xf32>
        %add3A_3050 = arith.addf %add3A_3039, %mul3A_3049 : vector<16xf32>
        %get3A_3051 = arith.constant 2 : i32
        %get3A_3052 = arith.index_cast %get3A_3051 : i32 to index
        %get3A_3053 = arith.index_cast %add3A_3028 : i32 to index
        %get3A_3054 = arith.constant 0 : index
        %get3A_3055 = tpu.vector_load %arg9[%get3A_3052, %get3A_3053, %get3A_3054] {strides = array<i32>} : memref<13x256x16xf32, #tpu.memory_space<vmem>>, vector<1x1x16xf32>,
        %get3A_3056 = vector.shape_cast %get3A_3055 : vector<1x1x16xf32> to vector<16xf32>
        %slice3A_3057 = vector.extract_strided_slice %get3A_1285 {offsets = [11], sizes = [1], strides = [1]} : vector<16xf32> to vector<1xf32>
        %squeeze3A_3058 = vector.extract %slice3A_3057[0] : f32 from vector<1xf32>
        %mul3A_3059 = vector.broadcast %squeeze3A_3058 : f32 to vector<16xf32>
        %mul3A_3060 = arith.mulf %get3A_3056, %mul3A_3059 : vector<16xf32>
        %add3A_3061 = arith.addf %add3A_3050, %mul3A_3060 : vector<16xf32>
        %get3A_3062 = arith.constant 3 : i32
        %get3A_3063 = arith.index_cast %get3A_3062 : i32 to index
        %get3A_3064 = arith.index_cast %add3A_3028 : i32 to index
        %get3A_3065 = arith.constant 0 : index
        %get3A_3066 = tpu.vector_load %arg9[%get3A_3063, %get3A_3064, %get3A_3065] {strides = array<i32>} : memref<13x256x16xf32, #tpu.memory_space<vmem>>, vector<1x1x16xf32>,
        %get3A_3067 = vector.shape_cast %get3A_3066 : vector<1x1x16xf32> to vector<16xf32>
        %slice3A_3068 = vector.extract_strided_slice %get3A_1292 {offsets = [11], sizes = [1], strides = [1]} : vector<16xf32> to vector<1xf32>
        %squeeze3A_3069 = vector.extract %slice3A_3068[0] : f32 from vector<1xf32>
        %mul3A_3070 = vector.broadcast %squeeze3A_3069 : f32 to vector<16xf32>
        %mul3A_3071 = arith.mulf %get3A_3067, %mul3A_3070 : vector<16xf32>
        %add3A_3072 = arith.addf %add3A_3061, %mul3A_3071 : vector<16xf32>
        %get3A_3073 = arith.constant 4 : i32
        %get3A_3074 = arith.index_cast %get3A_3073 : i32 to index
        %get3A_3075 = arith.index_cast %add3A_3028 : i32 to index
        %get3A_3076 = arith.constant 0 : index
        %get3A_3077 = tpu.vector_load %arg9[%get3A_3074, %get3A_3075, %get3A_3076] {strides = array<i32>} : memref<13x256x16xf32, #tpu.memory_space<vmem>>, vector<1x1x16xf32>,
        %get3A_3078 = vector.shape_cast %get3A_3077 : vector<1x1x16xf32> to vector<16xf32>
        %slice3A_3079 = vector.extract_strided_slice %get3A_1299 {offsets = [11], sizes = [1], strides = [1]} : vector<16xf32> to vector<1xf32>
        %squeeze3A_3080 = vector.extract %slice3A_3079[0] : f32 from vector<1xf32>
        %mul3A_3081 = vector.broadcast %squeeze3A_3080 : f32 to vector<16xf32>
        %mul3A_3082 = arith.mulf %get3A_3078, %mul3A_3081 : vector<16xf32>
        %add3A_3083 = arith.addf %add3A_3072, %mul3A_3082 : vector<16xf32>
        %get3A_3084 = arith.constant 5 : i32
        %get3A_3085 = arith.index_cast %get3A_3084 : i32 to index
        %get3A_3086 = arith.index_cast %add3A_3028 : i32 to index
        %get3A_3087 = arith.constant 0 : index
        %get3A_3088 = tpu.vector_load %arg9[%get3A_3085, %get3A_3086, %get3A_3087] {strides = array<i32>} : memref<13x256x16xf32, #tpu.memory_space<vmem>>, vector<1x1x16xf32>,
        %get3A_3089 = vector.shape_cast %get3A_3088 : vector<1x1x16xf32> to vector<16xf32>
        %slice3A_3090 = vector.extract_strided_slice %get3A_1306 {offsets = [11], sizes = [1], strides = [1]} : vector<16xf32> to vector<1xf32>
        %squeeze3A_3091 = vector.extract %slice3A_3090[0] : f32 from vector<1xf32>
        %mul3A_3092 = vector.broadcast %squeeze3A_3091 : f32 to vector<16xf32>
        %mul3A_3093 = arith.mulf %get3A_3089, %mul3A_3092 : vector<16xf32>
        %add3A_3094 = arith.addf %add3A_3083, %mul3A_3093 : vector<16xf32>
        %get3A_3095 = arith.constant 6 : i32
        %get3A_3096 = arith.index_cast %get3A_3095 : i32 to index
        %get3A_3097 = arith.index_cast %add3A_3028 : i32 to index
        %get3A_3098 = arith.constant 0 : index
        %get3A_3099 = tpu.vector_load %arg9[%get3A_3096, %get3A_3097, %get3A_3098] {strides = array<i32>} : memref<13x256x16xf32, #tpu.memory_space<vmem>>, vector<1x1x16xf32>,
        %get3A_3100 = vector.shape_cast %get3A_3099 : vector<1x1x16xf32> to vector<16xf32>
        %slice3A_3101 = vector.extract_strided_slice %get3A_1313 {offsets = [11], sizes = [1], strides = [1]} : vector<16xf32> to vector<1xf32>
        %squeeze3A_3102 = vector.extract %slice3A_3101[0] : f32 from vector<1xf32>
        %mul3A_3103 = vector.broadcast %squeeze3A_3102 : f32 to vector<16xf32>
        %mul3A_3104 = arith.mulf %get3A_3100, %mul3A_3103 : vector<16xf32>
        %add3A_3105 = arith.addf %add3A_3094, %mul3A_3104 : vector<16xf32>
        %get3A_3106 = arith.constant 7 : i32
        %get3A_3107 = arith.index_cast %get3A_3106 : i32 to index
        %get3A_3108 = arith.index_cast %add3A_3028 : i32 to index
        %get3A_3109 = arith.constant 0 : index
        %get3A_3110 = tpu.vector_load %arg9[%get3A_3107, %get3A_3108, %get3A_3109] {strides = array<i32>} : memref<13x256x16xf32, #tpu.memory_space<vmem>>, vector<1x1x16xf32>,
        %get3A_3111 = vector.shape_cast %get3A_3110 : vector<1x1x16xf32> to vector<16xf32>
        %slice3A_3112 = vector.extract_strided_slice %get3A_1320 {offsets = [11], sizes = [1], strides = [1]} : vector<16xf32> to vector<1xf32>
        %squeeze3A_3113 = vector.extract %slice3A_3112[0] : f32 from vector<1xf32>
        %mul3A_3114 = vector.broadcast %squeeze3A_3113 : f32 to vector<16xf32>
        %mul3A_3115 = arith.mulf %get3A_3111, %mul3A_3114 : vector<16xf32>
        %add3A_3116 = arith.addf %add3A_3105, %mul3A_3115 : vector<16xf32>
        %get3A_3117 = arith.constant 8 : i32
        %get3A_3118 = arith.index_cast %get3A_3117 : i32 to index
        %get3A_3119 = arith.index_cast %add3A_3028 : i32 to index
        %get3A_3120 = arith.constant 0 : index
        %get3A_3121 = tpu.vector_load %arg9[%get3A_3118, %get3A_3119, %get3A_3120] {strides = array<i32>} : memref<13x256x16xf32, #tpu.memory_space<vmem>>, vector<1x1x16xf32>,
        %get3A_3122 = vector.shape_cast %get3A_3121 : vector<1x1x16xf32> to vector<16xf32>
        %slice3A_3123 = vector.extract_strided_slice %get3A_1327 {offsets = [11], sizes = [1], strides = [1]} : vector<16xf32> to vector<1xf32>
        %squeeze3A_3124 = vector.extract %slice3A_3123[0] : f32 from vector<1xf32>
        %mul3A_3125 = vector.broadcast %squeeze3A_3124 : f32 to vector<16xf32>
        %mul3A_3126 = arith.mulf %get3A_3122, %mul3A_3125 : vector<16xf32>
        %add3A_3127 = arith.addf %add3A_3116, %mul3A_3126 : vector<16xf32>
        %get3A_3128 = arith.constant 9 : i32
        %get3A_3129 = arith.index_cast %get3A_3128 : i32 to index
        %get3A_3130 = arith.index_cast %add3A_3028 : i32 to index
        %get3A_3131 = arith.constant 0 : index
        %get3A_3132 = tpu.vector_load %arg9[%get3A_3129, %get3A_3130, %get3A_3131] {strides = array<i32>} : memref<13x256x16xf32, #tpu.memory_space<vmem>>, vector<1x1x16xf32>,
        %get3A_3133 = vector.shape_cast %get3A_3132 : vector<1x1x16xf32> to vector<16xf32>
        %slice3A_3134 = vector.extract_strided_slice %get3A_1334 {offsets = [11], sizes = [1], strides = [1]} : vector<16xf32> to vector<1xf32>
        %squeeze3A_3135 = vector.extract %slice3A_3134[0] : f32 from vector<1xf32>
        %mul3A_3136 = vector.broadcast %squeeze3A_3135 : f32 to vector<16xf32>
        %mul3A_3137 = arith.mulf %get3A_3133, %mul3A_3136 : vector<16xf32>
        %add3A_3138 = arith.addf %add3A_3127, %mul3A_3137 : vector<16xf32>
        %get3A_3139 = arith.constant 10 : i32
        %get3A_3140 = arith.index_cast %get3A_3139 : i32 to index
        %get3A_3141 = arith.index_cast %add3A_3028 : i32 to index
        %get3A_3142 = arith.constant 0 : index
        %get3A_3143 = tpu.vector_load %arg9[%get3A_3140, %get3A_3141, %get3A_3142] {strides = array<i32>} : memref<13x256x16xf32, #tpu.memory_space<vmem>>, vector<1x1x16xf32>,
        %get3A_3144 = vector.shape_cast %get3A_3143 : vector<1x1x16xf32> to vector<16xf32>
        %slice3A_3145 = vector.extract_strided_slice %get3A_1341 {offsets = [11], sizes = [1], strides = [1]} : vector<16xf32> to vector<1xf32>
        %squeeze3A_3146 = vector.extract %slice3A_3145[0] : f32 from vector<1xf32>
        %mul3A_3147 = vector.broadcast %squeeze3A_3146 : f32 to vector<16xf32>
        %mul3A_3148 = arith.mulf %get3A_3144, %mul3A_3147 : vector<16xf32>
        %add3A_3149 = arith.addf %add3A_3138, %mul3A_3148 : vector<16xf32>
        %get3A_3150 = arith.constant 11 : i32
        %get3A_3151 = arith.index_cast %get3A_3150 : i32 to index
        %get3A_3152 = arith.index_cast %add3A_3028 : i32 to index
        %get3A_3153 = arith.constant 0 : index
        %get3A_3154 = tpu.vector_load %arg9[%get3A_3151, %get3A_3152, %get3A_3153] {strides = array<i32>} : memref<13x256x16xf32, #tpu.memory_space<vmem>>, vector<1x1x16xf32>,
        %get3A_3155 = vector.shape_cast %get3A_3154 : vector<1x1x16xf32> to vector<16xf32>
        %slice3A_3156 = vector.extract_strided_slice %get3A_1348 {offsets = [11], sizes = [1], strides = [1]} : vector<16xf32> to vector<1xf32>
        %squeeze3A_3157 = vector.extract %slice3A_3156[0] : f32 from vector<1xf32>
        %mul3A_3158 = vector.broadcast %squeeze3A_3157 : f32 to vector<16xf32>
        %mul3A_3159 = arith.mulf %get3A_3155, %mul3A_3158 : vector<16xf32>
        %add3A_3160 = arith.addf %add3A_3149, %mul3A_3159 : vector<16xf32>
        %get3A_3161 = arith.constant 12 : i32
        %get3A_3162 = arith.index_cast %get3A_3161 : i32 to index
        %get3A_3163 = arith.index_cast %add3A_3028 : i32 to index
        %get3A_3164 = arith.constant 0 : index
        %get3A_3165 = tpu.vector_load %arg9[%get3A_3162, %get3A_3163, %get3A_3164] {strides = array<i32>} : memref<13x256x16xf32, #tpu.memory_space<vmem>>, vector<1x1x16xf32>,
        %get3A_3166 = vector.shape_cast %get3A_3165 : vector<1x1x16xf32> to vector<16xf32>
        %slice3A_3167 = vector.extract_strided_slice %get3A_1355 {offsets = [11], sizes = [1], strides = [1]} : vector<16xf32> to vector<1xf32>
        %squeeze3A_3168 = vector.extract %slice3A_3167[0] : f32 from vector<1xf32>
        %mul3A_3169 = vector.broadcast %squeeze3A_3168 : f32 to vector<16xf32>
        %mul3A_3170 = arith.mulf %get3A_3166, %mul3A_3169 : vector<16xf32>
        %add3A_3171 = arith.addf %add3A_3160, %mul3A_3170 : vector<16xf32>
        %swap3A_3172 = arith.index_cast %add3A_3028 : i32 to index
        %swap3A_3173 = arith.constant 0 : index
        %swap3A_3174 = tpu.vector_load %arg10[%swap3A_3172, %swap3A_3173] {strides = array<i32>} : memref<256x16xf32, #tpu.memory_space<vmem>>, vector<1x16xf32>,
        %swap3A_3175 = vector.shape_cast %swap3A_3174 : vector<1x16xf32> to vector<16xf32>
        %swap3A_3176 = vector.shape_cast %add3A_3171 : vector<16xf32> to vector<1x16xf32>
        tpu.vector_store %arg10[%swap3A_3172, %swap3A_3173], %swap3A_3176 {strides = array<i32>} : memref<256x16xf32, #tpu.memory_space<vmem>>, vector<1x16xf32>,
        %mul3A_3177 = arith.constant 16 : i32
        %mul3A_3178 = arith.muli %scan3A_1264, %mul3A_3177 : i32
        %add3A_3179 = arith.constant 12 : i32
        %add3A_3180 = arith.addi %mul3A_3178, %add3A_3179 : i32
        %get3A_3181 = arith.constant 0 : i32
        %get3A_3182 = arith.index_cast %get3A_3181 : i32 to index
        %get3A_3183 = arith.index_cast %add3A_3180 : i32 to index
        %get3A_3184 = arith.constant 0 : index
        %get3A_3185 = tpu.vector_load %arg9[%get3A_3182, %get3A_3183, %get3A_3184] {strides = array<i32>} : memref<13x256x16xf32, #tpu.memory_space<vmem>>, vector<1x1x16xf32>,
        %get3A_3186 = vector.shape_cast %get3A_3185 : vector<1x1x16xf32> to vector<16xf32>
        %slice3A_3187 = vector.extract_strided_slice %get3A_1271 {offsets = [12], sizes = [1], strides = [1]} : vector<16xf32> to vector<1xf32>
        %squeeze3A_3188 = vector.extract %slice3A_3187[0] : f32 from vector<1xf32>
        %mul3A_3189 = vector.broadcast %squeeze3A_3188 : f32 to vector<16xf32>
        %mul3A_3190 = arith.mulf %get3A_3186, %mul3A_3189 : vector<16xf32>
        %add3A_3191 = arith.addf %get3A_684, %mul3A_3190 : vector<16xf32>
        %get3A_3192 = arith.constant 1 : i32
        %get3A_3193 = arith.index_cast %get3A_3192 : i32 to index
        %get3A_3194 = arith.index_cast %add3A_3180 : i32 to index
        %get3A_3195 = arith.constant 0 : index
        %get3A_3196 = tpu.vector_load %arg9[%get3A_3193, %get3A_3194, %get3A_3195] {strides = array<i32>} : memref<13x256x16xf32, #tpu.memory_space<vmem>>, vector<1x1x16xf32>,
        %get3A_3197 = vector.shape_cast %get3A_3196 : vector<1x1x16xf32> to vector<16xf32>
        %slice3A_3198 = vector.extract_strided_slice %get3A_1278 {offsets = [12], sizes = [1], strides = [1]} : vector<16xf32> to vector<1xf32>
        %squeeze3A_3199 = vector.extract %slice3A_3198[0] : f32 from vector<1xf32>
        %mul3A_3200 = vector.broadcast %squeeze3A_3199 : f32 to vector<16xf32>
        %mul3A_3201 = arith.mulf %get3A_3197, %mul3A_3200 : vector<16xf32>
        %add3A_3202 = arith.addf %add3A_3191, %mul3A_3201 : vector<16xf32>
        %get3A_3203 = arith.constant 2 : i32
        %get3A_3204 = arith.index_cast %get3A_3203 : i32 to index
        %get3A_3205 = arith.index_cast %add3A_3180 : i32 to index
        %get3A_3206 = arith.constant 0 : index
        %get3A_3207 = tpu.vector_load %arg9[%get3A_3204, %get3A_3205, %get3A_3206] {strides = array<i32>} : memref<13x256x16xf32, #tpu.memory_space<vmem>>, vector<1x1x16xf32>,
        %get3A_3208 = vector.shape_cast %get3A_3207 : vector<1x1x16xf32> to vector<16xf32>
        %slice3A_3209 = vector.extract_strided_slice %get3A_1285 {offsets = [12], sizes = [1], strides = [1]} : vector<16xf32> to vector<1xf32>
        %squeeze3A_3210 = vector.extract %slice3A_3209[0] : f32 from vector<1xf32>
        %mul3A_3211 = vector.broadcast %squeeze3A_3210 : f32 to vector<16xf32>
        %mul3A_3212 = arith.mulf %get3A_3208, %mul3A_3211 : vector<16xf32>
        %add3A_3213 = arith.addf %add3A_3202, %mul3A_3212 : vector<16xf32>
        %get3A_3214 = arith.constant 3 : i32
        %get3A_3215 = arith.index_cast %get3A_3214 : i32 to index
        %get3A_3216 = arith.index_cast %add3A_3180 : i32 to index
        %get3A_3217 = arith.constant 0 : index
        %get3A_3218 = tpu.vector_load %arg9[%get3A_3215, %get3A_3216, %get3A_3217] {strides = array<i32>} : memref<13x256x16xf32, #tpu.memory_space<vmem>>, vector<1x1x16xf32>,
        %get3A_3219 = vector.shape_cast %get3A_3218 : vector<1x1x16xf32> to vector<16xf32>
        %slice3A_3220 = vector.extract_strided_slice %get3A_1292 {offsets = [12], sizes = [1], strides = [1]} : vector<16xf32> to vector<1xf32>
        %squeeze3A_3221 = vector.extract %slice3A_3220[0] : f32 from vector<1xf32>
        %mul3A_3222 = vector.broadcast %squeeze3A_3221 : f32 to vector<16xf32>
        %mul3A_3223 = arith.mulf %get3A_3219, %mul3A_3222 : vector<16xf32>
        %add3A_3224 = arith.addf %add3A_3213, %mul3A_3223 : vector<16xf32>
        %get3A_3225 = arith.constant 4 : i32
        %get3A_3226 = arith.index_cast %get3A_3225 : i32 to index
        %get3A_3227 = arith.index_cast %add3A_3180 : i32 to index
        %get3A_3228 = arith.constant 0 : index
        %get3A_3229 = tpu.vector_load %arg9[%get3A_3226, %get3A_3227, %get3A_3228] {strides = array<i32>} : memref<13x256x16xf32, #tpu.memory_space<vmem>>, vector<1x1x16xf32>,
        %get3A_3230 = vector.shape_cast %get3A_3229 : vector<1x1x16xf32> to vector<16xf32>
        %slice3A_3231 = vector.extract_strided_slice %get3A_1299 {offsets = [12], sizes = [1], strides = [1]} : vector<16xf32> to vector<1xf32>
        %squeeze3A_3232 = vector.extract %slice3A_3231[0] : f32 from vector<1xf32>
        %mul3A_3233 = vector.broadcast %squeeze3A_3232 : f32 to vector<16xf32>
        %mul3A_3234 = arith.mulf %get3A_3230, %mul3A_3233 : vector<16xf32>
        %add3A_3235 = arith.addf %add3A_3224, %mul3A_3234 : vector<16xf32>
        %get3A_3236 = arith.constant 5 : i32
        %get3A_3237 = arith.index_cast %get3A_3236 : i32 to index
        %get3A_3238 = arith.index_cast %add3A_3180 : i32 to index
        %get3A_3239 = arith.constant 0 : index
        %get3A_3240 = tpu.vector_load %arg9[%get3A_3237, %get3A_3238, %get3A_3239] {strides = array<i32>} : memref<13x256x16xf32, #tpu.memory_space<vmem>>, vector<1x1x16xf32>,
        %get3A_3241 = vector.shape_cast %get3A_3240 : vector<1x1x16xf32> to vector<16xf32>
        %slice3A_3242 = vector.extract_strided_slice %get3A_1306 {offsets = [12], sizes = [1], strides = [1]} : vector<16xf32> to vector<1xf32>
        %squeeze3A_3243 = vector.extract %slice3A_3242[0] : f32 from vector<1xf32>
        %mul3A_3244 = vector.broadcast %squeeze3A_3243 : f32 to vector<16xf32>
        %mul3A_3245 = arith.mulf %get3A_3241, %mul3A_3244 : vector<16xf32>
        %add3A_3246 = arith.addf %add3A_3235, %mul3A_3245 : vector<16xf32>
        %get3A_3247 = arith.constant 6 : i32
        %get3A_3248 = arith.index_cast %get3A_3247 : i32 to index
        %get3A_3249 = arith.index_cast %add3A_3180 : i32 to index
        %get3A_3250 = arith.constant 0 : index
        %get3A_3251 = tpu.vector_load %arg9[%get3A_3248, %get3A_3249, %get3A_3250] {strides = array<i32>} : memref<13x256x16xf32, #tpu.memory_space<vmem>>, vector<1x1x16xf32>,
        %get3A_3252 = vector.shape_cast %get3A_3251 : vector<1x1x16xf32> to vector<16xf32>
        %slice3A_3253 = vector.extract_strided_slice %get3A_1313 {offsets = [12], sizes = [1], strides = [1]} : vector<16xf32> to vector<1xf32>
        %squeeze3A_3254 = vector.extract %slice3A_3253[0] : f32 from vector<1xf32>
        %mul3A_3255 = vector.broadcast %squeeze3A_3254 : f32 to vector<16xf32>
        %mul3A_3256 = arith.mulf %get3A_3252, %mul3A_3255 : vector<16xf32>
        %add3A_3257 = arith.addf %add3A_3246, %mul3A_3256 : vector<16xf32>
        %get3A_3258 = arith.constant 7 : i32
        %get3A_3259 = arith.index_cast %get3A_3258 : i32 to index
        %get3A_3260 = arith.index_cast %add3A_3180 : i32 to index
        %get3A_3261 = arith.constant 0 : index
        %get3A_3262 = tpu.vector_load %arg9[%get3A_3259, %get3A_3260, %get3A_3261] {strides = array<i32>} : memref<13x256x16xf32, #tpu.memory_space<vmem>>, vector<1x1x16xf32>,
        %get3A_3263 = vector.shape_cast %get3A_3262 : vector<1x1x16xf32> to vector<16xf32>
        %slice3A_3264 = vector.extract_strided_slice %get3A_1320 {offsets = [12], sizes = [1], strides = [1]} : vector<16xf32> to vector<1xf32>
        %squeeze3A_3265 = vector.extract %slice3A_3264[0] : f32 from vector<1xf32>
        %mul3A_3266 = vector.broadcast %squeeze3A_3265 : f32 to vector<16xf32>
        %mul3A_3267 = arith.mulf %get3A_3263, %mul3A_3266 : vector<16xf32>
        %add3A_3268 = arith.addf %add3A_3257, %mul3A_3267 : vector<16xf32>
        %get3A_3269 = arith.constant 8 : i32
        %get3A_3270 = arith.index_cast %get3A_3269 : i32 to index
        %get3A_3271 = arith.index_cast %add3A_3180 : i32 to index
        %get3A_3272 = arith.constant 0 : index
        %get3A_3273 = tpu.vector_load %arg9[%get3A_3270, %get3A_3271, %get3A_3272] {strides = array<i32>} : memref<13x256x16xf32, #tpu.memory_space<vmem>>, vector<1x1x16xf32>,
        %get3A_3274 = vector.shape_cast %get3A_3273 : vector<1x1x16xf32> to vector<16xf32>
        %slice3A_3275 = vector.extract_strided_slice %get3A_1327 {offsets = [12], sizes = [1], strides = [1]} : vector<16xf32> to vector<1xf32>
        %squeeze3A_3276 = vector.extract %slice3A_3275[0] : f32 from vector<1xf32>
        %mul3A_3277 = vector.broadcast %squeeze3A_3276 : f32 to vector<16xf32>
        %mul3A_3278 = arith.mulf %get3A_3274, %mul3A_3277 : vector<16xf32>
        %add3A_3279 = arith.addf %add3A_3268, %mul3A_3278 : vector<16xf32>
        %get3A_3280 = arith.constant 9 : i32
        %get3A_3281 = arith.index_cast %get3A_3280 : i32 to index
        %get3A_3282 = arith.index_cast %add3A_3180 : i32 to index
        %get3A_3283 = arith.constant 0 : index
        %get3A_3284 = tpu.vector_load %arg9[%get3A_3281, %get3A_3282, %get3A_3283] {strides = array<i32>} : memref<13x256x16xf32, #tpu.memory_space<vmem>>, vector<1x1x16xf32>,
        %get3A_3285 = vector.shape_cast %get3A_3284 : vector<1x1x16xf32> to vector<16xf32>
        %slice3A_3286 = vector.extract_strided_slice %get3A_1334 {offsets = [12], sizes = [1], strides = [1]} : vector<16xf32> to vector<1xf32>
        %squeeze3A_3287 = vector.extract %slice3A_3286[0] : f32 from vector<1xf32>
        %mul3A_3288 = vector.broadcast %squeeze3A_3287 : f32 to vector<16xf32>
        %mul3A_3289 = arith.mulf %get3A_3285, %mul3A_3288 : vector<16xf32>
        %add3A_3290 = arith.addf %add3A_3279, %mul3A_3289 : vector<16xf32>
        %get3A_3291 = arith.constant 10 : i32
        %get3A_3292 = arith.index_cast %get3A_3291 : i32 to index
        %get3A_3293 = arith.index_cast %add3A_3180 : i32 to index
        %get3A_3294 = arith.constant 0 : index
        %get3A_3295 = tpu.vector_load %arg9[%get3A_3292, %get3A_3293, %get3A_3294] {strides = array<i32>} : memref<13x256x16xf32, #tpu.memory_space<vmem>>, vector<1x1x16xf32>,
        %get3A_3296 = vector.shape_cast %get3A_3295 : vector<1x1x16xf32> to vector<16xf32>
        %slice3A_3297 = vector.extract_strided_slice %get3A_1341 {offsets = [12], sizes = [1], strides = [1]} : vector<16xf32> to vector<1xf32>
        %squeeze3A_3298 = vector.extract %slice3A_3297[0] : f32 from vector<1xf32>
        %mul3A_3299 = vector.broadcast %squeeze3A_3298 : f32 to vector<16xf32>
        %mul3A_3300 = arith.mulf %get3A_3296, %mul3A_3299 : vector<16xf32>
        %add3A_3301 = arith.addf %add3A_3290, %mul3A_3300 : vector<16xf32>
        %get3A_3302 = arith.constant 11 : i32
        %get3A_3303 = arith.index_cast %get3A_3302 : i32 to index
        %get3A_3304 = arith.index_cast %add3A_3180 : i32 to index
        %get3A_3305 = arith.constant 0 : index
        %get3A_3306 = tpu.vector_load %arg9[%get3A_3303, %get3A_3304, %get3A_3305] {strides = array<i32>} : memref<13x256x16xf32, #tpu.memory_space<vmem>>, vector<1x1x16xf32>,
        %get3A_3307 = vector.shape_cast %get3A_3306 : vector<1x1x16xf32> to vector<16xf32>
        %slice3A_3308 = vector.extract_strided_slice %get3A_1348 {offsets = [12], sizes = [1], strides = [1]} : vector<16xf32> to vector<1xf32>
        %squeeze3A_3309 = vector.extract %slice3A_3308[0] : f32 from vector<1xf32>
        %mul3A_3310 = vector.broadcast %squeeze3A_3309 : f32 to vector<16xf32>
        %mul3A_3311 = arith.mulf %get3A_3307, %mul3A_3310 : vector<16xf32>
        %add3A_3312 = arith.addf %add3A_3301, %mul3A_3311 : vector<16xf32>
        %get3A_3313 = arith.constant 12 : i32
        %get3A_3314 = arith.index_cast %get3A_3313 : i32 to index
        %get3A_3315 = arith.index_cast %add3A_3180 : i32 to index
        %get3A_3316 = arith.constant 0 : index
        %get3A_3317 = tpu.vector_load %arg9[%get3A_3314, %get3A_3315, %get3A_3316] {strides = array<i32>} : memref<13x256x16xf32, #tpu.memory_space<vmem>>, vector<1x1x16xf32>,
        %get3A_3318 = vector.shape_cast %get3A_3317 : vector<1x1x16xf32> to vector<16xf32>
        %slice3A_3319 = vector.extract_strided_slice %get3A_1355 {offsets = [12], sizes = [1], strides = [1]} : vector<16xf32> to vector<1xf32>
        %squeeze3A_3320 = vector.extract %slice3A_3319[0] : f32 from vector<1xf32>
        %mul3A_3321 = vector.broadcast %squeeze3A_3320 : f32 to vector<16xf32>
        %mul3A_3322 = arith.mulf %get3A_3318, %mul3A_3321 : vector<16xf32>
        %add3A_3323 = arith.addf %add3A_3312, %mul3A_3322 : vector<16xf32>
        %swap3A_3324 = arith.index_cast %add3A_3180 : i32 to index
        %swap3A_3325 = arith.constant 0 : index
        %swap3A_3326 = tpu.vector_load %arg10[%swap3A_3324, %swap3A_3325] {strides = array<i32>} : memref<256x16xf32, #tpu.memory_space<vmem>>, vector<1x16xf32>,
        %swap3A_3327 = vector.shape_cast %swap3A_3326 : vector<1x16xf32> to vector<16xf32>
        %swap3A_3328 = vector.shape_cast %add3A_3323 : vector<16xf32> to vector<1x16xf32>
        tpu.vector_store %arg10[%swap3A_3324, %swap3A_3325], %swap3A_3328 {strides = array<i32>} : memref<256x16xf32, #tpu.memory_space<vmem>>, vector<1x16xf32>,
        %mul3A_3329 = arith.constant 16 : i32
        %mul3A_3330 = arith.muli %scan3A_1264, %mul3A_3329 : i32
        %add3A_3331 = arith.constant 13 : i32
        %add3A_3332 = arith.addi %mul3A_3330, %add3A_3331 : i32
        %get3A_3333 = arith.constant 0 : i32
        %get3A_3334 = arith.index_cast %get3A_3333 : i32 to index
        %get3A_3335 = arith.index_cast %add3A_3332 : i32 to index
        %get3A_3336 = arith.constant 0 : index
        %get3A_3337 = tpu.vector_load %arg9[%get3A_3334, %get3A_3335, %get3A_3336] {strides = array<i32>} : memref<13x256x16xf32, #tpu.memory_space<vmem>>, vector<1x1x16xf32>,
        %get3A_3338 = vector.shape_cast %get3A_3337 : vector<1x1x16xf32> to vector<16xf32>
        %slice3A_3339 = vector.extract_strided_slice %get3A_1271 {offsets = [13], sizes = [1], strides = [1]} : vector<16xf32> to vector<1xf32>
        %squeeze3A_3340 = vector.extract %slice3A_3339[0] : f32 from vector<1xf32>
        %mul3A_3341 = vector.broadcast %squeeze3A_3340 : f32 to vector<16xf32>
        %mul3A_3342 = arith.mulf %get3A_3338, %mul3A_3341 : vector<16xf32>
        %add3A_3343 = arith.addf %get3A_684, %mul3A_3342 : vector<16xf32>
        %get3A_3344 = arith.constant 1 : i32
        %get3A_3345 = arith.index_cast %get3A_3344 : i32 to index
        %get3A_3346 = arith.index_cast %add3A_3332 : i32 to index
        %get3A_3347 = arith.constant 0 : index
        %get3A_3348 = tpu.vector_load %arg9[%get3A_3345, %get3A_3346, %get3A_3347] {strides = array<i32>} : memref<13x256x16xf32, #tpu.memory_space<vmem>>, vector<1x1x16xf32>,
        %get3A_3349 = vector.shape_cast %get3A_3348 : vector<1x1x16xf32> to vector<16xf32>
        %slice3A_3350 = vector.extract_strided_slice %get3A_1278 {offsets = [13], sizes = [1], strides = [1]} : vector<16xf32> to vector<1xf32>
        %squeeze3A_3351 = vector.extract %slice3A_3350[0] : f32 from vector<1xf32>
        %mul3A_3352 = vector.broadcast %squeeze3A_3351 : f32 to vector<16xf32>
        %mul3A_3353 = arith.mulf %get3A_3349, %mul3A_3352 : vector<16xf32>
        %add3A_3354 = arith.addf %add3A_3343, %mul3A_3353 : vector<16xf32>
        %get3A_3355 = arith.constant 2 : i32
        %get3A_3356 = arith.index_cast %get3A_3355 : i32 to index
        %get3A_3357 = arith.index_cast %add3A_3332 : i32 to index
        %get3A_3358 = arith.constant 0 : index
        %get3A_3359 = tpu.vector_load %arg9[%get3A_3356, %get3A_3357, %get3A_3358] {strides = array<i32>} : memref<13x256x16xf32, #tpu.memory_space<vmem>>, vector<1x1x16xf32>,
        %get3A_3360 = vector.shape_cast %get3A_3359 : vector<1x1x16xf32> to vector<16xf32>
        %slice3A_3361 = vector.extract_strided_slice %get3A_1285 {offsets = [13], sizes = [1], strides = [1]} : vector<16xf32> to vector<1xf32>
        %squeeze3A_3362 = vector.extract %slice3A_3361[0] : f32 from vector<1xf32>
        %mul3A_3363 = vector.broadcast %squeeze3A_3362 : f32 to vector<16xf32>
        %mul3A_3364 = arith.mulf %get3A_3360, %mul3A_3363 : vector<16xf32>
        %add3A_3365 = arith.addf %add3A_3354, %mul3A_3364 : vector<16xf32>
        %get3A_3366 = arith.constant 3 : i32
        %get3A_3367 = arith.index_cast %get3A_3366 : i32 to index
        %get3A_3368 = arith.index_cast %add3A_3332 : i32 to index
        %get3A_3369 = arith.constant 0 : index
        %get3A_3370 = tpu.vector_load %arg9[%get3A_3367, %get3A_3368, %get3A_3369] {strides = array<i32>} : memref<13x256x16xf32, #tpu.memory_space<vmem>>, vector<1x1x16xf32>,
        %get3A_3371 = vector.shape_cast %get3A_3370 : vector<1x1x16xf32> to vector<16xf32>
        %slice3A_3372 = vector.extract_strided_slice %get3A_1292 {offsets = [13], sizes = [1], strides = [1]} : vector<16xf32> to vector<1xf32>
        %squeeze3A_3373 = vector.extract %slice3A_3372[0] : f32 from vector<1xf32>
        %mul3A_3374 = vector.broadcast %squeeze3A_3373 : f32 to vector<16xf32>
        %mul3A_3375 = arith.mulf %get3A_3371, %mul3A_3374 : vector<16xf32>
        %add3A_3376 = arith.addf %add3A_3365, %mul3A_3375 : vector<16xf32>
        %get3A_3377 = arith.constant 4 : i32
        %get3A_3378 = arith.index_cast %get3A_3377 : i32 to index
        %get3A_3379 = arith.index_cast %add3A_3332 : i32 to index
        %get3A_3380 = arith.constant 0 : index
        %get3A_3381 = tpu.vector_load %arg9[%get3A_3378, %get3A_3379, %get3A_3380] {strides = array<i32>} : memref<13x256x16xf32, #tpu.memory_space<vmem>>, vector<1x1x16xf32>,
        %get3A_3382 = vector.shape_cast %get3A_3381 : vector<1x1x16xf32> to vector<16xf32>
        %slice3A_3383 = vector.extract_strided_slice %get3A_1299 {offsets = [13], sizes = [1], strides = [1]} : vector<16xf32> to vector<1xf32>
        %squeeze3A_3384 = vector.extract %slice3A_3383[0] : f32 from vector<1xf32>
        %mul3A_3385 = vector.broadcast %squeeze3A_3384 : f32 to vector<16xf32>
        %mul3A_3386 = arith.mulf %get3A_3382, %mul3A_3385 : vector<16xf32>
        %add3A_3387 = arith.addf %add3A_3376, %mul3A_3386 : vector<16xf32>
        %get3A_3388 = arith.constant 5 : i32
        %get3A_3389 = arith.index_cast %get3A_3388 : i32 to index
        %get3A_3390 = arith.index_cast %add3A_3332 : i32 to index
        %get3A_3391 = arith.constant 0 : index
        %get3A_3392 = tpu.vector_load %arg9[%get3A_3389, %get3A_3390, %get3A_3391] {strides = array<i32>} : memref<13x256x16xf32, #tpu.memory_space<vmem>>, vector<1x1x16xf32>,
        %get3A_3393 = vector.shape_cast %get3A_3392 : vector<1x1x16xf32> to vector<16xf32>
        %slice3A_3394 = vector.extract_strided_slice %get3A_1306 {offsets = [13], sizes = [1], strides = [1]} : vector<16xf32> to vector<1xf32>
        %squeeze3A_3395 = vector.extract %slice3A_3394[0] : f32 from vector<1xf32>
        %mul3A_3396 = vector.broadcast %squeeze3A_3395 : f32 to vector<16xf32>
        %mul3A_3397 = arith.mulf %get3A_3393, %mul3A_3396 : vector<16xf32>
        %add3A_3398 = arith.addf %add3A_3387, %mul3A_3397 : vector<16xf32>
        %get3A_3399 = arith.constant 6 : i32
        %get3A_3400 = arith.index_cast %get3A_3399 : i32 to index
        %get3A_3401 = arith.index_cast %add3A_3332 : i32 to index
        %get3A_3402 = arith.constant 0 : index
        %get3A_3403 = tpu.vector_load %arg9[%get3A_3400, %get3A_3401, %get3A_3402] {strides = array<i32>} : memref<13x256x16xf32, #tpu.memory_space<vmem>>, vector<1x1x16xf32>,
        %get3A_3404 = vector.shape_cast %get3A_3403 : vector<1x1x16xf32> to vector<16xf32>
        %slice3A_3405 = vector.extract_strided_slice %get3A_1313 {offsets = [13], sizes = [1], strides = [1]} : vector<16xf32> to vector<1xf32>
        %squeeze3A_3406 = vector.extract %slice3A_3405[0] : f32 from vector<1xf32>
        %mul3A_3407 = vector.broadcast %squeeze3A_3406 : f32 to vector<16xf32>
        %mul3A_3408 = arith.mulf %get3A_3404, %mul3A_3407 : vector<16xf32>
        %add3A_3409 = arith.addf %add3A_3398, %mul3A_3408 : vector<16xf32>
        %get3A_3410 = arith.constant 7 : i32
        %get3A_3411 = arith.index_cast %get3A_3410 : i32 to index
        %get3A_3412 = arith.index_cast %add3A_3332 : i32 to index
        %get3A_3413 = arith.constant 0 : index
        %get3A_3414 = tpu.vector_load %arg9[%get3A_3411, %get3A_3412, %get3A_3413] {strides = array<i32>} : memref<13x256x16xf32, #tpu.memory_space<vmem>>, vector<1x1x16xf32>,
        %get3A_3415 = vector.shape_cast %get3A_3414 : vector<1x1x16xf32> to vector<16xf32>
        %slice3A_3416 = vector.extract_strided_slice %get3A_1320 {offsets = [13], sizes = [1], strides = [1]} : vector<16xf32> to vector<1xf32>
        %squeeze3A_3417 = vector.extract %slice3A_3416[0] : f32 from vector<1xf32>
        %mul3A_3418 = vector.broadcast %squeeze3A_3417 : f32 to vector<16xf32>
        %mul3A_3419 = arith.mulf %get3A_3415, %mul3A_3418 : vector<16xf32>
        %add3A_3420 = arith.addf %add3A_3409, %mul3A_3419 : vector<16xf32>
        %get3A_3421 = arith.constant 8 : i32
        %get3A_3422 = arith.index_cast %get3A_3421 : i32 to index
        %get3A_3423 = arith.index_cast %add3A_3332 : i32 to index
        %get3A_3424 = arith.constant 0 : index
        %get3A_3425 = tpu.vector_load %arg9[%get3A_3422, %get3A_3423, %get3A_3424] {strides = array<i32>} : memref<13x256x16xf32, #tpu.memory_space<vmem>>, vector<1x1x16xf32>,
        %get3A_3426 = vector.shape_cast %get3A_3425 : vector<1x1x16xf32> to vector<16xf32>
        %slice3A_3427 = vector.extract_strided_slice %get3A_1327 {offsets = [13], sizes = [1], strides = [1]} : vector<16xf32> to vector<1xf32>
        %squeeze3A_3428 = vector.extract %slice3A_3427[0] : f32 from vector<1xf32>
        %mul3A_3429 = vector.broadcast %squeeze3A_3428 : f32 to vector<16xf32>
        %mul3A_3430 = arith.mulf %get3A_3426, %mul3A_3429 : vector<16xf32>
        %add3A_3431 = arith.addf %add3A_3420, %mul3A_3430 : vector<16xf32>
        %get3A_3432 = arith.constant 9 : i32
        %get3A_3433 = arith.index_cast %get3A_3432 : i32 to index
        %get3A_3434 = arith.index_cast %add3A_3332 : i32 to index
        %get3A_3435 = arith.constant 0 : index
        %get3A_3436 = tpu.vector_load %arg9[%get3A_3433, %get3A_3434, %get3A_3435] {strides = array<i32>} : memref<13x256x16xf32, #tpu.memory_space<vmem>>, vector<1x1x16xf32>,
        %get3A_3437 = vector.shape_cast %get3A_3436 : vector<1x1x16xf32> to vector<16xf32>
        %slice3A_3438 = vector.extract_strided_slice %get3A_1334 {offsets = [13], sizes = [1], strides = [1]} : vector<16xf32> to vector<1xf32>
        %squeeze3A_3439 = vector.extract %slice3A_3438[0] : f32 from vector<1xf32>
        %mul3A_3440 = vector.broadcast %squeeze3A_3439 : f32 to vector<16xf32>
        %mul3A_3441 = arith.mulf %get3A_3437, %mul3A_3440 : vector<16xf32>
        %add3A_3442 = arith.addf %add3A_3431, %mul3A_3441 : vector<16xf32>
        %get3A_3443 = arith.constant 10 : i32
        %get3A_3444 = arith.index_cast %get3A_3443 : i32 to index
        %get3A_3445 = arith.index_cast %add3A_3332 : i32 to index
        %get3A_3446 = arith.constant 0 : index
        %get3A_3447 = tpu.vector_load %arg9[%get3A_3444, %get3A_3445, %get3A_3446] {strides = array<i32>} : memref<13x256x16xf32, #tpu.memory_space<vmem>>, vector<1x1x16xf32>,
        %get3A_3448 = vector.shape_cast %get3A_3447 : vector<1x1x16xf32> to vector<16xf32>
        %slice3A_3449 = vector.extract_strided_slice %get3A_1341 {offsets = [13], sizes = [1], strides = [1]} : vector<16xf32> to vector<1xf32>
        %squeeze3A_3450 = vector.extract %slice3A_3449[0] : f32 from vector<1xf32>
        %mul3A_3451 = vector.broadcast %squeeze3A_3450 : f32 to vector<16xf32>
        %mul3A_3452 = arith.mulf %get3A_3448, %mul3A_3451 : vector<16xf32>
        %add3A_3453 = arith.addf %add3A_3442, %mul3A_3452 : vector<16xf32>
        %get3A_3454 = arith.constant 11 : i32
        %get3A_3455 = arith.index_cast %get3A_3454 : i32 to index
        %get3A_3456 = arith.index_cast %add3A_3332 : i32 to index
        %get3A_3457 = arith.constant 0 : index
        %get3A_3458 = tpu.vector_load %arg9[%get3A_3455, %get3A_3456, %get3A_3457] {strides = array<i32>} : memref<13x256x16xf32, #tpu.memory_space<vmem>>, vector<1x1x16xf32>,
        %get3A_3459 = vector.shape_cast %get3A_3458 : vector<1x1x16xf32> to vector<16xf32>
        %slice3A_3460 = vector.extract_strided_slice %get3A_1348 {offsets = [13], sizes = [1], strides = [1]} : vector<16xf32> to vector<1xf32>
        %squeeze3A_3461 = vector.extract %slice3A_3460[0] : f32 from vector<1xf32>
        %mul3A_3462 = vector.broadcast %squeeze3A_3461 : f32 to vector<16xf32>
        %mul3A_3463 = arith.mulf %get3A_3459, %mul3A_3462 : vector<16xf32>
        %add3A_3464 = arith.addf %add3A_3453, %mul3A_3463 : vector<16xf32>
        %get3A_3465 = arith.constant 12 : i32
        %get3A_3466 = arith.index_cast %get3A_3465 : i32 to index
        %get3A_3467 = arith.index_cast %add3A_3332 : i32 to index
        %get3A_3468 = arith.constant 0 : index
        %get3A_3469 = tpu.vector_load %arg9[%get3A_3466, %get3A_3467, %get3A_3468] {strides = array<i32>} : memref<13x256x16xf32, #tpu.memory_space<vmem>>, vector<1x1x16xf32>,
        %get3A_3470 = vector.shape_cast %get3A_3469 : vector<1x1x16xf32> to vector<16xf32>
        %slice3A_3471 = vector.extract_strided_slice %get3A_1355 {offsets = [13], sizes = [1], strides = [1]} : vector<16xf32> to vector<1xf32>
        %squeeze3A_3472 = vector.extract %slice3A_3471[0] : f32 from vector<1xf32>
        %mul3A_3473 = vector.broadcast %squeeze3A_3472 : f32 to vector<16xf32>
        %mul3A_3474 = arith.mulf %get3A_3470, %mul3A_3473 : vector<16xf32>
        %add3A_3475 = arith.addf %add3A_3464, %mul3A_3474 : vector<16xf32>
        %swap3A_3476 = arith.index_cast %add3A_3332 : i32 to index
        %swap3A_3477 = arith.constant 0 : index
        %swap3A_3478 = tpu.vector_load %arg10[%swap3A_3476, %swap3A_3477] {strides = array<i32>} : memref<256x16xf32, #tpu.memory_space<vmem>>, vector<1x16xf32>,
        %swap3A_3479 = vector.shape_cast %swap3A_3478 : vector<1x16xf32> to vector<16xf32>
        %swap3A_3480 = vector.shape_cast %add3A_3475 : vector<16xf32> to vector<1x16xf32>
        tpu.vector_store %arg10[%swap3A_3476, %swap3A_3477], %swap3A_3480 {strides = array<i32>} : memref<256x16xf32, #tpu.memory_space<vmem>>, vector<1x16xf32>,
        %mul3A_3481 = arith.constant 16 : i32
        %mul3A_3482 = arith.muli %scan3A_1264, %mul3A_3481 : i32
        %add3A_3483 = arith.constant 14 : i32
        %add3A_3484 = arith.addi %mul3A_3482, %add3A_3483 : i32
        %get3A_3485 = arith.constant 0 : i32
        %get3A_3486 = arith.index_cast %get3A_3485 : i32 to index
        %get3A_3487 = arith.index_cast %add3A_3484 : i32 to index
        %get3A_3488 = arith.constant 0 : index
        %get3A_3489 = tpu.vector_load %arg9[%get3A_3486, %get3A_3487, %get3A_3488] {strides = array<i32>} : memref<13x256x16xf32, #tpu.memory_space<vmem>>, vector<1x1x16xf32>,
        %get3A_3490 = vector.shape_cast %get3A_3489 : vector<1x1x16xf32> to vector<16xf32>
        %slice3A_3491 = vector.extract_strided_slice %get3A_1271 {offsets = [14], sizes = [1], strides = [1]} : vector<16xf32> to vector<1xf32>
        %squeeze3A_3492 = vector.extract %slice3A_3491[0] : f32 from vector<1xf32>
        %mul3A_3493 = vector.broadcast %squeeze3A_3492 : f32 to vector<16xf32>
        %mul3A_3494 = arith.mulf %get3A_3490, %mul3A_3493 : vector<16xf32>
        %add3A_3495 = arith.addf %get3A_684, %mul3A_3494 : vector<16xf32>
        %get3A_3496 = arith.constant 1 : i32
        %get3A_3497 = arith.index_cast %get3A_3496 : i32 to index
        %get3A_3498 = arith.index_cast %add3A_3484 : i32 to index
        %get3A_3499 = arith.constant 0 : index
        %get3A_3500 = tpu.vector_load %arg9[%get3A_3497, %get3A_3498, %get3A_3499] {strides = array<i32>} : memref<13x256x16xf32, #tpu.memory_space<vmem>>, vector<1x1x16xf32>,
        %get3A_3501 = vector.shape_cast %get3A_3500 : vector<1x1x16xf32> to vector<16xf32>
        %slice3A_3502 = vector.extract_strided_slice %get3A_1278 {offsets = [14], sizes = [1], strides = [1]} : vector<16xf32> to vector<1xf32>
        %squeeze3A_3503 = vector.extract %slice3A_3502[0] : f32 from vector<1xf32>
        %mul3A_3504 = vector.broadcast %squeeze3A_3503 : f32 to vector<16xf32>
        %mul3A_3505 = arith.mulf %get3A_3501, %mul3A_3504 : vector<16xf32>
        %add3A_3506 = arith.addf %add3A_3495, %mul3A_3505 : vector<16xf32>
        %get3A_3507 = arith.constant 2 : i32
        %get3A_3508 = arith.index_cast %get3A_3507 : i32 to index
        %get3A_3509 = arith.index_cast %add3A_3484 : i32 to index
        %get3A_3510 = arith.constant 0 : index
        %get3A_3511 = tpu.vector_load %arg9[%get3A_3508, %get3A_3509, %get3A_3510] {strides = array<i32>} : memref<13x256x16xf32, #tpu.memory_space<vmem>>, vector<1x1x16xf32>,
        %get3A_3512 = vector.shape_cast %get3A_3511 : vector<1x1x16xf32> to vector<16xf32>
        %slice3A_3513 = vector.extract_strided_slice %get3A_1285 {offsets = [14], sizes = [1], strides = [1]} : vector<16xf32> to vector<1xf32>
        %squeeze3A_3514 = vector.extract %slice3A_3513[0] : f32 from vector<1xf32>
        %mul3A_3515 = vector.broadcast %squeeze3A_3514 : f32 to vector<16xf32>
        %mul3A_3516 = arith.mulf %get3A_3512, %mul3A_3515 : vector<16xf32>
        %add3A_3517 = arith.addf %add3A_3506, %mul3A_3516 : vector<16xf32>
        %get3A_3518 = arith.constant 3 : i32
        %get3A_3519 = arith.index_cast %get3A_3518 : i32 to index
        %get3A_3520 = arith.index_cast %add3A_3484 : i32 to index
        %get3A_3521 = arith.constant 0 : index
        %get3A_3522 = tpu.vector_load %arg9[%get3A_3519, %get3A_3520, %get3A_3521] {strides = array<i32>} : memref<13x256x16xf32, #tpu.memory_space<vmem>>, vector<1x1x16xf32>,
        %get3A_3523 = vector.shape_cast %get3A_3522 : vector<1x1x16xf32> to vector<16xf32>
        %slice3A_3524 = vector.extract_strided_slice %get3A_1292 {offsets = [14], sizes = [1], strides = [1]} : vector<16xf32> to vector<1xf32>
        %squeeze3A_3525 = vector.extract %slice3A_3524[0] : f32 from vector<1xf32>
        %mul3A_3526 = vector.broadcast %squeeze3A_3525 : f32 to vector<16xf32>
        %mul3A_3527 = arith.mulf %get3A_3523, %mul3A_3526 : vector<16xf32>
        %add3A_3528 = arith.addf %add3A_3517, %mul3A_3527 : vector<16xf32>
        %get3A_3529 = arith.constant 4 : i32
        %get3A_3530 = arith.index_cast %get3A_3529 : i32 to index
        %get3A_3531 = arith.index_cast %add3A_3484 : i32 to index
        %get3A_3532 = arith.constant 0 : index
        %get3A_3533 = tpu.vector_load %arg9[%get3A_3530, %get3A_3531, %get3A_3532] {strides = array<i32>} : memref<13x256x16xf32, #tpu.memory_space<vmem>>, vector<1x1x16xf32>,
        %get3A_3534 = vector.shape_cast %get3A_3533 : vector<1x1x16xf32> to vector<16xf32>
        %slice3A_3535 = vector.extract_strided_slice %get3A_1299 {offsets = [14], sizes = [1], strides = [1]} : vector<16xf32> to vector<1xf32>
        %squeeze3A_3536 = vector.extract %slice3A_3535[0] : f32 from vector<1xf32>
        %mul3A_3537 = vector.broadcast %squeeze3A_3536 : f32 to vector<16xf32>
        %mul3A_3538 = arith.mulf %get3A_3534, %mul3A_3537 : vector<16xf32>
        %add3A_3539 = arith.addf %add3A_3528, %mul3A_3538 : vector<16xf32>
        %get3A_3540 = arith.constant 5 : i32
        %get3A_3541 = arith.index_cast %get3A_3540 : i32 to index
        %get3A_3542 = arith.index_cast %add3A_3484 : i32 to index
        %get3A_3543 = arith.constant 0 : index
        %get3A_3544 = tpu.vector_load %arg9[%get3A_3541, %get3A_3542, %get3A_3543] {strides = array<i32>} : memref<13x256x16xf32, #tpu.memory_space<vmem>>, vector<1x1x16xf32>,
        %get3A_3545 = vector.shape_cast %get3A_3544 : vector<1x1x16xf32> to vector<16xf32>
        %slice3A_3546 = vector.extract_strided_slice %get3A_1306 {offsets = [14], sizes = [1], strides = [1]} : vector<16xf32> to vector<1xf32>
        %squeeze3A_3547 = vector.extract %slice3A_3546[0] : f32 from vector<1xf32>
        %mul3A_3548 = vector.broadcast %squeeze3A_3547 : f32 to vector<16xf32>
        %mul3A_3549 = arith.mulf %get3A_3545, %mul3A_3548 : vector<16xf32>
        %add3A_3550 = arith.addf %add3A_3539, %mul3A_3549 : vector<16xf32>
        %get3A_3551 = arith.constant 6 : i32
        %get3A_3552 = arith.index_cast %get3A_3551 : i32 to index
        %get3A_3553 = arith.index_cast %add3A_3484 : i32 to index
        %get3A_3554 = arith.constant 0 : index
        %get3A_3555 = tpu.vector_load %arg9[%get3A_3552, %get3A_3553, %get3A_3554] {strides = array<i32>} : memref<13x256x16xf32, #tpu.memory_space<vmem>>, vector<1x1x16xf32>,
        %get3A_3556 = vector.shape_cast %get3A_3555 : vector<1x1x16xf32> to vector<16xf32>
        %slice3A_3557 = vector.extract_strided_slice %get3A_1313 {offsets = [14], sizes = [1], strides = [1]} : vector<16xf32> to vector<1xf32>
        %squeeze3A_3558 = vector.extract %slice3A_3557[0] : f32 from vector<1xf32>
        %mul3A_3559 = vector.broadcast %squeeze3A_3558 : f32 to vector<16xf32>
        %mul3A_3560 = arith.mulf %get3A_3556, %mul3A_3559 : vector<16xf32>
        %add3A_3561 = arith.addf %add3A_3550, %mul3A_3560 : vector<16xf32>
        %get3A_3562 = arith.constant 7 : i32
        %get3A_3563 = arith.index_cast %get3A_3562 : i32 to index
        %get3A_3564 = arith.index_cast %add3A_3484 : i32 to index
        %get3A_3565 = arith.constant 0 : index
        %get3A_3566 = tpu.vector_load %arg9[%get3A_3563, %get3A_3564, %get3A_3565] {strides = array<i32>} : memref<13x256x16xf32, #tpu.memory_space<vmem>>, vector<1x1x16xf32>,
        %get3A_3567 = vector.shape_cast %get3A_3566 : vector<1x1x16xf32> to vector<16xf32>
        %slice3A_3568 = vector.extract_strided_slice %get3A_1320 {offsets = [14], sizes = [1], strides = [1]} : vector<16xf32> to vector<1xf32>
        %squeeze3A_3569 = vector.extract %slice3A_3568[0] : f32 from vector<1xf32>
        %mul3A_3570 = vector.broadcast %squeeze3A_3569 : f32 to vector<16xf32>
        %mul3A_3571 = arith.mulf %get3A_3567, %mul3A_3570 : vector<16xf32>
        %add3A_3572 = arith.addf %add3A_3561, %mul3A_3571 : vector<16xf32>
        %get3A_3573 = arith.constant 8 : i32
        %get3A_3574 = arith.index_cast %get3A_3573 : i32 to index
        %get3A_3575 = arith.index_cast %add3A_3484 : i32 to index
        %get3A_3576 = arith.constant 0 : index
        %get3A_3577 = tpu.vector_load %arg9[%get3A_3574, %get3A_3575, %get3A_3576] {strides = array<i32>} : memref<13x256x16xf32, #tpu.memory_space<vmem>>, vector<1x1x16xf32>,
        %get3A_3578 = vector.shape_cast %get3A_3577 : vector<1x1x16xf32> to vector<16xf32>
        %slice3A_3579 = vector.extract_strided_slice %get3A_1327 {offsets = [14], sizes = [1], strides = [1]} : vector<16xf32> to vector<1xf32>
        %squeeze3A_3580 = vector.extract %slice3A_3579[0] : f32 from vector<1xf32>
        %mul3A_3581 = vector.broadcast %squeeze3A_3580 : f32 to vector<16xf32>
        %mul3A_3582 = arith.mulf %get3A_3578, %mul3A_3581 : vector<16xf32>
        %add3A_3583 = arith.addf %add3A_3572, %mul3A_3582 : vector<16xf32>
        %get3A_3584 = arith.constant 9 : i32
        %get3A_3585 = arith.index_cast %get3A_3584 : i32 to index
        %get3A_3586 = arith.index_cast %add3A_3484 : i32 to index
        %get3A_3587 = arith.constant 0 : index
        %get3A_3588 = tpu.vector_load %arg9[%get3A_3585, %get3A_3586, %get3A_3587] {strides = array<i32>} : memref<13x256x16xf32, #tpu.memory_space<vmem>>, vector<1x1x16xf32>,
        %get3A_3589 = vector.shape_cast %get3A_3588 : vector<1x1x16xf32> to vector<16xf32>
        %slice3A_3590 = vector.extract_strided_slice %get3A_1334 {offsets = [14], sizes = [1], strides = [1]} : vector<16xf32> to vector<1xf32>
        %squeeze3A_3591 = vector.extract %slice3A_3590[0] : f32 from vector<1xf32>
        %mul3A_3592 = vector.broadcast %squeeze3A_3591 : f32 to vector<16xf32>
        %mul3A_3593 = arith.mulf %get3A_3589, %mul3A_3592 : vector<16xf32>
        %add3A_3594 = arith.addf %add3A_3583, %mul3A_3593 : vector<16xf32>
        %get3A_3595 = arith.constant 10 : i32
        %get3A_3596 = arith.index_cast %get3A_3595 : i32 to index
        %get3A_3597 = arith.index_cast %add3A_3484 : i32 to index
        %get3A_3598 = arith.constant 0 : index
        %get3A_3599 = tpu.vector_load %arg9[%get3A_3596, %get3A_3597, %get3A_3598] {strides = array<i32>} : memref<13x256x16xf32, #tpu.memory_space<vmem>>, vector<1x1x16xf32>,
        %get3A_3600 = vector.shape_cast %get3A_3599 : vector<1x1x16xf32> to vector<16xf32>
        %slice3A_3601 = vector.extract_strided_slice %get3A_1341 {offsets = [14], sizes = [1], strides = [1]} : vector<16xf32> to vector<1xf32>
        %squeeze3A_3602 = vector.extract %slice3A_3601[0] : f32 from vector<1xf32>
        %mul3A_3603 = vector.broadcast %squeeze3A_3602 : f32 to vector<16xf32>
        %mul3A_3604 = arith.mulf %get3A_3600, %mul3A_3603 : vector<16xf32>
        %add3A_3605 = arith.addf %add3A_3594, %mul3A_3604 : vector<16xf32>
        %get3A_3606 = arith.constant 11 : i32
        %get3A_3607 = arith.index_cast %get3A_3606 : i32 to index
        %get3A_3608 = arith.index_cast %add3A_3484 : i32 to index
        %get3A_3609 = arith.constant 0 : index
        %get3A_3610 = tpu.vector_load %arg9[%get3A_3607, %get3A_3608, %get3A_3609] {strides = array<i32>} : memref<13x256x16xf32, #tpu.memory_space<vmem>>, vector<1x1x16xf32>,
        %get3A_3611 = vector.shape_cast %get3A_3610 : vector<1x1x16xf32> to vector<16xf32>
        %slice3A_3612 = vector.extract_strided_slice %get3A_1348 {offsets = [14], sizes = [1], strides = [1]} : vector<16xf32> to vector<1xf32>
        %squeeze3A_3613 = vector.extract %slice3A_3612[0] : f32 from vector<1xf32>
        %mul3A_3614 = vector.broadcast %squeeze3A_3613 : f32 to vector<16xf32>
        %mul3A_3615 = arith.mulf %get3A_3611, %mul3A_3614 : vector<16xf32>
        %add3A_3616 = arith.addf %add3A_3605, %mul3A_3615 : vector<16xf32>
        %get3A_3617 = arith.constant 12 : i32
        %get3A_3618 = arith.index_cast %get3A_3617 : i32 to index
        %get3A_3619 = arith.index_cast %add3A_3484 : i32 to index
        %get3A_3620 = arith.constant 0 : index
        %get3A_3621 = tpu.vector_load %arg9[%get3A_3618, %get3A_3619, %get3A_3620] {strides = array<i32>} : memref<13x256x16xf32, #tpu.memory_space<vmem>>, vector<1x1x16xf32>,
        %get3A_3622 = vector.shape_cast %get3A_3621 : vector<1x1x16xf32> to vector<16xf32>
        %slice3A_3623 = vector.extract_strided_slice %get3A_1355 {offsets = [14], sizes = [1], strides = [1]} : vector<16xf32> to vector<1xf32>
        %squeeze3A_3624 = vector.extract %slice3A_3623[0] : f32 from vector<1xf32>
        %mul3A_3625 = vector.broadcast %squeeze3A_3624 : f32 to vector<16xf32>
        %mul3A_3626 = arith.mulf %get3A_3622, %mul3A_3625 : vector<16xf32>
        %add3A_3627 = arith.addf %add3A_3616, %mul3A_3626 : vector<16xf32>
        %swap3A_3628 = arith.index_cast %add3A_3484 : i32 to index
        %swap3A_3629 = arith.constant 0 : index
        %swap3A_3630 = tpu.vector_load %arg10[%swap3A_3628, %swap3A_3629] {strides = array<i32>} : memref<256x16xf32, #tpu.memory_space<vmem>>, vector<1x16xf32>,
        %swap3A_3631 = vector.shape_cast %swap3A_3630 : vector<1x16xf32> to vector<16xf32>
        %swap3A_3632 = vector.shape_cast %add3A_3627 : vector<16xf32> to vector<1x16xf32>
        tpu.vector_store %arg10[%swap3A_3628, %swap3A_3629], %swap3A_3632 {strides = array<i32>} : memref<256x16xf32, #tpu.memory_space<vmem>>, vector<1x16xf32>,
        %mul3A_3633 = arith.constant 16 : i32
        %mul3A_3634 = arith.muli %scan3A_1264, %mul3A_3633 : i32
        %add3A_3635 = arith.constant 15 : i32
        %add3A_3636 = arith.addi %mul3A_3634, %add3A_3635 : i32
        %get3A_3637 = arith.constant 0 : i32
        %get3A_3638 = arith.index_cast %get3A_3637 : i32 to index
        %get3A_3639 = arith.index_cast %add3A_3636 : i32 to index
        %get3A_3640 = arith.constant 0 : index
        %get3A_3641 = tpu.vector_load %arg9[%get3A_3638, %get3A_3639, %get3A_3640] {strides = array<i32>} : memref<13x256x16xf32, #tpu.memory_space<vmem>>, vector<1x1x16xf32>,
        %get3A_3642 = vector.shape_cast %get3A_3641 : vector<1x1x16xf32> to vector<16xf32>
        %slice3A_3643 = vector.extract_strided_slice %get3A_1271 {offsets = [15], sizes = [1], strides = [1]} : vector<16xf32> to vector<1xf32>
        %squeeze3A_3644 = vector.extract %slice3A_3643[0] : f32 from vector<1xf32>
        %mul3A_3645 = vector.broadcast %squeeze3A_3644 : f32 to vector<16xf32>
        %mul3A_3646 = arith.mulf %get3A_3642, %mul3A_3645 : vector<16xf32>
        %add3A_3647 = arith.addf %get3A_684, %mul3A_3646 : vector<16xf32>
        %get3A_3648 = arith.constant 1 : i32
        %get3A_3649 = arith.index_cast %get3A_3648 : i32 to index
        %get3A_3650 = arith.index_cast %add3A_3636 : i32 to index
        %get3A_3651 = arith.constant 0 : index
        %get3A_3652 = tpu.vector_load %arg9[%get3A_3649, %get3A_3650, %get3A_3651] {strides = array<i32>} : memref<13x256x16xf32, #tpu.memory_space<vmem>>, vector<1x1x16xf32>,
        %get3A_3653 = vector.shape_cast %get3A_3652 : vector<1x1x16xf32> to vector<16xf32>
        %slice3A_3654 = vector.extract_strided_slice %get3A_1278 {offsets = [15], sizes = [1], strides = [1]} : vector<16xf32> to vector<1xf32>
        %squeeze3A_3655 = vector.extract %slice3A_3654[0] : f32 from vector<1xf32>
        %mul3A_3656 = vector.broadcast %squeeze3A_3655 : f32 to vector<16xf32>
        %mul3A_3657 = arith.mulf %get3A_3653, %mul3A_3656 : vector<16xf32>
        %add3A_3658 = arith.addf %add3A_3647, %mul3A_3657 : vector<16xf32>
        %get3A_3659 = arith.constant 2 : i32
        %get3A_3660 = arith.index_cast %get3A_3659 : i32 to index
        %get3A_3661 = arith.index_cast %add3A_3636 : i32 to index
        %get3A_3662 = arith.constant 0 : index
        %get3A_3663 = tpu.vector_load %arg9[%get3A_3660, %get3A_3661, %get3A_3662] {strides = array<i32>} : memref<13x256x16xf32, #tpu.memory_space<vmem>>, vector<1x1x16xf32>,
        %get3A_3664 = vector.shape_cast %get3A_3663 : vector<1x1x16xf32> to vector<16xf32>
        %slice3A_3665 = vector.extract_strided_slice %get3A_1285 {offsets = [15], sizes = [1], strides = [1]} : vector<16xf32> to vector<1xf32>
        %squeeze3A_3666 = vector.extract %slice3A_3665[0] : f32 from vector<1xf32>
        %mul3A_3667 = vector.broadcast %squeeze3A_3666 : f32 to vector<16xf32>
        %mul3A_3668 = arith.mulf %get3A_3664, %mul3A_3667 : vector<16xf32>
        %add3A_3669 = arith.addf %add3A_3658, %mul3A_3668 : vector<16xf32>
        %get3A_3670 = arith.constant 3 : i32
        %get3A_3671 = arith.index_cast %get3A_3670 : i32 to index
        %get3A_3672 = arith.index_cast %add3A_3636 : i32 to index
        %get3A_3673 = arith.constant 0 : index
        %get3A_3674 = tpu.vector_load %arg9[%get3A_3671, %get3A_3672, %get3A_3673] {strides = array<i32>} : memref<13x256x16xf32, #tpu.memory_space<vmem>>, vector<1x1x16xf32>,
        %get3A_3675 = vector.shape_cast %get3A_3674 : vector<1x1x16xf32> to vector<16xf32>
        %slice3A_3676 = vector.extract_strided_slice %get3A_1292 {offsets = [15], sizes = [1], strides = [1]} : vector<16xf32> to vector<1xf32>
        %squeeze3A_3677 = vector.extract %slice3A_3676[0] : f32 from vector<1xf32>
        %mul3A_3678 = vector.broadcast %squeeze3A_3677 : f32 to vector<16xf32>
        %mul3A_3679 = arith.mulf %get3A_3675, %mul3A_3678 : vector<16xf32>
        %add3A_3680 = arith.addf %add3A_3669, %mul3A_3679 : vector<16xf32>
        %get3A_3681 = arith.constant 4 : i32
        %get3A_3682 = arith.index_cast %get3A_3681 : i32 to index
        %get3A_3683 = arith.index_cast %add3A_3636 : i32 to index
        %get3A_3684 = arith.constant 0 : index
        %get3A_3685 = tpu.vector_load %arg9[%get3A_3682, %get3A_3683, %get3A_3684] {strides = array<i32>} : memref<13x256x16xf32, #tpu.memory_space<vmem>>, vector<1x1x16xf32>,
        %get3A_3686 = vector.shape_cast %get3A_3685 : vector<1x1x16xf32> to vector<16xf32>
        %slice3A_3687 = vector.extract_strided_slice %get3A_1299 {offsets = [15], sizes = [1], strides = [1]} : vector<16xf32> to vector<1xf32>
        %squeeze3A_3688 = vector.extract %slice3A_3687[0] : f32 from vector<1xf32>
        %mul3A_3689 = vector.broadcast %squeeze3A_3688 : f32 to vector<16xf32>
        %mul3A_3690 = arith.mulf %get3A_3686, %mul3A_3689 : vector<16xf32>
        %add3A_3691 = arith.addf %add3A_3680, %mul3A_3690 : vector<16xf32>
        %get3A_3692 = arith.constant 5 : i32
        %get3A_3693 = arith.index_cast %get3A_3692 : i32 to index
        %get3A_3694 = arith.index_cast %add3A_3636 : i32 to index
        %get3A_3695 = arith.constant 0 : index
        %get3A_3696 = tpu.vector_load %arg9[%get3A_3693, %get3A_3694, %get3A_3695] {strides = array<i32>} : memref<13x256x16xf32, #tpu.memory_space<vmem>>, vector<1x1x16xf32>,
        %get3A_3697 = vector.shape_cast %get3A_3696 : vector<1x1x16xf32> to vector<16xf32>
        %slice3A_3698 = vector.extract_strided_slice %get3A_1306 {offsets = [15], sizes = [1], strides = [1]} : vector<16xf32> to vector<1xf32>
        %squeeze3A_3699 = vector.extract %slice3A_3698[0] : f32 from vector<1xf32>
        %mul3A_3700 = vector.broadcast %squeeze3A_3699 : f32 to vector<16xf32>
        %mul3A_3701 = arith.mulf %get3A_3697, %mul3A_3700 : vector<16xf32>
        %add3A_3702 = arith.addf %add3A_3691, %mul3A_3701 : vector<16xf32>
        %get3A_3703 = arith.constant 6 : i32
        %get3A_3704 = arith.index_cast %get3A_3703 : i32 to index
        %get3A_3705 = arith.index_cast %add3A_3636 : i32 to index
        %get3A_3706 = arith.constant 0 : index
        %get3A_3707 = tpu.vector_load %arg9[%get3A_3704, %get3A_3705, %get3A_3706] {strides = array<i32>} : memref<13x256x16xf32, #tpu.memory_space<vmem>>, vector<1x1x16xf32>,
        %get3A_3708 = vector.shape_cast %get3A_3707 : vector<1x1x16xf32> to vector<16xf32>
        %slice3A_3709 = vector.extract_strided_slice %get3A_1313 {offsets = [15], sizes = [1], strides = [1]} : vector<16xf32> to vector<1xf32>
        %squeeze3A_3710 = vector.extract %slice3A_3709[0] : f32 from vector<1xf32>
        %mul3A_3711 = vector.broadcast %squeeze3A_3710 : f32 to vector<16xf32>
        %mul3A_3712 = arith.mulf %get3A_3708, %mul3A_3711 : vector<16xf32>
        %add3A_3713 = arith.addf %add3A_3702, %mul3A_3712 : vector<16xf32>
        %get3A_3714 = arith.constant 7 : i32
        %get3A_3715 = arith.index_cast %get3A_3714 : i32 to index
        %get3A_3716 = arith.index_cast %add3A_3636 : i32 to index
        %get3A_3717 = arith.constant 0 : index
        %get3A_3718 = tpu.vector_load %arg9[%get3A_3715, %get3A_3716, %get3A_3717] {strides = array<i32>} : memref<13x256x16xf32, #tpu.memory_space<vmem>>, vector<1x1x16xf32>,
        %get3A_3719 = vector.shape_cast %get3A_3718 : vector<1x1x16xf32> to vector<16xf32>
        %slice3A_3720 = vector.extract_strided_slice %get3A_1320 {offsets = [15], sizes = [1], strides = [1]} : vector<16xf32> to vector<1xf32>
        %squeeze3A_3721 = vector.extract %slice3A_3720[0] : f32 from vector<1xf32>
        %mul3A_3722 = vector.broadcast %squeeze3A_3721 : f32 to vector<16xf32>
        %mul3A_3723 = arith.mulf %get3A_3719, %mul3A_3722 : vector<16xf32>
        %add3A_3724 = arith.addf %add3A_3713, %mul3A_3723 : vector<16xf32>
        %get3A_3725 = arith.constant 8 : i32
        %get3A_3726 = arith.index_cast %get3A_3725 : i32 to index
        %get3A_3727 = arith.index_cast %add3A_3636 : i32 to index
        %get3A_3728 = arith.constant 0 : index
        %get3A_3729 = tpu.vector_load %arg9[%get3A_3726, %get3A_3727, %get3A_3728] {strides = array<i32>} : memref<13x256x16xf32, #tpu.memory_space<vmem>>, vector<1x1x16xf32>,
        %get3A_3730 = vector.shape_cast %get3A_3729 : vector<1x1x16xf32> to vector<16xf32>
        %slice3A_3731 = vector.extract_strided_slice %get3A_1327 {offsets = [15], sizes = [1], strides = [1]} : vector<16xf32> to vector<1xf32>
        %squeeze3A_3732 = vector.extract %slice3A_3731[0] : f32 from vector<1xf32>
        %mul3A_3733 = vector.broadcast %squeeze3A_3732 : f32 to vector<16xf32>
        %mul3A_3734 = arith.mulf %get3A_3730, %mul3A_3733 : vector<16xf32>
        %add3A_3735 = arith.addf %add3A_3724, %mul3A_3734 : vector<16xf32>
        %get3A_3736 = arith.constant 9 : i32
        %get3A_3737 = arith.index_cast %get3A_3736 : i32 to index
        %get3A_3738 = arith.index_cast %add3A_3636 : i32 to index
        %get3A_3739 = arith.constant 0 : index
        %get3A_3740 = tpu.vector_load %arg9[%get3A_3737, %get3A_3738, %get3A_3739] {strides = array<i32>} : memref<13x256x16xf32, #tpu.memory_space<vmem>>, vector<1x1x16xf32>,
        %get3A_3741 = vector.shape_cast %get3A_3740 : vector<1x1x16xf32> to vector<16xf32>
        %slice3A_3742 = vector.extract_strided_slice %get3A_1334 {offsets = [15], sizes = [1], strides = [1]} : vector<16xf32> to vector<1xf32>
        %squeeze3A_3743 = vector.extract %slice3A_3742[0] : f32 from vector<1xf32>
        %mul3A_3744 = vector.broadcast %squeeze3A_3743 : f32 to vector<16xf32>
        %mul3A_3745 = arith.mulf %get3A_3741, %mul3A_3744 : vector<16xf32>
        %add3A_3746 = arith.addf %add3A_3735, %mul3A_3745 : vector<16xf32>
        %get3A_3747 = arith.constant 10 : i32
        %get3A_3748 = arith.index_cast %get3A_3747 : i32 to index
        %get3A_3749 = arith.index_cast %add3A_3636 : i32 to index
        %get3A_3750 = arith.constant 0 : index
        %get3A_3751 = tpu.vector_load %arg9[%get3A_3748, %get3A_3749, %get3A_3750] {strides = array<i32>} : memref<13x256x16xf32, #tpu.memory_space<vmem>>, vector<1x1x16xf32>,
        %get3A_3752 = vector.shape_cast %get3A_3751 : vector<1x1x16xf32> to vector<16xf32>
        %slice3A_3753 = vector.extract_strided_slice %get3A_1341 {offsets = [15], sizes = [1], strides = [1]} : vector<16xf32> to vector<1xf32>
        %squeeze3A_3754 = vector.extract %slice3A_3753[0] : f32 from vector<1xf32>
        %mul3A_3755 = vector.broadcast %squeeze3A_3754 : f32 to vector<16xf32>
        %mul3A_3756 = arith.mulf %get3A_3752, %mul3A_3755 : vector<16xf32>
        %add3A_3757 = arith.addf %add3A_3746, %mul3A_3756 : vector<16xf32>
        %get3A_3758 = arith.constant 11 : i32
        %get3A_3759 = arith.index_cast %get3A_3758 : i32 to index
        %get3A_3760 = arith.index_cast %add3A_3636 : i32 to index
        %get3A_3761 = arith.constant 0 : index
        %get3A_3762 = tpu.vector_load %arg9[%get3A_3759, %get3A_3760, %get3A_3761] {strides = array<i32>} : memref<13x256x16xf32, #tpu.memory_space<vmem>>, vector<1x1x16xf32>,
        %get3A_3763 = vector.shape_cast %get3A_3762 : vector<1x1x16xf32> to vector<16xf32>
        %slice3A_3764 = vector.extract_strided_slice %get3A_1348 {offsets = [15], sizes = [1], strides = [1]} : vector<16xf32> to vector<1xf32>
        %squeeze3A_3765 = vector.extract %slice3A_3764[0] : f32 from vector<1xf32>
        %mul3A_3766 = vector.broadcast %squeeze3A_3765 : f32 to vector<16xf32>
        %mul3A_3767 = arith.mulf %get3A_3763, %mul3A_3766 : vector<16xf32>
        %add3A_3768 = arith.addf %add3A_3757, %mul3A_3767 : vector<16xf32>
        %get3A_3769 = arith.constant 12 : i32
        %get3A_3770 = arith.index_cast %get3A_3769 : i32 to index
        %get3A_3771 = arith.index_cast %add3A_3636 : i32 to index
        %get3A_3772 = arith.constant 0 : index
        %get3A_3773 = tpu.vector_load %arg9[%get3A_3770, %get3A_3771, %get3A_3772] {strides = array<i32>} : memref<13x256x16xf32, #tpu.memory_space<vmem>>, vector<1x1x16xf32>,
        %get3A_3774 = vector.shape_cast %get3A_3773 : vector<1x1x16xf32> to vector<16xf32>
        %slice3A_3775 = vector.extract_strided_slice %get3A_1355 {offsets = [15], sizes = [1], strides = [1]} : vector<16xf32> to vector<1xf32>
        %squeeze3A_3776 = vector.extract %slice3A_3775[0] : f32 from vector<1xf32>
        %mul3A_3777 = vector.broadcast %squeeze3A_3776 : f32 to vector<16xf32>
        %mul3A_3778 = arith.mulf %get3A_3774, %mul3A_3777 : vector<16xf32>
        %add3A_3779 = arith.addf %add3A_3768, %mul3A_3778 : vector<16xf32>
        %swap3A_3780 = arith.index_cast %add3A_3636 : i32 to index
        %swap3A_3781 = arith.constant 0 : index
        %swap3A_3782 = tpu.vector_load %arg10[%swap3A_3780, %swap3A_3781] {strides = array<i32>} : memref<256x16xf32, #tpu.memory_space<vmem>>, vector<1x16xf32>,
        %swap3A_3783 = vector.shape_cast %swap3A_3782 : vector<1x16xf32> to vector<16xf32>
        %swap3A_3784 = vector.shape_cast %add3A_3779 : vector<16xf32> to vector<1x16xf32>
        tpu.vector_store %arg10[%swap3A_3780, %swap3A_3781], %swap3A_3784 {strides = array<i32>} : memref<256x16xf32, #tpu.memory_space<vmem>>, vector<1x16xf32>,
      }
      %scan3A_689 = arith.constant 16 : i32
      %dma_start3A_690 = arith.constant 0 : i32
      %dma_start3A_691 = arith.constant 0 : i32
      %dma_start3A_692 = arith.constant 0 : i32
      %dma_start3A_693 = arith.constant 0 : i32
      %dma_start3A_694 = tpu.memref_slice %arg10[%dma_start3A_692, %dma_start3A_693] : memref<256x16xf32, #tpu.memory_space<vmem>> -> memref<128x16xf32, #tpu.memory_space<vmem>>
      %dma_start3A_695 = arith.constant 0 : i32
      %dma_start3A_696 = tpu.memref_slice %arg7[%dma_start3A_690, %dma_start3A_691, %dma_start3A_695] : memref<26x2x128xi32, #tpu.memory_space<vmem>> -> memref<1x1x128xi32, #tpu.memory_space<vmem>>
      %dma_start3A_697 = tpu.memref_squeeze %dma_start3A_696 : memref<1x1x128xi32, #tpu.memory_space<vmem>> -> memref<128xi32, #tpu.memory_space<vmem>>
      %dma_start3A_698 = arith.constant 0 : i32
      %dma_start3A_699 = arith.constant 0 : i32
      %dma_start3A_700 = tpu.memref_slice %arg2[%dma_start3A_698, %dma_start3A_699] : memref<100000x16xf32, #tpu.memory_space<hbm>> -> memref<100000x16xf32, #tpu.memory_space<hbm>>
      tpu.enqueue_indirect_dma source(%dma_start3A_700 : memref<100000x16xf32, #tpu.memory_space<hbm>>) target(%dma_start3A_694 : memref<128x16xf32, #tpu.memory_space<vmem>>) offsets(%dma_start3A_697 : memref<128xi32, #tpu.memory_space<vmem>>) semaphore(%arg12 : memref<!tpu.dma_semaphore, #tpu.memory_space<semaphore_mem>>) {add = true}
      %dma_start3A_701 = arith.constant 0 : i32
      %dma_start3A_702 = arith.constant 1 : i32
      %dma_start3A_703 = arith.constant 128 : i32
      %dma_start3A_704 = arith.constant 0 : i32
      %dma_start3A_705 = tpu.memref_slice %arg10[%dma_start3A_703, %dma_start3A_704] : memref<256x16xf32, #tpu.memory_space<vmem>> -> memref<128x16xf32, #tpu.memory_space<vmem>>
      %dma_start3A_706 = arith.constant 0 : i32
      %dma_start3A_707 = tpu.memref_slice %arg7[%dma_start3A_701, %dma_start3A_702, %dma_start3A_706] : memref<26x2x128xi32, #tpu.memory_space<vmem>> -> memref<1x1x128xi32, #tpu.memory_space<vmem>>
      %dma_start3A_708 = tpu.memref_squeeze %dma_start3A_707 : memref<1x1x128xi32, #tpu.memory_space<vmem>> -> memref<128xi32, #tpu.memory_space<vmem>>
      %dma_start3A_709 = arith.constant 0 : i32
      %dma_start3A_710 = arith.constant 0 : i32
      %dma_start3A_711 = tpu.memref_slice %arg2[%dma_start3A_709, %dma_start3A_710] : memref<100000x16xf32, #tpu.memory_space<hbm>> -> memref<100000x16xf32, #tpu.memory_space<hbm>>
      tpu.enqueue_indirect_dma source(%dma_start3A_711 : memref<100000x16xf32, #tpu.memory_space<hbm>>) target(%dma_start3A_705 : memref<128x16xf32, #tpu.memory_space<vmem>>) offsets(%dma_start3A_708 : memref<128xi32, #tpu.memory_space<vmem>>) semaphore(%arg12 : memref<!tpu.dma_semaphore, #tpu.memory_space<semaphore_mem>>) {add = true}
      %dma_start3A_712 = arith.constant 1 : i32
      %dma_start3A_713 = arith.constant 0 : i32
      %dma_start3A_714 = arith.constant 0 : i32
      %dma_start3A_715 = arith.constant 0 : i32
      %dma_start3A_716 = tpu.memref_slice %arg10[%dma_start3A_714, %dma_start3A_715] : memref<256x16xf32, #tpu.memory_space<vmem>> -> memref<128x16xf32, #tpu.memory_space<vmem>>
      %dma_start3A_717 = arith.constant 0 : i32
      %dma_start3A_718 = tpu.memref_slice %arg7[%dma_start3A_712, %dma_start3A_713, %dma_start3A_717] : memref<26x2x128xi32, #tpu.memory_space<vmem>> -> memref<1x1x128xi32, #tpu.memory_space<vmem>>
      %dma_start3A_719 = tpu.memref_squeeze %dma_start3A_718 : memref<1x1x128xi32, #tpu.memory_space<vmem>> -> memref<128xi32, #tpu.memory_space<vmem>>
      %dma_start3A_720 = arith.constant 0 : i32
      %dma_start3A_721 = arith.constant 0 : i32
      %dma_start3A_722 = tpu.memref_slice %arg2[%dma_start3A_720, %dma_start3A_721] : memref<100000x16xf32, #tpu.memory_space<hbm>> -> memref<100000x16xf32, #tpu.memory_space<hbm>>
      tpu.enqueue_indirect_dma source(%dma_start3A_722 : memref<100000x16xf32, #tpu.memory_space<hbm>>) target(%dma_start3A_716 : memref<128x16xf32, #tpu.memory_space<vmem>>) offsets(%dma_start3A_719 : memref<128xi32, #tpu.memory_space<vmem>>) semaphore(%arg12 : memref<!tpu.dma_semaphore, #tpu.memory_space<semaphore_mem>>) {add = true}
      %dma_start3A_723 = arith.constant 1 : i32
      %dma_start3A_724 = arith.constant 1 : i32
      %dma_start3A_725 = arith.constant 128 : i32
      %dma_start3A_726 = arith.constant 0 : i32
      %dma_start3A_727 = tpu.memref_slice %arg10[%dma_start3A_725, %dma_start3A_726] : memref<256x16xf32, #tpu.memory_space<vmem>> -> memref<128x16xf32, #tpu.memory_space<vmem>>
      %dma_start3A_728 = arith.constant 0 : i32
      %dma_start3A_729 = tpu.memref_slice %arg7[%dma_start3A_723, %dma_start3A_724, %dma_start3A_728] : memref<26x2x128xi32, #tpu.memory_space<vmem>> -> memref<1x1x128xi32, #tpu.memory_space<vmem>>
      %dma_start3A_730 = tpu.memref_squeeze %dma_start3A_729 : memref<1x1x128xi32, #tpu.memory_space<vmem>> -> memref<128xi32, #tpu.memory_space<vmem>>
      %dma_start3A_731 = arith.constant 0 : i32
      %dma_start3A_732 = arith.constant 0 : i32
      %dma_start3A_733 = tpu.memref_slice %arg2[%dma_start3A_731, %dma_start3A_732] : memref<100000x16xf32, #tpu.memory_space<hbm>> -> memref<100000x16xf32, #tpu.memory_space<hbm>>
      tpu.enqueue_indirect_dma source(%dma_start3A_733 : memref<100000x16xf32, #tpu.memory_space<hbm>>) target(%dma_start3A_727 : memref<128x16xf32, #tpu.memory_space<vmem>>) offsets(%dma_start3A_730 : memref<128xi32, #tpu.memory_space<vmem>>) semaphore(%arg12 : memref<!tpu.dma_semaphore, #tpu.memory_space<semaphore_mem>>) {add = true}
      %dma_start3A_734 = arith.constant 2 : i32
      %dma_start3A_735 = arith.constant 0 : i32
      %dma_start3A_736 = arith.constant 0 : i32
      %dma_start3A_737 = arith.constant 0 : i32
      %dma_start3A_738 = tpu.memref_slice %arg10[%dma_start3A_736, %dma_start3A_737] : memref<256x16xf32, #tpu.memory_space<vmem>> -> memref<128x16xf32, #tpu.memory_space<vmem>>
      %dma_start3A_739 = arith.constant 0 : i32
      %dma_start3A_740 = tpu.memref_slice %arg7[%dma_start3A_734, %dma_start3A_735, %dma_start3A_739] : memref<26x2x128xi32, #tpu.memory_space<vmem>> -> memref<1x1x128xi32, #tpu.memory_space<vmem>>
      %dma_start3A_741 = tpu.memref_squeeze %dma_start3A_740 : memref<1x1x128xi32, #tpu.memory_space<vmem>> -> memref<128xi32, #tpu.memory_space<vmem>>
      %dma_start3A_742 = arith.constant 0 : i32
      %dma_start3A_743 = arith.constant 0 : i32
      %dma_start3A_744 = tpu.memref_slice %arg2[%dma_start3A_742, %dma_start3A_743] : memref<100000x16xf32, #tpu.memory_space<hbm>> -> memref<100000x16xf32, #tpu.memory_space<hbm>>
      tpu.enqueue_indirect_dma source(%dma_start3A_744 : memref<100000x16xf32, #tpu.memory_space<hbm>>) target(%dma_start3A_738 : memref<128x16xf32, #tpu.memory_space<vmem>>) offsets(%dma_start3A_741 : memref<128xi32, #tpu.memory_space<vmem>>) semaphore(%arg12 : memref<!tpu.dma_semaphore, #tpu.memory_space<semaphore_mem>>) {add = true}
      %dma_start3A_745 = arith.constant 2 : i32
      %dma_start3A_746 = arith.constant 1 : i32
      %dma_start3A_747 = arith.constant 128 : i32
      %dma_start3A_748 = arith.constant 0 : i32
      %dma_start3A_749 = tpu.memref_slice %arg10[%dma_start3A_747, %dma_start3A_748] : memref<256x16xf32, #tpu.memory_space<vmem>> -> memref<128x16xf32, #tpu.memory_space<vmem>>
      %dma_start3A_750 = arith.constant 0 : i32
      %dma_start3A_751 = tpu.memref_slice %arg7[%dma_start3A_745, %dma_start3A_746, %dma_start3A_750] : memref<26x2x128xi32, #tpu.memory_space<vmem>> -> memref<1x1x128xi32, #tpu.memory_space<vmem>>
      %dma_start3A_752 = tpu.memref_squeeze %dma_start3A_751 : memref<1x1x128xi32, #tpu.memory_space<vmem>> -> memref<128xi32, #tpu.memory_space<vmem>>
      %dma_start3A_753 = arith.constant 0 : i32
      %dma_start3A_754 = arith.constant 0 : i32
      %dma_start3A_755 = tpu.memref_slice %arg2[%dma_start3A_753, %dma_start3A_754] : memref<100000x16xf32, #tpu.memory_space<hbm>> -> memref<100000x16xf32, #tpu.memory_space<hbm>>
      tpu.enqueue_indirect_dma source(%dma_start3A_755 : memref<100000x16xf32, #tpu.memory_space<hbm>>) target(%dma_start3A_749 : memref<128x16xf32, #tpu.memory_space<vmem>>) offsets(%dma_start3A_752 : memref<128xi32, #tpu.memory_space<vmem>>) semaphore(%arg12 : memref<!tpu.dma_semaphore, #tpu.memory_space<semaphore_mem>>) {add = true}
      %dma_start3A_756 = arith.constant 3 : i32
      %dma_start3A_757 = arith.constant 0 : i32
      %dma_start3A_758 = arith.constant 0 : i32
      %dma_start3A_759 = arith.constant 0 : i32
      %dma_start3A_760 = tpu.memref_slice %arg10[%dma_start3A_758, %dma_start3A_759] : memref<256x16xf32, #tpu.memory_space<vmem>> -> memref<128x16xf32, #tpu.memory_space<vmem>>
      %dma_start3A_761 = arith.constant 0 : i32
      %dma_start3A_762 = tpu.memref_slice %arg7[%dma_start3A_756, %dma_start3A_757, %dma_start3A_761] : memref<26x2x128xi32, #tpu.memory_space<vmem>> -> memref<1x1x128xi32, #tpu.memory_space<vmem>>
      %dma_start3A_763 = tpu.memref_squeeze %dma_start3A_762 : memref<1x1x128xi32, #tpu.memory_space<vmem>> -> memref<128xi32, #tpu.memory_space<vmem>>
      %dma_start3A_764 = arith.constant 0 : i32
      %dma_start3A_765 = arith.constant 0 : i32
      %dma_start3A_766 = tpu.memref_slice %arg2[%dma_start3A_764, %dma_start3A_765] : memref<100000x16xf32, #tpu.memory_space<hbm>> -> memref<100000x16xf32, #tpu.memory_space<hbm>>
      tpu.enqueue_indirect_dma source(%dma_start3A_766 : memref<100000x16xf32, #tpu.memory_space<hbm>>) target(%dma_start3A_760 : memref<128x16xf32, #tpu.memory_space<vmem>>) offsets(%dma_start3A_763 : memref<128xi32, #tpu.memory_space<vmem>>) semaphore(%arg12 : memref<!tpu.dma_semaphore, #tpu.memory_space<semaphore_mem>>) {add = true}
      %dma_start3A_767 = arith.constant 3 : i32
      %dma_start3A_768 = arith.constant 1 : i32
      %dma_start3A_769 = arith.constant 128 : i32
      %dma_start3A_770 = arith.constant 0 : i32
      %dma_start3A_771 = tpu.memref_slice %arg10[%dma_start3A_769, %dma_start3A_770] : memref<256x16xf32, #tpu.memory_space<vmem>> -> memref<128x16xf32, #tpu.memory_space<vmem>>
      %dma_start3A_772 = arith.constant 0 : i32
      %dma_start3A_773 = tpu.memref_slice %arg7[%dma_start3A_767, %dma_start3A_768, %dma_start3A_772] : memref<26x2x128xi32, #tpu.memory_space<vmem>> -> memref<1x1x128xi32, #tpu.memory_space<vmem>>
      %dma_start3A_774 = tpu.memref_squeeze %dma_start3A_773 : memref<1x1x128xi32, #tpu.memory_space<vmem>> -> memref<128xi32, #tpu.memory_space<vmem>>
      %dma_start3A_775 = arith.constant 0 : i32
      %dma_start3A_776 = arith.constant 0 : i32
      %dma_start3A_777 = tpu.memref_slice %arg2[%dma_start3A_775, %dma_start3A_776] : memref<100000x16xf32, #tpu.memory_space<hbm>> -> memref<100000x16xf32, #tpu.memory_space<hbm>>
      tpu.enqueue_indirect_dma source(%dma_start3A_777 : memref<100000x16xf32, #tpu.memory_space<hbm>>) target(%dma_start3A_771 : memref<128x16xf32, #tpu.memory_space<vmem>>) offsets(%dma_start3A_774 : memref<128xi32, #tpu.memory_space<vmem>>) semaphore(%arg12 : memref<!tpu.dma_semaphore, #tpu.memory_space<semaphore_mem>>) {add = true}
      %dma_start3A_778 = arith.constant 4 : i32
      %dma_start3A_779 = arith.constant 0 : i32
      %dma_start3A_780 = arith.constant 0 : i32
      %dma_start3A_781 = arith.constant 0 : i32
      %dma_start3A_782 = tpu.memref_slice %arg10[%dma_start3A_780, %dma_start3A_781] : memref<256x16xf32, #tpu.memory_space<vmem>> -> memref<128x16xf32, #tpu.memory_space<vmem>>
      %dma_start3A_783 = arith.constant 0 : i32
      %dma_start3A_784 = tpu.memref_slice %arg7[%dma_start3A_778, %dma_start3A_779, %dma_start3A_783] : memref<26x2x128xi32, #tpu.memory_space<vmem>> -> memref<1x1x128xi32, #tpu.memory_space<vmem>>
      %dma_start3A_785 = tpu.memref_squeeze %dma_start3A_784 : memref<1x1x128xi32, #tpu.memory_space<vmem>> -> memref<128xi32, #tpu.memory_space<vmem>>
      %dma_start3A_786 = arith.constant 0 : i32
      %dma_start3A_787 = arith.constant 0 : i32
      %dma_start3A_788 = tpu.memref_slice %arg2[%dma_start3A_786, %dma_start3A_787] : memref<100000x16xf32, #tpu.memory_space<hbm>> -> memref<100000x16xf32, #tpu.memory_space<hbm>>
      tpu.enqueue_indirect_dma source(%dma_start3A_788 : memref<100000x16xf32, #tpu.memory_space<hbm>>) target(%dma_start3A_782 : memref<128x16xf32, #tpu.memory_space<vmem>>) offsets(%dma_start3A_785 : memref<128xi32, #tpu.memory_space<vmem>>) semaphore(%arg12 : memref<!tpu.dma_semaphore, #tpu.memory_space<semaphore_mem>>) {add = true}
      %dma_start3A_789 = arith.constant 4 : i32
      %dma_start3A_790 = arith.constant 1 : i32
      %dma_start3A_791 = arith.constant 128 : i32
      %dma_start3A_792 = arith.constant 0 : i32
      %dma_start3A_793 = tpu.memref_slice %arg10[%dma_start3A_791, %dma_start3A_792] : memref<256x16xf32, #tpu.memory_space<vmem>> -> memref<128x16xf32, #tpu.memory_space<vmem>>
      %dma_start3A_794 = arith.constant 0 : i32
      %dma_start3A_795 = tpu.memref_slice %arg7[%dma_start3A_789, %dma_start3A_790, %dma_start3A_794] : memref<26x2x128xi32, #tpu.memory_space<vmem>> -> memref<1x1x128xi32, #tpu.memory_space<vmem>>
      %dma_start3A_796 = tpu.memref_squeeze %dma_start3A_795 : memref<1x1x128xi32, #tpu.memory_space<vmem>> -> memref<128xi32, #tpu.memory_space<vmem>>
      %dma_start3A_797 = arith.constant 0 : i32
      %dma_start3A_798 = arith.constant 0 : i32
      %dma_start3A_799 = tpu.memref_slice %arg2[%dma_start3A_797, %dma_start3A_798] : memref<100000x16xf32, #tpu.memory_space<hbm>> -> memref<100000x16xf32, #tpu.memory_space<hbm>>
      tpu.enqueue_indirect_dma source(%dma_start3A_799 : memref<100000x16xf32, #tpu.memory_space<hbm>>) target(%dma_start3A_793 : memref<128x16xf32, #tpu.memory_space<vmem>>) offsets(%dma_start3A_796 : memref<128xi32, #tpu.memory_space<vmem>>) semaphore(%arg12 : memref<!tpu.dma_semaphore, #tpu.memory_space<semaphore_mem>>) {add = true}
      %dma_start3A_800 = arith.constant 5 : i32
      %dma_start3A_801 = arith.constant 0 : i32
      %dma_start3A_802 = arith.constant 0 : i32
      %dma_start3A_803 = arith.constant 0 : i32
      %dma_start3A_804 = tpu.memref_slice %arg10[%dma_start3A_802, %dma_start3A_803] : memref<256x16xf32, #tpu.memory_space<vmem>> -> memref<128x16xf32, #tpu.memory_space<vmem>>
      %dma_start3A_805 = arith.constant 0 : i32
      %dma_start3A_806 = tpu.memref_slice %arg7[%dma_start3A_800, %dma_start3A_801, %dma_start3A_805] : memref<26x2x128xi32, #tpu.memory_space<vmem>> -> memref<1x1x128xi32, #tpu.memory_space<vmem>>
      %dma_start3A_807 = tpu.memref_squeeze %dma_start3A_806 : memref<1x1x128xi32, #tpu.memory_space<vmem>> -> memref<128xi32, #tpu.memory_space<vmem>>
      %dma_start3A_808 = arith.constant 0 : i32
      %dma_start3A_809 = arith.constant 0 : i32
      %dma_start3A_810 = tpu.memref_slice %arg2[%dma_start3A_808, %dma_start3A_809] : memref<100000x16xf32, #tpu.memory_space<hbm>> -> memref<100000x16xf32, #tpu.memory_space<hbm>>
      tpu.enqueue_indirect_dma source(%dma_start3A_810 : memref<100000x16xf32, #tpu.memory_space<hbm>>) target(%dma_start3A_804 : memref<128x16xf32, #tpu.memory_space<vmem>>) offsets(%dma_start3A_807 : memref<128xi32, #tpu.memory_space<vmem>>) semaphore(%arg12 : memref<!tpu.dma_semaphore, #tpu.memory_space<semaphore_mem>>) {add = true}
      %dma_start3A_811 = arith.constant 5 : i32
      %dma_start3A_812 = arith.constant 1 : i32
      %dma_start3A_813 = arith.constant 128 : i32
      %dma_start3A_814 = arith.constant 0 : i32
      %dma_start3A_815 = tpu.memref_slice %arg10[%dma_start3A_813, %dma_start3A_814] : memref<256x16xf32, #tpu.memory_space<vmem>> -> memref<128x16xf32, #tpu.memory_space<vmem>>
      %dma_start3A_816 = arith.constant 0 : i32
      %dma_start3A_817 = tpu.memref_slice %arg7[%dma_start3A_811, %dma_start3A_812, %dma_start3A_816] : memref<26x2x128xi32, #tpu.memory_space<vmem>> -> memref<1x1x128xi32, #tpu.memory_space<vmem>>
      %dma_start3A_818 = tpu.memref_squeeze %dma_start3A_817 : memref<1x1x128xi32, #tpu.memory_space<vmem>> -> memref<128xi32, #tpu.memory_space<vmem>>
      %dma_start3A_819 = arith.constant 0 : i32
      %dma_start3A_820 = arith.constant 0 : i32
      %dma_start3A_821 = tpu.memref_slice %arg2[%dma_start3A_819, %dma_start3A_820] : memref<100000x16xf32, #tpu.memory_space<hbm>> -> memref<100000x16xf32, #tpu.memory_space<hbm>>
      tpu.enqueue_indirect_dma source(%dma_start3A_821 : memref<100000x16xf32, #tpu.memory_space<hbm>>) target(%dma_start3A_815 : memref<128x16xf32, #tpu.memory_space<vmem>>) offsets(%dma_start3A_818 : memref<128xi32, #tpu.memory_space<vmem>>) semaphore(%arg12 : memref<!tpu.dma_semaphore, #tpu.memory_space<semaphore_mem>>) {add = true}
      %dma_start3A_822 = arith.constant 6 : i32
      %dma_start3A_823 = arith.constant 0 : i32
      %dma_start3A_824 = arith.constant 0 : i32
      %dma_start3A_825 = arith.constant 0 : i32
      %dma_start3A_826 = tpu.memref_slice %arg10[%dma_start3A_824, %dma_start3A_825] : memref<256x16xf32, #tpu.memory_space<vmem>> -> memref<128x16xf32, #tpu.memory_space<vmem>>
      %dma_start3A_827 = arith.constant 0 : i32
      %dma_start3A_828 = tpu.memref_slice %arg7[%dma_start3A_822, %dma_start3A_823, %dma_start3A_827] : memref<26x2x128xi32, #tpu.memory_space<vmem>> -> memref<1x1x128xi32, #tpu.memory_space<vmem>>
      %dma_start3A_829 = tpu.memref_squeeze %dma_start3A_828 : memref<1x1x128xi32, #tpu.memory_space<vmem>> -> memref<128xi32, #tpu.memory_space<vmem>>
      %dma_start3A_830 = arith.constant 0 : i32
      %dma_start3A_831 = arith.constant 0 : i32
      %dma_start3A_832 = tpu.memref_slice %arg2[%dma_start3A_830, %dma_start3A_831] : memref<100000x16xf32, #tpu.memory_space<hbm>> -> memref<100000x16xf32, #tpu.memory_space<hbm>>
      tpu.enqueue_indirect_dma source(%dma_start3A_832 : memref<100000x16xf32, #tpu.memory_space<hbm>>) target(%dma_start3A_826 : memref<128x16xf32, #tpu.memory_space<vmem>>) offsets(%dma_start3A_829 : memref<128xi32, #tpu.memory_space<vmem>>) semaphore(%arg12 : memref<!tpu.dma_semaphore, #tpu.memory_space<semaphore_mem>>) {add = true}
      %dma_start3A_833 = arith.constant 6 : i32
      %dma_start3A_834 = arith.constant 1 : i32
      %dma_start3A_835 = arith.constant 128 : i32
      %dma_start3A_836 = arith.constant 0 : i32
      %dma_start3A_837 = tpu.memref_slice %arg10[%dma_start3A_835, %dma_start3A_836] : memref<256x16xf32, #tpu.memory_space<vmem>> -> memref<128x16xf32, #tpu.memory_space<vmem>>
      %dma_start3A_838 = arith.constant 0 : i32
      %dma_start3A_839 = tpu.memref_slice %arg7[%dma_start3A_833, %dma_start3A_834, %dma_start3A_838] : memref<26x2x128xi32, #tpu.memory_space<vmem>> -> memref<1x1x128xi32, #tpu.memory_space<vmem>>
      %dma_start3A_840 = tpu.memref_squeeze %dma_start3A_839 : memref<1x1x128xi32, #tpu.memory_space<vmem>> -> memref<128xi32, #tpu.memory_space<vmem>>
      %dma_start3A_841 = arith.constant 0 : i32
      %dma_start3A_842 = arith.constant 0 : i32
      %dma_start3A_843 = tpu.memref_slice %arg2[%dma_start3A_841, %dma_start3A_842] : memref<100000x16xf32, #tpu.memory_space<hbm>> -> memref<100000x16xf32, #tpu.memory_space<hbm>>
      tpu.enqueue_indirect_dma source(%dma_start3A_843 : memref<100000x16xf32, #tpu.memory_space<hbm>>) target(%dma_start3A_837 : memref<128x16xf32, #tpu.memory_space<vmem>>) offsets(%dma_start3A_840 : memref<128xi32, #tpu.memory_space<vmem>>) semaphore(%arg12 : memref<!tpu.dma_semaphore, #tpu.memory_space<semaphore_mem>>) {add = true}
      %dma_start3A_844 = arith.constant 7 : i32
      %dma_start3A_845 = arith.constant 0 : i32
      %dma_start3A_846 = arith.constant 0 : i32
      %dma_start3A_847 = arith.constant 0 : i32
      %dma_start3A_848 = tpu.memref_slice %arg10[%dma_start3A_846, %dma_start3A_847] : memref<256x16xf32, #tpu.memory_space<vmem>> -> memref<128x16xf32, #tpu.memory_space<vmem>>
      %dma_start3A_849 = arith.constant 0 : i32
      %dma_start3A_850 = tpu.memref_slice %arg7[%dma_start3A_844, %dma_start3A_845, %dma_start3A_849] : memref<26x2x128xi32, #tpu.memory_space<vmem>> -> memref<1x1x128xi32, #tpu.memory_space<vmem>>
      %dma_start3A_851 = tpu.memref_squeeze %dma_start3A_850 : memref<1x1x128xi32, #tpu.memory_space<vmem>> -> memref<128xi32, #tpu.memory_space<vmem>>
      %dma_start3A_852 = arith.constant 0 : i32
      %dma_start3A_853 = arith.constant 0 : i32
      %dma_start3A_854 = tpu.memref_slice %arg2[%dma_start3A_852, %dma_start3A_853] : memref<100000x16xf32, #tpu.memory_space<hbm>> -> memref<100000x16xf32, #tpu.memory_space<hbm>>
      tpu.enqueue_indirect_dma source(%dma_start3A_854 : memref<100000x16xf32, #tpu.memory_space<hbm>>) target(%dma_start3A_848 : memref<128x16xf32, #tpu.memory_space<vmem>>) offsets(%dma_start3A_851 : memref<128xi32, #tpu.memory_space<vmem>>) semaphore(%arg12 : memref<!tpu.dma_semaphore, #tpu.memory_space<semaphore_mem>>) {add = true}
      %dma_start3A_855 = arith.constant 7 : i32
      %dma_start3A_856 = arith.constant 1 : i32
      %dma_start3A_857 = arith.constant 128 : i32
      %dma_start3A_858 = arith.constant 0 : i32
      %dma_start3A_859 = tpu.memref_slice %arg10[%dma_start3A_857, %dma_start3A_858] : memref<256x16xf32, #tpu.memory_space<vmem>> -> memref<128x16xf32, #tpu.memory_space<vmem>>
      %dma_start3A_860 = arith.constant 0 : i32
      %dma_start3A_861 = tpu.memref_slice %arg7[%dma_start3A_855, %dma_start3A_856, %dma_start3A_860] : memref<26x2x128xi32, #tpu.memory_space<vmem>> -> memref<1x1x128xi32, #tpu.memory_space<vmem>>
      %dma_start3A_862 = tpu.memref_squeeze %dma_start3A_861 : memref<1x1x128xi32, #tpu.memory_space<vmem>> -> memref<128xi32, #tpu.memory_space<vmem>>
      %dma_start3A_863 = arith.constant 0 : i32
      %dma_start3A_864 = arith.constant 0 : i32
      %dma_start3A_865 = tpu.memref_slice %arg2[%dma_start3A_863, %dma_start3A_864] : memref<100000x16xf32, #tpu.memory_space<hbm>> -> memref<100000x16xf32, #tpu.memory_space<hbm>>
      tpu.enqueue_indirect_dma source(%dma_start3A_865 : memref<100000x16xf32, #tpu.memory_space<hbm>>) target(%dma_start3A_859 : memref<128x16xf32, #tpu.memory_space<vmem>>) offsets(%dma_start3A_862 : memref<128xi32, #tpu.memory_space<vmem>>) semaphore(%arg12 : memref<!tpu.dma_semaphore, #tpu.memory_space<semaphore_mem>>) {add = true}
      %dma_start3A_866 = arith.constant 8 : i32
      %dma_start3A_867 = arith.constant 0 : i32
      %dma_start3A_868 = arith.constant 0 : i32
      %dma_start3A_869 = arith.constant 0 : i32
      %dma_start3A_870 = tpu.memref_slice %arg10[%dma_start3A_868, %dma_start3A_869] : memref<256x16xf32, #tpu.memory_space<vmem>> -> memref<128x16xf32, #tpu.memory_space<vmem>>
      %dma_start3A_871 = arith.constant 0 : i32
      %dma_start3A_872 = tpu.memref_slice %arg7[%dma_start3A_866, %dma_start3A_867, %dma_start3A_871] : memref<26x2x128xi32, #tpu.memory_space<vmem>> -> memref<1x1x128xi32, #tpu.memory_space<vmem>>
      %dma_start3A_873 = tpu.memref_squeeze %dma_start3A_872 : memref<1x1x128xi32, #tpu.memory_space<vmem>> -> memref<128xi32, #tpu.memory_space<vmem>>
      %dma_start3A_874 = arith.constant 0 : i32
      %dma_start3A_875 = arith.constant 0 : i32
      %dma_start3A_876 = tpu.memref_slice %arg2[%dma_start3A_874, %dma_start3A_875] : memref<100000x16xf32, #tpu.memory_space<hbm>> -> memref<100000x16xf32, #tpu.memory_space<hbm>>
      tpu.enqueue_indirect_dma source(%dma_start3A_876 : memref<100000x16xf32, #tpu.memory_space<hbm>>) target(%dma_start3A_870 : memref<128x16xf32, #tpu.memory_space<vmem>>) offsets(%dma_start3A_873 : memref<128xi32, #tpu.memory_space<vmem>>) semaphore(%arg12 : memref<!tpu.dma_semaphore, #tpu.memory_space<semaphore_mem>>) {add = true}
      %dma_start3A_877 = arith.constant 8 : i32
      %dma_start3A_878 = arith.constant 1 : i32
      %dma_start3A_879 = arith.constant 128 : i32
      %dma_start3A_880 = arith.constant 0 : i32
      %dma_start3A_881 = tpu.memref_slice %arg10[%dma_start3A_879, %dma_start3A_880] : memref<256x16xf32, #tpu.memory_space<vmem>> -> memref<128x16xf32, #tpu.memory_space<vmem>>
      %dma_start3A_882 = arith.constant 0 : i32
      %dma_start3A_883 = tpu.memref_slice %arg7[%dma_start3A_877, %dma_start3A_878, %dma_start3A_882] : memref<26x2x128xi32, #tpu.memory_space<vmem>> -> memref<1x1x128xi32, #tpu.memory_space<vmem>>
      %dma_start3A_884 = tpu.memref_squeeze %dma_start3A_883 : memref<1x1x128xi32, #tpu.memory_space<vmem>> -> memref<128xi32, #tpu.memory_space<vmem>>
      %dma_start3A_885 = arith.constant 0 : i32
      %dma_start3A_886 = arith.constant 0 : i32
      %dma_start3A_887 = tpu.memref_slice %arg2[%dma_start3A_885, %dma_start3A_886] : memref<100000x16xf32, #tpu.memory_space<hbm>> -> memref<100000x16xf32, #tpu.memory_space<hbm>>
      tpu.enqueue_indirect_dma source(%dma_start3A_887 : memref<100000x16xf32, #tpu.memory_space<hbm>>) target(%dma_start3A_881 : memref<128x16xf32, #tpu.memory_space<vmem>>) offsets(%dma_start3A_884 : memref<128xi32, #tpu.memory_space<vmem>>) semaphore(%arg12 : memref<!tpu.dma_semaphore, #tpu.memory_space<semaphore_mem>>) {add = true}
      %dma_start3A_888 = arith.constant 9 : i32
      %dma_start3A_889 = arith.constant 0 : i32
      %dma_start3A_890 = arith.constant 0 : i32
      %dma_start3A_891 = arith.constant 0 : i32
      %dma_start3A_892 = tpu.memref_slice %arg10[%dma_start3A_890, %dma_start3A_891] : memref<256x16xf32, #tpu.memory_space<vmem>> -> memref<128x16xf32, #tpu.memory_space<vmem>>
      %dma_start3A_893 = arith.constant 0 : i32
      %dma_start3A_894 = tpu.memref_slice %arg7[%dma_start3A_888, %dma_start3A_889, %dma_start3A_893] : memref<26x2x128xi32, #tpu.memory_space<vmem>> -> memref<1x1x128xi32, #tpu.memory_space<vmem>>
      %dma_start3A_895 = tpu.memref_squeeze %dma_start3A_894 : memref<1x1x128xi32, #tpu.memory_space<vmem>> -> memref<128xi32, #tpu.memory_space<vmem>>
      %dma_start3A_896 = arith.constant 0 : i32
      %dma_start3A_897 = arith.constant 0 : i32
      %dma_start3A_898 = tpu.memref_slice %arg2[%dma_start3A_896, %dma_start3A_897] : memref<100000x16xf32, #tpu.memory_space<hbm>> -> memref<100000x16xf32, #tpu.memory_space<hbm>>
      tpu.enqueue_indirect_dma source(%dma_start3A_898 : memref<100000x16xf32, #tpu.memory_space<hbm>>) target(%dma_start3A_892 : memref<128x16xf32, #tpu.memory_space<vmem>>) offsets(%dma_start3A_895 : memref<128xi32, #tpu.memory_space<vmem>>) semaphore(%arg12 : memref<!tpu.dma_semaphore, #tpu.memory_space<semaphore_mem>>) {add = true}
      %dma_start3A_899 = arith.constant 9 : i32
      %dma_start3A_900 = arith.constant 1 : i32
      %dma_start3A_901 = arith.constant 128 : i32
      %dma_start3A_902 = arith.constant 0 : i32
      %dma_start3A_903 = tpu.memref_slice %arg10[%dma_start3A_901, %dma_start3A_902] : memref<256x16xf32, #tpu.memory_space<vmem>> -> memref<128x16xf32, #tpu.memory_space<vmem>>
      %dma_start3A_904 = arith.constant 0 : i32
      %dma_start3A_905 = tpu.memref_slice %arg7[%dma_start3A_899, %dma_start3A_900, %dma_start3A_904] : memref<26x2x128xi32, #tpu.memory_space<vmem>> -> memref<1x1x128xi32, #tpu.memory_space<vmem>>
      %dma_start3A_906 = tpu.memref_squeeze %dma_start3A_905 : memref<1x1x128xi32, #tpu.memory_space<vmem>> -> memref<128xi32, #tpu.memory_space<vmem>>
      %dma_start3A_907 = arith.constant 0 : i32
      %dma_start3A_908 = arith.constant 0 : i32
      %dma_start3A_909 = tpu.memref_slice %arg2[%dma_start3A_907, %dma_start3A_908] : memref<100000x16xf32, #tpu.memory_space<hbm>> -> memref<100000x16xf32, #tpu.memory_space<hbm>>
      tpu.enqueue_indirect_dma source(%dma_start3A_909 : memref<100000x16xf32, #tpu.memory_space<hbm>>) target(%dma_start3A_903 : memref<128x16xf32, #tpu.memory_space<vmem>>) offsets(%dma_start3A_906 : memref<128xi32, #tpu.memory_space<vmem>>) semaphore(%arg12 : memref<!tpu.dma_semaphore, #tpu.memory_space<semaphore_mem>>) {add = true}
      %dma_start3A_910 = arith.constant 10 : i32
      %dma_start3A_911 = arith.constant 0 : i32
      %dma_start3A_912 = arith.constant 0 : i32
      %dma_start3A_913 = arith.constant 0 : i32
      %dma_start3A_914 = tpu.memref_slice %arg10[%dma_start3A_912, %dma_start3A_913] : memref<256x16xf32, #tpu.memory_space<vmem>> -> memref<128x16xf32, #tpu.memory_space<vmem>>
      %dma_start3A_915 = arith.constant 0 : i32
      %dma_start3A_916 = tpu.memref_slice %arg7[%dma_start3A_910, %dma_start3A_911, %dma_start3A_915] : memref<26x2x128xi32, #tpu.memory_space<vmem>> -> memref<1x1x128xi32, #tpu.memory_space<vmem>>
      %dma_start3A_917 = tpu.memref_squeeze %dma_start3A_916 : memref<1x1x128xi32, #tpu.memory_space<vmem>> -> memref<128xi32, #tpu.memory_space<vmem>>
      %dma_start3A_918 = arith.constant 0 : i32
      %dma_start3A_919 = arith.constant 0 : i32
      %dma_start3A_920 = tpu.memref_slice %arg2[%dma_start3A_918, %dma_start3A_919] : memref<100000x16xf32, #tpu.memory_space<hbm>> -> memref<100000x16xf32, #tpu.memory_space<hbm>>
      tpu.enqueue_indirect_dma source(%dma_start3A_920 : memref<100000x16xf32, #tpu.memory_space<hbm>>) target(%dma_start3A_914 : memref<128x16xf32, #tpu.memory_space<vmem>>) offsets(%dma_start3A_917 : memref<128xi32, #tpu.memory_space<vmem>>) semaphore(%arg12 : memref<!tpu.dma_semaphore, #tpu.memory_space<semaphore_mem>>) {add = true}
      %dma_start3A_921 = arith.constant 10 : i32
      %dma_start3A_922 = arith.constant 1 : i32
      %dma_start3A_923 = arith.constant 128 : i32
      %dma_start3A_924 = arith.constant 0 : i32
      %dma_start3A_925 = tpu.memref_slice %arg10[%dma_start3A_923, %dma_start3A_924] : memref<256x16xf32, #tpu.memory_space<vmem>> -> memref<128x16xf32, #tpu.memory_space<vmem>>
      %dma_start3A_926 = arith.constant 0 : i32
      %dma_start3A_927 = tpu.memref_slice %arg7[%dma_start3A_921, %dma_start3A_922, %dma_start3A_926] : memref<26x2x128xi32, #tpu.memory_space<vmem>> -> memref<1x1x128xi32, #tpu.memory_space<vmem>>
      %dma_start3A_928 = tpu.memref_squeeze %dma_start3A_927 : memref<1x1x128xi32, #tpu.memory_space<vmem>> -> memref<128xi32, #tpu.memory_space<vmem>>
      %dma_start3A_929 = arith.constant 0 : i32
      %dma_start3A_930 = arith.constant 0 : i32
      %dma_start3A_931 = tpu.memref_slice %arg2[%dma_start3A_929, %dma_start3A_930] : memref<100000x16xf32, #tpu.memory_space<hbm>> -> memref<100000x16xf32, #tpu.memory_space<hbm>>
      tpu.enqueue_indirect_dma source(%dma_start3A_931 : memref<100000x16xf32, #tpu.memory_space<hbm>>) target(%dma_start3A_925 : memref<128x16xf32, #tpu.memory_space<vmem>>) offsets(%dma_start3A_928 : memref<128xi32, #tpu.memory_space<vmem>>) semaphore(%arg12 : memref<!tpu.dma_semaphore, #tpu.memory_space<semaphore_mem>>) {add = true}
      %dma_start3A_932 = arith.constant 11 : i32
      %dma_start3A_933 = arith.constant 0 : i32
      %dma_start3A_934 = arith.constant 0 : i32
      %dma_start3A_935 = arith.constant 0 : i32
      %dma_start3A_936 = tpu.memref_slice %arg10[%dma_start3A_934, %dma_start3A_935] : memref<256x16xf32, #tpu.memory_space<vmem>> -> memref<128x16xf32, #tpu.memory_space<vmem>>
      %dma_start3A_937 = arith.constant 0 : i32
      %dma_start3A_938 = tpu.memref_slice %arg7[%dma_start3A_932, %dma_start3A_933, %dma_start3A_937] : memref<26x2x128xi32, #tpu.memory_space<vmem>> -> memref<1x1x128xi32, #tpu.memory_space<vmem>>
      %dma_start3A_939 = tpu.memref_squeeze %dma_start3A_938 : memref<1x1x128xi32, #tpu.memory_space<vmem>> -> memref<128xi32, #tpu.memory_space<vmem>>
      %dma_start3A_940 = arith.constant 0 : i32
      %dma_start3A_941 = arith.constant 0 : i32
      %dma_start3A_942 = tpu.memref_slice %arg2[%dma_start3A_940, %dma_start3A_941] : memref<100000x16xf32, #tpu.memory_space<hbm>> -> memref<100000x16xf32, #tpu.memory_space<hbm>>
      tpu.enqueue_indirect_dma source(%dma_start3A_942 : memref<100000x16xf32, #tpu.memory_space<hbm>>) target(%dma_start3A_936 : memref<128x16xf32, #tpu.memory_space<vmem>>) offsets(%dma_start3A_939 : memref<128xi32, #tpu.memory_space<vmem>>) semaphore(%arg12 : memref<!tpu.dma_semaphore, #tpu.memory_space<semaphore_mem>>) {add = true}
      %dma_start3A_943 = arith.constant 11 : i32
      %dma_start3A_944 = arith.constant 1 : i32
      %dma_start3A_945 = arith.constant 128 : i32
      %dma_start3A_946 = arith.constant 0 : i32
      %dma_start3A_947 = tpu.memref_slice %arg10[%dma_start3A_945, %dma_start3A_946] : memref<256x16xf32, #tpu.memory_space<vmem>> -> memref<128x16xf32, #tpu.memory_space<vmem>>
      %dma_start3A_948 = arith.constant 0 : i32
      %dma_start3A_949 = tpu.memref_slice %arg7[%dma_start3A_943, %dma_start3A_944, %dma_start3A_948] : memref<26x2x128xi32, #tpu.memory_space<vmem>> -> memref<1x1x128xi32, #tpu.memory_space<vmem>>
      %dma_start3A_950 = tpu.memref_squeeze %dma_start3A_949 : memref<1x1x128xi32, #tpu.memory_space<vmem>> -> memref<128xi32, #tpu.memory_space<vmem>>
      %dma_start3A_951 = arith.constant 0 : i32
      %dma_start3A_952 = arith.constant 0 : i32
      %dma_start3A_953 = tpu.memref_slice %arg2[%dma_start3A_951, %dma_start3A_952] : memref<100000x16xf32, #tpu.memory_space<hbm>> -> memref<100000x16xf32, #tpu.memory_space<hbm>>
      tpu.enqueue_indirect_dma source(%dma_start3A_953 : memref<100000x16xf32, #tpu.memory_space<hbm>>) target(%dma_start3A_947 : memref<128x16xf32, #tpu.memory_space<vmem>>) offsets(%dma_start3A_950 : memref<128xi32, #tpu.memory_space<vmem>>) semaphore(%arg12 : memref<!tpu.dma_semaphore, #tpu.memory_space<semaphore_mem>>) {add = true}
      %dma_start3A_954 = arith.constant 12 : i32
      %dma_start3A_955 = arith.constant 0 : i32
      %dma_start3A_956 = arith.constant 0 : i32
      %dma_start3A_957 = arith.constant 0 : i32
      %dma_start3A_958 = tpu.memref_slice %arg10[%dma_start3A_956, %dma_start3A_957] : memref<256x16xf32, #tpu.memory_space<vmem>> -> memref<128x16xf32, #tpu.memory_space<vmem>>
      %dma_start3A_959 = arith.constant 0 : i32
      %dma_start3A_960 = tpu.memref_slice %arg7[%dma_start3A_954, %dma_start3A_955, %dma_start3A_959] : memref<26x2x128xi32, #tpu.memory_space<vmem>> -> memref<1x1x128xi32, #tpu.memory_space<vmem>>
      %dma_start3A_961 = tpu.memref_squeeze %dma_start3A_960 : memref<1x1x128xi32, #tpu.memory_space<vmem>> -> memref<128xi32, #tpu.memory_space<vmem>>
      %dma_start3A_962 = arith.constant 0 : i32
      %dma_start3A_963 = arith.constant 0 : i32
      %dma_start3A_964 = tpu.memref_slice %arg2[%dma_start3A_962, %dma_start3A_963] : memref<100000x16xf32, #tpu.memory_space<hbm>> -> memref<100000x16xf32, #tpu.memory_space<hbm>>
      tpu.enqueue_indirect_dma source(%dma_start3A_964 : memref<100000x16xf32, #tpu.memory_space<hbm>>) target(%dma_start3A_958 : memref<128x16xf32, #tpu.memory_space<vmem>>) offsets(%dma_start3A_961 : memref<128xi32, #tpu.memory_space<vmem>>) semaphore(%arg12 : memref<!tpu.dma_semaphore, #tpu.memory_space<semaphore_mem>>) {add = true}
      %dma_start3A_965 = arith.constant 12 : i32
      %dma_start3A_966 = arith.constant 1 : i32
      %dma_start3A_967 = arith.constant 128 : i32
      %dma_start3A_968 = arith.constant 0 : i32
      %dma_start3A_969 = tpu.memref_slice %arg10[%dma_start3A_967, %dma_start3A_968] : memref<256x16xf32, #tpu.memory_space<vmem>> -> memref<128x16xf32, #tpu.memory_space<vmem>>
      %dma_start3A_970 = arith.constant 0 : i32
      %dma_start3A_971 = tpu.memref_slice %arg7[%dma_start3A_965, %dma_start3A_966, %dma_start3A_970] : memref<26x2x128xi32, #tpu.memory_space<vmem>> -> memref<1x1x128xi32, #tpu.memory_space<vmem>>
      %dma_start3A_972 = tpu.memref_squeeze %dma_start3A_971 : memref<1x1x128xi32, #tpu.memory_space<vmem>> -> memref<128xi32, #tpu.memory_space<vmem>>
      %dma_start3A_973 = arith.constant 0 : i32
      %dma_start3A_974 = arith.constant 0 : i32
      %dma_start3A_975 = tpu.memref_slice %arg2[%dma_start3A_973, %dma_start3A_974] : memref<100000x16xf32, #tpu.memory_space<hbm>> -> memref<100000x16xf32, #tpu.memory_space<hbm>>
      tpu.enqueue_indirect_dma source(%dma_start3A_975 : memref<100000x16xf32, #tpu.memory_space<hbm>>) target(%dma_start3A_969 : memref<128x16xf32, #tpu.memory_space<vmem>>) offsets(%dma_start3A_972 : memref<128xi32, #tpu.memory_space<vmem>>) semaphore(%arg12 : memref<!tpu.dma_semaphore, #tpu.memory_space<semaphore_mem>>) {add = true}
      %dma_wait3A_976 = arith.constant 0 : i32
      %dma_wait3A_977 = arith.constant 0 : i32
      %dma_wait3A_978 = arith.constant 0 : i32
      %dma_wait3A_979 = arith.constant 0 : i32
      %dma_wait3A_980 = tpu.memref_slice %arg10[%dma_wait3A_978, %dma_wait3A_979] : memref<256x16xf32, #tpu.memory_space<vmem>> -> memref<128x16xf32, #tpu.memory_space<vmem>>
      %dma_wait3A_981 = arith.constant 0 : i32
      %dma_wait3A_982 = tpu.memref_slice %arg7[%dma_wait3A_976, %dma_wait3A_977, %dma_wait3A_981] : memref<26x2x128xi32, #tpu.memory_space<vmem>> -> memref<1x1x128xi32, #tpu.memory_space<vmem>>
      %dma_wait3A_983 = tpu.memref_squeeze %dma_wait3A_982 : memref<1x1x128xi32, #tpu.memory_space<vmem>> -> memref<128xi32, #tpu.memory_space<vmem>>
      %dma_wait3A_984 = arith.constant 0 : i32
      %dma_wait3A_985 = arith.constant 0 : i32
      %dma_wait3A_986 = tpu.memref_slice %arg2[%dma_wait3A_984, %dma_wait3A_985] : memref<100000x16xf32, #tpu.memory_space<hbm>> -> memref<100000x16xf32, #tpu.memory_space<hbm>>
      tpu.wait_indirect_dma semaphore(%arg12 : memref<!tpu.dma_semaphore, #tpu.memory_space<semaphore_mem>>) src(%dma_wait3A_986 : memref<100000x16xf32, #tpu.memory_space<hbm>>) dst(%dma_wait3A_980 : memref<128x16xf32, #tpu.memory_space<vmem>>)
      %dma_wait3A_987 = arith.constant 0 : i32
      %dma_wait3A_988 = arith.constant 1 : i32
      %dma_wait3A_989 = arith.constant 128 : i32
      %dma_wait3A_990 = arith.constant 0 : i32
      %dma_wait3A_991 = tpu.memref_slice %arg10[%dma_wait3A_989, %dma_wait3A_990] : memref<256x16xf32, #tpu.memory_space<vmem>> -> memref<128x16xf32, #tpu.memory_space<vmem>>
      %dma_wait3A_992 = arith.constant 0 : i32
      %dma_wait3A_993 = tpu.memref_slice %arg7[%dma_wait3A_987, %dma_wait3A_988, %dma_wait3A_992] : memref<26x2x128xi32, #tpu.memory_space<vmem>> -> memref<1x1x128xi32, #tpu.memory_space<vmem>>
      %dma_wait3A_994 = tpu.memref_squeeze %dma_wait3A_993 : memref<1x1x128xi32, #tpu.memory_space<vmem>> -> memref<128xi32, #tpu.memory_space<vmem>>
      %dma_wait3A_995 = arith.constant 0 : i32
      %dma_wait3A_996 = arith.constant 0 : i32
      %dma_wait3A_997 = tpu.memref_slice %arg2[%dma_wait3A_995, %dma_wait3A_996] : memref<100000x16xf32, #tpu.memory_space<hbm>> -> memref<100000x16xf32, #tpu.memory_space<hbm>>
      tpu.wait_indirect_dma semaphore(%arg12 : memref<!tpu.dma_semaphore, #tpu.memory_space<semaphore_mem>>) src(%dma_wait3A_997 : memref<100000x16xf32, #tpu.memory_space<hbm>>) dst(%dma_wait3A_991 : memref<128x16xf32, #tpu.memory_space<vmem>>)
      %dma_wait3A_998 = arith.constant 1 : i32
      %dma_wait3A_999 = arith.constant 0 : i32
      %dma_wait3A_1000 = arith.constant 0 : i32
      %dma_wait3A_1001 = arith.constant 0 : i32
      %dma_wait3A_1002 = tpu.memref_slice %arg10[%dma_wait3A_1000, %dma_wait3A_1001] : memref<256x16xf32, #tpu.memory_space<vmem>> -> memref<128x16xf32, #tpu.memory_space<vmem>>
      %dma_wait3A_1003 = arith.constant 0 : i32
      %dma_wait3A_1004 = tpu.memref_slice %arg7[%dma_wait3A_998, %dma_wait3A_999, %dma_wait3A_1003] : memref<26x2x128xi32, #tpu.memory_space<vmem>> -> memref<1x1x128xi32, #tpu.memory_space<vmem>>
      %dma_wait3A_1005 = tpu.memref_squeeze %dma_wait3A_1004 : memref<1x1x128xi32, #tpu.memory_space<vmem>> -> memref<128xi32, #tpu.memory_space<vmem>>
      %dma_wait3A_1006 = arith.constant 0 : i32
      %dma_wait3A_1007 = arith.constant 0 : i32
      %dma_wait3A_1008 = tpu.memref_slice %arg2[%dma_wait3A_1006, %dma_wait3A_1007] : memref<100000x16xf32, #tpu.memory_space<hbm>> -> memref<100000x16xf32, #tpu.memory_space<hbm>>
      tpu.wait_indirect_dma semaphore(%arg12 : memref<!tpu.dma_semaphore, #tpu.memory_space<semaphore_mem>>) src(%dma_wait3A_1008 : memref<100000x16xf32, #tpu.memory_space<hbm>>) dst(%dma_wait3A_1002 : memref<128x16xf32, #tpu.memory_space<vmem>>)
      %dma_wait3A_1009 = arith.constant 1 : i32
      %dma_wait3A_1010 = arith.constant 1 : i32
      %dma_wait3A_1011 = arith.constant 128 : i32
      %dma_wait3A_1012 = arith.constant 0 : i32
      %dma_wait3A_1013 = tpu.memref_slice %arg10[%dma_wait3A_1011, %dma_wait3A_1012] : memref<256x16xf32, #tpu.memory_space<vmem>> -> memref<128x16xf32, #tpu.memory_space<vmem>>
      %dma_wait3A_1014 = arith.constant 0 : i32
      %dma_wait3A_1015 = tpu.memref_slice %arg7[%dma_wait3A_1009, %dma_wait3A_1010, %dma_wait3A_1014] : memref<26x2x128xi32, #tpu.memory_space<vmem>> -> memref<1x1x128xi32, #tpu.memory_space<vmem>>
      %dma_wait3A_1016 = tpu.memref_squeeze %dma_wait3A_1015 : memref<1x1x128xi32, #tpu.memory_space<vmem>> -> memref<128xi32, #tpu.memory_space<vmem>>
      %dma_wait3A_1017 = arith.constant 0 : i32
      %dma_wait3A_1018 = arith.constant 0 : i32
      %dma_wait3A_1019 = tpu.memref_slice %arg2[%dma_wait3A_1017, %dma_wait3A_1018] : memref<100000x16xf32, #tpu.memory_space<hbm>> -> memref<100000x16xf32, #tpu.memory_space<hbm>>
      tpu.wait_indirect_dma semaphore(%arg12 : memref<!tpu.dma_semaphore, #tpu.memory_space<semaphore_mem>>) src(%dma_wait3A_1019 : memref<100000x16xf32, #tpu.memory_space<hbm>>) dst(%dma_wait3A_1013 : memref<128x16xf32, #tpu.memory_space<vmem>>)
      %dma_wait3A_1020 = arith.constant 2 : i32
      %dma_wait3A_1021 = arith.constant 0 : i32
      %dma_wait3A_1022 = arith.constant 0 : i32
      %dma_wait3A_1023 = arith.constant 0 : i32
      %dma_wait3A_1024 = tpu.memref_slice %arg10[%dma_wait3A_1022, %dma_wait3A_1023] : memref<256x16xf32, #tpu.memory_space<vmem>> -> memref<128x16xf32, #tpu.memory_space<vmem>>
      %dma_wait3A_1025 = arith.constant 0 : i32
      %dma_wait3A_1026 = tpu.memref_slice %arg7[%dma_wait3A_1020, %dma_wait3A_1021, %dma_wait3A_1025] : memref<26x2x128xi32, #tpu.memory_space<vmem>> -> memref<1x1x128xi32, #tpu.memory_space<vmem>>
      %dma_wait3A_1027 = tpu.memref_squeeze %dma_wait3A_1026 : memref<1x1x128xi32, #tpu.memory_space<vmem>> -> memref<128xi32, #tpu.memory_space<vmem>>
      %dma_wait3A_1028 = arith.constant 0 : i32
      %dma_wait3A_1029 = arith.constant 0 : i32
      %dma_wait3A_1030 = tpu.memref_slice %arg2[%dma_wait3A_1028, %dma_wait3A_1029] : memref<100000x16xf32, #tpu.memory_space<hbm>> -> memref<100000x16xf32, #tpu.memory_space<hbm>>
      tpu.wait_indirect_dma semaphore(%arg12 : memref<!tpu.dma_semaphore, #tpu.memory_space<semaphore_mem>>) src(%dma_wait3A_1030 : memref<100000x16xf32, #tpu.memory_space<hbm>>) dst(%dma_wait3A_1024 : memref<128x16xf32, #tpu.memory_space<vmem>>)
      %dma_wait3A_1031 = arith.constant 2 : i32
      %dma_wait3A_1032 = arith.constant 1 : i32
      %dma_wait3A_1033 = arith.constant 128 : i32
      %dma_wait3A_1034 = arith.constant 0 : i32
      %dma_wait3A_1035 = tpu.memref_slice %arg10[%dma_wait3A_1033, %dma_wait3A_1034] : memref<256x16xf32, #tpu.memory_space<vmem>> -> memref<128x16xf32, #tpu.memory_space<vmem>>
      %dma_wait3A_1036 = arith.constant 0 : i32
      %dma_wait3A_1037 = tpu.memref_slice %arg7[%dma_wait3A_1031, %dma_wait3A_1032, %dma_wait3A_1036] : memref<26x2x128xi32, #tpu.memory_space<vmem>> -> memref<1x1x128xi32, #tpu.memory_space<vmem>>
      %dma_wait3A_1038 = tpu.memref_squeeze %dma_wait3A_1037 : memref<1x1x128xi32, #tpu.memory_space<vmem>> -> memref<128xi32, #tpu.memory_space<vmem>>
      %dma_wait3A_1039 = arith.constant 0 : i32
      %dma_wait3A_1040 = arith.constant 0 : i32
      %dma_wait3A_1041 = tpu.memref_slice %arg2[%dma_wait3A_1039, %dma_wait3A_1040] : memref<100000x16xf32, #tpu.memory_space<hbm>> -> memref<100000x16xf32, #tpu.memory_space<hbm>>
      tpu.wait_indirect_dma semaphore(%arg12 : memref<!tpu.dma_semaphore, #tpu.memory_space<semaphore_mem>>) src(%dma_wait3A_1041 : memref<100000x16xf32, #tpu.memory_space<hbm>>) dst(%dma_wait3A_1035 : memref<128x16xf32, #tpu.memory_space<vmem>>)
      %dma_wait3A_1042 = arith.constant 3 : i32
      %dma_wait3A_1043 = arith.constant 0 : i32
      %dma_wait3A_1044 = arith.constant 0 : i32
      %dma_wait3A_1045 = arith.constant 0 : i32
      %dma_wait3A_1046 = tpu.memref_slice %arg10[%dma_wait3A_1044, %dma_wait3A_1045] : memref<256x16xf32, #tpu.memory_space<vmem>> -> memref<128x16xf32, #tpu.memory_space<vmem>>
      %dma_wait3A_1047 = arith.constant 0 : i32
      %dma_wait3A_1048 = tpu.memref_slice %arg7[%dma_wait3A_1042, %dma_wait3A_1043, %dma_wait3A_1047] : memref<26x2x128xi32, #tpu.memory_space<vmem>> -> memref<1x1x128xi32, #tpu.memory_space<vmem>>
      %dma_wait3A_1049 = tpu.memref_squeeze %dma_wait3A_1048 : memref<1x1x128xi32, #tpu.memory_space<vmem>> -> memref<128xi32, #tpu.memory_space<vmem>>
      %dma_wait3A_1050 = arith.constant 0 : i32
      %dma_wait3A_1051 = arith.constant 0 : i32
      %dma_wait3A_1052 = tpu.memref_slice %arg2[%dma_wait3A_1050, %dma_wait3A_1051] : memref<100000x16xf32, #tpu.memory_space<hbm>> -> memref<100000x16xf32, #tpu.memory_space<hbm>>
      tpu.wait_indirect_dma semaphore(%arg12 : memref<!tpu.dma_semaphore, #tpu.memory_space<semaphore_mem>>) src(%dma_wait3A_1052 : memref<100000x16xf32, #tpu.memory_space<hbm>>) dst(%dma_wait3A_1046 : memref<128x16xf32, #tpu.memory_space<vmem>>)
      %dma_wait3A_1053 = arith.constant 3 : i32
      %dma_wait3A_1054 = arith.constant 1 : i32
      %dma_wait3A_1055 = arith.constant 128 : i32
      %dma_wait3A_1056 = arith.constant 0 : i32
      %dma_wait3A_1057 = tpu.memref_slice %arg10[%dma_wait3A_1055, %dma_wait3A_1056] : memref<256x16xf32, #tpu.memory_space<vmem>> -> memref<128x16xf32, #tpu.memory_space<vmem>>
      %dma_wait3A_1058 = arith.constant 0 : i32
      %dma_wait3A_1059 = tpu.memref_slice %arg7[%dma_wait3A_1053, %dma_wait3A_1054, %dma_wait3A_1058] : memref<26x2x128xi32, #tpu.memory_space<vmem>> -> memref<1x1x128xi32, #tpu.memory_space<vmem>>
      %dma_wait3A_1060 = tpu.memref_squeeze %dma_wait3A_1059 : memref<1x1x128xi32, #tpu.memory_space<vmem>> -> memref<128xi32, #tpu.memory_space<vmem>>
      %dma_wait3A_1061 = arith.constant 0 : i32
      %dma_wait3A_1062 = arith.constant 0 : i32
      %dma_wait3A_1063 = tpu.memref_slice %arg2[%dma_wait3A_1061, %dma_wait3A_1062] : memref<100000x16xf32, #tpu.memory_space<hbm>> -> memref<100000x16xf32, #tpu.memory_space<hbm>>
      tpu.wait_indirect_dma semaphore(%arg12 : memref<!tpu.dma_semaphore, #tpu.memory_space<semaphore_mem>>) src(%dma_wait3A_1063 : memref<100000x16xf32, #tpu.memory_space<hbm>>) dst(%dma_wait3A_1057 : memref<128x16xf32, #tpu.memory_space<vmem>>)
      %dma_wait3A_1064 = arith.constant 4 : i32
      %dma_wait3A_1065 = arith.constant 0 : i32
      %dma_wait3A_1066 = arith.constant 0 : i32
      %dma_wait3A_1067 = arith.constant 0 : i32
      %dma_wait3A_1068 = tpu.memref_slice %arg10[%dma_wait3A_1066, %dma_wait3A_1067] : memref<256x16xf32, #tpu.memory_space<vmem>> -> memref<128x16xf32, #tpu.memory_space<vmem>>
      %dma_wait3A_1069 = arith.constant 0 : i32
      %dma_wait3A_1070 = tpu.memref_slice %arg7[%dma_wait3A_1064, %dma_wait3A_1065, %dma_wait3A_1069] : memref<26x2x128xi32, #tpu.memory_space<vmem>> -> memref<1x1x128xi32, #tpu.memory_space<vmem>>
      %dma_wait3A_1071 = tpu.memref_squeeze %dma_wait3A_1070 : memref<1x1x128xi32, #tpu.memory_space<vmem>> -> memref<128xi32, #tpu.memory_space<vmem>>
      %dma_wait3A_1072 = arith.constant 0 : i32
      %dma_wait3A_1073 = arith.constant 0 : i32
      %dma_wait3A_1074 = tpu.memref_slice %arg2[%dma_wait3A_1072, %dma_wait3A_1073] : memref<100000x16xf32, #tpu.memory_space<hbm>> -> memref<100000x16xf32, #tpu.memory_space<hbm>>
      tpu.wait_indirect_dma semaphore(%arg12 : memref<!tpu.dma_semaphore, #tpu.memory_space<semaphore_mem>>) src(%dma_wait3A_1074 : memref<100000x16xf32, #tpu.memory_space<hbm>>) dst(%dma_wait3A_1068 : memref<128x16xf32, #tpu.memory_space<vmem>>)
      %dma_wait3A_1075 = arith.constant 4 : i32
      %dma_wait3A_1076 = arith.constant 1 : i32
      %dma_wait3A_1077 = arith.constant 128 : i32
      %dma_wait3A_1078 = arith.constant 0 : i32
      %dma_wait3A_1079 = tpu.memref_slice %arg10[%dma_wait3A_1077, %dma_wait3A_1078] : memref<256x16xf32, #tpu.memory_space<vmem>> -> memref<128x16xf32, #tpu.memory_space<vmem>>
      %dma_wait3A_1080 = arith.constant 0 : i32
      %dma_wait3A_1081 = tpu.memref_slice %arg7[%dma_wait3A_1075, %dma_wait3A_1076, %dma_wait3A_1080] : memref<26x2x128xi32, #tpu.memory_space<vmem>> -> memref<1x1x128xi32, #tpu.memory_space<vmem>>
      %dma_wait3A_1082 = tpu.memref_squeeze %dma_wait3A_1081 : memref<1x1x128xi32, #tpu.memory_space<vmem>> -> memref<128xi32, #tpu.memory_space<vmem>>
      %dma_wait3A_1083 = arith.constant 0 : i32
      %dma_wait3A_1084 = arith.constant 0 : i32
      %dma_wait3A_1085 = tpu.memref_slice %arg2[%dma_wait3A_1083, %dma_wait3A_1084] : memref<100000x16xf32, #tpu.memory_space<hbm>> -> memref<100000x16xf32, #tpu.memory_space<hbm>>
      tpu.wait_indirect_dma semaphore(%arg12 : memref<!tpu.dma_semaphore, #tpu.memory_space<semaphore_mem>>) src(%dma_wait3A_1085 : memref<100000x16xf32, #tpu.memory_space<hbm>>) dst(%dma_wait3A_1079 : memref<128x16xf32, #tpu.memory_space<vmem>>)
      %dma_wait3A_1086 = arith.constant 5 : i32
      %dma_wait3A_1087 = arith.constant 0 : i32
      %dma_wait3A_1088 = arith.constant 0 : i32
      %dma_wait3A_1089 = arith.constant 0 : i32
      %dma_wait3A_1090 = tpu.memref_slice %arg10[%dma_wait3A_1088, %dma_wait3A_1089] : memref<256x16xf32, #tpu.memory_space<vmem>> -> memref<128x16xf32, #tpu.memory_space<vmem>>
      %dma_wait3A_1091 = arith.constant 0 : i32
      %dma_wait3A_1092 = tpu.memref_slice %arg7[%dma_wait3A_1086, %dma_wait3A_1087, %dma_wait3A_1091] : memref<26x2x128xi32, #tpu.memory_space<vmem>> -> memref<1x1x128xi32, #tpu.memory_space<vmem>>
      %dma_wait3A_1093 = tpu.memref_squeeze %dma_wait3A_1092 : memref<1x1x128xi32, #tpu.memory_space<vmem>> -> memref<128xi32, #tpu.memory_space<vmem>>
      %dma_wait3A_1094 = arith.constant 0 : i32
      %dma_wait3A_1095 = arith.constant 0 : i32
      %dma_wait3A_1096 = tpu.memref_slice %arg2[%dma_wait3A_1094, %dma_wait3A_1095] : memref<100000x16xf32, #tpu.memory_space<hbm>> -> memref<100000x16xf32, #tpu.memory_space<hbm>>
      tpu.wait_indirect_dma semaphore(%arg12 : memref<!tpu.dma_semaphore, #tpu.memory_space<semaphore_mem>>) src(%dma_wait3A_1096 : memref<100000x16xf32, #tpu.memory_space<hbm>>) dst(%dma_wait3A_1090 : memref<128x16xf32, #tpu.memory_space<vmem>>)
      %dma_wait3A_1097 = arith.constant 5 : i32
      %dma_wait3A_1098 = arith.constant 1 : i32
      %dma_wait3A_1099 = arith.constant 128 : i32
      %dma_wait3A_1100 = arith.constant 0 : i32
      %dma_wait3A_1101 = tpu.memref_slice %arg10[%dma_wait3A_1099, %dma_wait3A_1100] : memref<256x16xf32, #tpu.memory_space<vmem>> -> memref<128x16xf32, #tpu.memory_space<vmem>>
      %dma_wait3A_1102 = arith.constant 0 : i32
      %dma_wait3A_1103 = tpu.memref_slice %arg7[%dma_wait3A_1097, %dma_wait3A_1098, %dma_wait3A_1102] : memref<26x2x128xi32, #tpu.memory_space<vmem>> -> memref<1x1x128xi32, #tpu.memory_space<vmem>>
      %dma_wait3A_1104 = tpu.memref_squeeze %dma_wait3A_1103 : memref<1x1x128xi32, #tpu.memory_space<vmem>> -> memref<128xi32, #tpu.memory_space<vmem>>
      %dma_wait3A_1105 = arith.constant 0 : i32
      %dma_wait3A_1106 = arith.constant 0 : i32
      %dma_wait3A_1107 = tpu.memref_slice %arg2[%dma_wait3A_1105, %dma_wait3A_1106] : memref<100000x16xf32, #tpu.memory_space<hbm>> -> memref<100000x16xf32, #tpu.memory_space<hbm>>
      tpu.wait_indirect_dma semaphore(%arg12 : memref<!tpu.dma_semaphore, #tpu.memory_space<semaphore_mem>>) src(%dma_wait3A_1107 : memref<100000x16xf32, #tpu.memory_space<hbm>>) dst(%dma_wait3A_1101 : memref<128x16xf32, #tpu.memory_space<vmem>>)
      %dma_wait3A_1108 = arith.constant 6 : i32
      %dma_wait3A_1109 = arith.constant 0 : i32
      %dma_wait3A_1110 = arith.constant 0 : i32
      %dma_wait3A_1111 = arith.constant 0 : i32
      %dma_wait3A_1112 = tpu.memref_slice %arg10[%dma_wait3A_1110, %dma_wait3A_1111] : memref<256x16xf32, #tpu.memory_space<vmem>> -> memref<128x16xf32, #tpu.memory_space<vmem>>
      %dma_wait3A_1113 = arith.constant 0 : i32
      %dma_wait3A_1114 = tpu.memref_slice %arg7[%dma_wait3A_1108, %dma_wait3A_1109, %dma_wait3A_1113] : memref<26x2x128xi32, #tpu.memory_space<vmem>> -> memref<1x1x128xi32, #tpu.memory_space<vmem>>
      %dma_wait3A_1115 = tpu.memref_squeeze %dma_wait3A_1114 : memref<1x1x128xi32, #tpu.memory_space<vmem>> -> memref<128xi32, #tpu.memory_space<vmem>>
      %dma_wait3A_1116 = arith.constant 0 : i32
      %dma_wait3A_1117 = arith.constant 0 : i32
      %dma_wait3A_1118 = tpu.memref_slice %arg2[%dma_wait3A_1116, %dma_wait3A_1117] : memref<100000x16xf32, #tpu.memory_space<hbm>> -> memref<100000x16xf32, #tpu.memory_space<hbm>>
      tpu.wait_indirect_dma semaphore(%arg12 : memref<!tpu.dma_semaphore, #tpu.memory_space<semaphore_mem>>) src(%dma_wait3A_1118 : memref<100000x16xf32, #tpu.memory_space<hbm>>) dst(%dma_wait3A_1112 : memref<128x16xf32, #tpu.memory_space<vmem>>)
      %dma_wait3A_1119 = arith.constant 6 : i32
      %dma_wait3A_1120 = arith.constant 1 : i32
      %dma_wait3A_1121 = arith.constant 128 : i32
      %dma_wait3A_1122 = arith.constant 0 : i32
      %dma_wait3A_1123 = tpu.memref_slice %arg10[%dma_wait3A_1121, %dma_wait3A_1122] : memref<256x16xf32, #tpu.memory_space<vmem>> -> memref<128x16xf32, #tpu.memory_space<vmem>>
      %dma_wait3A_1124 = arith.constant 0 : i32
      %dma_wait3A_1125 = tpu.memref_slice %arg7[%dma_wait3A_1119, %dma_wait3A_1120, %dma_wait3A_1124] : memref<26x2x128xi32, #tpu.memory_space<vmem>> -> memref<1x1x128xi32, #tpu.memory_space<vmem>>
      %dma_wait3A_1126 = tpu.memref_squeeze %dma_wait3A_1125 : memref<1x1x128xi32, #tpu.memory_space<vmem>> -> memref<128xi32, #tpu.memory_space<vmem>>
      %dma_wait3A_1127 = arith.constant 0 : i32
      %dma_wait3A_1128 = arith.constant 0 : i32
      %dma_wait3A_1129 = tpu.memref_slice %arg2[%dma_wait3A_1127, %dma_wait3A_1128] : memref<100000x16xf32, #tpu.memory_space<hbm>> -> memref<100000x16xf32, #tpu.memory_space<hbm>>
      tpu.wait_indirect_dma semaphore(%arg12 : memref<!tpu.dma_semaphore, #tpu.memory_space<semaphore_mem>>) src(%dma_wait3A_1129 : memref<100000x16xf32, #tpu.memory_space<hbm>>) dst(%dma_wait3A_1123 : memref<128x16xf32, #tpu.memory_space<vmem>>)
      %dma_wait3A_1130 = arith.constant 7 : i32
      %dma_wait3A_1131 = arith.constant 0 : i32
      %dma_wait3A_1132 = arith.constant 0 : i32
      %dma_wait3A_1133 = arith.constant 0 : i32
      %dma_wait3A_1134 = tpu.memref_slice %arg10[%dma_wait3A_1132, %dma_wait3A_1133] : memref<256x16xf32, #tpu.memory_space<vmem>> -> memref<128x16xf32, #tpu.memory_space<vmem>>
      %dma_wait3A_1135 = arith.constant 0 : i32
      %dma_wait3A_1136 = tpu.memref_slice %arg7[%dma_wait3A_1130, %dma_wait3A_1131, %dma_wait3A_1135] : memref<26x2x128xi32, #tpu.memory_space<vmem>> -> memref<1x1x128xi32, #tpu.memory_space<vmem>>
      %dma_wait3A_1137 = tpu.memref_squeeze %dma_wait3A_1136 : memref<1x1x128xi32, #tpu.memory_space<vmem>> -> memref<128xi32, #tpu.memory_space<vmem>>
      %dma_wait3A_1138 = arith.constant 0 : i32
      %dma_wait3A_1139 = arith.constant 0 : i32
      %dma_wait3A_1140 = tpu.memref_slice %arg2[%dma_wait3A_1138, %dma_wait3A_1139] : memref<100000x16xf32, #tpu.memory_space<hbm>> -> memref<100000x16xf32, #tpu.memory_space<hbm>>
      tpu.wait_indirect_dma semaphore(%arg12 : memref<!tpu.dma_semaphore, #tpu.memory_space<semaphore_mem>>) src(%dma_wait3A_1140 : memref<100000x16xf32, #tpu.memory_space<hbm>>) dst(%dma_wait3A_1134 : memref<128x16xf32, #tpu.memory_space<vmem>>)
      %dma_wait3A_1141 = arith.constant 7 : i32
      %dma_wait3A_1142 = arith.constant 1 : i32
      %dma_wait3A_1143 = arith.constant 128 : i32
      %dma_wait3A_1144 = arith.constant 0 : i32
      %dma_wait3A_1145 = tpu.memref_slice %arg10[%dma_wait3A_1143, %dma_wait3A_1144] : memref<256x16xf32, #tpu.memory_space<vmem>> -> memref<128x16xf32, #tpu.memory_space<vmem>>
      %dma_wait3A_1146 = arith.constant 0 : i32
      %dma_wait3A_1147 = tpu.memref_slice %arg7[%dma_wait3A_1141, %dma_wait3A_1142, %dma_wait3A_1146] : memref<26x2x128xi32, #tpu.memory_space<vmem>> -> memref<1x1x128xi32, #tpu.memory_space<vmem>>
      %dma_wait3A_1148 = tpu.memref_squeeze %dma_wait3A_1147 : memref<1x1x128xi32, #tpu.memory_space<vmem>> -> memref<128xi32, #tpu.memory_space<vmem>>
      %dma_wait3A_1149 = arith.constant 0 : i32
      %dma_wait3A_1150 = arith.constant 0 : i32
      %dma_wait3A_1151 = tpu.memref_slice %arg2[%dma_wait3A_1149, %dma_wait3A_1150] : memref<100000x16xf32, #tpu.memory_space<hbm>> -> memref<100000x16xf32, #tpu.memory_space<hbm>>
      tpu.wait_indirect_dma semaphore(%arg12 : memref<!tpu.dma_semaphore, #tpu.memory_space<semaphore_mem>>) src(%dma_wait3A_1151 : memref<100000x16xf32, #tpu.memory_space<hbm>>) dst(%dma_wait3A_1145 : memref<128x16xf32, #tpu.memory_space<vmem>>)
      %dma_wait3A_1152 = arith.constant 8 : i32
      %dma_wait3A_1153 = arith.constant 0 : i32
      %dma_wait3A_1154 = arith.constant 0 : i32
      %dma_wait3A_1155 = arith.constant 0 : i32
      %dma_wait3A_1156 = tpu.memref_slice %arg10[%dma_wait3A_1154, %dma_wait3A_1155] : memref<256x16xf32, #tpu.memory_space<vmem>> -> memref<128x16xf32, #tpu.memory_space<vmem>>
      %dma_wait3A_1157 = arith.constant 0 : i32
      %dma_wait3A_1158 = tpu.memref_slice %arg7[%dma_wait3A_1152, %dma_wait3A_1153, %dma_wait3A_1157] : memref<26x2x128xi32, #tpu.memory_space<vmem>> -> memref<1x1x128xi32, #tpu.memory_space<vmem>>
      %dma_wait3A_1159 = tpu.memref_squeeze %dma_wait3A_1158 : memref<1x1x128xi32, #tpu.memory_space<vmem>> -> memref<128xi32, #tpu.memory_space<vmem>>
      %dma_wait3A_1160 = arith.constant 0 : i32
      %dma_wait3A_1161 = arith.constant 0 : i32
      %dma_wait3A_1162 = tpu.memref_slice %arg2[%dma_wait3A_1160, %dma_wait3A_1161] : memref<100000x16xf32, #tpu.memory_space<hbm>> -> memref<100000x16xf32, #tpu.memory_space<hbm>>
      tpu.wait_indirect_dma semaphore(%arg12 : memref<!tpu.dma_semaphore, #tpu.memory_space<semaphore_mem>>) src(%dma_wait3A_1162 : memref<100000x16xf32, #tpu.memory_space<hbm>>) dst(%dma_wait3A_1156 : memref<128x16xf32, #tpu.memory_space<vmem>>)
      %dma_wait3A_1163 = arith.constant 8 : i32
      %dma_wait3A_1164 = arith.constant 1 : i32
      %dma_wait3A_1165 = arith.constant 128 : i32
      %dma_wait3A_1166 = arith.constant 0 : i32
      %dma_wait3A_1167 = tpu.memref_slice %arg10[%dma_wait3A_1165, %dma_wait3A_1166] : memref<256x16xf32, #tpu.memory_space<vmem>> -> memref<128x16xf32, #tpu.memory_space<vmem>>
      %dma_wait3A_1168 = arith.constant 0 : i32
      %dma_wait3A_1169 = tpu.memref_slice %arg7[%dma_wait3A_1163, %dma_wait3A_1164, %dma_wait3A_1168] : memref<26x2x128xi32, #tpu.memory_space<vmem>> -> memref<1x1x128xi32, #tpu.memory_space<vmem>>
      %dma_wait3A_1170 = tpu.memref_squeeze %dma_wait3A_1169 : memref<1x1x128xi32, #tpu.memory_space<vmem>> -> memref<128xi32, #tpu.memory_space<vmem>>
      %dma_wait3A_1171 = arith.constant 0 : i32
      %dma_wait3A_1172 = arith.constant 0 : i32
      %dma_wait3A_1173 = tpu.memref_slice %arg2[%dma_wait3A_1171, %dma_wait3A_1172] : memref<100000x16xf32, #tpu.memory_space<hbm>> -> memref<100000x16xf32, #tpu.memory_space<hbm>>
      tpu.wait_indirect_dma semaphore(%arg12 : memref<!tpu.dma_semaphore, #tpu.memory_space<semaphore_mem>>) src(%dma_wait3A_1173 : memref<100000x16xf32, #tpu.memory_space<hbm>>) dst(%dma_wait3A_1167 : memref<128x16xf32, #tpu.memory_space<vmem>>)
      %dma_wait3A_1174 = arith.constant 9 : i32
      %dma_wait3A_1175 = arith.constant 0 : i32
      %dma_wait3A_1176 = arith.constant 0 : i32
      %dma_wait3A_1177 = arith.constant 0 : i32
      %dma_wait3A_1178 = tpu.memref_slice %arg10[%dma_wait3A_1176, %dma_wait3A_1177] : memref<256x16xf32, #tpu.memory_space<vmem>> -> memref<128x16xf32, #tpu.memory_space<vmem>>
      %dma_wait3A_1179 = arith.constant 0 : i32
      %dma_wait3A_1180 = tpu.memref_slice %arg7[%dma_wait3A_1174, %dma_wait3A_1175, %dma_wait3A_1179] : memref<26x2x128xi32, #tpu.memory_space<vmem>> -> memref<1x1x128xi32, #tpu.memory_space<vmem>>
      %dma_wait3A_1181 = tpu.memref_squeeze %dma_wait3A_1180 : memref<1x1x128xi32, #tpu.memory_space<vmem>> -> memref<128xi32, #tpu.memory_space<vmem>>
      %dma_wait3A_1182 = arith.constant 0 : i32
      %dma_wait3A_1183 = arith.constant 0 : i32
      %dma_wait3A_1184 = tpu.memref_slice %arg2[%dma_wait3A_1182, %dma_wait3A_1183] : memref<100000x16xf32, #tpu.memory_space<hbm>> -> memref<100000x16xf32, #tpu.memory_space<hbm>>
      tpu.wait_indirect_dma semaphore(%arg12 : memref<!tpu.dma_semaphore, #tpu.memory_space<semaphore_mem>>) src(%dma_wait3A_1184 : memref<100000x16xf32, #tpu.memory_space<hbm>>) dst(%dma_wait3A_1178 : memref<128x16xf32, #tpu.memory_space<vmem>>)
      %dma_wait3A_1185 = arith.constant 9 : i32
      %dma_wait3A_1186 = arith.constant 1 : i32
      %dma_wait3A_1187 = arith.constant 128 : i32
      %dma_wait3A_1188 = arith.constant 0 : i32
      %dma_wait3A_1189 = tpu.memref_slice %arg10[%dma_wait3A_1187, %dma_wait3A_1188] : memref<256x16xf32, #tpu.memory_space<vmem>> -> memref<128x16xf32, #tpu.memory_space<vmem>>
      %dma_wait3A_1190 = arith.constant 0 : i32
      %dma_wait3A_1191 = tpu.memref_slice %arg7[%dma_wait3A_1185, %dma_wait3A_1186, %dma_wait3A_1190] : memref<26x2x128xi32, #tpu.memory_space<vmem>> -> memref<1x1x128xi32, #tpu.memory_space<vmem>>
      %dma_wait3A_1192 = tpu.memref_squeeze %dma_wait3A_1191 : memref<1x1x128xi32, #tpu.memory_space<vmem>> -> memref<128xi32, #tpu.memory_space<vmem>>
      %dma_wait3A_1193 = arith.constant 0 : i32
      %dma_wait3A_1194 = arith.constant 0 : i32
      %dma_wait3A_1195 = tpu.memref_slice %arg2[%dma_wait3A_1193, %dma_wait3A_1194] : memref<100000x16xf32, #tpu.memory_space<hbm>> -> memref<100000x16xf32, #tpu.memory_space<hbm>>
      tpu.wait_indirect_dma semaphore(%arg12 : memref<!tpu.dma_semaphore, #tpu.memory_space<semaphore_mem>>) src(%dma_wait3A_1195 : memref<100000x16xf32, #tpu.memory_space<hbm>>) dst(%dma_wait3A_1189 : memref<128x16xf32, #tpu.memory_space<vmem>>)
      %dma_wait3A_1196 = arith.constant 10 : i32
      %dma_wait3A_1197 = arith.constant 0 : i32
      %dma_wait3A_1198 = arith.constant 0 : i32
      %dma_wait3A_1199 = arith.constant 0 : i32
      %dma_wait3A_1200 = tpu.memref_slice %arg10[%dma_wait3A_1198, %dma_wait3A_1199] : memref<256x16xf32, #tpu.memory_space<vmem>> -> memref<128x16xf32, #tpu.memory_space<vmem>>
      %dma_wait3A_1201 = arith.constant 0 : i32
      %dma_wait3A_1202 = tpu.memref_slice %arg7[%dma_wait3A_1196, %dma_wait3A_1197, %dma_wait3A_1201] : memref<26x2x128xi32, #tpu.memory_space<vmem>> -> memref<1x1x128xi32, #tpu.memory_space<vmem>>
      %dma_wait3A_1203 = tpu.memref_squeeze %dma_wait3A_1202 : memref<1x1x128xi32, #tpu.memory_space<vmem>> -> memref<128xi32, #tpu.memory_space<vmem>>
      %dma_wait3A_1204 = arith.constant 0 : i32
      %dma_wait3A_1205 = arith.constant 0 : i32
      %dma_wait3A_1206 = tpu.memref_slice %arg2[%dma_wait3A_1204, %dma_wait3A_1205] : memref<100000x16xf32, #tpu.memory_space<hbm>> -> memref<100000x16xf32, #tpu.memory_space<hbm>>
      tpu.wait_indirect_dma semaphore(%arg12 : memref<!tpu.dma_semaphore, #tpu.memory_space<semaphore_mem>>) src(%dma_wait3A_1206 : memref<100000x16xf32, #tpu.memory_space<hbm>>) dst(%dma_wait3A_1200 : memref<128x16xf32, #tpu.memory_space<vmem>>)
      %dma_wait3A_1207 = arith.constant 10 : i32
      %dma_wait3A_1208 = arith.constant 1 : i32
      %dma_wait3A_1209 = arith.constant 128 : i32
      %dma_wait3A_1210 = arith.constant 0 : i32
      %dma_wait3A_1211 = tpu.memref_slice %arg10[%dma_wait3A_1209, %dma_wait3A_1210] : memref<256x16xf32, #tpu.memory_space<vmem>> -> memref<128x16xf32, #tpu.memory_space<vmem>>
      %dma_wait3A_1212 = arith.constant 0 : i32
      %dma_wait3A_1213 = tpu.memref_slice %arg7[%dma_wait3A_1207, %dma_wait3A_1208, %dma_wait3A_1212] : memref<26x2x128xi32, #tpu.memory_space<vmem>> -> memref<1x1x128xi32, #tpu.memory_space<vmem>>
      %dma_wait3A_1214 = tpu.memref_squeeze %dma_wait3A_1213 : memref<1x1x128xi32, #tpu.memory_space<vmem>> -> memref<128xi32, #tpu.memory_space<vmem>>
      %dma_wait3A_1215 = arith.constant 0 : i32
      %dma_wait3A_1216 = arith.constant 0 : i32
      %dma_wait3A_1217 = tpu.memref_slice %arg2[%dma_wait3A_1215, %dma_wait3A_1216] : memref<100000x16xf32, #tpu.memory_space<hbm>> -> memref<100000x16xf32, #tpu.memory_space<hbm>>
      tpu.wait_indirect_dma semaphore(%arg12 : memref<!tpu.dma_semaphore, #tpu.memory_space<semaphore_mem>>) src(%dma_wait3A_1217 : memref<100000x16xf32, #tpu.memory_space<hbm>>) dst(%dma_wait3A_1211 : memref<128x16xf32, #tpu.memory_space<vmem>>)
      %dma_wait3A_1218 = arith.constant 11 : i32
      %dma_wait3A_1219 = arith.constant 0 : i32
      %dma_wait3A_1220 = arith.constant 0 : i32
      %dma_wait3A_1221 = arith.constant 0 : i32
      %dma_wait3A_1222 = tpu.memref_slice %arg10[%dma_wait3A_1220, %dma_wait3A_1221] : memref<256x16xf32, #tpu.memory_space<vmem>> -> memref<128x16xf32, #tpu.memory_space<vmem>>
      %dma_wait3A_1223 = arith.constant 0 : i32
      %dma_wait3A_1224 = tpu.memref_slice %arg7[%dma_wait3A_1218, %dma_wait3A_1219, %dma_wait3A_1223] : memref<26x2x128xi32, #tpu.memory_space<vmem>> -> memref<1x1x128xi32, #tpu.memory_space<vmem>>
      %dma_wait3A_1225 = tpu.memref_squeeze %dma_wait3A_1224 : memref<1x1x128xi32, #tpu.memory_space<vmem>> -> memref<128xi32, #tpu.memory_space<vmem>>
      %dma_wait3A_1226 = arith.constant 0 : i32
      %dma_wait3A_1227 = arith.constant 0 : i32
      %dma_wait3A_1228 = tpu.memref_slice %arg2[%dma_wait3A_1226, %dma_wait3A_1227] : memref<100000x16xf32, #tpu.memory_space<hbm>> -> memref<100000x16xf32, #tpu.memory_space<hbm>>
      tpu.wait_indirect_dma semaphore(%arg12 : memref<!tpu.dma_semaphore, #tpu.memory_space<semaphore_mem>>) src(%dma_wait3A_1228 : memref<100000x16xf32, #tpu.memory_space<hbm>>) dst(%dma_wait3A_1222 : memref<128x16xf32, #tpu.memory_space<vmem>>)
      %dma_wait3A_1229 = arith.constant 11 : i32
      %dma_wait3A_1230 = arith.constant 1 : i32
      %dma_wait3A_1231 = arith.constant 128 : i32
      %dma_wait3A_1232 = arith.constant 0 : i32
      %dma_wait3A_1233 = tpu.memref_slice %arg10[%dma_wait3A_1231, %dma_wait3A_1232] : memref<256x16xf32, #tpu.memory_space<vmem>> -> memref<128x16xf32, #tpu.memory_space<vmem>>
      %dma_wait3A_1234 = arith.constant 0 : i32
      %dma_wait3A_1235 = tpu.memref_slice %arg7[%dma_wait3A_1229, %dma_wait3A_1230, %dma_wait3A_1234] : memref<26x2x128xi32, #tpu.memory_space<vmem>> -> memref<1x1x128xi32, #tpu.memory_space<vmem>>
      %dma_wait3A_1236 = tpu.memref_squeeze %dma_wait3A_1235 : memref<1x1x128xi32, #tpu.memory_space<vmem>> -> memref<128xi32, #tpu.memory_space<vmem>>
      %dma_wait3A_1237 = arith.constant 0 : i32
      %dma_wait3A_1238 = arith.constant 0 : i32
      %dma_wait3A_1239 = tpu.memref_slice %arg2[%dma_wait3A_1237, %dma_wait3A_1238] : memref<100000x16xf32, #tpu.memory_space<hbm>> -> memref<100000x16xf32, #tpu.memory_space<hbm>>
      tpu.wait_indirect_dma semaphore(%arg12 : memref<!tpu.dma_semaphore, #tpu.memory_space<semaphore_mem>>) src(%dma_wait3A_1239 : memref<100000x16xf32, #tpu.memory_space<hbm>>) dst(%dma_wait3A_1233 : memref<128x16xf32, #tpu.memory_space<vmem>>)
      %dma_wait3A_1240 = arith.constant 12 : i32
      %dma_wait3A_1241 = arith.constant 0 : i32
      %dma_wait3A_1242 = arith.constant 0 : i32
      %dma_wait3A_1243 = arith.constant 0 : i32
      %dma_wait3A_1244 = tpu.memref_slice %arg10[%dma_wait3A_1242, %dma_wait3A_1243] : memref<256x16xf32, #tpu.memory_space<vmem>> -> memref<128x16xf32, #tpu.memory_space<vmem>>
      %dma_wait3A_1245 = arith.constant 0 : i32
      %dma_wait3A_1246 = tpu.memref_slice %arg7[%dma_wait3A_1240, %dma_wait3A_1241, %dma_wait3A_1245] : memref<26x2x128xi32, #tpu.memory_space<vmem>> -> memref<1x1x128xi32, #tpu.memory_space<vmem>>
      %dma_wait3A_1247 = tpu.memref_squeeze %dma_wait3A_1246 : memref<1x1x128xi32, #tpu.memory_space<vmem>> -> memref<128xi32, #tpu.memory_space<vmem>>
      %dma_wait3A_1248 = arith.constant 0 : i32
      %dma_wait3A_1249 = arith.constant 0 : i32
      %dma_wait3A_1250 = tpu.memref_slice %arg2[%dma_wait3A_1248, %dma_wait3A_1249] : memref<100000x16xf32, #tpu.memory_space<hbm>> -> memref<100000x16xf32, #tpu.memory_space<hbm>>
      tpu.wait_indirect_dma semaphore(%arg12 : memref<!tpu.dma_semaphore, #tpu.memory_space<semaphore_mem>>) src(%dma_wait3A_1250 : memref<100000x16xf32, #tpu.memory_space<hbm>>) dst(%dma_wait3A_1244 : memref<128x16xf32, #tpu.memory_space<vmem>>)
      %dma_wait3A_1251 = arith.constant 12 : i32
      %dma_wait3A_1252 = arith.constant 1 : i32
      %dma_wait3A_1253 = arith.constant 128 : i32
      %dma_wait3A_1254 = arith.constant 0 : i32
      %dma_wait3A_1255 = tpu.memref_slice %arg10[%dma_wait3A_1253, %dma_wait3A_1254] : memref<256x16xf32, #tpu.memory_space<vmem>> -> memref<128x16xf32, #tpu.memory_space<vmem>>
      %dma_wait3A_1256 = arith.constant 0 : i32
      %dma_wait3A_1257 = tpu.memref_slice %arg7[%dma_wait3A_1251, %dma_wait3A_1252, %dma_wait3A_1256] : memref<26x2x128xi32, #tpu.memory_space<vmem>> -> memref<1x1x128xi32, #tpu.memory_space<vmem>>
      %dma_wait3A_1258 = tpu.memref_squeeze %dma_wait3A_1257 : memref<1x1x128xi32, #tpu.memory_space<vmem>> -> memref<128xi32, #tpu.memory_space<vmem>>
      %dma_wait3A_1259 = arith.constant 0 : i32
      %dma_wait3A_1260 = arith.constant 0 : i32
      %dma_wait3A_1261 = tpu.memref_slice %arg2[%dma_wait3A_1259, %dma_wait3A_1260] : memref<100000x16xf32, #tpu.memory_space<hbm>> -> memref<100000x16xf32, #tpu.memory_space<hbm>>
      tpu.wait_indirect_dma semaphore(%arg12 : memref<!tpu.dma_semaphore, #tpu.memory_space<semaphore_mem>>) src(%dma_wait3A_1261 : memref<100000x16xf32, #tpu.memory_space<hbm>>) dst(%dma_wait3A_1255 : memref<128x16xf32, #tpu.memory_space<vmem>>)
      %mul3A_1262 = arith.constant 256 : i32
      %mul3A_1263 = arith.muli %add3A_8, %mul3A_1262 : i32
      "tpu.region"() ({
        %run_scoped3A = tpu.sem_alloc : memref<!tpu.dma_semaphore, #tpu.memory_space<semaphore_mem>>
        %dma_start3A_1264 = arith.constant 0 : i32
        %dma_start3A_1265 = tpu.memref_slice %arg6[%mul3A_1263, %dma_start3A_1264] : memref<16384x16xf32, #tpu.memory_space<hbm>> -> memref<256x16xf32, #tpu.memory_space<hbm>>
        %dma_start3A_1266 = arith.constant 0 : i32
        %dma_start3A_1267 = tpu.memref_slice %arg6[%mul3A_1263, %dma_start3A_1266] : memref<16384x16xf32, #tpu.memory_space<hbm>> -> memref<256x16xf32, #tpu.memory_space<hbm>>
        tpu.enqueue_dma source(%arg10 : memref<256x16xf32, #tpu.memory_space<vmem>>) target(%dma_start3A_1267 : memref<256x16xf32, #tpu.memory_space<hbm>>) target_semaphore(%run_scoped3A : memref<!tpu.dma_semaphore, #tpu.memory_space<semaphore_mem>>)
        %dma_wait3A_1268 = arith.constant 0 : i32
        %dma_wait3A_1269 = tpu.memref_slice %arg6[%mul3A_1263, %dma_wait3A_1268] : memref<16384x16xf32, #tpu.memory_space<hbm>> -> memref<256x16xf32, #tpu.memory_space<hbm>>
        %dma_wait3A_1270 = arith.constant 0 : i32
        %dma_wait3A_1271 = tpu.memref_slice %arg6[%mul3A_1263, %dma_wait3A_1270] : memref<16384x16xf32, #tpu.memory_space<hbm>> -> memref<256x16xf32, #tpu.memory_space<hbm>>
        tpu.wait_dma2 semaphore(%run_scoped3A : memref<!tpu.dma_semaphore, #tpu.memory_space<semaphore_mem>>) src(%arg10 : memref<256x16xf32, #tpu.memory_space<vmem>>) dst(%dma_wait3A_1271 : memref<256x16xf32, #tpu.memory_space<hbm>>)
        tpu.yield
      }) : () -> ()
    }
    %scan3A_4 = arith.constant 2 : i32
    return
  }
}

</mosaic_0001>

<sc_bundles>
// kernel: kernel.3.cloned.1.call-start
scs
__scs_entry_jumppad:
0x0: {  	(pc) =	sbr.rel $0x88, $3  }
0x1: {  	(tag) =	ssettag $0x0;
	lr =	simm.s32 $0x1  }
0x2: {  	[smem:$0x3F9E] =	sst lr;
	_ =	strace $0xD0000000  }
0x3: {  	_ = 	snop  }
0x4: {  	_ = 	snop  }
0x5: {  	_ = 	snop  }
0x6: {  	_ = 	snop  }
0x7: {  	_ = 	snop  }
__scs_overlays_trampoline_lowered:
0x8: {  	[smem:$0x3FAD] =	sst s0  }
0x9: {  	[smem:$0x3FAE] =	sst s1  }
0xa: {  	[smem:$0x3FAF] =	sst s2  }
0xb: {  	[smem:$0x3FB0] =	sst s3  }
0xc: {  	[smem:$0x3FB1] =	sst s4  }
0xd: {  	[smem:$0x3FB2] =	sst s5  }
0xe: {  	[smem:$0x3FB3] =	sst s6  }
0xf: {  	[smem:$0x3FB4] =	sst s7  }
0x10: {  	[smem:$0x3FB5] =	sst s8  }
0x11: {  	[smem:$0x3FB6] =	sst s9;
	s0 =	simm.s32 @!p0 $0x0  }
0x12: {  	s1 =	sld [smem:$0x3F9C];
	s0 =	simm.s32 @p0 $0x1  }
0x13: {  	[smem:$0x3FB7] =	sst s0;
	s0 =	simm.s32 @!p1 $0x0  }
0x14: {  	s2 =	sld [smem:$0x3F9B];
	s0 =	simm.s32 @p1 $0x1  }
0x15: {  	[smem:$0x3FB8] =	sst s0;
	s0 =	simm.s32 @!p2 $0x0  }
0x16: {  	s3 =	sld [smem:$0x3FDB];
	s0 =	simm.s32 @p2 $0x1  }
0x17: {  	s4 =	simm.s32 $0x1BF5;
	[smem:$0x3FBA] =	sst s0  }
0x18: {  	s0 =	sld [smem:$0x3F9D];
	_ =	swait.ge [sflag:s4], $0x0  }
0x19: {  	s7 =	sld [smem:$0x3F9E]  }
0x1a: {  	s8 =	sadd.s32 $0xFFFFE003, lr  }
0x1b: {  	s9 =	sadd.s32 $0xFFFFFEF7, lr;
	s5 =	simm.s32 $0xFFFFFFFF;
	p2 =	slt.u32 s8, $0xFFFFF086  }
0x1c: {  	p1 =	slt.u32 s9, $0xF7A;
	s5 =	simm.s32 @!p2 $0x0  }
0x1d: {  	s5 =	simm.s32 @p1 $0x1;
	p0 =	seq.s32 s7, s2  }
0x1e: {  	s7 =	smul.u32 @!p0 $0xF7A, s2;
	p2 =	seq.s32 @!p0 s5, $0x0  }
0x1f: {  	s9 =	smul.u32 $0xF7A, s1;
	s8 =	simm.s32 @!p0 $0x1BF5;
	p2 =	por !p2, p0  }
0x20: {  	[sflag:s8] =	ssyncset.s32 @!p0 $0xFFFFF086;
	s6 =	sadd.s32 @!p0 s3, s7;
	s7 =	simm.s32 @!p0 $0x108  }
0x21: {  	s3 =	sadd.s32 s3, s9;
	s6 =	sadd.s32 @!p0 $0x88, s6;
	s7 =	simm.s32 @p2 $0x1082  }
0x22: {  	[simem:s7], [sflag:s8] =	dma.local @!p0 [hbm:s6], $0xF7A  }
0x23: {  	s9 =	sor.u32 $0xD0000000, s2;
	s6 =	simm.s32 $0x108;
	_ =	swait.ge @!p0 [sflag:s8], $0x0  }
0x24: {  	s3 =	sadd.s32 $0x88, s3;
	s6 =	simm.s32 @!p1 $0x1082;
	[sflag:s4] =	ssyncset.s32 $0xFFFFF086  }
0x25: {  	[simem:s6], [sflag:s4] =	dma.local [hbm:s3], $0xF7A  }
0x26: {  	[smem:$0x3F9E] =	sst s1;
	(tag) =	ssettag s2;
	_ =	strace s9  }
0x27: {  	s1 =	sld [smem:$0x3FAE]  }
0x28: {  	s2 =	sld [smem:$0x3FAF]  }
0x29: {  	s4 =	sld [smem:$0x3FB1]  }
0x2a: {  	p0 =	seq.s32 s5, $0x0;
	s5 =	sld [smem:$0x3FB2]  }
0x2b: {  	s6 =	sld [smem:$0x3FB3]  }
0x2c: {  	s7 =	sld [smem:$0x3FB4]  }
0x2d: {  	s3 =	simm.s32 $0x108;
	s8 =	sld [smem:$0x3FB5]  }
0x2e: {  	s3 =	simm.s32 @!p0 $0x1082;
	s9 =	sld [smem:$0x3FB6]  }
0x2f: {  	lr =	sadd.s32 s0, s3;
	s0 =	sld [smem:$0x3FAD]  }
0x30: {  	s3 =	sld [smem:$0x3FB0]  }
0x31: {  	[smem:$0x3FB9] =	sst s10  }
0x32: {  	s10 =	sld [smem:$0x3FB7];
	_ =	sdelay $0x3  }
0x33: {  	p0 =	seq.s32 s10, $0x1;
	s10 =	sld [smem:$0x3FB9];
	_ =	sdelay $0x3  }
0x34: {  	[smem:$0x3FB9] =	sst s10  }
0x35: {  	s10 =	sld [smem:$0x3FB8];
	_ =	sdelay $0x3  }
0x36: {  	p1 =	seq.s32 s10, $0x1;
	s10 =	sld [smem:$0x3FB9];
	_ =	sdelay $0x3  }
0x37: {  	[smem:$0x3FB9] =	sst s10  }
0x38: {  	s10 =	sld [smem:$0x3FBA]  }
0x39: {  	_ = 	snop;
	(pc) =	sbr.ind lr, $3  }
0x3a: {  	_ = 	snop  }
0x3b: {  	_ = 	snop  }
0x3c: {  	p2 =	seq.s32 s10, $0x1;
	s10 =	sld [smem:$0x3FB9]  }
0x3d: {  	_ =	shalt  }
0x3e: {  	_ =	shalt  }
0x3f: {  	_ =	shalt  }
0x40: {  	_ =	shalt  }
0x41: {  	_ =	shalt  }
0x42: {  	_ =	shalt  }
0x43: {  	_ =	shalt  }
0x44: {  	_ =	shalt  }
0x45: {  	_ =	shalt  }
0x46: {  	_ =	shalt  }
0x47: {  	_ =	shalt  }
0x48: {  	_ =	shalt  }
0x49: {  	_ =	shalt  }
0x4a: {  	_ =	shalt  }
0x4b: {  	_ =	shalt  }
0x4c: {  	_ =	shalt  }
0x4d: {  	_ =	shalt  }
0x4e: {  	_ =	shalt  }
0x4f: {  	_ =	shalt  }
0x50: {  	_ =	shalt  }
0x51: {  	_ =	shalt  }
0x52: {  	_ =	shalt  }
0x53: {  	_ =	shalt  }
0x54: {  	_ =	shalt  }
0x55: {  	_ =	shalt  }
0x56: {  	_ =	shalt  }
0x57: {  	_ =	shalt  }
0x58: {  	_ =	shalt  }
0x59: {  	_ =	shalt  }
0x5a: {  	_ =	shalt  }
0x5b: {  	_ =	shalt  }
0x5c: {  	_ =	shalt  }
0x5d: {  	_ =	shalt  }
0x5e: {  	_ =	shalt  }
0x5f: {  	_ =	shalt  }
0x60: {  	_ =	shalt  }
0x61: {  	_ =	shalt  }
0x62: {  	_ =	shalt  }
0x63: {  	_ =	shalt  }
0x64: {  	_ =	shalt  }
0x65: {  	_ =	shalt  }
0x66: {  	_ =	shalt  }
0x67: {  	_ =	shalt  }
0x68: {  	_ =	shalt  }
0x69: {  	_ =	shalt  }
0x6a: {  	_ =	shalt  }
0x6b: {  	_ =	shalt  }
0x6c: {  	_ =	shalt  }
0x6d: {  	_ =	shalt  }
0x6e: {  	_ =	shalt  }
0x6f: {  	_ =	shalt  }
0x70: {  	_ =	shalt  }
0x71: {  	_ =	shalt  }
0x72: {  	_ =	shalt  }
0x73: {  	_ =	shalt  }
0x74: {  	_ =	shalt  }
0x75: {  	_ =	shalt  }
0x76: {  	_ =	shalt  }
0x77: {  	_ =	shalt  }
0x78: {  	_ =	shalt  }
0x79: {  	_ =	shalt  }
0x7a: {  	_ =	shalt  }
0x7b: {  	_ =	shalt  }
0x7c: {  	_ =	shalt  }
0x7d: {  	_ =	shalt  }
0x7e: {  	_ =	shalt  }
0x7f: {  	_ =	shalt  }
0x80: {  	_ =	shalt  }
0x81: {  	_ =	shalt  }
0x82: {  	_ =	shalt  }
0x83: {  	_ =	shalt  }
0x84: {  	_ =	shalt  }
0x85: {  	_ =	shalt  }
0x86: {  	_ =	shalt  }
0x87: {  	_ =	shalt  }
.Lfunc_end0:
.L_simem_size_0:
called_computation_lowered:
.L_overlay_start_0:
0x88: {  	s2 =	sld [smem:$0x3FD9]  }
0x89: {  	s3 =	sld [smem:$0x3FFE];
	_ =	sdelay $0x1  }
0x8a: {  	s1 =	srdreg.scid  }
0x8b: {  	s0 =	sand.u32 $0x1, s1  }
0x8c: {  	s17 =	sshll.u32 s0, $0xA;
	s2 =	sadd.s32 s3, s2  }
0x8d: {  	s2 =	sadd.s32 s2, s17  }
0x8e: {  	[smem:$0x3FC5] =	sst s2  }
0x8f: {  	_ = 	snop  }
0x90: {  	s2 =	sld [smem:$0x3FC7]  }
0x91: {  	s18 =	sld [smem:$0x3FD0];
	(tm) =	ssettm $0x1  }
0x92: {  	s4 =	sld [smem:$0x3FFB];
	_ =	sdelay $0x3  }
0x93: {  	_ =	strace s4  }
0x94: {  	s4 =	sld [smem:$0x3FFC];
	_ =	sdelay $0x3  }
0x95: {  	_ =	strace s4  }
0x96: {  	s4 =	sld [smem:$0x3FFD];
	_ =	sdelay $0x3  }
0x97: {  	_ =	strace s4  }
0x98: {  	_ =	strace $0x8FFFFFFF  }
0x99: {  	s19 =	sld [smem:$0x3FDB];
	_ =	sdelay $0x1  }
0x9a: {  	s5 =	simm.s32 $_scs_section_size  }
0x9b: {  	s6 =	simm.s32 $_size__tile_overlayer_lowered;
	s7 =	simm.s32 $_tile_overlayer_lowered  }
0x9c: {  	s22 =	simm.s32 $0x1BFF;
	s21 =	sshll.u32 s7, $0x1;
	s4 =	sadd.s32 s5, s19  }
0x9d: {  	s8 =	simm.s32 $0x0;
	s20 =	sshll.u32 s6, $0x1;
	s6 =	sadd.s32 s21, s4  }
0x9e: {  	[timem:s8], [sflag:s22] =	dma.local [hbm:s6], s20  }
0x9f: {  	_ =	swait.ge [sflag:s22], s20  }
0xa0: {  	s5 =	ssub.s32 $0x0, s20;
	[sflag:s22] =	ssyncset.done $0x0  }
0xa1: {  	[sflag:s22] =	ssyncadd.s32 s5;
	_ =	sdelay $0x1  }
0xa2: {  	s23 =	simm.s32 $0x1B8B  }
0xa3: {  	_ =	swait.ge [sflag:s23], $0x1  }
0xa4: {  	[sflag:s23] =	ssyncset.done $0x0  }
0xa5: {  	s25 =	simm.s32 $0x1B8E;
	s24 =	sld [smem:$0x3FFE];
	[sflag:s23] =	ssyncadd.s32 $0xFFFFFFFF  }
0xa6: {  	s26 =	simm.s32 $execute0_lowered;
	[smem:$0x3FD2] =	sst s25  }
0xa7: {  	s6 =	sshll.u32 s26, $0x1;
	_ =	strace $0x80000046;
	[dreg:$0x1] =	wrdreg $0xFFFFFFFF  }
0xa8: {  	s28 =	simm.s32 $_size_execute0_lowered;
	s4 =	sadd.s32 s4, s6;
	[dreg:$0x0] =	wrdreg $0x0  }
0xa9: {  	s6 =	sshll.u32 s28, $0x1;
	[dreg:$0x2] =	wrdreg s4  }
0xaa: {  	[dreg:$0x3] =	wrdreg s6  }
0xab: {  	[dreg:$0x4] =	wrdreg $0xC0  }
0xac: {  	_ =	task [dreg:s8], $0x5FFFF  }
0xad: {  	[dreg:$0x1] =	wrdreg $0xFFFFFFFF  }
0xae: {  	[dreg:$0x0] =	wrdreg $0x60  }
0xaf: {  	[dreg:$0x2] =	wrdreg s24  }
0xb0: {  	[dreg:$0x3] =	wrdreg s2  }
0xb1: {  	[dreg:$0x4] =	wrdreg s18  }
0xb2: {  	[dreg:$0x5] =	wrdreg $0x9  }
0xb3: {  	_ =	task.clear_ibuf [dreg:s8], $0x6FFFF;
	_ =	strace $0x90000046  }
0xb4: {  	s29 =	simm.s32 $0x9;
	_ =	strace $0x80000048  }
0xb5: {  	_ =	swait.ge [sflag:s29], $0x1  }
0xb6: {  	[sflag:s29] =	ssyncadd.s32 $0xFFFFFFFF  }
0xb7: {  	_ =	strace $0x90000048  }
0xb8: {  	_ =	sfence  }
0xb9: {  	s30 =	sld [smem:$0x0];
	_ =	sdelay $0x2  }
0xba: {  	s31 =	sshll.u32 s1, $0xD;
	s1 =	sshrl.u32 s1, $0x2  }
0xbb: {  	s3 =	sand.u32 $0x4000, s31;
	s1 =	sadd.s32 s1, s30  }
0xbc: {  	s0 =	sor.u32 s3, s0;
	s1 =	sshll.u32 s1, $0x11  }
0xbd: {  	s0 =	sor.u32 s1, s0  }
0xbe: {  	s0 =	sadd.s32 $0x8F2B, s0  }
0xbf: {  	[sflag:s0] =	ssyncadd.remote.s32 $0x1  }
0xc0: {  	_ =	sfence.sel $0xFFFF  }
0xc1: {  	[dreg:$0x0] =	wrdreg $0xFFFFFFFF;
	(pc) =	sbr.abs _section_cstart, $3  }
0xc2: {  	[dreg:$0x1] =	wrdreg $0xFFFFFFFF  }
0xc3: {  	_ =	task.clear_ibuf [dreg:s8], $0x2FFFF;
	_ =	strace $0x9FFFFFFF  }
0xc4: {  	(tm) =	ssettm $0x7FFFFFFF  }
0xc5: {  	_ =	shalt  }
tec
execute0_lowered:
.L_overlay_start_1:
0x0: {  	(tag) =	ssettag $0x1  }
0x1: {  	s0 =	rddreg [dreg:$0x0];
	s3 =	simm.s32 $0x0  }
0x2: {  	s1 =	srdreg.scid;
	s7 =	stileid.u32;
	s11 =	simm.s32 $0x2  }
0x3: {  	s13 =	simm.s32 $0x80;
	s18 =	simm.s32 $0x1;
	s19 =	simm.s32 $0xF700  }
0x4: {  	s20 =	simm.s32 $0xFF00;
	s29 =	simm.s32 $0x480;
	s30 =	simm.s32 $0x500  }
0x5: {  	s31 =	simm.s32 $0x580;
	s10 =	simm.s32 $0x780;
	s9 =	simm.s32 $0x800  }
0x6: {  	s12 =	simm.s32 $0x900;
	s14 =	simm.s32 $0x980;
	s15 =	simm.s32 $0xA00  }
0x7: {  	s16 =	simm.s32 $0xA80;
	s17 =	simm.s32 $0xB00;
	s21 =	simm.s32 $0xB80  }
0x8: {  	s22 =	simm.s32 $0xC00;
	s23 =	simm.s32 $0xC80;
	s25 =	simm.s32 $0x0  }
0x9: {  	[smem:$0x7FF] =	sst s3;
	s1 =	sand.u32 $0x1, s1;
	s5 =	sadd.s32 $0x186E00, s0  }
0xa: {  	s6 =	sadd.s32 $0x400, s0;
	s26 =	sshll.u32 s7, $0x2;
	s2 =	ssub.s32 $0x2, s1  }
0xb: {  	s7 =	sadd.s32 $0xD400, s0;
	s0 =	simm.s32 $0x600;
	s4 =	sshrl.u32 s2, $0x1  }
0xc: {  	_ =	strace $0x80000047;
	s1 =	sshll.u32 s1, $0x1;
	s2 =	ssub.s32 s2, s4  }
0xd: {  	s8 =	sor.u32 s1, s26;
	s1 =	simm.s32 $0x700;
	s28 =	smax.u32 s2, $0x1  }
0xe: {  	s4 =	simm.s32 $0x680;
	s2 =	simm.s32 $0x880;
	[dreg:$0x4] =	wrdreg s28  }
.LBB2_1:
0xf: {  	[dreg:$0x5] =	wrdreg s25  }
0x10: {  	s24 =	rddreg [dreg:$0x1];
	s28 =	simm.s32 $0x10700  }
0x11: {  	[tilespmem:s28], [sflag:$0x2] =	stream.linear.gather [hbm4b:s24+s3], $0x10, $0x38;
	[tilespmem:$0x10710] =	vst v63  }
0x12: {  	_ =	swait.ge [sflag:s11], $0x10  }
0x13: {  	[sflag:s11] =	ssyncset.done $0x0  }
0x14: {  	p1 =	por $0x1, $0x1;
	s25 =	simm.s32 $0x0;
	[sflag:s11] =	ssyncadd.s32 $0xFFFFFFF0  }
.LBB2_2:
0x15: {  	s24 =	sor.u32 s8, s25  }
0x16: {  	s25 =	smul.u32 $0x340, s24;
	_ =	sdelay $0x1  }
0x17: {  	s26 =	sadd.s32 s6, s25;
	s25 =	simm.s32 $0x0  }
0x18: {  	[tilespmem:s25], [sflag:$0x2] =	stream.linear.gather [hbm4b:s26+s25], $0x1A00, $0x38;
	[tilespmem:$0x10710] =	vst v63  }
0x19: {  	s28 =	smul.u32 $0x1A0, s24;
	_ =	swait.ge [sflag:s11], $0x1A00  }
0x1a: {  	[sflag:s11] =	ssyncset.done $0x0  }
0x1b: {  	s26 =	sadd.s32 s7, s28;
	s28 =	simm.s32 $0x1A00;
	[sflag:s11] =	ssyncadd.s32 $0xFFFFE600  }
0x1c: {  	[tilespmem:s28], [sflag:$0x2] =	stream.linear.gather [hbm4b:s26+s25], $0xD00, $0x38;
	[tilespmem:$0x10710] =	vst v63  }
0x1d: {  	_ =	swait.ge [sflag:s11], $0xD00  }
0x1e: {  	[sflag:s11] =	ssyncset.done $0x0  }
0x1f: {  	s26 =	simm.s32 $0xD00;
	s28 =	simm.s32 $0x2700;
	[sflag:s11] =	ssyncadd.s32 $0xFFFFF300  }
0x20: {  	[tilespmem:s28], [sflag:$0x1] =	stream.indirect.gather [hbm4b:s5+s13], $0x10, s26, s13, $0xb8;
	[tilespmem:$0x10710] =	vst v63  }
0x21: {  	s26 =	simm.s32 $0xD80;
	s28 =	simm.s32 $0x2F00  }
0x22: {  	[tilespmem:s28], [sflag:$0x1] =	stream.indirect.gather [hbm4b:s5+s13], $0x10, s26, s13, $0xb8;
	[tilespmem:$0x10710] =	vst v63  }
0x23: {  	s26 =	simm.s32 $0xE00;
	s28 =	simm.s32 $0x3700  }
0x24: {  	[tilespmem:s28], [sflag:$0x1] =	stream.indirect.gather [hbm4b:s5+s13], $0x10, s26, s13, $0xb8;
	[tilespmem:$0x10710] =	vst v63  }
0x25: {  	s26 =	simm.s32 $0xE80;
	s28 =	simm.s32 $0x3F00  }
0x26: {  	[tilespmem:s28], [sflag:$0x1] =	stream.indirect.gather [hbm4b:s5+s13], $0x10, s26, s13, $0xb8;
	[tilespmem:$0x10710] =	vst v63  }
0x27: {  	s26 =	simm.s32 $0xF00;
	s28 =	simm.s32 $0x4700  }
0x28: {  	[tilespmem:s28], [sflag:$0x1] =	stream.indirect.gather [hbm4b:s5+s13], $0x10, s26, s13, $0xb8;
	[tilespmem:$0x10710] =	vst v63  }
0x29: {  	s26 =	simm.s32 $0xF80;
	s28 =	simm.s32 $0x4F00  }
0x2a: {  	[tilespmem:s28], [sflag:$0x1] =	stream.indirect.gather [hbm4b:s5+s13], $0x10, s26, s13, $0xb8;
	[tilespmem:$0x10710] =	vst v63  }
0x2b: {  	s26 =	simm.s32 $0x1000;
	s28 =	simm.s32 $0x5700  }
0x2c: {  	[tilespmem:s28], [sflag:$0x1] =	stream.indirect.gather [hbm4b:s5+s13], $0x10, s26, s13, $0xb8;
	[tilespmem:$0x10710] =	vst v63  }
0x2d: {  	s26 =	simm.s32 $0x1080;
	s28 =	simm.s32 $0x5F00  }
0x2e: {  	[tilespmem:s28], [sflag:$0x1] =	stream.indirect.gather [hbm4b:s5+s13], $0x10, s26, s13, $0xb8;
	[tilespmem:$0x10710] =	vst v63  }
0x2f: {  	s26 =	simm.s32 $0x1100;
	s28 =	simm.s32 $0x6700  }
0x30: {  	[tilespmem:s28], [sflag:$0x1] =	stream.indirect.gather [hbm4b:s5+s13], $0x10, s26, s13, $0xb8;
	[tilespmem:$0x10710] =	vst v63  }
0x31: {  	s26 =	simm.s32 $0x1180;
	s28 =	simm.s32 $0x6F00  }
0x32: {  	[tilespmem:s28], [sflag:$0x1] =	stream.indirect.gather [hbm4b:s5+s13], $0x10, s26, s13, $0xb8;
	[tilespmem:$0x10710] =	vst v63  }
0x33: {  	s26 =	simm.s32 $0x1200;
	s28 =	simm.s32 $0x7700  }
0x34: {  	[tilespmem:s28], [sflag:$0x1] =	stream.indirect.gather [hbm4b:s5+s13], $0x10, s26, s13, $0xb8;
	[tilespmem:$0x10710] =	vst v63  }
0x35: {  	s26 =	simm.s32 $0x1280;
	s28 =	simm.s32 $0x7F00  }
0x36: {  	[tilespmem:s28], [sflag:$0x1] =	stream.indirect.gather [hbm4b:s5+s13], $0x10, s26, s13, $0xb8;
	[tilespmem:$0x10710] =	vst v63  }
0x37: {  	s26 =	simm.s32 $0x1300;
	s28 =	simm.s32 $0x8700  }
0x38: {  	[tilespmem:s28], [sflag:$0x1] =	stream.indirect.gather [hbm4b:s5+s13], $0x10, s26, s13, $0xb8;
	[tilespmem:$0x10710] =	vst v63  }
0x39: {  	s26 =	simm.s32 $0x1380;
	s28 =	simm.s32 $0x8F00  }
0x3a: {  	[tilespmem:s28], [sflag:$0x1] =	stream.indirect.gather [hbm4b:s5+s13], $0x10, s26, s13, $0xb8;
	[tilespmem:$0x10710] =	vst v63  }
0x3b: {  	s26 =	simm.s32 $0x1400;
	s28 =	simm.s32 $0x9700  }
0x3c: {  	[tilespmem:s28], [sflag:$0x1] =	stream.indirect.gather [hbm4b:s5+s13], $0x10, s26, s13, $0xb8;
	[tilespmem:$0x10710] =	vst v63  }
0x3d: {  	s26 =	simm.s32 $0x1480;
	s28 =	simm.s32 $0x9F00  }
0x3e: {  	[tilespmem:s28], [sflag:$0x1] =	stream.indirect.gather [hbm4b:s5+s13], $0x10, s26, s13, $0xb8;
	[tilespmem:$0x10710] =	vst v63  }
0x3f: {  	s26 =	simm.s32 $0x1500;
	s28 =	simm.s32 $0xA700  }
0x40: {  	[tilespmem:s28], [sflag:$0x1] =	stream.indirect.gather [hbm4b:s5+s13], $0x10, s26, s13, $0xb8;
	[tilespmem:$0x10710] =	vst v63  }
0x41: {  	s26 =	simm.s32 $0x1580;
	s28 =	simm.s32 $0xAF00  }
0x42: {  	[tilespmem:s28], [sflag:$0x1] =	stream.indirect.gather [hbm4b:s5+s13], $0x10, s26, s13, $0xb8;
	[tilespmem:$0x10710] =	vst v63  }
0x43: {  	s26 =	simm.s32 $0x1600;
	s28 =	simm.s32 $0xB700  }
0x44: {  	[tilespmem:s28], [sflag:$0x1] =	stream.indirect.gather [hbm4b:s5+s13], $0x10, s26, s13, $0xb8;
	[tilespmem:$0x10710] =	vst v63  }
0x45: {  	s26 =	simm.s32 $0x1680;
	s28 =	simm.s32 $0xBF00  }
0x46: {  	[tilespmem:s28], [sflag:$0x1] =	stream.indirect.gather [hbm4b:s5+s13], $0x10, s26, s13, $0xb8;
	[tilespmem:$0x10710] =	vst v63  }
0x47: {  	s26 =	simm.s32 $0x1700;
	s28 =	simm.s32 $0xC700  }
0x48: {  	[tilespmem:s28], [sflag:$0x1] =	stream.indirect.gather [hbm4b:s5+s13], $0x10, s26, s13, $0xb8;
	[tilespmem:$0x10710] =	vst v63  }
0x49: {  	s26 =	simm.s32 $0x1780;
	s28 =	simm.s32 $0xCF00  }
0x4a: {  	[tilespmem:s28], [sflag:$0x1] =	stream.indirect.gather [hbm4b:s5+s13], $0x10, s26, s13, $0xb8;
	[tilespmem:$0x10710] =	vst v63  }
0x4b: {  	s26 =	simm.s32 $0x1800;
	s28 =	simm.s32 $0xD700  }
0x4c: {  	[tilespmem:s28], [sflag:$0x1] =	stream.indirect.gather [hbm4b:s5+s13], $0x10, s26, s13, $0xb8;
	[tilespmem:$0x10710] =	vst v63  }
0x4d: {  	s26 =	simm.s32 $0x1880;
	s28 =	simm.s32 $0xDF00  }
0x4e: {  	[tilespmem:s28], [sflag:$0x1] =	stream.indirect.gather [hbm4b:s5+s13], $0x10, s26, s13, $0xb8;
	[tilespmem:$0x10710] =	vst v63  }
0x4f: {  	s26 =	simm.s32 $0x1900;
	s28 =	simm.s32 $0xE700  }
0x50: {  	[tilespmem:s28], [sflag:$0x1] =	stream.indirect.gather [hbm4b:s5+s13], $0x10, s26, s13, $0xb8;
	[tilespmem:$0x10710] =	vst v63  }
0x51: {  	s26 =	simm.s32 $0x1980;
	s28 =	simm.s32 $0xEF00  }
0x52: {  	[tilespmem:s28], [sflag:$0x1] =	stream.indirect.gather [hbm4b:s5+s13], $0x10, s26, s13, $0xb8;
	[tilespmem:$0x10710] =	vst v63  }
0x53: {  	_ =	swait.ge [sflag:s18], $0x800  }
0x54: {  	[sflag:s18] =	ssyncset.done $0x0  }
0x55: {  	[sflag:s18] =	ssyncadd.s32 $0xFFFFF800  }
0x56: {  	_ =	swait.ge [sflag:s18], $0x800  }
0x57: {  	[sflag:s18] =	ssyncset.done $0x0  }
0x58: {  	[sflag:s18] =	ssyncadd.s32 $0xFFFFF800  }
0x59: {  	_ =	swait.ge [sflag:s18], $0x800  }
0x5a: {  	[sflag:s18] =	ssyncset.done $0x0  }
0x5b: {  	[sflag:s18] =	ssyncadd.s32 $0xFFFFF800  }
0x5c: {  	_ =	swait.ge [sflag:s18], $0x800  }
0x5d: {  	[sflag:s18] =	ssyncset.done $0x0  }
0x5e: {  	[sflag:s18] =	ssyncadd.s32 $0xFFFFF800  }
0x5f: {  	_ =	swait.ge [sflag:s18], $0x800  }
0x60: {  	[sflag:s18] =	ssyncset.done $0x0  }
0x61: {  	[sflag:s18] =	ssyncadd.s32 $0xFFFFF800  }
0x62: {  	_ =	swait.ge [sflag:s18], $0x800  }
0x63: {  	[sflag:s18] =	ssyncset.done $0x0  }
0x64: {  	[sflag:s18] =	ssyncadd.s32 $0xFFFFF800  }
0x65: {  	_ =	swait.ge [sflag:s18], $0x800  }
0x66: {  	[sflag:s18] =	ssyncset.done $0x0  }
0x67: {  	[sflag:s18] =	ssyncadd.s32 $0xFFFFF800  }
0x68: {  	_ =	swait.ge [sflag:s18], $0x800  }
0x69: {  	[sflag:s18] =	ssyncset.done $0x0  }
0x6a: {  	[sflag:s18] =	ssyncadd.s32 $0xFFFFF800  }
0x6b: {  	_ =	swait.ge [sflag:s18], $0x800  }
0x6c: {  	[sflag:s18] =	ssyncset.done $0x0  }
0x6d: {  	[sflag:s18] =	ssyncadd.s32 $0xFFFFF800  }
0x6e: {  	_ =	swait.ge [sflag:s18], $0x800  }
0x6f: {  	[sflag:s18] =	ssyncset.done $0x0  }
0x70: {  	[sflag:s18] =	ssyncadd.s32 $0xFFFFF800  }
0x71: {  	_ =	swait.ge [sflag:s18], $0x800  }
0x72: {  	[sflag:s18] =	ssyncset.done $0x0  }
0x73: {  	[sflag:s18] =	ssyncadd.s32 $0xFFFFF800  }
0x74: {  	_ =	swait.ge [sflag:s18], $0x800  }
0x75: {  	[sflag:s18] =	ssyncset.done $0x0  }
0x76: {  	[sflag:s18] =	ssyncadd.s32 $0xFFFFF800  }
0x77: {  	_ =	swait.ge [sflag:s18], $0x800  }
0x78: {  	[sflag:s18] =	ssyncset.done $0x0  }
0x79: {  	[sflag:s18] =	ssyncadd.s32 $0xFFFFF800  }
0x7a: {  	_ =	swait.ge [sflag:s18], $0x800  }
0x7b: {  	[sflag:s18] =	ssyncset.done $0x0  }
0x7c: {  	[sflag:s18] =	ssyncadd.s32 $0xFFFFF800  }
0x7d: {  	_ =	swait.ge [sflag:s18], $0x800  }
0x7e: {  	[sflag:s18] =	ssyncset.done $0x0  }
0x7f: {  	[sflag:s18] =	ssyncadd.s32 $0xFFFFF800  }
0x80: {  	_ =	swait.ge [sflag:s18], $0x800  }
0x81: {  	[sflag:s18] =	ssyncset.done $0x0  }
0x82: {  	[sflag:s18] =	ssyncadd.s32 $0xFFFFF800  }
0x83: {  	_ =	swait.ge [sflag:s18], $0x800  }
0x84: {  	[sflag:s18] =	ssyncset.done $0x0  }
0x85: {  	[sflag:s18] =	ssyncadd.s32 $0xFFFFF800  }
0x86: {  	_ =	swait.ge [sflag:s18], $0x800  }
0x87: {  	[sflag:s18] =	ssyncset.done $0x0  }
0x88: {  	[sflag:s18] =	ssyncadd.s32 $0xFFFFF800  }
0x89: {  	_ =	swait.ge [sflag:s18], $0x800  }
0x8a: {  	[sflag:s18] =	ssyncset.done $0x0  }
0x8b: {  	[sflag:s18] =	ssyncadd.s32 $0xFFFFF800  }
0x8c: {  	_ =	swait.ge [sflag:s18], $0x800  }
0x8d: {  	[sflag:s18] =	ssyncset.done $0x0  }
0x8e: {  	[sflag:s18] =	ssyncadd.s32 $0xFFFFF800  }
0x8f: {  	_ =	swait.ge [sflag:s18], $0x800  }
0x90: {  	[sflag:s18] =	ssyncset.done $0x0  }
0x91: {  	[sflag:s18] =	ssyncadd.s32 $0xFFFFF800  }
0x92: {  	_ =	swait.ge [sflag:s18], $0x800  }
0x93: {  	[sflag:s18] =	ssyncset.done $0x0  }
0x94: {  	[sflag:s18] =	ssyncadd.s32 $0xFFFFF800  }
0x95: {  	_ =	swait.ge [sflag:s18], $0x800  }
0x96: {  	[sflag:s18] =	ssyncset.done $0x0  }
0x97: {  	[sflag:s18] =	ssyncadd.s32 $0xFFFFF800  }
0x98: {  	_ =	swait.ge [sflag:s18], $0x800  }
0x99: {  	[sflag:s18] =	ssyncset.done $0x0  }
0x9a: {  	[sflag:s18] =	ssyncadd.s32 $0xFFFFF800  }
0x9b: {  	_ =	swait.ge [sflag:s18], $0x800  }
0x9c: {  	[sflag:s18] =	ssyncset.done $0x0  }
0x9d: {  	[sflag:s18] =	ssyncadd.s32 $0xFFFFF800  }
0x9e: {  	_ =	swait.ge [sflag:s18], $0x800  }
0x9f: {  	[sflag:s18] =	ssyncset.done $0x0  }
0xa0: {  	[sflag:s18] =	ssyncadd.s32 $0xFFFFF800  }
0xa1: {  	p0 =	por p1, p1;
	v0 =	vld [tilespmem:$0x10700]  }
.LBB2_3:
0xa2: {  	s28 =	sshll.u32 s25, $0x8  }
0xa3: {  	v14 =	vld [tilespmem:s28+$0x2700]  }
0xa4: {  	v15 =	vld [tilespmem:s28+$0x3700]  }
0xa5: {  	v16 =	vld [tilespmem:s28+$0x4700]  }
0xa6: {  	v18 =	vld [tilespmem:s28+$0x2710]  }
0xa7: {  	v20 =	vld [tilespmem:s28+$0x5700]  }
0xa8: {  	v21 =	vld [tilespmem:s28+$0x3710]  }
0xa9: {  	v39 =	vld [tilespmem:s28+$0x6700]  }
0xaa: {  	s26 =	sshll.u32 s25, $0x4;
	v23 =	vld [tilespmem:s28+$0x4710]  }
0xab: {  	s26 =	sand.u32 $0x3FFFFFF0, s26;
	v24 =	vld [tilespmem:s28+$0x7700]  }
0xac: {  	v13 =	vld [tilespmem:s26+$0x1A00]  }
0xad: {  	v12 =	vld [tilespmem:s26+$0x1B00]  }
0xae: {  	v11 =	vld [tilespmem:s26+$0x1C00]  }
0xaf: {  	v10 =	vld [tilespmem:s26+$0x1D00]  }
0xb0: {  	v9 =	vld [tilespmem:s26+$0x1E00]  }
0xb1: {  	v8 =	vld [tilespmem:s26+$0x1F00]  }
0xb2: {  	v7 =	vld [tilespmem:s26+$0x2000];
	v17 =	vbroadcast v13, $0x0  }
0xb3: {  	v6 =	vld [tilespmem:s26+$0x2100];
	v19 =	vbroadcast v12, $0x0;
	v38 =	vbroadcast v11, $0x0  }
0xb4: {  	v5 =	vld [tilespmem:s26+$0x2200];
	v22 =	vbroadcast v13, $0x1;
	v40 =	vbroadcast v10, $0x0  }
0xb5: {  	v4 =	vld [tilespmem:s26+$0x2300];
	v41 =	vbroadcast v12, $0x1;
	v42 =	vbroadcast v9, $0x0  }
0xb6: {  	v3 =	vld [tilespmem:s26+$0x2400];
	v43 =	vbroadcast v11, $0x1;
	v45 =	vbroadcast v8, $0x0  }
0xb7: {  	v25 =	vld [tilespmem:s28+$0x5710];
	v48 =	vbroadcast v10, $0x1;
	v50 =	vbroadcast v7, $0x0  }
0xb8: {  	v26 =	vld [tilespmem:s28+$0x8700];
	v54 =	vbroadcast v9, $0x1;
	v56 =	vbroadcast v6, $0x0  }
0xb9: {  	v46 =	vld [tilespmem:s28+$0x6710];
	v59 =	vbroadcast v8, $0x1;
	v61 =	vbroadcast v5, $0x0  }
0xba: {  	v27 =	vld [tilespmem:s28+$0x9700];
	v29 =	vbroadcast v7, $0x1;
	v31 =	vbroadcast v4, $0x0  }
0xbb: {  	v51 =	vld [tilespmem:s28+$0x7710];
	v35 =	vbroadcast v6, $0x1;
	v37 =	vbroadcast v3, $0x0  }
0xbc: {  	v52 =	vld [tilespmem:s28+$0xA700];
	v14 =	vmul.f32 v14, v17;
	v15 =	vmul.f32 v15, v19  }
0xbd: {  	v57 =	vld [tilespmem:s28+$0x8710];
	v16 =	vmul.f32 v16, v38;
	v18 =	vmul.f32 v18, v22  }
0xbe: {  	v58 =	vld [tilespmem:s28+$0xB700];
	v17 =	vmul.f32 v20, v40;
	v21 =	vmul.f32 v21, v41  }
0xbf: {  	v62 =	vld [tilespmem:s28+$0x9710];
	v44 =	vmul.f32 v39, v42;
	v47 =	vmul.f32 v23, v43  }
0xc0: {  	v63 =	vld [tilespmem:s28+$0xC700];
	v49 =	vmul.f32 v24, v45;
	v53 =	vmul.f32 v25, v48  }
0xc1: {  	v2 =	vld [tilespmem:s26+$0x2500];
	v55 =	vmul.f32 v26, v50;
	v20 =	vmul.f32 v46, v54  }
0xc2: {  	v60 =	vmul.f32 v27, v56;
	v28 =	vmul.f32 v51, v59  }
0xc3: {  	v1 =	vld [tilespmem:s26+$0x2600];
	v30 =	vmul.f32 v52, v61;
	v34 =	vmul.f32 v57, v29  }
0xc4: {  	v32 =	vld [tilespmem:s28+$0xA710];
	v36 =	vmul.f32 v58, v31;
	v40 =	vmul.f32 v62, v35  }
0xc5: {  	v33 =	vld [tilespmem:s28+$0xD700];
	v41 =	vbroadcast v5, $0x1;
	v14 =	vadd.f32 v14, v0;
	v18 =	vadd.f32 v18, v0  }
0xc6: {  	v38 =	vld [tilespmem:s28+$0xB710];
	v42 =	vmul.f32 v63, v37;
	v43 =	vbroadcast v2, $0x0  }
0xc7: {  	v46 =	vbroadcast v4, $0x1;
	v50 =	vld [tilespmem:s28+$0xE710];
	v14 =	vadd.f32 v15, v14;
	v18 =	vadd.f32 v21, v18  }
0xc8: {  	v52 =	vbroadcast v3, $0x1;
	v58 =	vbroadcast v1, $0x1;
	v59 =	vld [tilespmem:s28+$0x4720]  }
0xc9: {  	v61 =	vbroadcast v13, $0x2;
	v35 =	vld [tilespmem:s28+$0x6720];
	v14 =	vadd.f32 v16, v14;
	v18 =	vadd.f32 v47, v18  }
0xca: {  	v31 =	vld [tilespmem:s28+$0x5720];
	v45 =	vmul.f32 v32, v41;
	v48 =	vmul.f32 v33, v43  }
0xcb: {  	v33 =	vbroadcast v11, $0x2;
	v14 =	vadd.f32 v17, v14;
	v18 =	vadd.f32 v53, v18;
	v53 =	vld [tilespmem:s28+$0x2720]  }
0xcc: {  	v39 =	vld [tilespmem:s28+$0xE700];
	v43 =	vbroadcast v9, $0x2;
	v51 =	vmul.f32 v38, v46  }
0xcd: {  	v63 =	vmul.f32 v50, v58;
	v38 =	vbroadcast v10, $0x2;
	v14 =	vadd.f32 v44, v14  }
0xce: {  	v37 =	vmul.f32 v59, v33;
	v46 =	vmul.f32 v35, v43;
	v18 =	vadd.f32 v20, v18;
	v44 =	vld [tilespmem:s28+$0xC710]  }
0xcf: {  	v47 =	vld [tilespmem:s28+$0xD710];
	v19 =	vmul.f32 v31, v38;
	v14 =	vadd.f32 v49, v14;
	v49 =	vbroadcast v1, $0x0  }
0xd0: {  	v38 =	vbroadcast v6, $0x3;
	v18 =	vadd.f32 v28, v18;
	v32 =	vmul.f32 v53, v61  }
0xd1: {  	v61 =	vbroadcast v5, $0x2;
	v14 =	vadd.f32 v55, v14;
	v54 =	vmul.f32 v39, v49  }
0xd2: {  	v53 =	vld [tilespmem:s28+$0xA720];
	v18 =	vadd.f32 v34, v18;
	v55 =	vbroadcast v2, $0x1;
	v49 =	vbroadcast v10, $0x3  }
0xd3: {  	v56 =	vld [tilespmem:s28+$0x3720];
	v57 =	vmul.f32 v44, v52;
	v16 =	vadd.f32 v32, v0;
	v14 =	vadd.f32 v60, v14  }
0xd4: {  	v39 =	vld [tilespmem:s28+$0x4730];
	v32 =	vbroadcast v7, $0x3;
	v18 =	vadd.f32 v40, v18;
	v60 =	vmul.f32 v47, v55  }
0xd5: {  	v40 =	vld [tilespmem:s28+$0x7720];
	v47 =	vbroadcast v8, $0x2;
	v55 =	vbroadcast v9, $0x3;
	v14 =	vadd.f32 v30, v14  }
0xd6: {  	v62 =	vld [tilespmem:s28+$0x2730];
	v18 =	vadd.f32 v45, v18;
	v30 =	vbroadcast v12, $0x2;
	v45 =	vbroadcast v11, $0x3  }
0xd7: {  	v29 =	vld [tilespmem:s28+$0x9720];
	v33 =	vmul.f32 v53, v61;
	v61 =	vbroadcast v1, $0x3  }
0xd8: {  	v34 =	vld [tilespmem:s28+$0x3730];
	v14 =	vadd.f32 v36, v14;
	v21 =	vmul.f32 v56, v30;
	v36 =	vbroadcast v13, $0x3  }
0xd9: {  	v58 =	vld [tilespmem:s28+$0xB720];
	v18 =	vadd.f32 v51, v18;
	v22 =	vmul.f32 v39, v45;
	v51 =	vbroadcast v7, $0x2  }
0xda: {  	v44 =	vld [tilespmem:s28+$0x5730];
	v56 =	vbroadcast v6, $0x2;
	v50 =	vmul.f32 v40, v47  }
0xdb: {  	v28 =	vld [tilespmem:s28+$0x8720];
	v14 =	vadd.f32 v42, v14;
	v18 =	vadd.f32 v57, v18;
	v42 =	vbroadcast v12, $0x3  }
0xdc: {  	v52 =	vld [tilespmem:s28+$0x7730];
	v40 =	vbroadcast v3, $0x2;
	v41 =	vmul.f32 v62, v36;
	v16 =	vadd.f32 v21, v16  }
0xdd: {  	v14 =	vadd.f32 v48, v14;
	v18 =	vadd.f32 v60, v18;
	v23 =	vmul.f32 v34, v42  }
0xde: {  	v35 =	vld [tilespmem:s28+$0xA730];
	v16 =	vadd.f32 v37, v16;
	v60 =	vbroadcast v8, $0x3;
	v34 =	vbroadcast v4, $0x2  }
0xdf: {  	v57 =	vld [tilespmem:s28+$0x8730];
	v15 =	vadd.f32 v54, v14;
	v14 =	vadd.f32 v63, v18;
	v54 =	vmul.f32 v44, v49  }
0xe0: {  	v62 =	vld [tilespmem:s28+$0x9730];
	v16 =	vadd.f32 v19, v16;
	v18 =	vmul.f32 v28, v51;
	v19 =	vmul.f32 v29, v56  }
0xe1: {  	v48 =	vld [tilespmem:s28+$0x6730];
	v31 =	vmul.f32 v52, v60;
	v39 =	vmul.f32 v58, v34  }
0xe2: {  	v20 =	vadd.f32 v41, v0;
	v42 =	vld [tilespmem:s28+$0xE720];
	v44 =	vbroadcast v5, $0x3;
	v49 =	vbroadcast v4, $0x3  }
0xe3: {  	v36 =	vld [tilespmem:s28+$0xD720];
	v52 =	vbroadcast v1, $0x2;
	v58 =	vbroadcast v2, $0x3  }
0xe4: {  	v41 =	vld [tilespmem:s28+$0xB730];
	v20 =	vadd.f32 v23, v20;
	v34 =	vbroadcast v12, $0x4;
	v37 =	vmul.f32 v57, v32  }
0xe5: {  	v47 =	vld [tilespmem:s28+$0xC730];
	v43 =	vmul.f32 v62, v38;
	v16 =	vadd.f32 v46, v16;
	v46 =	vbroadcast v2, $0x2  }
0xe6: {  	v63 =	vld [tilespmem:s28+$0xC720];
	v59 =	vmul.f32 v48, v55;
	v48 =	vmul.f32 v35, v44  }
0xe7: {  	v20 =	vadd.f32 v22, v20;
	v55 =	vbroadcast v3, $0x3;
	v57 =	vmul.f32 v42, v52  }
0xe8: {  	v53 =	vld [tilespmem:s28+$0xE730];
	v42 =	vbroadcast v10, $0x4;
	v51 =	vmul.f32 v36, v46  }
0xe9: {  	v62 =	vld [tilespmem:s28+$0x4740];
	v20 =	vadd.f32 v54, v20;
	v54 =	vmul.f32 v41, v49;
	v36 =	vbroadcast v11, $0x4  }
0xea: {  	v35 =	vld [tilespmem:s28+$0x5740];
	v16 =	vadd.f32 v50, v16;
	v46 =	vbroadcast v12, $0x5;
	v49 =	vbroadcast v11, $0x5  }
0xeb: {  	v30 =	vld [tilespmem:s28+$0x8740];
	v45 =	vmul.f32 v63, v40;
	v60 =	vmul.f32 v47, v55  }
0xec: {  	v50 =	vld [tilespmem:s28+$0xD730];
	v40 =	vbroadcast v13, $0x5;
	v20 =	vadd.f32 v59, v20;
	v16 =	vadd.f32 v18, v16  }
0xed: {  	v56 =	vld [tilespmem:s28+$0x2740];
	v47 =	vbroadcast v9, $0x4;
	v55 =	vbroadcast v7, $0x4  }
0xee: {  	v59 =	vld [tilespmem:s28+$0x3740];
	v41 =	vmul.f32 v62, v36;
	v20 =	vadd.f32 v31, v20;
	v16 =	vadd.f32 v19, v16  }
0xef: {  	v32 =	vld [tilespmem:s28+$0x2750];
	v31 =	vbroadcast v13, $0x4;
	v25 =	vmul.f32 v35, v42  }
0xf0: {  	v35 =	vbroadcast v5, $0x4;
	v20 =	vadd.f32 v37, v20;
	v16 =	vadd.f32 v33, v16;
	v37 =	vld [tilespmem:s28+$0x3750]  }
0xf1: {  	v52 =	vld [tilespmem:s28+$0x6750];
	v63 =	vmul.f32 v50, v58;
	v33 =	vmul.f32 v53, v61  }
0xf2: {  	v62 =	vld [tilespmem:s28+$0xB740];
	v21 =	vmul.f32 v56, v31;
	v20 =	vadd.f32 v43, v20;
	v16 =	vadd.f32 v39, v16  }
0xf3: {  	v38 =	vmul.f32 v59, v34;
	v59 =	vbroadcast v9, $0x5;
	v39 =	vld [tilespmem:s28+$0x6740]  }
0xf4: {  	v43 =	vld [tilespmem:s28+$0x4750];
	v20 =	vadd.f32 v48, v20;
	v16 =	vadd.f32 v45, v16;
	v45 =	vmul.f32 v32, v40  }
0xf5: {  	v21 =	vadd.f32 v21, v0;
	v48 =	vld [tilespmem:s28+$0x5750];
	v40 =	vbroadcast v4, $0x4;
	v24 =	vmul.f32 v37, v46  }
0xf6: {  	v31 =	vld [tilespmem:s28+$0x9740];
	v46 =	vbroadcast v3, $0x4;
	v20 =	vadd.f32 v54, v20;
	v16 =	vadd.f32 v51, v16  }
0xf7: {  	v44 =	vld [tilespmem:s28+$0x7740];
	v22 =	vadd.f32 v45, v0;
	v51 =	vbroadcast v8, $0x4;
	v54 =	vbroadcast v10, $0x5  }
0xf8: {  	v36 =	vld [tilespmem:s28+$0x9750];
	v45 =	vmul.f32 v62, v40;
	v50 =	vmul.f32 v39, v47;
	v20 =	vadd.f32 v60, v20  }
0xf9: {  	v61 =	vld [tilespmem:s28+$0x8750];
	v53 =	vmul.f32 v43, v49;
	v17 =	vadd.f32 v57, v16;
	v60 =	vbroadcast v6, $0x4  }
0xfa: {  	v37 =	vld [tilespmem:s28+$0xC740];
	v22 =	vadd.f32 v24, v22;
	v58 =	vmul.f32 v48, v54;
	v19 =	vadd.f32 v63, v20  }
0xfb: {  	v42 =	vld [tilespmem:s28+$0xD740];
	v20 =	vadd.f32 v38, v21;
	v63 =	vmul.f32 v52, v59;
	v34 =	vmul.f32 v31, v60  }
0xfc: {  	v57 =	vld [tilespmem:s28+$0xA740];
	v38 =	vbroadcast v7, $0x5;
	v52 =	vbroadcast v2, $0x4;
	v16 =	vadd.f32 v33, v19  }
0xfd: {  	v56 =	vld [tilespmem:s28+$0x7750];
	v18 =	vadd.f32 v41, v20;
	v19 =	vmul.f32 v44, v51;
	v20 =	vmul.f32 v30, v55  }
0xfe: {  	v47 =	vld [tilespmem:s28+$0xB750];
	v22 =	vadd.f32 v53, v22;
	v33 =	vbroadcast v8, $0x5;
	v43 =	vmul.f32 v61, v38  }
0xff: {  	v48 =	vld [tilespmem:s28+$0xE740];
	v44 =	vbroadcast v6, $0x5;
	v51 =	vmul.f32 v37, v46  }
0x100: {  	v22 =	vadd.f32 v58, v22;
	v55 =	vbroadcast v4, $0x5;
	v58 =	vbroadcast v1, $0x4  }
0x101: {  	v61 =	vbroadcast v3, $0x5;
	v39 =	vmul.f32 v57, v35  }
0x102: {  	v40 =	vld [tilespmem:s28+$0x2770];
	v57 =	vmul.f32 v42, v52;
	v42 =	vbroadcast v12, $0x6  }
0x103: {  	v53 =	vld [tilespmem:s28+$0xC750];
	v23 =	vmul.f32 v56, v33;
	v49 =	vmul.f32 v36, v44  }
0x104: {  	v59 =	vld [tilespmem:s28+$0xE750];
	v22 =	vadd.f32 v63, v22;
	v60 =	vmul.f32 v47, v55;
	v63 =	vmul.f32 v48, v58  }
0x105: {  	v41 =	vld [tilespmem:s28+$0xA750];
	v18 =	vadd.f32 v25, v18;
	v33 =	vbroadcast v2, $0x5;
	v36 =	vbroadcast v1, $0x5  }
0x106: {  	v37 =	vld [tilespmem:s28+$0x4760];
	v44 =	vbroadcast v11, $0x6;
	v48 =	vbroadcast v13, $0x7  }
0x107: {  	v56 =	vld [tilespmem:s28+$0xD750];
	v55 =	vbroadcast v9, $0x6;
	v58 =	vbroadcast v8, $0x6;
	v18 =	vadd.f32 v50, v18  }
0x108: {  	v47 =	vld [tilespmem:s28+$0x6760];
	v35 =	vmul.f32 v53, v61;
	v22 =	vadd.f32 v23, v22;
	v50 =	vbroadcast v5, $0x5  }
0x109: {  	v61 =	vbroadcast v10, $0x7;
	v53 =	vmul.f32 v40, v48;
	v40 =	vld [tilespmem:s28+$0x8770];
	v18 =	vadd.f32 v19, v18  }
0x10a: {  	v48 =	vbroadcast v7, $0x7;
	v22 =	vadd.f32 v43, v22;
	v54 =	vmul.f32 v41, v50;
	v43 =	vld [tilespmem:s28+$0x5760]  }
0x10b: {  	v32 =	vld [tilespmem:s28+$0x8760];
	v41 =	vmul.f32 v59, v36;
	v50 =	vbroadcast v10, $0x6;
	v18 =	vadd.f32 v20, v18  }
0x10c: {  	v23 =	vadd.f32 v53, v0;
	v38 =	vmul.f32 v56, v33;
	v56 =	vld [tilespmem:s28+$0x5770];
	v22 =	vadd.f32 v49, v22  }
0x10d: {  	v62 =	vld [tilespmem:s28+$0x2760];
	v24 =	vmul.f32 v47, v55;
	v49 =	vmul.f32 v37, v44;
	v18 =	vadd.f32 v34, v18  }
0x10e: {  	v47 =	vld [tilespmem:s28+$0xC760];
	v53 =	vmul.f32 v40, v48;
	v22 =	vadd.f32 v54, v22;
	v54 =	vbroadcast v12, $0x7  }
0x10f: {  	v34 =	vld [tilespmem:s28+$0x3760];
	v27 =	vmul.f32 v43, v50;
	v43 =	vbroadcast v8, $0x7;
	v18 =	vadd.f32 v39, v18  }
0x110: {  	v52 =	vld [tilespmem:s28+$0x7760];
	v50 =	vbroadcast v4, $0x6;
	v22 =	vadd.f32 v60, v22;
	v39 =	vbroadcast v13, $0x6  }
0x111: {  	v33 =	vld [tilespmem:s28+$0x9760];
	v37 =	vmul.f32 v56, v61;
	v56 =	vbroadcast v3, $0x6;
	v18 =	vadd.f32 v45, v18  }
0x112: {  	v59 =	vld [tilespmem:s28+$0x6770];
	v22 =	vadd.f32 v35, v22;
	v25 =	vmul.f32 v62, v39;
	v62 =	vbroadcast v7, $0x6  }
0x113: {  	v45 =	vld [tilespmem:s28+$0x3770];
	v39 =	vbroadcast v6, $0x6;
	v61 =	vmul.f32 v47, v56;
	v18 =	vadd.f32 v51, v18  }
0x114: {  	v36 =	vld [tilespmem:s28+$0xA760];
	v35 =	vbroadcast v4, $0x7;
	v46 =	vmul.f32 v34, v42;
	v25 =	vadd.f32 v25, v0  }
0x115: {  	v21 =	vadd.f32 v38, v22;
	v51 =	vld [tilespmem:s28+$0x4770];
	v38 =	vbroadcast v9, $0x7;
	v18 =	vadd.f32 v57, v18  }
0x116: {  	v47 =	vbroadcast v1, $0x7;
	v44 =	vmul.f32 v33, v39;
	v22 =	vadd.f32 v46, v25;
	v46 =	vld [tilespmem:s28+$0x9770]  }
0x117: {  	v57 =	vbroadcast v11, $0x7;
	v42 =	vmul.f32 v59, v38;
	v19 =	vadd.f32 v63, v18;
	v63 =	vld [tilespmem:s28+$0x7770]  }
0x118: {  	v38 =	vbroadcast v1, $0x6;
	v26 =	vmul.f32 v45, v54;
	v18 =	vadd.f32 v41, v21;
	v41 =	vld [tilespmem:s28+$0xB760]  }
0x119: {  	v45 =	vbroadcast v5, $0x6;
	v20 =	vadd.f32 v49, v22;
	v21 =	vmul.f32 v52, v58;
	v52 =	vld [tilespmem:s28+$0xD760]  }
0x11a: {  	v54 =	vbroadcast v6, $0x7;
	v58 =	vld [tilespmem:s28+$0xE760];
	v23 =	vadd.f32 v26, v23;
	v60 =	vmul.f32 v51, v57  }
0x11b: {  	v39 =	vld [tilespmem:s28+$0xE770];
	v22 =	vmul.f32 v32, v62;
	v62 =	vbroadcast v2, $0x6;
	v20 =	vadd.f32 v27, v20  }
0x11c: {  	v49 =	vmul.f32 v36, v45;
	v51 =	vld [tilespmem:s28+$0xA770];
	v23 =	vadd.f32 v60, v23;
	v59 =	vmul.f32 v46, v54  }
0x11d: {  	v57 =	vld [tilespmem:s28+$0xB770];
	v60 =	vbroadcast v5, $0x7;
	v20 =	vadd.f32 v24, v20;
	v25 =	vmul.f32 v63, v43  }
0x11e: {  	v23 =	vadd.f32 v37, v23;
	v55 =	vmul.f32 v41, v50;
	v63 =	vld [tilespmem:s28+$0xC770];
	v37 =	vmul.f32 v52, v62  }
0x11f: {  	v41 =	vbroadcast v3, $0x7;
	v43 =	vmul.f32 v58, v38;
	v58 =	vld [tilespmem:s28+$0x6780];
	v20 =	vadd.f32 v21, v20  }
0x120: {  	v36 =	vld [tilespmem:s28+$0xD770];
	v50 =	vbroadcast v13, $0x8;
	v52 =	vmul.f32 v39, v47  }
0x121: {  	v38 =	vbroadcast v9, $0x8;
	v23 =	vadd.f32 v42, v23;
	v42 =	vld [tilespmem:s28+$0x2780];
	v20 =	vadd.f32 v22, v20  }
0x122: {  	v48 =	vld [tilespmem:s28+$0x4780];
	v34 =	vmul.f32 v51, v60;
	v40 =	vmul.f32 v57, v35  }
0x123: {  	v45 =	vld [tilespmem:s28+$0x3780];
	v23 =	vadd.f32 v25, v23;
	v20 =	vadd.f32 v44, v20;
	v44 =	vbroadcast v2, $0x7  }
0x124: {  	v56 =	vld [tilespmem:s28+$0x3790];
	v46 =	vmul.f32 v63, v41;
	v26 =	vmul.f32 v58, v38  }
0x125: {  	v51 =	vld [tilespmem:s28+$0x2790];
	v41 =	vbroadcast v8, $0x8;
	v23 =	vadd.f32 v53, v23;
	v53 =	vbroadcast v12, $0x8  }
0x126: {  	v54 =	vld [tilespmem:s28+$0x5780];
	v20 =	vadd.f32 v49, v20;
	v49 =	vmul.f32 v36, v44;
	v27 =	vmul.f32 v42, v50  }
0x127: {  	v39 =	vld [tilespmem:s28+$0x5790];
	v44 =	vbroadcast v10, $0x9;
	v50 =	vbroadcast v6, $0x8  }
0x128: {  	v35 =	vld [tilespmem:s28+$0x9780];
	v23 =	vadd.f32 v59, v23;
	v57 =	vmul.f32 v45, v53;
	v59 =	vbroadcast v13, $0x9  }
0x129: {  	v62 =	vld [tilespmem:s28+$0x4790];
	v45 =	vbroadcast v7, $0x8;
	v20 =	vadd.f32 v55, v20;
	v55 =	vbroadcast v11, $0x8  }
0x12a: {  	v47 =	vld [tilespmem:s28+$0xA780];
	v27 =	vadd.f32 v27, v0;
	v23 =	vadd.f32 v34, v23;
	v36 =	vmul.f32 v51, v59  }
0x12b: {  	v58 =	vld [tilespmem:s28+$0xC780];
	v59 =	vbroadcast v7, $0x9;
	v20 =	vadd.f32 v61, v20;
	v60 =	vmul.f32 v48, v55  }
0x12c: {  	v63 =	vld [tilespmem:s28+$0x7780];
	v61 =	vbroadcast v10, $0x8;
	v24 =	vadd.f32 v57, v27;
	v48 =	vmul.f32 v39, v44  }
0x12d: {  	v34 =	vld [tilespmem:s28+$0x8780];
	v55 =	vmul.f32 v35, v50;
	v39 =	vbroadcast v3, $0x8;
	v23 =	vadd.f32 v40, v23  }
0x12e: {  	v51 =	vld [tilespmem:s28+$0x8790];
	v40 =	vbroadcast v11, $0x9;
	v20 =	vadd.f32 v37, v20;
	v37 =	vbroadcast v12, $0x9  }
0x12f: {  	v42 =	vld [tilespmem:s28+$0x6790];
	v29 =	vmul.f32 v54, v61;
	v22 =	vadd.f32 v60, v24;
	v54 =	vbroadcast v8, $0x9  }
0x130: {  	v57 =	vld [tilespmem:s28+$0x9790];
	v61 =	vbroadcast v4, $0x8;
	v44 =	vmul.f32 v58, v39;
	v23 =	vadd.f32 v46, v23  }
0x131: {  	v46 =	vld [tilespmem:s28+$0x7790];
	v21 =	vadd.f32 v43, v20;
	v28 =	vmul.f32 v56, v37;
	v43 =	vmul.f32 v62, v40  }
0x132: {  	v24 =	vmul.f32 v34, v45;
	v56 =	vbroadcast v5, $0x8;
	v62 =	vld [tilespmem:s28+$0xA790];
	v23 =	vadd.f32 v49, v23  }
0x133: {  	v25 =	vadd.f32 v36, v0;
	v36 =	vmul.f32 v51, v59;
	v37 =	vbroadcast v6, $0x9;
	v40 =	vld [tilespmem:s28+$0xB790]  }
0x134: {  	v45 =	vbroadcast v2, $0x8;
	v49 =	vbroadcast v9, $0x9;
	v20 =	vadd.f32 v52, v23;
	v52 =	vld [tilespmem:s28+$0xB780]  }
0x135: {  	v51 =	vbroadcast v1, $0x8;
	v25 =	vadd.f32 v28, v25;
	v23 =	vmul.f32 v63, v41;
	v63 =	vld [tilespmem:s28+$0xD780]  }
0x136: {  	v22 =	vadd.f32 v29, v22;
	v60 =	vmul.f32 v47, v56;
	v53 =	vmul.f32 v42, v49;
	v41 =	vld [tilespmem:s28+$0xE780]  }
0x137: {  	v42 =	vmul.f32 v57, v37;
	v49 =	vld [tilespmem:s28+$0xD790];
	v57 =	vbroadcast v2, $0x9;
	v25 =	vadd.f32 v43, v25  }
0x138: {  	v22 =	vadd.f32 v26, v22;
	v27 =	vmul.f32 v46, v54;
	v43 =	vbroadcast v5, $0x9  }
0x139: {  	v54 =	vbroadcast v3, $0x9;
	v25 =	vadd.f32 v48, v25;
	v48 =	vbroadcast v4, $0x9  }
0x13a: {  	v46 =	vld [tilespmem:s28+$0xC790];
	v22 =	vadd.f32 v23, v22;
	v47 =	vmul.f32 v62, v43;
	v38 =	vmul.f32 v52, v61  }
0x13b: {  	v39 =	vld [tilespmem:s28+$0x57A0];
	v25 =	vadd.f32 v53, v25;
	v50 =	vmul.f32 v63, v45;
	v53 =	vmul.f32 v40, v48  }
0x13c: {  	v43 =	vld [tilespmem:s28+$0x67A0];
	v22 =	vadd.f32 v24, v22;
	v56 =	vmul.f32 v41, v51;
	v62 =	vmul.f32 v49, v57  }
0x13d: {  	v52 =	vld [tilespmem:s28+$0xE790];
	v63 =	vbroadcast v13, $0xA;
	v40 =	vbroadcast v11, $0xA  }
0x13e: {  	v61 =	vld [tilespmem:s28+$0x47A0];
	v51 =	vbroadcast v9, $0xA;
	v57 =	vbroadcast v10, $0xB;
	v22 =	vadd.f32 v55, v22  }
0x13f: {  	v55 =	vld [tilespmem:s28+$0x27A0];
	v59 =	vmul.f32 v46, v54;
	v46 =	vbroadcast v10, $0xA;
	v25 =	vadd.f32 v27, v25  }
0x140: {  	v58 =	vld [tilespmem:s28+$0x37A0];
	v54 =	vbroadcast v8, $0xA;
	v22 =	vadd.f32 v60, v22;
	v60 =	vbroadcast v1, $0x9  }
0x141: {  	v41 =	vld [tilespmem:s28+$0x37B0];
	v31 =	vmul.f32 v39, v46;
	v28 =	vmul.f32 v43, v51;
	v25 =	vadd.f32 v36, v25  }
0x142: {  	v43 =	vbroadcast v8, $0xB;
	v36 =	vld [tilespmem:s28+$0x27B0];
	v22 =	vadd.f32 v38, v22;
	v37 =	vmul.f32 v52, v60  }
0x143: {  	v38 =	vbroadcast v12, $0xA;
	v45 =	vmul.f32 v61, v40;
	v52 =	vld [tilespmem:s28+$0x57B0];
	v25 =	vadd.f32 v42, v25  }
0x144: {  	v48 =	vld [tilespmem:s28+$0x77A0];
	v29 =	vmul.f32 v55, v63;
	v63 =	vbroadcast v6, $0xA;
	v22 =	vadd.f32 v44, v22  }
0x145: {  	v46 =	vld [tilespmem:s28+$0x97B0];
	v42 =	vmul.f32 v58, v38;
	v44 =	vbroadcast v13, $0xB;
	v25 =	vadd.f32 v47, v25  }
0x146: {  	v58 =	vbroadcast v7, $0xA;
	v47 =	vld [tilespmem:s28+$0x47B0];
	v29 =	vadd.f32 v29, v0;
	v22 =	vadd.f32 v50, v22  }
0x147: {  	v49 =	vmul.f32 v36, v44;
	v50 =	vbroadcast v12, $0xB;
	v36 =	vld [tilespmem:s28+$0x87A0];
	v25 =	vadd.f32 v53, v25  }
0x148: {  	v60 =	vld [tilespmem:s28+$0xA7A0];
	v53 =	vbroadcast v11, $0xB;
	v26 =	vadd.f32 v42, v29;
	v61 =	vmul.f32 v52, v57  }
0x149: {  	v51 =	vld [tilespmem:s28+$0xA7B0];
	v22 =	vadd.f32 v56, v22;
	v27 =	vadd.f32 v49, v0;
	v30 =	vmul.f32 v41, v50  }
0x14a: {  	v55 =	vld [tilespmem:s28+$0x67B0];
	v50 =	vbroadcast v4, $0xA;
	v25 =	vadd.f32 v59, v25;
	v24 =	vadd.f32 v45, v26  }
0x14b: {  	v41 =	vld [tilespmem:s28+$0xB7A0];
	v45 =	vbroadcast v5, $0xA;
	v27 =	vadd.f32 v30, v27;
	v56 =	vmul.f32 v47, v53  }
0x14c: {  	v40 =	vld [tilespmem:s28+$0x87B0];
	v25 =	vadd.f32 v62, v25;
	v62 =	vbroadcast v9, $0xB;
	v26 =	vmul.f32 v36, v58  }
0x14d: {  	v59 =	vld [tilespmem:s28+$0x77B0];
	v49 =	vmul.f32 v60, v45;
	v60 =	vbroadcast v5, $0xB;
	v27 =	vadd.f32 v56, v27  }
0x14e: {  	v52 =	vld [tilespmem:s28+$0xD7A0];
	v56 =	vbroadcast v3, $0xA;
	v23 =	vadd.f32 v37, v25;
	v25 =	vmul.f32 v48, v54  }
0x14f: {  	v47 =	vld [tilespmem:s28+$0xC7A0];
	v42 =	vmul.f32 v55, v62;
	v48 =	vbroadcast v7, $0xB  }
0x150: {  	v57 =	vld [tilespmem:s28+$0xB7B0];
	v24 =	vadd.f32 v31, v24;
	v54 =	vbroadcast v6, $0xB;
	v55 =	vmul.f32 v41, v50  }
0x151: {  	v37 =	vld [tilespmem:s28+$0x97A0];
	v62 =	vbroadcast v2, $0xA;
	v41 =	vbroadcast v4, $0xB;
	v27 =	vadd.f32 v61, v27  }
0x152: {  	v24 =	vadd.f32 v28, v24;
	v50 =	vbroadcast v2, $0xB;
	v29 =	vmul.f32 v59, v43  }
0x153: {  	v58 =	vld [tilespmem:s28+$0xE7A0];
	v53 =	vmul.f32 v40, v48;
	v59 =	vmul.f32 v46, v54;
	v27 =	vadd.f32 v42, v27  }
0x154: {  	v24 =	vadd.f32 v25, v24;
	v61 =	vmul.f32 v47, v56;
	v40 =	vmul.f32 v51, v60;
	v48 =	vld [tilespmem:s28+$0x27C0]  }
0x155: {  	v45 =	vld [tilespmem:s28+$0xE7B0];
	v43 =	vmul.f32 v52, v62;
	v46 =	vmul.f32 v57, v41;
	v27 =	vadd.f32 v29, v27  }
0x156: {  	v47 =	vbroadcast v3, $0xB;
	v24 =	vadd.f32 v26, v24;
	v44 =	vmul.f32 v37, v63;
	v63 =	vld [tilespmem:s28+$0xC7B0]  }
0x157: {  	v56 =	vbroadcast v13, $0xC;
	v41 =	vbroadcast v13, $0xD;
	v42 =	vld [tilespmem:s28+$0xD7B0];
	v27 =	vadd.f32 v53, v27  }
0x158: {  	v51 =	vld [tilespmem:s28+$0x37C0];
	v24 =	vadd.f32 v44, v24;
	v44 =	vbroadcast v1, $0xA;
	v53 =	vbroadcast v1, $0xB  }
0x159: {  	v57 =	vld [tilespmem:s28+$0x27D0];
	v31 =	vmul.f32 v48, v56;
	v48 =	vbroadcast v9, $0xC  }
0x15a: {  	v62 =	vld [tilespmem:s28+$0x37D0];
	v24 =	vadd.f32 v49, v24;
	v49 =	vmul.f32 v58, v44;
	v58 =	vmul.f32 v45, v53  }
0x15b: {  	v27 =	vadd.f32 v59, v27;
	v59 =	vbroadcast v12, $0xC;
	v44 =	vld [tilespmem:s28+$0x47D0];
	v52 =	vmul.f32 v63, v47  }
0x15c: {  	v53 =	vld [tilespmem:s28+$0x97C0];
	v47 =	vbroadcast v12, $0xD;
	v24 =	vadd.f32 v55, v24;
	v55 =	vmul.f32 v42, v50  }
0x15d: {  	v56 =	vld [tilespmem:s28+$0x77D0];
	v27 =	vadd.f32 v40, v27;
	v63 =	vmul.f32 v51, v59;
	v50 =	vbroadcast v11, $0xD  }
0x15e: {  	v54 =	vld [tilespmem:s28+$0x47C0];
	v31 =	vadd.f32 v31, v0;
	v51 =	vbroadcast v8, $0xC;
	v59 =	vbroadcast v6, $0xC  }
0x15f: {  	v38 =	vld [tilespmem:s28+$0x87C0];
	v32 =	vmul.f32 v62, v47;
	v62 =	vbroadcast v8, $0xD;
	v27 =	vadd.f32 v46, v27  }
0x160: {  	v40 =	vld [tilespmem:s28+$0x67C0];
	v24 =	vadd.f32 v61, v24;
	v61 =	vbroadcast v11, $0xC;
	v46 =	vmul.f32 v57, v41  }
0x161: {  	v60 =	vld [tilespmem:s28+$0x57C0];
	v28 =	vadd.f32 v63, v31;
	v34 =	vmul.f32 v44, v50;
	v63 =	vmul.f32 v53, v59  }
0x162: {  	v45 =	vld [tilespmem:s28+$0x77C0];
	v31 =	vmul.f32 v56, v62;
	v50 =	vbroadcast v3, $0xC  }
0x163: {  	v57 =	vld [tilespmem:s28+$0xA7C0];
	v53 =	vbroadcast v5, $0xD;
	v27 =	vadd.f32 v52, v27;
	v42 =	vmul.f32 v54, v61  }
0x164: {  	v47 =	vld [tilespmem:s28+$0xD7C0];
	v24 =	vadd.f32 v43, v24;
	v43 =	vbroadcast v10, $0xC;
	v54 =	vbroadcast v10, $0xD  }
0x165: {  	v41 =	vld [tilespmem:s28+$0x97D0];
	v29 =	vadd.f32 v46, v0;
	v30 =	vmul.f32 v40, v48;
	v40 =	vbroadcast v5, $0xC  }
0x166: {  	v52 =	vld [tilespmem:s28+$0x67D0];
	v48 =	vbroadcast v6, $0xD;
	v27 =	vadd.f32 v55, v27;
	v33 =	vmul.f32 v60, v43  }
0x167: {  	v61 =	vld [tilespmem:s28+$0xB7C0];
	v24 =	vadd.f32 v49, v24;
	v55 =	vbroadcast v7, $0xC;
	v43 =	vbroadcast v7, $0xD  }
0x168: {  	v46 =	vld [tilespmem:s28+$0xA7D0];
	v26 =	vadd.f32 v42, v28;
	v44 =	vmul.f32 v57, v40;
	v40 =	vbroadcast v3, $0xD  }
0x169: {  	v49 =	vld [tilespmem:s28+$0x57D0];
	v25 =	vadd.f32 v58, v27;
	v27 =	vmul.f32 v45, v51;
	v58 =	vbroadcast v9, $0xD  }
0x16a: {  	v60 =	vld [tilespmem:s28+$0x87D0];
	v26 =	vadd.f32 v33, v26;
	v28 =	vmul.f32 v38, v55;
	v45 =	vbroadcast v4, $0xC  }
0x16b: {  	v42 =	vld [tilespmem:s28+$0xC7C0];
	v33 =	vmul.f32 v41, v48;
	v55 =	vbroadcast v2, $0xC  }
0x16c: {  	v48 =	vbroadcast v13, $0xE;
	v13 =	vbroadcast v13, $0xF;
	v26 =	vadd.f32 v30, v26  }
0x16d: {  	v29 =	vadd.f32 v32, v29;
	v57 =	vmul.f32 v46, v53;
	v35 =	vmul.f32 v52, v58  }
0x16e: {  	v59 =	vld [tilespmem:s28+$0xD7D0];
	v58 =	vbroadcast v4, $0xD;
	v36 =	vmul.f32 v49, v54;
	v26 =	vadd.f32 v27, v26  }
0x16f: {  	v62 =	vld [tilespmem:s28+$0xE7D0];
	v29 =	vadd.f32 v34, v29;
	v37 =	vmul.f32 v60, v43;
	v49 =	vmul.f32 v61, v45  }
0x170: {  	v56 =	vld [tilespmem:s28+$0xC7D0];
	v54 =	vmul.f32 v42, v50;
	v60 =	vmul.f32 v47, v55;
	v26 =	vadd.f32 v28, v26  }
0x171: {  	v52 =	vld [tilespmem:s28+$0xE7C0];
	v61 =	vbroadcast v1, $0xC;
	v42 =	vbroadcast v2, $0xD;
	v29 =	vadd.f32 v36, v29  }
0x172: {  	v51 =	vld [tilespmem:s28+$0xB7D0];
	v45 =	vbroadcast v1, $0xD;
	v55 =	vbroadcast v11, $0xE;
	v26 =	vadd.f32 v63, v26  }
0x173: {  	v41 =	vld [tilespmem:s28+$0x27E0];
	v11 =	vbroadcast v11, $0xF;
	v47 =	vmul.f32 v59, v42;
	v29 =	vadd.f32 v35, v29  }
0x174: {  	v43 =	vld [tilespmem:s28+$0x27F0];
	v32 =	vmul.f32 v62, v45;
	v59 =	vbroadcast v10, $0xE;
	v26 =	vadd.f32 v44, v26  }
0x175: {  	v46 =	vld [tilespmem:s28+$0x37E0];
	v10 =	vbroadcast v10, $0xF;
	v62 =	vbroadcast v9, $0xE;
	v29 =	vadd.f32 v31, v29  }
0x176: {  	v9 =	vbroadcast v9, $0xF;
	v28 =	vmul.f32 v52, v61;
	v26 =	vadd.f32 v49, v26;
	v49 =	vld [tilespmem:s28+$0x37F0]  }
0x177: {  	v50 =	vld [tilespmem:s28+$0x47E0];
	v52 =	vbroadcast v12, $0xE;
	v12 =	vbroadcast v12, $0xF;
	v29 =	vadd.f32 v37, v29  }
0x178: {  	v53 =	vld [tilespmem:s28+$0x47F0];
	v63 =	vmul.f32 v51, v58;
	v51 =	vmul.f32 v41, v48  }
0x179: {  	v13 =	vmul.f32 v43, v13;
	v29 =	vadd.f32 v33, v29;
	v26 =	vadd.f32 v54, v26;
	v54 =	vld [tilespmem:s28+$0x57E0]  }
0x17a: {  	v31 =	vmul.f32 v46, v52;
	v44 =	vmul.f32 v56, v40;
	v27 =	vadd.f32 v51, v0;
	v56 =	vld [tilespmem:s28+$0x57F0]  }
0x17b: {  	v13 =	vadd.f32 v13, v0;
	v29 =	vadd.f32 v57, v29;
	v57 =	vld [tilespmem:s28+$0x67E0];
	v12 =	vmul.f32 v49, v12  }
0x17c: {  	v58 =	vmul.f32 v50, v55;
	v27 =	vadd.f32 v31, v27;
	v26 =	vadd.f32 v60, v26;
	v60 =	vld [tilespmem:s28+$0x67F0]  }
0x17d: {  	v11 =	vmul.f32 v53, v11;
	v61 =	vld [tilespmem:s28+$0x77E0];
	v43 =	vbroadcast v7, $0xE;
	v12 =	vadd.f32 v12, v13  }
0x17e: {  	v27 =	vadd.f32 v58, v27;
	v29 =	vadd.f32 v63, v29;
	v63 =	vld [tilespmem:s28+$0x77F0];
	v30 =	vmul.f32 v54, v59  }
0x17f: {  	v38 =	vld [tilespmem:s28+$0x87E0];
	v7 =	vbroadcast v7, $0xF;
	v10 =	vmul.f32 v56, v10;
	v11 =	vadd.f32 v11, v12  }
0x180: {  	v41 =	vld [tilespmem:s28+$0x87F0];
	v40 =	vbroadcast v8, $0xE;
	v39 =	vmul.f32 v57, v62;
	v27 =	vadd.f32 v30, v27  }
0x181: {  	v42 =	vld [tilespmem:s28+$0x97E0];
	v8 =	vbroadcast v8, $0xF;
	v9 =	vmul.f32 v60, v9;
	v10 =	vadd.f32 v10, v11  }
0x182: {  	v29 =	vadd.f32 v44, v29;
	v13 =	vmul.f32 v61, v40;
	v44 =	vld [tilespmem:s28+$0x97F0];
	v27 =	vadd.f32 v39, v27  }
0x183: {  	v45 =	vld [tilespmem:s28+$0xA7E0];
	v46 =	vbroadcast v6, $0xE;
	v8 =	vmul.f32 v63, v8;
	v9 =	vadd.f32 v9, v10  }
0x184: {  	v29 =	vadd.f32 v47, v29;
	v12 =	vmul.f32 v38, v43;
	v47 =	vld [tilespmem:s28+$0xA7F0];
	v13 =	vadd.f32 v13, v27  }
0x185: {  	v48 =	vld [tilespmem:s28+$0xB7E0];
	v6 =	vbroadcast v6, $0xF;
	v7 =	vmul.f32 v41, v7;
	v8 =	vadd.f32 v8, v9  }
0x186: {  	[tilespmem:s28+$0xF700] =	vst v15;
	v50 =	vld [tilespmem:s28+$0xB7F0];
	v49 =	vbroadcast v5, $0xE;
	v11 =	vmul.f32 v42, v46;
	v12 =	vadd.f32 v12, v13  }
0x187: {  	[tilespmem:s28+$0xF710] =	vst v14;
	v51 =	vld [tilespmem:s28+$0xC7E0];
	v5 =	vbroadcast v5, $0xF;
	v6 =	vmul.f32 v44, v6;
	v7 =	vadd.f32 v7, v8  }
0x188: {  	[tilespmem:s28+$0xF720] =	vst v17;
	v53 =	vld [tilespmem:s28+$0xC7F0];
	v52 =	vbroadcast v4, $0xE;
	v10 =	vmul.f32 v45, v49;
	v11 =	vadd.f32 v11, v12  }
0x189: {  	[tilespmem:s28+$0xF730] =	vst v16;
	v4 =	vbroadcast v4, $0xF;
	v54 =	vld [tilespmem:s28+$0xD7E0];
	v5 =	vmul.f32 v47, v5;
	v6 =	vadd.f32 v6, v7  }
0x18a: {  	[tilespmem:s28+$0xF740] =	vst v19;
	v55 =	vbroadcast v3, $0xE;
	v56 =	vld [tilespmem:s28+$0xD7F0];
	v9 =	vmul.f32 v48, v52;
	v10 =	vadd.f32 v10, v11  }
0x18b: {  	[tilespmem:s28+$0xF750] =	vst v18;
	v3 =	vbroadcast v3, $0xF;
	v4 =	vmul.f32 v50, v4;
	v57 =	vld [tilespmem:s28+$0xE7E0];
	v5 =	vadd.f32 v5, v6  }
0x18c: {  	[tilespmem:s28+$0xF760] =	vst v21;
	v58 =	vbroadcast v2, $0xE;
	v59 =	vld [tilespmem:s28+$0xE7F0];
	v8 =	vmul.f32 v51, v55;
	v9 =	vadd.f32 v9, v10  }
0x18d: {  	[tilespmem:s28+$0xF770] =	vst v20;
	v3 =	vmul.f32 v53, v3;
	v2 =	vbroadcast v2, $0xF;
	v4 =	vadd.f32 v4, v5  }
0x18e: {  	[tilespmem:s28+$0xF780] =	vst v22;
	v61 =	vbroadcast v1, $0xE;
	v7 =	vmul.f32 v54, v58;
	v60 =	vadd.f32 v8, v9  }
0x18f: {  	[tilespmem:s28+$0xF790] =	vst v23;
	v1 =	vbroadcast v1, $0xF;
	v2 =	vmul.f32 v56, v2;
	v3 =	vadd.f32 v3, v4  }
0x190: {  	p1 =	sne.s32 s25, $0xF;
	[tilespmem:s28+$0xF7A0] =	vst v24;
	v62 =	vadd.f32 v28, v26;
	v6 =	vmul.f32 v57, v61;
	v5 =	vadd.f32 v7, v60  }
.Ltmp0:
0x191: {  	[tilespmem:s28+$0xF7B0] =	vst v25;
	v63 =	vadd.f32 v32, v29;
	v1 =	vmul.f32 v59, v1;
	v2 =	vadd.f32 v2, v3;
	(pc) =	sbr.rel @p1 .LBB2_3-.Ltmp0, $4  }
0x192: {  	[tilespmem:s28+$0xF7C0] =	vst v62;
	v3 =	vadd.f32 v6, v5  }
0x193: {  	[tilespmem:s28+$0xF7D0] =	vst v63;
	v1 =	vadd.f32 v1, v2  }
0x194: {  	[tilespmem:s28+$0xF7E0] =	vst v3  }
0x195: {  	s25 =	sadd.s32 $0x1, s25;
	[tilespmem:s28+$0xF7F0] =	vst v1  }
0x196: {  	[tilespmem:s19], [sflag:$0x1] =	stream.indirect.gather.add.f32 [hbm:s5], $0x10, s3, s13, $0xb8;
	[tilespmem:$0x10710] =	vst v63  }
0x197: {  	_ = 	snop  }
0x198: {  	[tilespmem:s20], [sflag:$0x1] =	stream.indirect.gather.add.f32 [hbm:s5], $0x10, s13, s13, $0xb8;
	[tilespmem:$0x10710] =	vst v63  }
0x199: {  	s25 =	simm.s32 $0x100  }
0x19a: {  	[tilespmem:s19], [sflag:$0x1] =	stream.indirect.gather.add.f32 [hbm:s5], $0x10, s25, s13, $0xb8;
	[tilespmem:$0x10710] =	vst v63  }
0x19b: {  	s26 =	simm.s32 $0x180  }
0x19c: {  	[tilespmem:s20], [sflag:$0x1] =	stream.indirect.gather.add.f32 [hbm:s5], $0x10, s26, s13, $0xb8;
	[tilespmem:$0x10710] =	vst v63  }
0x19d: {  	s28 =	simm.s32 $0x200  }
0x19e: {  	[tilespmem:s19], [sflag:$0x1] =	stream.indirect.gather.add.f32 [hbm:s5], $0x10, s28, s13, $0xb8;
	[tilespmem:$0x10710] =	vst v63  }
0x19f: {  	s26 =	simm.s32 $0x280  }
0x1a0: {  	[tilespmem:s20], [sflag:$0x1] =	stream.indirect.gather.add.f32 [hbm:s5], $0x10, s26, s13, $0xb8;
	[tilespmem:$0x10710] =	vst v63  }
0x1a1: {  	s28 =	simm.s32 $0x300  }
0x1a2: {  	[tilespmem:s19], [sflag:$0x1] =	stream.indirect.gather.add.f32 [hbm:s5], $0x10, s28, s13, $0xb8;
	[tilespmem:$0x10710] =	vst v63  }
0x1a3: {  	s26 =	simm.s32 $0x380  }
0x1a4: {  	[tilespmem:s20], [sflag:$0x1] =	stream.indirect.gather.add.f32 [hbm:s5], $0x10, s26, s13, $0xb8;
	[tilespmem:$0x10710] =	vst v63  }
0x1a5: {  	s28 =	simm.s32 $0x400  }
0x1a6: {  	[tilespmem:s19], [sflag:$0x1] =	stream.indirect.gather.add.f32 [hbm:s5], $0x10, s28, s13, $0xb8;
	[tilespmem:$0x10710] =	vst v63  }
0x1a7: {  	_ = 	snop  }
0x1a8: {  	[tilespmem:s20], [sflag:$0x1] =	stream.indirect.gather.add.f32 [hbm:s5], $0x10, s29, s13, $0xb8;
	[tilespmem:$0x10710] =	vst v63  }
0x1a9: {  	_ = 	snop  }
0x1aa: {  	[tilespmem:s19], [sflag:$0x1] =	stream.indirect.gather.add.f32 [hbm:s5], $0x10, s30, s13, $0xb8;
	[tilespmem:$0x10710] =	vst v63  }
0x1ab: {  	_ = 	snop  }
0x1ac: {  	[tilespmem:s20], [sflag:$0x1] =	stream.indirect.gather.add.f32 [hbm:s5], $0x10, s31, s13, $0xb8;
	[tilespmem:$0x10710] =	vst v63  }
0x1ad: {  	_ = 	snop  }
0x1ae: {  	[tilespmem:s19], [sflag:$0x1] =	stream.indirect.gather.add.f32 [hbm:s5], $0x10, s0, s13, $0xb8;
	[tilespmem:$0x10710] =	vst v63  }
0x1af: {  	_ = 	snop  }
0x1b0: {  	[tilespmem:s20], [sflag:$0x1] =	stream.indirect.gather.add.f32 [hbm:s5], $0x10, s4, s13, $0xb8;
	[tilespmem:$0x10710] =	vst v63  }
0x1b1: {  	_ = 	snop  }
0x1b2: {  	[tilespmem:s19], [sflag:$0x1] =	stream.indirect.gather.add.f32 [hbm:s5], $0x10, s1, s13, $0xb8;
	[tilespmem:$0x10710] =	vst v63  }
0x1b3: {  	_ = 	snop  }
0x1b4: {  	[tilespmem:s20], [sflag:$0x1] =	stream.indirect.gather.add.f32 [hbm:s5], $0x10, s10, s13, $0xb8;
	[tilespmem:$0x10710] =	vst v63  }
0x1b5: {  	_ = 	snop  }
0x1b6: {  	[tilespmem:s19], [sflag:$0x1] =	stream.indirect.gather.add.f32 [hbm:s5], $0x10, s9, s13, $0xb8;
	[tilespmem:$0x10710] =	vst v63  }
0x1b7: {  	_ = 	snop  }
0x1b8: {  	[tilespmem:s20], [sflag:$0x1] =	stream.indirect.gather.add.f32 [hbm:s5], $0x10, s2, s13, $0xb8;
	[tilespmem:$0x10710] =	vst v63  }
0x1b9: {  	_ = 	snop  }
0x1ba: {  	[tilespmem:s19], [sflag:$0x1] =	stream.indirect.gather.add.f32 [hbm:s5], $0x10, s12, s13, $0xb8;
	[tilespmem:$0x10710] =	vst v63  }
0x1bb: {  	_ = 	snop  }
0x1bc: {  	[tilespmem:s20], [sflag:$0x1] =	stream.indirect.gather.add.f32 [hbm:s5], $0x10, s14, s13, $0xb8;
	[tilespmem:$0x10710] =	vst v63  }
0x1bd: {  	_ = 	snop  }
0x1be: {  	[tilespmem:s19], [sflag:$0x1] =	stream.indirect.gather.add.f32 [hbm:s5], $0x10, s15, s13, $0xb8;
	[tilespmem:$0x10710] =	vst v63  }
0x1bf: {  	_ = 	snop  }
0x1c0: {  	[tilespmem:s20], [sflag:$0x1] =	stream.indirect.gather.add.f32 [hbm:s5], $0x10, s16, s13, $0xb8;
	[tilespmem:$0x10710] =	vst v63  }
0x1c1: {  	_ = 	snop  }
0x1c2: {  	[tilespmem:s19], [sflag:$0x1] =	stream.indirect.gather.add.f32 [hbm:s5], $0x10, s17, s13, $0xb8;
	[tilespmem:$0x10710] =	vst v63  }
0x1c3: {  	_ = 	snop  }
0x1c4: {  	[tilespmem:s20], [sflag:$0x1] =	stream.indirect.gather.add.f32 [hbm:s5], $0x10, s21, s13, $0xb8;
	[tilespmem:$0x10710] =	vst v63  }
0x1c5: {  	_ = 	snop  }
0x1c6: {  	[tilespmem:s19], [sflag:$0x1] =	stream.indirect.gather.add.f32 [hbm:s5], $0x10, s22, s13, $0xb8;
	[tilespmem:$0x10710] =	vst v63  }
0x1c7: {  	s25 =	simm.s32 $0x1  }
0x1c8: {  	[tilespmem:s20], [sflag:$0x1] =	stream.indirect.gather.add.f32 [hbm:s5], $0x10, s23, s13, $0xb8;
	[tilespmem:$0x10710] =	vst v63  }
0x1c9: {  	_ =	swait.ge [sflag:s25], $0x800  }
0x1ca: {  	[sflag:s25] =	ssyncset.done $0x0  }
0x1cb: {  	[sflag:s25] =	ssyncadd.s32 $0xFFFFF800  }
0x1cc: {  	_ =	swait.ge [sflag:s25], $0x800  }
0x1cd: {  	[sflag:s25] =	ssyncset.done $0x0  }
0x1ce: {  	[sflag:s25] =	ssyncadd.s32 $0xFFFFF800  }
0x1cf: {  	_ =	swait.ge [sflag:s25], $0x800  }
0x1d0: {  	[sflag:s25] =	ssyncset.done $0x0  }
0x1d1: {  	[sflag:s25] =	ssyncadd.s32 $0xFFFFF800  }
0x1d2: {  	_ =	swait.ge [sflag:s25], $0x800  }
0x1d3: {  	[sflag:s25] =	ssyncset.done $0x0  }
0x1d4: {  	[sflag:s25] =	ssyncadd.s32 $0xFFFFF800  }
0x1d5: {  	_ =	swait.ge [sflag:s25], $0x800  }
0x1d6: {  	[sflag:s25] =	ssyncset.done $0x0  }
0x1d7: {  	[sflag:s25] =	ssyncadd.s32 $0xFFFFF800  }
0x1d8: {  	_ =	swait.ge [sflag:s25], $0x800  }
0x1d9: {  	[sflag:s25] =	ssyncset.done $0x0  }
0x1da: {  	[sflag:s25] =	ssyncadd.s32 $0xFFFFF800  }
0x1db: {  	_ =	swait.ge [sflag:s25], $0x800  }
0x1dc: {  	[sflag:s25] =	ssyncset.done $0x0  }
0x1dd: {  	[sflag:s25] =	ssyncadd.s32 $0xFFFFF800  }
0x1de: {  	_ =	swait.ge [sflag:s25], $0x800  }
0x1df: {  	[sflag:s25] =	ssyncset.done $0x0  }
0x1e0: {  	[sflag:s25] =	ssyncadd.s32 $0xFFFFF800  }
0x1e1: {  	_ =	swait.ge [sflag:s25], $0x800  }
0x1e2: {  	[sflag:s25] =	ssyncset.done $0x0  }
0x1e3: {  	[sflag:s25] =	ssyncadd.s32 $0xFFFFF800  }
0x1e4: {  	_ =	swait.ge [sflag:s25], $0x800  }
0x1e5: {  	[sflag:s25] =	ssyncset.done $0x0  }
0x1e6: {  	[sflag:s25] =	ssyncadd.s32 $0xFFFFF800  }
0x1e7: {  	_ =	swait.ge [sflag:s25], $0x800  }
0x1e8: {  	[sflag:s25] =	ssyncset.done $0x0  }
0x1e9: {  	[sflag:s25] =	ssyncadd.s32 $0xFFFFF800  }
0x1ea: {  	_ =	swait.ge [sflag:s25], $0x800  }
0x1eb: {  	[sflag:s25] =	ssyncset.done $0x0  }
0x1ec: {  	[sflag:s25] =	ssyncadd.s32 $0xFFFFF800  }
0x1ed: {  	_ =	swait.ge [sflag:s25], $0x800  }
0x1ee: {  	[sflag:s25] =	ssyncset.done $0x0  }
0x1ef: {  	[sflag:s25] =	ssyncadd.s32 $0xFFFFF800  }
0x1f0: {  	_ =	swait.ge [sflag:s25], $0x800  }
0x1f1: {  	[sflag:s25] =	ssyncset.done $0x0  }
0x1f2: {  	[sflag:s25] =	ssyncadd.s32 $0xFFFFF800  }
0x1f3: {  	_ =	swait.ge [sflag:s25], $0x800  }
0x1f4: {  	[sflag:s25] =	ssyncset.done $0x0  }
0x1f5: {  	[sflag:s25] =	ssyncadd.s32 $0xFFFFF800  }
0x1f6: {  	_ =	swait.ge [sflag:s25], $0x800  }
0x1f7: {  	[sflag:s25] =	ssyncset.done $0x0  }
0x1f8: {  	[sflag:s25] =	ssyncadd.s32 $0xFFFFF800  }
0x1f9: {  	_ =	swait.ge [sflag:s25], $0x800  }
0x1fa: {  	[sflag:s25] =	ssyncset.done $0x0  }
0x1fb: {  	[sflag:s25] =	ssyncadd.s32 $0xFFFFF800  }
0x1fc: {  	_ =	swait.ge [sflag:s25], $0x800  }
0x1fd: {  	[sflag:s25] =	ssyncset.done $0x0  }
0x1fe: {  	[sflag:s25] =	ssyncadd.s32 $0xFFFFF800  }
0x1ff: {  	_ =	swait.ge [sflag:s25], $0x800  }
0x200: {  	[sflag:s25] =	ssyncset.done $0x0  }
0x201: {  	[sflag:s25] =	ssyncadd.s32 $0xFFFFF800  }
0x202: {  	_ =	swait.ge [sflag:s25], $0x800  }
0x203: {  	[sflag:s25] =	ssyncset.done $0x0  }
0x204: {  	[sflag:s25] =	ssyncadd.s32 $0xFFFFF800  }
0x205: {  	_ =	swait.ge [sflag:s25], $0x800  }
0x206: {  	[sflag:s25] =	ssyncset.done $0x0  }
0x207: {  	[sflag:s25] =	ssyncadd.s32 $0xFFFFF800  }
0x208: {  	_ =	swait.ge [sflag:s25], $0x800  }
0x209: {  	[sflag:s25] =	ssyncset.done $0x0  }
0x20a: {  	[sflag:s25] =	ssyncadd.s32 $0xFFFFF800  }
0x20b: {  	_ =	swait.ge [sflag:s25], $0x800  }
0x20c: {  	[sflag:s25] =	ssyncset.done $0x0  }
0x20d: {  	[sflag:s25] =	ssyncadd.s32 $0xFFFFF800  }
0x20e: {  	_ =	swait.ge [sflag:s25], $0x800  }
0x20f: {  	[sflag:s25] =	ssyncset.done $0x0  }
0x210: {  	[sflag:s25] =	ssyncadd.s32 $0xFFFFF800  }
0x211: {  	_ =	swait.ge [sflag:s25], $0x800  }
0x212: {  	[sflag:s25] =	ssyncset.done $0x0  }
0x213: {  	[sflag:s25] =	ssyncadd.s32 $0xFFFFF800  }
0x214: {  	_ =	swait.ge [sflag:s25], $0x800  }
0x215: {  	[sflag:s25] =	ssyncset.done $0x0  }
0x216: {  	[sflag:s25] =	ssyncadd.s32 $0xFFFFF800  }
0x217: {  	s24 =	sshll.u32 s24, $0x9;
	s26 =	rddreg [dreg:$0x2]  }
.Ltmp1:
0x218: {  	s24 =	sadd.s32 s26, s24;
	(pc) =	sbr.rel @p0 .LBB2_2-.Ltmp1, $4  }
0x219: {  	[hbm4b:s24+s3] =	stream.linear.scatter [tilespmem:s19], [sflag:$0x2], $0x1000, $0x38;
	[tilespmem:$0x10710] =	vst v63  }
0x21a: {  	_ =	swait.ge [sflag:s11], $0x1000  }
0x21b: {  	[sflag:s11] =	ssyncset.done $0x0  }
0x21c: {  	p1 =	por $0x0, $0x0;
	[sflag:s11] =	ssyncadd.s32 $0xFFFFF000  }
0x21d: {  	s25 =	rddreg [dreg:$0x5]  }
0x21e: {  	s24 =	rddreg [dreg:$0x4];
	s25 =	sadd.s32 $0x1, s25  }
0x21f: {  	p0 =	sne.s32 s25, s24  }
.Ltmp2:
0x220: {  	_ = 	snop;
	(pc) =	sbr.rel @p0 .LBB2_1-.Ltmp2, $1  }
0x221: {  	_ =	sdelay $0x3  }
0x222: {  	_ =	sfence.sel $0x180000  }
0x223: {  	[bflag:$0x0] =	sbarrier.arrive $0xFFFF  }
0x224: {  	_ =	strace $0x90000047  }
0x225: {  	s0 =	stileid.u32;
	[bflag:$0x2] =	sbarrier.arrive $0xFFFF  }
0x226: {  	p0 =	sne.s32 s0, $0x0;
	s0 =	rddreg [dreg:$0x3]  }
0x227: {  	s0 =	sadd.s32 @!p0 $0x100000, s0  }
0x228: {  	[sflag:s0] =	ssyncadd.tile.s32 @!p0 $0x1;
	_ =	shalt  }
.Lfunc_end2:
_tile_overlayer_lowered:
.L_overlay_start_2:
0x229: {  	(tag) =	ssettag $0x2  }
0x22a: {  	s0 =	rddreg [dreg:$0x0];
	s2 =	stileid.u32  }
0x22b: {  	s1 =	rddreg [dreg:$0x1];
	p0 =	sne.s32 s2, $0x0  }
0x22c: {  	s3 =	rddreg [dreg:$0x2];
	[bflag:$0x3] =	sbarrier.arrive $0xFFFF;
	s2 =	simm.s32 @!p0 $0x1C02  }
0x22d: {  	[timem:s3], [sflag:s2] =	dma.local @!p0 [hbm:s0], s1  }
0x22e: {  	s0 =	simm.s32 @!p0 $0x2  }
0x22f: {  	_ =	swait.ge @!p0 [sflag:s0], s1  }
0x230: {  	s1 =	ssub.s32 @!p0 $0x0, s1;
	[sflag:s0] =	ssyncset.done @!p0 $0x0  }
0x231: {  	[sflag:s0] =	ssyncadd.s32 @!p0 s1  }
0x232: {  	[bflag:$0x3] =	sbarrier.arrive $0xFFFF  }
0x233: {  	_ =	shalt  }

</sc_bundles>
